<compile_context>
chip_gen: v7x
topology: tpu7x:2x2x1
jax: 0.10.2.dev20260603
libtpu: 0.0.44.dev20260713+nightly
codegen_flags: <defaults>
</compile_context>

<pallas_src>
import functools

import jax
import jax.numpy as jnp
from jax import lax
from jax.experimental import pallas as pl
from jax.experimental.pallas import tpu as pltpu
from jax.experimental.pallas import tpu_sc as plsc

D = 64
VOCAB = 1000000
B = 16384
P = 8
NC = 2
NS = 16
LANES = 16
NW = NC * NS
BPW = B // NW
GROUPS = BPW // LANES

TC_BLK = 4096
SPLIT = 94 * TC_BLK

TLIM = (VOCAB // 128) * 128
NTAIL = VOCAB - TLIM
CHW = 512
SC_RANGE = TLIM - SPLIT
NCHUNK_SC = SC_RANGE // CHW
CPW = -(-NCHUNK_SC // NW)
BLKS = CHW // (8 * LANES)

_mesh = plsc.VectorSubcoreMesh(
    core_axis_name="c", subcore_axis_name="s", num_cores=NC, num_subcores=NS
)


def _project_tc_body(t_ref, w_ref, b_ref, o_ref):
    o_ref[...] = (
        lax.dot_general(
            t_ref[...], w_ref[...],
            dimension_numbers=(((0,), (0,)), ((), ())),
            preferred_element_type=jnp.float32,
        )
        + b_ref[...]
    )


_project_tc = pl.pallas_call(
    _project_tc_body,
    grid=(SPLIT // TC_BLK,),
    in_specs=[
        pl.BlockSpec((D, TC_BLK), lambda i: (0, i)),
        pl.BlockSpec((D, P), lambda i: (0, 0)),
        pl.BlockSpec((1, P), lambda i: (0, 0)),
    ],
    out_specs=pl.BlockSpec((TC_BLK, P), lambda i: (i, 0)),
    out_shape=jax.ShapeDtypeStruct((SPLIT, P), jnp.float32),
)


@functools.partial(
    pl.kernel,
    out_type=jax.ShapeDtypeStruct(((SC_RANGE + NTAIL) * P,), jnp.float32),
    mesh=_mesh,
    scratch_types=[
        pltpu.VMEM((D, CHW), jnp.float32),
        pltpu.VMEM((D, CHW), jnp.float32),
        pltpu.VMEM((CHW * P,), jnp.float32),
        pltpu.VMEM((D, NTAIL), jnp.float32),
        pltpu.VMEM((2, D * LANES), jnp.float32),
        pltpu.VMEM((2, LANES), jnp.float32),
        pltpu.SemaphoreType.DMA,
        pltpu.SemaphoreType.DMA,
    ],
    compiler_params=pltpu.CompilerParams(needs_layout_passes=False),
)
def _project_sc(table_hbm, tail_hbm, w_hbm, b_hbm, p8_hbm,
                buf_a, buf_b, stage_v, tail_v, w_v, b_v, sem_a, sem_b):
    wid = lax.axis_index("s") * NC + lax.axis_index("c")

    pltpu.sync_copy(w_hbm, w_v)
    pltpu.sync_copy(b_hbm, b_v)

    iota = lax.iota(jnp.int32, LANES)
    zeros16 = jnp.zeros((LANES,), jnp.float32)
    zeros_i = jnp.zeros((LANES,), jnp.int32)
    ones_i = jnp.full((LANES,), 1, jnp.int32)
    b0 = b_v[0]
    b1 = b_v[1]

    def chunk_g(i):
        return jnp.minimum(wid * CPW + i, NCHUNK_SC - 1)

    def fire(i, buf, sem):
        off = pl.multiple_of(SPLIT + chunk_g(i) * CHW, 128)
        pltpu.async_copy(table_hbm.at[:, pl.ds(off, CHW)], buf, sem)

    def wait_chunk(buf, sem):
        pltpu.make_async_copy(table_hbm.at[:, pl.ds(0, CHW)], buf, sem).wait()

    def project_chunk(i, buf):
        out_base = chunk_g(i) * CHW

        def block(blk, carry):
            base = blk * 8 * LANES

            def dstep(d, accs):
                w0 = w_v[0, pl.ds(d * LANES, LANES)]
                w1 = w_v[1, pl.ds(d * LANES, LANES)]
                new = []
                for g8 in range(8):
                    col = buf[d, pl.ds(base + g8 * LANES, LANES)]
                    new.append(accs[2 * g8] + col * w0)
                    new.append(accs[2 * g8 + 1] + col * w1)
                return tuple(new)

            accs = lax.fori_loop(0, D, dstep, (zeros16,) * 16, unroll=8)
            for g8 in range(8):
                tok = base + g8 * LANES + iota
                plsc.store_scatter(stage_v, [tok * P], accs[2 * g8] + b0)
                plsc.store_scatter(stage_v, [tok * P + 1], accs[2 * g8 + 1] + b1)
            return carry

        lax.fori_loop(0, BLKS, block, 0)
        pltpu.sync_copy(stage_v, p8_hbm.at[pl.ds(out_base * P, CHW * P)])

    fire(0, buf_a, sem_a)
    fire(1, buf_b, sem_b)

    def pairbody(k, carry):
        i = 2 * k
        wait_chunk(buf_a, sem_a)
        project_chunk(i, buf_a)
        fire(i + 2, buf_a, sem_a)
        wait_chunk(buf_b, sem_b)
        project_chunk(i + 1, buf_b)
        fire(i + 3, buf_b, sem_b)
        return carry

    lax.fori_loop(0, CPW // 2, pairbody, 0)
    wait_chunk(buf_a, sem_a)
    wait_chunk(buf_b, sem_b)

    @pl.when(wid == 0)
    def _():
        pltpu.sync_copy(tail_hbm, tail_v)

        def dstep_t(d, accs):
            w0 = w_v[0, pl.ds(d * LANES, LANES)]
            w1 = w_v[1, pl.ds(d * LANES, LANES)]
            new = []
            for g8 in range(4):
                col = tail_v[d, pl.ds(g8 * LANES, LANES)]
                new.append(accs[2 * g8] + col * w0)
                new.append(accs[2 * g8 + 1] + col * w1)
            return tuple(new)

        accs = lax.fori_loop(0, D, dstep_t, (zeros16,) * 8, unroll=8)
        for g8 in range(4):
            tok = g8 * LANES + iota
            plsc.store_scatter(stage_v, [tok * P], accs[2 * g8] + b0)
            plsc.store_scatter(stage_v, [tok * P + 1], accs[2 * g8 + 1] + b1)
        pltpu.sync_copy(stage_v.at[pl.ds(0, NTAIL * P)],
                        p8_hbm.at[pl.ds(SC_RANGE * P, NTAIL * P)])


@functools.partial(
    pl.kernel,
    out_type=jax.ShapeDtypeStruct((2, B), jnp.float32),
    mesh=_mesh,
    scratch_types=[
        pltpu.VMEM((BPW,), jnp.int32),
        pltpu.VMEM((BPW, P), jnp.float32),
        pltpu.VMEM((BPW * P,), jnp.float32),
        pltpu.VMEM((BPW,), jnp.float32),
        pltpu.VMEM((BPW,), jnp.float32),
        pltpu.SemaphoreType.DMA,
        pltpu.SemaphoreType.DMA,
    ],
    compiler_params=pltpu.CompilerParams(needs_layout_passes=False),
)
def _gather_sc(tok_hbm, p8tc_hbm, p8sc_hbm, out_hbm,
               raw_v, rows_tc, rows_sc, out0_v, out1_v, sem_tc, sem_sc):
    wid = lax.axis_index("s") * NC + lax.axis_index("c")

    pltpu.sync_copy(tok_hbm.at[wid], raw_v)

    iota = lax.iota(jnp.int32, LANES)
    zeros_i = jnp.zeros((LANES,), jnp.int32)
    ones_i = jnp.full((LANES,), 1, jnp.int32)

    def fire(g, cnt_tc):
        toks = raw_v[pl.ds(g * LANES, LANES)]
        n_tc = plsc.all_reduce_population_count(toks < SPLIT)[0]
        for l in range(LANES):
            t = toks[l]
            slot = g * LANES + l

            @pl.when(t < SPLIT)
            def _():
                pltpu.async_copy(
                    p8tc_hbm.at[pl.ds(t, 1)],
                    rows_tc.at[pl.ds(slot, 1)], sem_tc)

            @pl.when(t >= SPLIT)
            def _():
                pltpu.async_copy(
                    p8sc_hbm.at[pl.ds((t - SPLIT) * P, P)],
                    rows_sc.at[pl.ds(slot * P, P)], sem_sc)

        return cnt_tc + n_tc

    total_tc = lax.fori_loop(0, GROUPS, fire, jnp.int32(0))

    def drain_tc(i, carry):
        pltpu.make_async_copy(
            p8tc_hbm.at[pl.ds(0, 1)], rows_tc.at[pl.ds(0, 1)], sem_tc
        ).wait()
        return carry

    def drain_sc(i, carry):
        pltpu.make_async_copy(
            p8sc_hbm.at[pl.ds(0, P)], rows_sc.at[pl.ds(0, P)], sem_sc
        ).wait()
        return carry

    lax.fori_loop(0, total_tc, drain_tc, 0)
    lax.fori_loop(0, BPW - total_tc, drain_sc, 0)

    def group(g, carry):
        row_idx = g * LANES + iota
        t_vec = raw_v[pl.ds(g * LANES, LANES)]
        from_tc = t_vec < SPLIT
        a0 = jnp.where(from_tc,
                       plsc.load_gather(rows_tc, [row_idx, zeros_i]),
                       plsc.load_gather(rows_sc, [row_idx * P]))
        a1 = jnp.where(from_tc,
                       plsc.load_gather(rows_tc, [row_idx, ones_i]),
                       plsc.load_gather(rows_sc, [row_idx * P + 1]))
        out0_v[pl.ds(g * LANES, LANES)] = a0
        out1_v[pl.ds(g * LANES, LANES)] = a1
        return carry

    lax.fori_loop(0, GROUPS, group, 0)

    base = pl.multiple_of(wid * BPW, 128)
    pltpu.sync_copy(out0_v, out_hbm.at[0, pl.ds(base, BPW)])
    pltpu.sync_copy(out1_v, out_hbm.at[1, pl.ds(base, BPW)])


def kernel(ids, token_emb, fc_w, fc_b):
    tok = ids[:, 0].astype(jnp.int32).reshape(NW, BPW)
    table_t = token_emb.T
    tail_t = table_t[:, TLIM:]
    w8 = jnp.zeros((D, P), jnp.float32).at[:, :2].set(fc_w.T)
    b8 = jnp.zeros((1, P), jnp.float32).at[0, :2].set(fc_b)
    w_bcast = jnp.broadcast_to(fc_w[:, :, None], (2, D, LANES)).reshape(2, D * LANES)
    b_bcast = jnp.broadcast_to(fc_b[:, None], (2, LANES))
    p8_tc = _project_tc(table_t, w8, b8)
    p8_sc = _project_sc(table_t, tail_t, w_bcast, b_bcast)
    return _gather_sc(tok, p8_tc, p8_sc).T

# --- scband reference (transcript-rebuilt; emitter-appended) ---
"""Pipeline reference for scband-router-35820027248711 (READ-ONLY COPY).

The authoritative reference and input builder live on the scoring server;
editing this copy changes nothing except your own understanding.
"""

import jax, jax.numpy as jnp
import numpy as np

D = 64
VOCAB = 1000000
B = 16384
L = 20

def setup_inputs(seed: int = 0) -> dict:
    key = jax.random.key(seed)
    k1, k2, k3, k4 = jax.random.split(key, 4)
    ids = jax.random.randint(k1, (B, L), 0, VOCAB, dtype=jnp.int64 if jax.config.read('jax_enable_x64') else jnp.int32)
    token_emb = jax.random.normal(k2, (VOCAB, D), dtype=jnp.float32) * 0.02
    fc_w = jax.random.normal(k3, (2, D), dtype=jnp.float32) * (1.0 / np.sqrt(D))
    fc_b = jax.random.normal(k4, (2,), dtype=jnp.float32) * 0.01
    return {"ids": ids, "token_emb": token_emb, "fc_w": fc_w, "fc_b": fc_b}

def reference(ids, token_emb, fc_w, fc_b):
    # Router.forward: fc(token_emb(ids[:, 0]))
    first_tok = ids[:, 0]                      # [B]
    emb = jnp.take(token_emb, first_tok, axis=0)  # [B, D] embedding gather
    out = emb @ fc_w.T + fc_b                  # [B, 2]
    return out

if __name__ == "__main__":
    import jax
    _d = setup_inputs()
    print(jax.jit(kernel)(*tuple(_d.values())))

</pallas_src>

<mosaic_0001>
#map = affine_map<(d0, d1) -> (0, 0)>
#map1 = affine_map<(d0, d1) -> (0)>
module attributes {stable_mosaic.version = 14 : i64} {
  func.func @_project_sc(%arg0: i32, %arg1: i32, %arg2: memref<64x1000000xf32, #tpu.memory_space<hbm>>, %arg3: memref<64x64xf32, #tpu.memory_space<hbm>>, %arg4: memref<2x1024xf32, #tpu.memory_space<hbm>>, %arg5: memref<2x16xf32, #tpu.memory_space<hbm>>, %arg6: memref<4919808xf32, #tpu.memory_space<hbm>>, %arg7: memref<64x512xf32, #tpu.memory_space<vmem>>, %arg8: memref<64x512xf32, #tpu.memory_space<vmem>>, %arg9: memref<4096xf32, #tpu.memory_space<vmem>>, %arg10: memref<64x64xf32, #tpu.memory_space<vmem>>, %arg11: memref<2x1024xf32, #tpu.memory_space<vmem>>, %arg12: memref<2x16xf32, #tpu.memory_space<vmem>>, %arg13: memref<!tpu.dma_semaphore, #tpu.memory_space<semaphore_mem>>, %arg14: memref<!tpu.dma_semaphore, #tpu.memory_space<semaphore_mem>>) attributes {dimension_semantics = [#tpu.dimension_semantics<core_parallel>, #tpu.dimension_semantics<subcore_parallel>], iteration_bounds = array<i64: 2, 16>, scalar_prefetch = 0 : i64, scratch_operands = 8 : i64, tpu.core_type = #tpu.core_type<sc_vector_subcore>, window_params = [{transform_indices = #map}, {transform_indices = #map}, {transform_indices = #map}, {transform_indices = #map}, {transform_indices = #map1}]} {
    %mul3A = arith.constant 2 : i32
    %mul3A_0 = arith.muli %arg1, %mul3A : i32
    %add3A = arith.addi %mul3A_0, %arg0 : i32
    "tpu.region"() ({
      %run_scoped3A = tpu.sem_alloc : memref<!tpu.dma_semaphore, #tpu.memory_space<semaphore_mem>>
      tpu.enqueue_dma source(%arg4 : memref<2x1024xf32, #tpu.memory_space<hbm>>) target(%arg11 : memref<2x1024xf32, #tpu.memory_space<vmem>>) target_semaphore(%run_scoped3A : memref<!tpu.dma_semaphore, #tpu.memory_space<semaphore_mem>>)
      tpu.wait_dma2 semaphore(%run_scoped3A : memref<!tpu.dma_semaphore, #tpu.memory_space<semaphore_mem>>) src(%arg4 : memref<2x1024xf32, #tpu.memory_space<hbm>>) dst(%arg11 : memref<2x1024xf32, #tpu.memory_space<vmem>>)
      tpu.yield
    }) : () -> ()
    "tpu.region"() ({
      %run_scoped3A = tpu.sem_alloc : memref<!tpu.dma_semaphore, #tpu.memory_space<semaphore_mem>>
      tpu.enqueue_dma source(%arg5 : memref<2x16xf32, #tpu.memory_space<hbm>>) target(%arg12 : memref<2x16xf32, #tpu.memory_space<vmem>>) target_semaphore(%run_scoped3A : memref<!tpu.dma_semaphore, #tpu.memory_space<semaphore_mem>>)
      tpu.wait_dma2 semaphore(%run_scoped3A : memref<!tpu.dma_semaphore, #tpu.memory_space<semaphore_mem>>) src(%arg5 : memref<2x16xf32, #tpu.memory_space<hbm>>) dst(%arg12 : memref<2x16xf32, #tpu.memory_space<vmem>>)
      tpu.yield
    }) : () -> ()
    %iota3A = tpu.iota {dimensions = array<i32: 0>} : vector<16xi32>
    %broadcast_in_dim3A = arith.constant 0.000000e+00 : f32
    %broadcast_in_dim3A_1 = vector.broadcast %broadcast_in_dim3A : f32 to vector<16xf32>
    %broadcast_in_dim3A_2 = arith.constant 0 : i32
    %broadcast_in_dim3A_3 = vector.broadcast %broadcast_in_dim3A_2 : i32 to vector<16xi32>
    %broadcast_in_dim3A_4 = arith.constant 1 : i32
    %broadcast_in_dim3A_5 = vector.broadcast %broadcast_in_dim3A_4 : i32 to vector<16xi32>
    %get3A = arith.constant 0 : i32
    %get3A_6 = arith.index_cast %get3A : i32 to index
    %get3A_7 = arith.constant 0 : index
    %get3A_8 = tpu.vector_load %arg12[%get3A_6, %get3A_7] {strides = array<i32>} : memref<2x16xf32, #tpu.memory_space<vmem>>, vector<16xf32>,
    %get3A_9 = arith.constant 1 : i32
    %get3A_10 = arith.index_cast %get3A_9 : i32 to index
    %get3A_11 = arith.constant 0 : index
    %get3A_12 = tpu.vector_load %arg12[%get3A_10, %get3A_11] {strides = array<i32>} : memref<2x16xf32, #tpu.memory_space<vmem>>, vector<16xf32>,
    %mul3A_13 = arith.constant 38 : i32
    %mul3A_14 = arith.muli %add3A, %mul3A_13 : i32
    %add3A_15 = arith.constant 0 : i32
    %add3A_16 = arith.addi %mul3A_14, %add3A_15 : i32
    %min3A = arith.constant 1200 : i32
    %min3A_17 = arith.minsi %add3A_16, %min3A : i32
    %mul3A_18 = arith.constant 512 : i32
    %mul3A_19 = arith.muli %min3A_17, %mul3A_18 : i32
    %add3A_20 = arith.constant 385024 : i32
    %add3A_21 = arith.addi %add3A_20, %mul3A_19 : i32
    %multiple_of3A = tpu.assume_multiple %add3A_21, 128 : i32
    %dma_start3A = arith.constant 0 : i32
    %dma_start3A_22 = tpu.memref_slice %arg2[%dma_start3A, %multiple_of3A] : memref<64x1000000xf32, #tpu.memory_space<hbm>> -> memref<64x512xf32, #tpu.memory_space<hbm>>
    %dma_start3A_23 = arith.constant 0 : i32
    %dma_start3A_24 = tpu.memref_slice %arg2[%dma_start3A_23, %multiple_of3A] : memref<64x1000000xf32, #tpu.memory_space<hbm>> -> memref<64x512xf32, #tpu.memory_space<hbm>>
    tpu.enqueue_dma source(%dma_start3A_24 : memref<64x512xf32, #tpu.memory_space<hbm>>) target(%arg7 : memref<64x512xf32, #tpu.memory_space<vmem>>) target_semaphore(%arg13 : memref<!tpu.dma_semaphore, #tpu.memory_space<semaphore_mem>>)
    %mul3A_25 = arith.constant 38 : i32
    %mul3A_26 = arith.muli %add3A, %mul3A_25 : i32
    %add3A_27 = arith.constant 1 : i32
    %add3A_28 = arith.addi %mul3A_26, %add3A_27 : i32
    %min3A_29 = arith.constant 1200 : i32
    %min3A_30 = arith.minsi %add3A_28, %min3A_29 : i32
    %mul3A_31 = arith.constant 512 : i32
    %mul3A_32 = arith.muli %min3A_30, %mul3A_31 : i32
    %add3A_33 = arith.constant 385024 : i32
    %add3A_34 = arith.addi %add3A_33, %mul3A_32 : i32
    %multiple_of3A_35 = tpu.assume_multiple %add3A_34, 128 : i32
    %dma_start3A_36 = arith.constant 0 : i32
    %dma_start3A_37 = tpu.memref_slice %arg2[%dma_start3A_36, %multiple_of3A_35] : memref<64x1000000xf32, #tpu.memory_space<hbm>> -> memref<64x512xf32, #tpu.memory_space<hbm>>
    %dma_start3A_38 = arith.constant 0 : i32
    %dma_start3A_39 = tpu.memref_slice %arg2[%dma_start3A_38, %multiple_of3A_35] : memref<64x1000000xf32, #tpu.memory_space<hbm>> -> memref<64x512xf32, #tpu.memory_space<hbm>>
    tpu.enqueue_dma source(%dma_start3A_39 : memref<64x512xf32, #tpu.memory_space<hbm>>) target(%arg8 : memref<64x512xf32, #tpu.memory_space<vmem>>) target_semaphore(%arg14 : memref<!tpu.dma_semaphore, #tpu.memory_space<semaphore_mem>>)
    %scan3A = arith.constant 0 : i32
    %scan3A_40 = arith.constant 0 : i32
    %scan3A_41 = arith.constant 19 : i32
    %scan3A_42 = arith.addi %scan3A_40, %scan3A_41 : i32
    %scan3A_43 = arith.constant 1 : i32
    scf.for %scan3A_58 = %scan3A_40 to %scan3A_42 step %scan3A_43  : i32 {
      %mul3A_59 = arith.constant 2 : i32
      %mul3A_60 = arith.muli %mul3A_59, %scan3A_58 : i32
      %dma_wait3A_61 = arith.constant 0 : i32
      %dma_wait3A_62 = arith.constant 0 : i32
      %dma_wait3A_63 = tpu.memref_slice %arg2[%dma_wait3A_61, %dma_wait3A_62] : memref<64x1000000xf32, #tpu.memory_space<hbm>> -> memref<64x512xf32, #tpu.memory_space<hbm>>
      %dma_wait3A_64 = arith.constant 0 : i32
      %dma_wait3A_65 = arith.constant 0 : i32
      %dma_wait3A_66 = tpu.memref_slice %arg2[%dma_wait3A_64, %dma_wait3A_65] : memref<64x1000000xf32, #tpu.memory_space<hbm>> -> memref<64x512xf32, #tpu.memory_space<hbm>>
      tpu.wait_dma2 semaphore(%arg13 : memref<!tpu.dma_semaphore, #tpu.memory_space<semaphore_mem>>) src(%dma_wait3A_66 : memref<64x512xf32, #tpu.memory_space<hbm>>) dst(%arg7 : memref<64x512xf32, #tpu.memory_space<vmem>>)
      %mul3A_67 = arith.constant 38 : i32
      %mul3A_68 = arith.muli %add3A, %mul3A_67 : i32
      %add3A_69 = arith.addi %mul3A_68, %mul3A_60 : i32
      %min3A_70 = arith.constant 1200 : i32
      %min3A_71 = arith.minsi %add3A_69, %min3A_70 : i32
      %mul3A_72 = arith.constant 512 : i32
      %mul3A_73 = arith.muli %min3A_71, %mul3A_72 : i32
      %scan3A_74 = arith.constant 0 : i32
      %scan3A_75 = arith.constant 0 : i32
      %scan3A_76 = arith.constant 4 : i32
      %scan3A_77 = arith.addi %scan3A_75, %scan3A_76 : i32
      %scan3A_78 = arith.constant 1 : i32
      scf.for %scan3A_137 = %scan3A_75 to %scan3A_77 step %scan3A_78  : i32 {
        %mul3A_138 = arith.constant 8 : i32
        %mul3A_139 = arith.muli %scan3A_137, %mul3A_138 : i32
        %mul3A_140 = arith.constant 16 : i32
        %mul3A_141 = arith.muli %mul3A_139, %mul3A_140 : i32
        %scan3A_142 = arith.constant 0 : i32
        %scan3A_143 = arith.constant 64 : i32
        %scan3A_144 = arith.addi %scan3A_142, %scan3A_143 : i32
        %scan3A_145 = arith.constant 8 : i32
        %scan3A_146:16 = scf.for %scan3A_268 = %scan3A_142 to %scan3A_144 step %scan3A_145 iter_args(%scan3A_269 = %broadcast_in_dim3A_1, %scan3A_270 = %broadcast_in_dim3A_1, %scan3A_271 = %broadcast_in_dim3A_1, %scan3A_272 = %broadcast_in_dim3A_1, %scan3A_273 = %broadcast_in_dim3A_1, %scan3A_274 = %broadcast_in_dim3A_1, %scan3A_275 = %broadcast_in_dim3A_1, %scan3A_276 = %broadcast_in_dim3A_1, %scan3A_277 = %broadcast_in_dim3A_1, %scan3A_278 = %broadcast_in_dim3A_1, %scan3A_279 = %broadcast_in_dim3A_1, %scan3A_280 = %broadcast_in_dim3A_1, %scan3A_281 = %broadcast_in_dim3A_1, %scan3A_282 = %broadcast_in_dim3A_1, %scan3A_283 = %broadcast_in_dim3A_1, %scan3A_284 = %broadcast_in_dim3A_1) -> (vector<16xf32>, vector<16xf32>, vector<16xf32>, vector<16xf32>, vector<16xf32>, vector<16xf32>, vector<16xf32>, vector<16xf32>, vector<16xf32>, vector<16xf32>, vector<16xf32>, vector<16xf32>, vector<16xf32>, vector<16xf32>, vector<16xf32>, vector<16xf32>)  : i32 {
          %mul3A_285 = arith.constant 16 : i32
          %mul3A_286 = arith.muli %scan3A_268, %mul3A_285 : i32
          %get3A_287 = arith.constant 0 : i32
          %get3A_288 = arith.index_cast %get3A_287 : i32 to index
          %get3A_289 = arith.index_cast %mul3A_286 : i32 to index
          %get3A_290 = tpu.vector_load %arg11[%get3A_288, %get3A_289] {strides = array<i32>} : memref<2x1024xf32, #tpu.memory_space<vmem>>, vector<16xf32>,
          %mul3A_291 = arith.constant 16 : i32
          %mul3A_292 = arith.muli %scan3A_268, %mul3A_291 : i32
          %get3A_293 = arith.constant 1 : i32
          %get3A_294 = arith.index_cast %get3A_293 : i32 to index
          %get3A_295 = arith.index_cast %mul3A_292 : i32 to index
          %get3A_296 = tpu.vector_load %arg11[%get3A_294, %get3A_295] {strides = array<i32>} : memref<2x1024xf32, #tpu.memory_space<vmem>>, vector<16xf32>,
          %add3A_297 = arith.constant 0 : i32
          %add3A_298 = arith.addi %mul3A_141, %add3A_297 : i32
          %get3A_299 = arith.index_cast %scan3A_268 : i32 to index
          %get3A_300 = arith.index_cast %add3A_298 : i32 to index
          %get3A_301 = tpu.vector_load %arg7[%get3A_299, %get3A_300] {strides = array<i32>} : memref<64x512xf32, #tpu.memory_space<vmem>>, vector<16xf32>,
          %mul3A_302 = arith.mulf %get3A_301, %get3A_290 : vector<16xf32>
          %add3A_303 = arith.addf %scan3A_269, %mul3A_302 : vector<16xf32>
          %mul3A_304 = arith.mulf %get3A_301, %get3A_296 : vector<16xf32>
          %add3A_305 = arith.addf %scan3A_270, %mul3A_304 : vector<16xf32>
          %add3A_306 = arith.constant 16 : i32
          %add3A_307 = arith.addi %mul3A_141, %add3A_306 : i32
          %get3A_308 = arith.index_cast %scan3A_268 : i32 to index
          %get3A_309 = arith.index_cast %add3A_307 : i32 to index
          %get3A_310 = tpu.vector_load %arg7[%get3A_308, %get3A_309] {strides = array<i32>} : memref<64x512xf32, #tpu.memory_space<vmem>>, vector<16xf32>,
          %mul3A_311 = arith.mulf %get3A_310, %get3A_290 : vector<16xf32>
          %add3A_312 = arith.addf %scan3A_271, %mul3A_311 : vector<16xf32>
          %mul3A_313 = arith.mulf %get3A_310, %get3A_296 : vector<16xf32>
          %add3A_314 = arith.addf %scan3A_272, %mul3A_313 : vector<16xf32>
          %add3A_315 = arith.constant 32 : i32
          %add3A_316 = arith.addi %mul3A_141, %add3A_315 : i32
          %get3A_317 = arith.index_cast %scan3A_268 : i32 to index
          %get3A_318 = arith.index_cast %add3A_316 : i32 to index
          %get3A_319 = tpu.vector_load %arg7[%get3A_317, %get3A_318] {strides = array<i32>} : memref<64x512xf32, #tpu.memory_space<vmem>>, vector<16xf32>,
          %mul3A_320 = arith.mulf %get3A_319, %get3A_290 : vector<16xf32>
          %add3A_321 = arith.addf %scan3A_273, %mul3A_320 : vector<16xf32>
          %mul3A_322 = arith.mulf %get3A_319, %get3A_296 : vector<16xf32>
          %add3A_323 = arith.addf %scan3A_274, %mul3A_322 : vector<16xf32>
          %add3A_324 = arith.constant 48 : i32
          %add3A_325 = arith.addi %mul3A_141, %add3A_324 : i32
          %get3A_326 = arith.index_cast %scan3A_268 : i32 to index
          %get3A_327 = arith.index_cast %add3A_325 : i32 to index
          %get3A_328 = tpu.vector_load %arg7[%get3A_326, %get3A_327] {strides = array<i32>} : memref<64x512xf32, #tpu.memory_space<vmem>>, vector<16xf32>,
          %mul3A_329 = arith.mulf %get3A_328, %get3A_290 : vector<16xf32>
          %add3A_330 = arith.addf %scan3A_275, %mul3A_329 : vector<16xf32>
          %mul3A_331 = arith.mulf %get3A_328, %get3A_296 : vector<16xf32>
          %add3A_332 = arith.addf %scan3A_276, %mul3A_331 : vector<16xf32>
          %add3A_333 = arith.constant 64 : i32
          %add3A_334 = arith.addi %mul3A_141, %add3A_333 : i32
          %get3A_335 = arith.index_cast %scan3A_268 : i32 to index
          %get3A_336 = arith.index_cast %add3A_334 : i32 to index
          %get3A_337 = tpu.vector_load %arg7[%get3A_335, %get3A_336] {strides = array<i32>} : memref<64x512xf32, #tpu.memory_space<vmem>>, vector<16xf32>,
          %mul3A_338 = arith.mulf %get3A_337, %get3A_290 : vector<16xf32>
          %add3A_339 = arith.addf %scan3A_277, %mul3A_338 : vector<16xf32>
          %mul3A_340 = arith.mulf %get3A_337, %get3A_296 : vector<16xf32>
          %add3A_341 = arith.addf %scan3A_278, %mul3A_340 : vector<16xf32>
          %add3A_342 = arith.constant 80 : i32
          %add3A_343 = arith.addi %mul3A_141, %add3A_342 : i32
          %get3A_344 = arith.index_cast %scan3A_268 : i32 to index
          %get3A_345 = arith.index_cast %add3A_343 : i32 to index
          %get3A_346 = tpu.vector_load %arg7[%get3A_344, %get3A_345] {strides = array<i32>} : memref<64x512xf32, #tpu.memory_space<vmem>>, vector<16xf32>,
          %mul3A_347 = arith.mulf %get3A_346, %get3A_290 : vector<16xf32>
          %add3A_348 = arith.addf %scan3A_279, %mul3A_347 : vector<16xf32>
          %mul3A_349 = arith.mulf %get3A_346, %get3A_296 : vector<16xf32>
          %add3A_350 = arith.addf %scan3A_280, %mul3A_349 : vector<16xf32>
          %add3A_351 = arith.constant 96 : i32
          %add3A_352 = arith.addi %mul3A_141, %add3A_351 : i32
          %get3A_353 = arith.index_cast %scan3A_268 : i32 to index
          %get3A_354 = arith.index_cast %add3A_352 : i32 to index
          %get3A_355 = tpu.vector_load %arg7[%get3A_353, %get3A_354] {strides = array<i32>} : memref<64x512xf32, #tpu.memory_space<vmem>>, vector<16xf32>,
          %mul3A_356 = arith.mulf %get3A_355, %get3A_290 : vector<16xf32>
          %add3A_357 = arith.addf %scan3A_281, %mul3A_356 : vector<16xf32>
          %mul3A_358 = arith.mulf %get3A_355, %get3A_296 : vector<16xf32>
          %add3A_359 = arith.addf %scan3A_282, %mul3A_358 : vector<16xf32>
          %add3A_360 = arith.constant 112 : i32
          %add3A_361 = arith.addi %mul3A_141, %add3A_360 : i32
          %get3A_362 = arith.index_cast %scan3A_268 : i32 to index
          %get3A_363 = arith.index_cast %add3A_361 : i32 to index
          %get3A_364 = tpu.vector_load %arg7[%get3A_362, %get3A_363] {strides = array<i32>} : memref<64x512xf32, #tpu.memory_space<vmem>>, vector<16xf32>,
          %mul3A_365 = arith.mulf %get3A_364, %get3A_290 : vector<16xf32>
          %add3A_366 = arith.addf %scan3A_283, %mul3A_365 : vector<16xf32>
          %mul3A_367 = arith.mulf %get3A_364, %get3A_296 : vector<16xf32>
          %add3A_368 = arith.addf %scan3A_284, %mul3A_367 : vector<16xf32>
          %scan3A_369 = arith.constant 1 : i32
          %scan3A_370 = arith.addi %scan3A_268, %scan3A_369 : i32
          %mul3A_371 = arith.constant 16 : i32
          %mul3A_372 = arith.muli %scan3A_370, %mul3A_371 : i32
          %get3A_373 = arith.constant 0 : i32
          %get3A_374 = arith.index_cast %get3A_373 : i32 to index
          %get3A_375 = arith.index_cast %mul3A_372 : i32 to index
          %get3A_376 = tpu.vector_load %arg11[%get3A_374, %get3A_375] {strides = array<i32>} : memref<2x1024xf32, #tpu.memory_space<vmem>>, vector<16xf32>,
          %mul3A_377 = arith.constant 16 : i32
          %mul3A_378 = arith.muli %scan3A_370, %mul3A_377 : i32
          %get3A_379 = arith.constant 1 : i32
          %get3A_380 = arith.index_cast %get3A_379 : i32 to index
          %get3A_381 = arith.index_cast %mul3A_378 : i32 to index
          %get3A_382 = tpu.vector_load %arg11[%get3A_380, %get3A_381] {strides = array<i32>} : memref<2x1024xf32, #tpu.memory_space<vmem>>, vector<16xf32>,
          %add3A_383 = arith.constant 0 : i32
          %add3A_384 = arith.addi %mul3A_141, %add3A_383 : i32
          %get3A_385 = arith.index_cast %scan3A_370 : i32 to index
          %get3A_386 = arith.index_cast %add3A_384 : i32 to index
          %get3A_387 = tpu.vector_load %arg7[%get3A_385, %get3A_386] {strides = array<i32>} : memref<64x512xf32, #tpu.memory_space<vmem>>, vector<16xf32>,
          %mul3A_388 = arith.mulf %get3A_387, %get3A_376 : vector<16xf32>
          %add3A_389 = arith.addf %add3A_303, %mul3A_388 : vector<16xf32>
          %mul3A_390 = arith.mulf %get3A_387, %get3A_382 : vector<16xf32>
          %add3A_391 = arith.addf %add3A_305, %mul3A_390 : vector<16xf32>
          %add3A_392 = arith.constant 16 : i32
          %add3A_393 = arith.addi %mul3A_141, %add3A_392 : i32
          %get3A_394 = arith.index_cast %scan3A_370 : i32 to index
          %get3A_395 = arith.index_cast %add3A_393 : i32 to index
          %get3A_396 = tpu.vector_load %arg7[%get3A_394, %get3A_395] {strides = array<i32>} : memref<64x512xf32, #tpu.memory_space<vmem>>, vector<16xf32>,
          %mul3A_397 = arith.mulf %get3A_396, %get3A_376 : vector<16xf32>
          %add3A_398 = arith.addf %add3A_312, %mul3A_397 : vector<16xf32>
          %mul3A_399 = arith.mulf %get3A_396, %get3A_382 : vector<16xf32>
          %add3A_400 = arith.addf %add3A_314, %mul3A_399 : vector<16xf32>
          %add3A_401 = arith.constant 32 : i32
          %add3A_402 = arith.addi %mul3A_141, %add3A_401 : i32
          %get3A_403 = arith.index_cast %scan3A_370 : i32 to index
          %get3A_404 = arith.index_cast %add3A_402 : i32 to index
          %get3A_405 = tpu.vector_load %arg7[%get3A_403, %get3A_404] {strides = array<i32>} : memref<64x512xf32, #tpu.memory_space<vmem>>, vector<16xf32>,
          %mul3A_406 = arith.mulf %get3A_405, %get3A_376 : vector<16xf32>
          %add3A_407 = arith.addf %add3A_321, %mul3A_406 : vector<16xf32>
          %mul3A_408 = arith.mulf %get3A_405, %get3A_382 : vector<16xf32>
          %add3A_409 = arith.addf %add3A_323, %mul3A_408 : vector<16xf32>
          %add3A_410 = arith.constant 48 : i32
          %add3A_411 = arith.addi %mul3A_141, %add3A_410 : i32
          %get3A_412 = arith.index_cast %scan3A_370 : i32 to index
          %get3A_413 = arith.index_cast %add3A_411 : i32 to index
          %get3A_414 = tpu.vector_load %arg7[%get3A_412, %get3A_413] {strides = array<i32>} : memref<64x512xf32, #tpu.memory_space<vmem>>, vector<16xf32>,
          %mul3A_415 = arith.mulf %get3A_414, %get3A_376 : vector<16xf32>
          %add3A_416 = arith.addf %add3A_330, %mul3A_415 : vector<16xf32>
          %mul3A_417 = arith.mulf %get3A_414, %get3A_382 : vector<16xf32>
          %add3A_418 = arith.addf %add3A_332, %mul3A_417 : vector<16xf32>
          %add3A_419 = arith.constant 64 : i32
          %add3A_420 = arith.addi %mul3A_141, %add3A_419 : i32
          %get3A_421 = arith.index_cast %scan3A_370 : i32 to index
          %get3A_422 = arith.index_cast %add3A_420 : i32 to index
          %get3A_423 = tpu.vector_load %arg7[%get3A_421, %get3A_422] {strides = array<i32>} : memref<64x512xf32, #tpu.memory_space<vmem>>, vector<16xf32>,
          %mul3A_424 = arith.mulf %get3A_423, %get3A_376 : vector<16xf32>
          %add3A_425 = arith.addf %add3A_339, %mul3A_424 : vector<16xf32>
          %mul3A_426 = arith.mulf %get3A_423, %get3A_382 : vector<16xf32>
          %add3A_427 = arith.addf %add3A_341, %mul3A_426 : vector<16xf32>
          %add3A_428 = arith.constant 80 : i32
          %add3A_429 = arith.addi %mul3A_141, %add3A_428 : i32
          %get3A_430 = arith.index_cast %scan3A_370 : i32 to index
          %get3A_431 = arith.index_cast %add3A_429 : i32 to index
          %get3A_432 = tpu.vector_load %arg7[%get3A_430, %get3A_431] {strides = array<i32>} : memref<64x512xf32, #tpu.memory_space<vmem>>, vector<16xf32>,
          %mul3A_433 = arith.mulf %get3A_432, %get3A_376 : vector<16xf32>
          %add3A_434 = arith.addf %add3A_348, %mul3A_433 : vector<16xf32>
          %mul3A_435 = arith.mulf %get3A_432, %get3A_382 : vector<16xf32>
          %add3A_436 = arith.addf %add3A_350, %mul3A_435 : vector<16xf32>
          %add3A_437 = arith.constant 96 : i32
          %add3A_438 = arith.addi %mul3A_141, %add3A_437 : i32
          %get3A_439 = arith.index_cast %scan3A_370 : i32 to index
          %get3A_440 = arith.index_cast %add3A_438 : i32 to index
          %get3A_441 = tpu.vector_load %arg7[%get3A_439, %get3A_440] {strides = array<i32>} : memref<64x512xf32, #tpu.memory_space<vmem>>, vector<16xf32>,
          %mul3A_442 = arith.mulf %get3A_441, %get3A_376 : vector<16xf32>
          %add3A_443 = arith.addf %add3A_357, %mul3A_442 : vector<16xf32>
          %mul3A_444 = arith.mulf %get3A_441, %get3A_382 : vector<16xf32>
          %add3A_445 = arith.addf %add3A_359, %mul3A_444 : vector<16xf32>
          %add3A_446 = arith.constant 112 : i32
          %add3A_447 = arith.addi %mul3A_141, %add3A_446 : i32
          %get3A_448 = arith.index_cast %scan3A_370 : i32 to index
          %get3A_449 = arith.index_cast %add3A_447 : i32 to index
          %get3A_450 = tpu.vector_load %arg7[%get3A_448, %get3A_449] {strides = array<i32>} : memref<64x512xf32, #tpu.memory_space<vmem>>, vector<16xf32>,
          %mul3A_451 = arith.mulf %get3A_450, %get3A_376 : vector<16xf32>
          %add3A_452 = arith.addf %add3A_366, %mul3A_451 : vector<16xf32>
          %mul3A_453 = arith.mulf %get3A_450, %get3A_382 : vector<16xf32>
          %add3A_454 = arith.addf %add3A_368, %mul3A_453 : vector<16xf32>
          %scan3A_455 = arith.constant 2 : i32
          %scan3A_456 = arith.addi %scan3A_268, %scan3A_455 : i32
          %mul3A_457 = arith.constant 16 : i32
          %mul3A_458 = arith.muli %scan3A_456, %mul3A_457 : i32
          %get3A_459 = arith.constant 0 : i32
          %get3A_460 = arith.index_cast %get3A_459 : i32 to index
          %get3A_461 = arith.index_cast %mul3A_458 : i32 to index
          %get3A_462 = tpu.vector_load %arg11[%get3A_460, %get3A_461] {strides = array<i32>} : memref<2x1024xf32, #tpu.memory_space<vmem>>, vector<16xf32>,
          %mul3A_463 = arith.constant 16 : i32
          %mul3A_464 = arith.muli %scan3A_456, %mul3A_463 : i32
          %get3A_465 = arith.constant 1 : i32
          %get3A_466 = arith.index_cast %get3A_465 : i32 to index
          %get3A_467 = arith.index_cast %mul3A_464 : i32 to index
          %get3A_468 = tpu.vector_load %arg11[%get3A_466, %get3A_467] {strides = array<i32>} : memref<2x1024xf32, #tpu.memory_space<vmem>>, vector<16xf32>,
          %add3A_469 = arith.constant 0 : i32
          %add3A_470 = arith.addi %mul3A_141, %add3A_469 : i32
          %get3A_471 = arith.index_cast %scan3A_456 : i32 to index
          %get3A_472 = arith.index_cast %add3A_470 : i32 to index
          %get3A_473 = tpu.vector_load %arg7[%get3A_471, %get3A_472] {strides = array<i32>} : memref<64x512xf32, #tpu.memory_space<vmem>>, vector<16xf32>,
          %mul3A_474 = arith.mulf %get3A_473, %get3A_462 : vector<16xf32>
          %add3A_475 = arith.addf %add3A_389, %mul3A_474 : vector<16xf32>
          %mul3A_476 = arith.mulf %get3A_473, %get3A_468 : vector<16xf32>
          %add3A_477 = arith.addf %add3A_391, %mul3A_476 : vector<16xf32>
          %add3A_478 = arith.constant 16 : i32
          %add3A_479 = arith.addi %mul3A_141, %add3A_478 : i32
          %get3A_480 = arith.index_cast %scan3A_456 : i32 to index
          %get3A_481 = arith.index_cast %add3A_479 : i32 to index
          %get3A_482 = tpu.vector_load %arg7[%get3A_480, %get3A_481] {strides = array<i32>} : memref<64x512xf32, #tpu.memory_space<vmem>>, vector<16xf32>,
          %mul3A_483 = arith.mulf %get3A_482, %get3A_462 : vector<16xf32>
          %add3A_484 = arith.addf %add3A_398, %mul3A_483 : vector<16xf32>
          %mul3A_485 = arith.mulf %get3A_482, %get3A_468 : vector<16xf32>
          %add3A_486 = arith.addf %add3A_400, %mul3A_485 : vector<16xf32>
          %add3A_487 = arith.constant 32 : i32
          %add3A_488 = arith.addi %mul3A_141, %add3A_487 : i32
          %get3A_489 = arith.index_cast %scan3A_456 : i32 to index
          %get3A_490 = arith.index_cast %add3A_488 : i32 to index
          %get3A_491 = tpu.vector_load %arg7[%get3A_489, %get3A_490] {strides = array<i32>} : memref<64x512xf32, #tpu.memory_space<vmem>>, vector<16xf32>,
          %mul3A_492 = arith.mulf %get3A_491, %get3A_462 : vector<16xf32>
          %add3A_493 = arith.addf %add3A_407, %mul3A_492 : vector<16xf32>
          %mul3A_494 = arith.mulf %get3A_491, %get3A_468 : vector<16xf32>
          %add3A_495 = arith.addf %add3A_409, %mul3A_494 : vector<16xf32>
          %add3A_496 = arith.constant 48 : i32
          %add3A_497 = arith.addi %mul3A_141, %add3A_496 : i32
          %get3A_498 = arith.index_cast %scan3A_456 : i32 to index
          %get3A_499 = arith.index_cast %add3A_497 : i32 to index
          %get3A_500 = tpu.vector_load %arg7[%get3A_498, %get3A_499] {strides = array<i32>} : memref<64x512xf32, #tpu.memory_space<vmem>>, vector<16xf32>,
          %mul3A_501 = arith.mulf %get3A_500, %get3A_462 : vector<16xf32>
          %add3A_502 = arith.addf %add3A_416, %mul3A_501 : vector<16xf32>
          %mul3A_503 = arith.mulf %get3A_500, %get3A_468 : vector<16xf32>
          %add3A_504 = arith.addf %add3A_418, %mul3A_503 : vector<16xf32>
          %add3A_505 = arith.constant 64 : i32
          %add3A_506 = arith.addi %mul3A_141, %add3A_505 : i32
          %get3A_507 = arith.index_cast %scan3A_456 : i32 to index
          %get3A_508 = arith.index_cast %add3A_506 : i32 to index
          %get3A_509 = tpu.vector_load %arg7[%get3A_507, %get3A_508] {strides = array<i32>} : memref<64x512xf32, #tpu.memory_space<vmem>>, vector<16xf32>,
          %mul3A_510 = arith.mulf %get3A_509, %get3A_462 : vector<16xf32>
          %add3A_511 = arith.addf %add3A_425, %mul3A_510 : vector<16xf32>
          %mul3A_512 = arith.mulf %get3A_509, %get3A_468 : vector<16xf32>
          %add3A_513 = arith.addf %add3A_427, %mul3A_512 : vector<16xf32>
          %add3A_514 = arith.constant 80 : i32
          %add3A_515 = arith.addi %mul3A_141, %add3A_514 : i32
          %get3A_516 = arith.index_cast %scan3A_456 : i32 to index
          %get3A_517 = arith.index_cast %add3A_515 : i32 to index
          %get3A_518 = tpu.vector_load %arg7[%get3A_516, %get3A_517] {strides = array<i32>} : memref<64x512xf32, #tpu.memory_space<vmem>>, vector<16xf32>,
          %mul3A_519 = arith.mulf %get3A_518, %get3A_462 : vector<16xf32>
          %add3A_520 = arith.addf %add3A_434, %mul3A_519 : vector<16xf32>
          %mul3A_521 = arith.mulf %get3A_518, %get3A_468 : vector<16xf32>
          %add3A_522 = arith.addf %add3A_436, %mul3A_521 : vector<16xf32>
          %add3A_523 = arith.constant 96 : i32
          %add3A_524 = arith.addi %mul3A_141, %add3A_523 : i32
          %get3A_525 = arith.index_cast %scan3A_456 : i32 to index
          %get3A_526 = arith.index_cast %add3A_524 : i32 to index
          %get3A_527 = tpu.vector_load %arg7[%get3A_525, %get3A_526] {strides = array<i32>} : memref<64x512xf32, #tpu.memory_space<vmem>>, vector<16xf32>,
          %mul3A_528 = arith.mulf %get3A_527, %get3A_462 : vector<16xf32>
          %add3A_529 = arith.addf %add3A_443, %mul3A_528 : vector<16xf32>
          %mul3A_530 = arith.mulf %get3A_527, %get3A_468 : vector<16xf32>
          %add3A_531 = arith.addf %add3A_445, %mul3A_530 : vector<16xf32>
          %add3A_532 = arith.constant 112 : i32
          %add3A_533 = arith.addi %mul3A_141, %add3A_532 : i32
          %get3A_534 = arith.index_cast %scan3A_456 : i32 to index
          %get3A_535 = arith.index_cast %add3A_533 : i32 to index
          %get3A_536 = tpu.vector_load %arg7[%get3A_534, %get3A_535] {strides = array<i32>} : memref<64x512xf32, #tpu.memory_space<vmem>>, vector<16xf32>,
          %mul3A_537 = arith.mulf %get3A_536, %get3A_462 : vector<16xf32>
          %add3A_538 = arith.addf %add3A_452, %mul3A_537 : vector<16xf32>
          %mul3A_539 = arith.mulf %get3A_536, %get3A_468 : vector<16xf32>
          %add3A_540 = arith.addf %add3A_454, %mul3A_539 : vector<16xf32>
          %scan3A_541 = arith.constant 3 : i32
          %scan3A_542 = arith.addi %scan3A_268, %scan3A_541 : i32
          %mul3A_543 = arith.constant 16 : i32
          %mul3A_544 = arith.muli %scan3A_542, %mul3A_543 : i32
          %get3A_545 = arith.constant 0 : i32
          %get3A_546 = arith.index_cast %get3A_545 : i32 to index
          %get3A_547 = arith.index_cast %mul3A_544 : i32 to index
          %get3A_548 = tpu.vector_load %arg11[%get3A_546, %get3A_547] {strides = array<i32>} : memref<2x1024xf32, #tpu.memory_space<vmem>>, vector<16xf32>,
          %mul3A_549 = arith.constant 16 : i32
          %mul3A_550 = arith.muli %scan3A_542, %mul3A_549 : i32
          %get3A_551 = arith.constant 1 : i32
          %get3A_552 = arith.index_cast %get3A_551 : i32 to index
          %get3A_553 = arith.index_cast %mul3A_550 : i32 to index
          %get3A_554 = tpu.vector_load %arg11[%get3A_552, %get3A_553] {strides = array<i32>} : memref<2x1024xf32, #tpu.memory_space<vmem>>, vector<16xf32>,
          %add3A_555 = arith.constant 0 : i32
          %add3A_556 = arith.addi %mul3A_141, %add3A_555 : i32
          %get3A_557 = arith.index_cast %scan3A_542 : i32 to index
          %get3A_558 = arith.index_cast %add3A_556 : i32 to index
          %get3A_559 = tpu.vector_load %arg7[%get3A_557, %get3A_558] {strides = array<i32>} : memref<64x512xf32, #tpu.memory_space<vmem>>, vector<16xf32>,
          %mul3A_560 = arith.mulf %get3A_559, %get3A_548 : vector<16xf32>
          %add3A_561 = arith.addf %add3A_475, %mul3A_560 : vector<16xf32>
          %mul3A_562 = arith.mulf %get3A_559, %get3A_554 : vector<16xf32>
          %add3A_563 = arith.addf %add3A_477, %mul3A_562 : vector<16xf32>
          %add3A_564 = arith.constant 16 : i32
          %add3A_565 = arith.addi %mul3A_141, %add3A_564 : i32
          %get3A_566 = arith.index_cast %scan3A_542 : i32 to index
          %get3A_567 = arith.index_cast %add3A_565 : i32 to index
          %get3A_568 = tpu.vector_load %arg7[%get3A_566, %get3A_567] {strides = array<i32>} : memref<64x512xf32, #tpu.memory_space<vmem>>, vector<16xf32>,
          %mul3A_569 = arith.mulf %get3A_568, %get3A_548 : vector<16xf32>
          %add3A_570 = arith.addf %add3A_484, %mul3A_569 : vector<16xf32>
          %mul3A_571 = arith.mulf %get3A_568, %get3A_554 : vector<16xf32>
          %add3A_572 = arith.addf %add3A_486, %mul3A_571 : vector<16xf32>
          %add3A_573 = arith.constant 32 : i32
          %add3A_574 = arith.addi %mul3A_141, %add3A_573 : i32
          %get3A_575 = arith.index_cast %scan3A_542 : i32 to index
          %get3A_576 = arith.index_cast %add3A_574 : i32 to index
          %get3A_577 = tpu.vector_load %arg7[%get3A_575, %get3A_576] {strides = array<i32>} : memref<64x512xf32, #tpu.memory_space<vmem>>, vector<16xf32>,
          %mul3A_578 = arith.mulf %get3A_577, %get3A_548 : vector<16xf32>
          %add3A_579 = arith.addf %add3A_493, %mul3A_578 : vector<16xf32>
          %mul3A_580 = arith.mulf %get3A_577, %get3A_554 : vector<16xf32>
          %add3A_581 = arith.addf %add3A_495, %mul3A_580 : vector<16xf32>
          %add3A_582 = arith.constant 48 : i32
          %add3A_583 = arith.addi %mul3A_141, %add3A_582 : i32
          %get3A_584 = arith.index_cast %scan3A_542 : i32 to index
          %get3A_585 = arith.index_cast %add3A_583 : i32 to index
          %get3A_586 = tpu.vector_load %arg7[%get3A_584, %get3A_585] {strides = array<i32>} : memref<64x512xf32, #tpu.memory_space<vmem>>, vector<16xf32>,
          %mul3A_587 = arith.mulf %get3A_586, %get3A_548 : vector<16xf32>
          %add3A_588 = arith.addf %add3A_502, %mul3A_587 : vector<16xf32>
          %mul3A_589 = arith.mulf %get3A_586, %get3A_554 : vector<16xf32>
          %add3A_590 = arith.addf %add3A_504, %mul3A_589 : vector<16xf32>
          %add3A_591 = arith.constant 64 : i32
          %add3A_592 = arith.addi %mul3A_141, %add3A_591 : i32
          %get3A_593 = arith.index_cast %scan3A_542 : i32 to index
          %get3A_594 = arith.index_cast %add3A_592 : i32 to index
          %get3A_595 = tpu.vector_load %arg7[%get3A_593, %get3A_594] {strides = array<i32>} : memref<64x512xf32, #tpu.memory_space<vmem>>, vector<16xf32>,
          %mul3A_596 = arith.mulf %get3A_595, %get3A_548 : vector<16xf32>
          %add3A_597 = arith.addf %add3A_511, %mul3A_596 : vector<16xf32>
          %mul3A_598 = arith.mulf %get3A_595, %get3A_554 : vector<16xf32>
          %add3A_599 = arith.addf %add3A_513, %mul3A_598 : vector<16xf32>
          %add3A_600 = arith.constant 80 : i32
          %add3A_601 = arith.addi %mul3A_141, %add3A_600 : i32
          %get3A_602 = arith.index_cast %scan3A_542 : i32 to index
          %get3A_603 = arith.index_cast %add3A_601 : i32 to index
          %get3A_604 = tpu.vector_load %arg7[%get3A_602, %get3A_603] {strides = array<i32>} : memref<64x512xf32, #tpu.memory_space<vmem>>, vector<16xf32>,
          %mul3A_605 = arith.mulf %get3A_604, %get3A_548 : vector<16xf32>
          %add3A_606 = arith.addf %add3A_520, %mul3A_605 : vector<16xf32>
          %mul3A_607 = arith.mulf %get3A_604, %get3A_554 : vector<16xf32>
          %add3A_608 = arith.addf %add3A_522, %mul3A_607 : vector<16xf32>
          %add3A_609 = arith.constant 96 : i32
          %add3A_610 = arith.addi %mul3A_141, %add3A_609 : i32
          %get3A_611 = arith.index_cast %scan3A_542 : i32 to index
          %get3A_612 = arith.index_cast %add3A_610 : i32 to index
          %get3A_613 = tpu.vector_load %arg7[%get3A_611, %get3A_612] {strides = array<i32>} : memref<64x512xf32, #tpu.memory_space<vmem>>, vector<16xf32>,
          %mul3A_614 = arith.mulf %get3A_613, %get3A_548 : vector<16xf32>
          %add3A_615 = arith.addf %add3A_529, %mul3A_614 : vector<16xf32>
          %mul3A_616 = arith.mulf %get3A_613, %get3A_554 : vector<16xf32>
          %add3A_617 = arith.addf %add3A_531, %mul3A_616 : vector<16xf32>
          %add3A_618 = arith.constant 112 : i32
          %add3A_619 = arith.addi %mul3A_141, %add3A_618 : i32
          %get3A_620 = arith.index_cast %scan3A_542 : i32 to index
          %get3A_621 = arith.index_cast %add3A_619 : i32 to index
          %get3A_622 = tpu.vector_load %arg7[%get3A_620, %get3A_621] {strides = array<i32>} : memref<64x512xf32, #tpu.memory_space<vmem>>, vector<16xf32>,
          %mul3A_623 = arith.mulf %get3A_622, %get3A_548 : vector<16xf32>
          %add3A_624 = arith.addf %add3A_538, %mul3A_623 : vector<16xf32>
          %mul3A_625 = arith.mulf %get3A_622, %get3A_554 : vector<16xf32>
          %add3A_626 = arith.addf %add3A_540, %mul3A_625 : vector<16xf32>
          %scan3A_627 = arith.constant 4 : i32
          %scan3A_628 = arith.addi %scan3A_268, %scan3A_627 : i32
          %mul3A_629 = arith.constant 16 : i32
          %mul3A_630 = arith.muli %scan3A_628, %mul3A_629 : i32
          %get3A_631 = arith.constant 0 : i32
          %get3A_632 = arith.index_cast %get3A_631 : i32 to index
          %get3A_633 = arith.index_cast %mul3A_630 : i32 to index
          %get3A_634 = tpu.vector_load %arg11[%get3A_632, %get3A_633] {strides = array<i32>} : memref<2x1024xf32, #tpu.memory_space<vmem>>, vector<16xf32>,
          %mul3A_635 = arith.constant 16 : i32
          %mul3A_636 = arith.muli %scan3A_628, %mul3A_635 : i32
          %get3A_637 = arith.constant 1 : i32
          %get3A_638 = arith.index_cast %get3A_637 : i32 to index
          %get3A_639 = arith.index_cast %mul3A_636 : i32 to index
          %get3A_640 = tpu.vector_load %arg11[%get3A_638, %get3A_639] {strides = array<i32>} : memref<2x1024xf32, #tpu.memory_space<vmem>>, vector<16xf32>,
          %add3A_641 = arith.constant 0 : i32
          %add3A_642 = arith.addi %mul3A_141, %add3A_641 : i32
          %get3A_643 = arith.index_cast %scan3A_628 : i32 to index
          %get3A_644 = arith.index_cast %add3A_642 : i32 to index
          %get3A_645 = tpu.vector_load %arg7[%get3A_643, %get3A_644] {strides = array<i32>} : memref<64x512xf32, #tpu.memory_space<vmem>>, vector<16xf32>,
          %mul3A_646 = arith.mulf %get3A_645, %get3A_634 : vector<16xf32>
          %add3A_647 = arith.addf %add3A_561, %mul3A_646 : vector<16xf32>
          %mul3A_648 = arith.mulf %get3A_645, %get3A_640 : vector<16xf32>
          %add3A_649 = arith.addf %add3A_563, %mul3A_648 : vector<16xf32>
          %add3A_650 = arith.constant 16 : i32
          %add3A_651 = arith.addi %mul3A_141, %add3A_650 : i32
          %get3A_652 = arith.index_cast %scan3A_628 : i32 to index
          %get3A_653 = arith.index_cast %add3A_651 : i32 to index
          %get3A_654 = tpu.vector_load %arg7[%get3A_652, %get3A_653] {strides = array<i32>} : memref<64x512xf32, #tpu.memory_space<vmem>>, vector<16xf32>,
          %mul3A_655 = arith.mulf %get3A_654, %get3A_634 : vector<16xf32>
          %add3A_656 = arith.addf %add3A_570, %mul3A_655 : vector<16xf32>
          %mul3A_657 = arith.mulf %get3A_654, %get3A_640 : vector<16xf32>
          %add3A_658 = arith.addf %add3A_572, %mul3A_657 : vector<16xf32>
          %add3A_659 = arith.constant 32 : i32
          %add3A_660 = arith.addi %mul3A_141, %add3A_659 : i32
          %get3A_661 = arith.index_cast %scan3A_628 : i32 to index
          %get3A_662 = arith.index_cast %add3A_660 : i32 to index
          %get3A_663 = tpu.vector_load %arg7[%get3A_661, %get3A_662] {strides = array<i32>} : memref<64x512xf32, #tpu.memory_space<vmem>>, vector<16xf32>,
          %mul3A_664 = arith.mulf %get3A_663, %get3A_634 : vector<16xf32>
          %add3A_665 = arith.addf %add3A_579, %mul3A_664 : vector<16xf32>
          %mul3A_666 = arith.mulf %get3A_663, %get3A_640 : vector<16xf32>
          %add3A_667 = arith.addf %add3A_581, %mul3A_666 : vector<16xf32>
          %add3A_668 = arith.constant 48 : i32
          %add3A_669 = arith.addi %mul3A_141, %add3A_668 : i32
          %get3A_670 = arith.index_cast %scan3A_628 : i32 to index
          %get3A_671 = arith.index_cast %add3A_669 : i32 to index
          %get3A_672 = tpu.vector_load %arg7[%get3A_670, %get3A_671] {strides = array<i32>} : memref<64x512xf32, #tpu.memory_space<vmem>>, vector<16xf32>,
          %mul3A_673 = arith.mulf %get3A_672, %get3A_634 : vector<16xf32>
          %add3A_674 = arith.addf %add3A_588, %mul3A_673 : vector<16xf32>
          %mul3A_675 = arith.mulf %get3A_672, %get3A_640 : vector<16xf32>
          %add3A_676 = arith.addf %add3A_590, %mul3A_675 : vector<16xf32>
          %add3A_677 = arith.constant 64 : i32
          %add3A_678 = arith.addi %mul3A_141, %add3A_677 : i32
          %get3A_679 = arith.index_cast %scan3A_628 : i32 to index
          %get3A_680 = arith.index_cast %add3A_678 : i32 to index
          %get3A_681 = tpu.vector_load %arg7[%get3A_679, %get3A_680] {strides = array<i32>} : memref<64x512xf32, #tpu.memory_space<vmem>>, vector<16xf32>,
          %mul3A_682 = arith.mulf %get3A_681, %get3A_634 : vector<16xf32>
          %add3A_683 = arith.addf %add3A_597, %mul3A_682 : vector<16xf32>
          %mul3A_684 = arith.mulf %get3A_681, %get3A_640 : vector<16xf32>
          %add3A_685 = arith.addf %add3A_599, %mul3A_684 : vector<16xf32>
          %add3A_686 = arith.constant 80 : i32
          %add3A_687 = arith.addi %mul3A_141, %add3A_686 : i32
          %get3A_688 = arith.index_cast %scan3A_628 : i32 to index
          %get3A_689 = arith.index_cast %add3A_687 : i32 to index
          %get3A_690 = tpu.vector_load %arg7[%get3A_688, %get3A_689] {strides = array<i32>} : memref<64x512xf32, #tpu.memory_space<vmem>>, vector<16xf32>,
          %mul3A_691 = arith.mulf %get3A_690, %get3A_634 : vector<16xf32>
          %add3A_692 = arith.addf %add3A_606, %mul3A_691 : vector<16xf32>
          %mul3A_693 = arith.mulf %get3A_690, %get3A_640 : vector<16xf32>
          %add3A_694 = arith.addf %add3A_608, %mul3A_693 : vector<16xf32>
          %add3A_695 = arith.constant 96 : i32
          %add3A_696 = arith.addi %mul3A_141, %add3A_695 : i32
          %get3A_697 = arith.index_cast %scan3A_628 : i32 to index
          %get3A_698 = arith.index_cast %add3A_696 : i32 to index
          %get3A_699 = tpu.vector_load %arg7[%get3A_697, %get3A_698] {strides = array<i32>} : memref<64x512xf32, #tpu.memory_space<vmem>>, vector<16xf32>,
          %mul3A_700 = arith.mulf %get3A_699, %get3A_634 : vector<16xf32>
          %add3A_701 = arith.addf %add3A_615, %mul3A_700 : vector<16xf32>
          %mul3A_702 = arith.mulf %get3A_699, %get3A_640 : vector<16xf32>
          %add3A_703 = arith.addf %add3A_617, %mul3A_702 : vector<16xf32>
          %add3A_704 = arith.constant 112 : i32
          %add3A_705 = arith.addi %mul3A_141, %add3A_704 : i32
          %get3A_706 = arith.index_cast %scan3A_628 : i32 to index
          %get3A_707 = arith.index_cast %add3A_705 : i32 to index
          %get3A_708 = tpu.vector_load %arg7[%get3A_706, %get3A_707] {strides = array<i32>} : memref<64x512xf32, #tpu.memory_space<vmem>>, vector<16xf32>,
          %mul3A_709 = arith.mulf %get3A_708, %get3A_634 : vector<16xf32>
          %add3A_710 = arith.addf %add3A_624, %mul3A_709 : vector<16xf32>
          %mul3A_711 = arith.mulf %get3A_708, %get3A_640 : vector<16xf32>
          %add3A_712 = arith.addf %add3A_626, %mul3A_711 : vector<16xf32>
          %scan3A_713 = arith.constant 5 : i32
          %scan3A_714 = arith.addi %scan3A_268, %scan3A_713 : i32
          %mul3A_715 = arith.constant 16 : i32
          %mul3A_716 = arith.muli %scan3A_714, %mul3A_715 : i32
          %get3A_717 = arith.constant 0 : i32
          %get3A_718 = arith.index_cast %get3A_717 : i32 to index
          %get3A_719 = arith.index_cast %mul3A_716 : i32 to index
          %get3A_720 = tpu.vector_load %arg11[%get3A_718, %get3A_719] {strides = array<i32>} : memref<2x1024xf32, #tpu.memory_space<vmem>>, vector<16xf32>,
          %mul3A_721 = arith.constant 16 : i32
          %mul3A_722 = arith.muli %scan3A_714, %mul3A_721 : i32
          %get3A_723 = arith.constant 1 : i32
          %get3A_724 = arith.index_cast %get3A_723 : i32 to index
          %get3A_725 = arith.index_cast %mul3A_722 : i32 to index
          %get3A_726 = tpu.vector_load %arg11[%get3A_724, %get3A_725] {strides = array<i32>} : memref<2x1024xf32, #tpu.memory_space<vmem>>, vector<16xf32>,
          %add3A_727 = arith.constant 0 : i32
          %add3A_728 = arith.addi %mul3A_141, %add3A_727 : i32
          %get3A_729 = arith.index_cast %scan3A_714 : i32 to index
          %get3A_730 = arith.index_cast %add3A_728 : i32 to index
          %get3A_731 = tpu.vector_load %arg7[%get3A_729, %get3A_730] {strides = array<i32>} : memref<64x512xf32, #tpu.memory_space<vmem>>, vector<16xf32>,
          %mul3A_732 = arith.mulf %get3A_731, %get3A_720 : vector<16xf32>
          %add3A_733 = arith.addf %add3A_647, %mul3A_732 : vector<16xf32>
          %mul3A_734 = arith.mulf %get3A_731, %get3A_726 : vector<16xf32>
          %add3A_735 = arith.addf %add3A_649, %mul3A_734 : vector<16xf32>
          %add3A_736 = arith.constant 16 : i32
          %add3A_737 = arith.addi %mul3A_141, %add3A_736 : i32
          %get3A_738 = arith.index_cast %scan3A_714 : i32 to index
          %get3A_739 = arith.index_cast %add3A_737 : i32 to index
          %get3A_740 = tpu.vector_load %arg7[%get3A_738, %get3A_739] {strides = array<i32>} : memref<64x512xf32, #tpu.memory_space<vmem>>, vector<16xf32>,
          %mul3A_741 = arith.mulf %get3A_740, %get3A_720 : vector<16xf32>
          %add3A_742 = arith.addf %add3A_656, %mul3A_741 : vector<16xf32>
          %mul3A_743 = arith.mulf %get3A_740, %get3A_726 : vector<16xf32>
          %add3A_744 = arith.addf %add3A_658, %mul3A_743 : vector<16xf32>
          %add3A_745 = arith.constant 32 : i32
          %add3A_746 = arith.addi %mul3A_141, %add3A_745 : i32
          %get3A_747 = arith.index_cast %scan3A_714 : i32 to index
          %get3A_748 = arith.index_cast %add3A_746 : i32 to index
          %get3A_749 = tpu.vector_load %arg7[%get3A_747, %get3A_748] {strides = array<i32>} : memref<64x512xf32, #tpu.memory_space<vmem>>, vector<16xf32>,
          %mul3A_750 = arith.mulf %get3A_749, %get3A_720 : vector<16xf32>
          %add3A_751 = arith.addf %add3A_665, %mul3A_750 : vector<16xf32>
          %mul3A_752 = arith.mulf %get3A_749, %get3A_726 : vector<16xf32>
          %add3A_753 = arith.addf %add3A_667, %mul3A_752 : vector<16xf32>
          %add3A_754 = arith.constant 48 : i32
          %add3A_755 = arith.addi %mul3A_141, %add3A_754 : i32
          %get3A_756 = arith.index_cast %scan3A_714 : i32 to index
          %get3A_757 = arith.index_cast %add3A_755 : i32 to index
          %get3A_758 = tpu.vector_load %arg7[%get3A_756, %get3A_757] {strides = array<i32>} : memref<64x512xf32, #tpu.memory_space<vmem>>, vector<16xf32>,
          %mul3A_759 = arith.mulf %get3A_758, %get3A_720 : vector<16xf32>
          %add3A_760 = arith.addf %add3A_674, %mul3A_759 : vector<16xf32>
          %mul3A_761 = arith.mulf %get3A_758, %get3A_726 : vector<16xf32>
          %add3A_762 = arith.addf %add3A_676, %mul3A_761 : vector<16xf32>
          %add3A_763 = arith.constant 64 : i32
          %add3A_764 = arith.addi %mul3A_141, %add3A_763 : i32
          %get3A_765 = arith.index_cast %scan3A_714 : i32 to index
          %get3A_766 = arith.index_cast %add3A_764 : i32 to index
          %get3A_767 = tpu.vector_load %arg7[%get3A_765, %get3A_766] {strides = array<i32>} : memref<64x512xf32, #tpu.memory_space<vmem>>, vector<16xf32>,
          %mul3A_768 = arith.mulf %get3A_767, %get3A_720 : vector<16xf32>
          %add3A_769 = arith.addf %add3A_683, %mul3A_768 : vector<16xf32>
          %mul3A_770 = arith.mulf %get3A_767, %get3A_726 : vector<16xf32>
          %add3A_771 = arith.addf %add3A_685, %mul3A_770 : vector<16xf32>
          %add3A_772 = arith.constant 80 : i32
          %add3A_773 = arith.addi %mul3A_141, %add3A_772 : i32
          %get3A_774 = arith.index_cast %scan3A_714 : i32 to index
          %get3A_775 = arith.index_cast %add3A_773 : i32 to index
          %get3A_776 = tpu.vector_load %arg7[%get3A_774, %get3A_775] {strides = array<i32>} : memref<64x512xf32, #tpu.memory_space<vmem>>, vector<16xf32>,
          %mul3A_777 = arith.mulf %get3A_776, %get3A_720 : vector<16xf32>
          %add3A_778 = arith.addf %add3A_692, %mul3A_777 : vector<16xf32>
          %mul3A_779 = arith.mulf %get3A_776, %get3A_726 : vector<16xf32>
          %add3A_780 = arith.addf %add3A_694, %mul3A_779 : vector<16xf32>
          %add3A_781 = arith.constant 96 : i32
          %add3A_782 = arith.addi %mul3A_141, %add3A_781 : i32
          %get3A_783 = arith.index_cast %scan3A_714 : i32 to index
          %get3A_784 = arith.index_cast %add3A_782 : i32 to index
          %get3A_785 = tpu.vector_load %arg7[%get3A_783, %get3A_784] {strides = array<i32>} : memref<64x512xf32, #tpu.memory_space<vmem>>, vector<16xf32>,
          %mul3A_786 = arith.mulf %get3A_785, %get3A_720 : vector<16xf32>
          %add3A_787 = arith.addf %add3A_701, %mul3A_786 : vector<16xf32>
          %mul3A_788 = arith.mulf %get3A_785, %get3A_726 : vector<16xf32>
          %add3A_789 = arith.addf %add3A_703, %mul3A_788 : vector<16xf32>
          %add3A_790 = arith.constant 112 : i32
          %add3A_791 = arith.addi %mul3A_141, %add3A_790 : i32
          %get3A_792 = arith.index_cast %scan3A_714 : i32 to index
          %get3A_793 = arith.index_cast %add3A_791 : i32 to index
          %get3A_794 = tpu.vector_load %arg7[%get3A_792, %get3A_793] {strides = array<i32>} : memref<64x512xf32, #tpu.memory_space<vmem>>, vector<16xf32>,
          %mul3A_795 = arith.mulf %get3A_794, %get3A_720 : vector<16xf32>
          %add3A_796 = arith.addf %add3A_710, %mul3A_795 : vector<16xf32>
          %mul3A_797 = arith.mulf %get3A_794, %get3A_726 : vector<16xf32>
          %add3A_798 = arith.addf %add3A_712, %mul3A_797 : vector<16xf32>
          %scan3A_799 = arith.constant 6 : i32
          %scan3A_800 = arith.addi %scan3A_268, %scan3A_799 : i32
          %mul3A_801 = arith.constant 16 : i32
          %mul3A_802 = arith.muli %scan3A_800, %mul3A_801 : i32
          %get3A_803 = arith.constant 0 : i32
          %get3A_804 = arith.index_cast %get3A_803 : i32 to index
          %get3A_805 = arith.index_cast %mul3A_802 : i32 to index
          %get3A_806 = tpu.vector_load %arg11[%get3A_804, %get3A_805] {strides = array<i32>} : memref<2x1024xf32, #tpu.memory_space<vmem>>, vector<16xf32>,
          %mul3A_807 = arith.constant 16 : i32
          %mul3A_808 = arith.muli %scan3A_800, %mul3A_807 : i32
          %get3A_809 = arith.constant 1 : i32
          %get3A_810 = arith.index_cast %get3A_809 : i32 to index
          %get3A_811 = arith.index_cast %mul3A_808 : i32 to index
          %get3A_812 = tpu.vector_load %arg11[%get3A_810, %get3A_811] {strides = array<i32>} : memref<2x1024xf32, #tpu.memory_space<vmem>>, vector<16xf32>,
          %add3A_813 = arith.constant 0 : i32
          %add3A_814 = arith.addi %mul3A_141, %add3A_813 : i32
          %get3A_815 = arith.index_cast %scan3A_800 : i32 to index
          %get3A_816 = arith.index_cast %add3A_814 : i32 to index
          %get3A_817 = tpu.vector_load %arg7[%get3A_815, %get3A_816] {strides = array<i32>} : memref<64x512xf32, #tpu.memory_space<vmem>>, vector<16xf32>,
          %mul3A_818 = arith.mulf %get3A_817, %get3A_806 : vector<16xf32>
          %add3A_819 = arith.addf %add3A_733, %mul3A_818 : vector<16xf32>
          %mul3A_820 = arith.mulf %get3A_817, %get3A_812 : vector<16xf32>
          %add3A_821 = arith.addf %add3A_735, %mul3A_820 : vector<16xf32>
          %add3A_822 = arith.constant 16 : i32
          %add3A_823 = arith.addi %mul3A_141, %add3A_822 : i32
          %get3A_824 = arith.index_cast %scan3A_800 : i32 to index
          %get3A_825 = arith.index_cast %add3A_823 : i32 to index
          %get3A_826 = tpu.vector_load %arg7[%get3A_824, %get3A_825] {strides = array<i32>} : memref<64x512xf32, #tpu.memory_space<vmem>>, vector<16xf32>,
          %mul3A_827 = arith.mulf %get3A_826, %get3A_806 : vector<16xf32>
          %add3A_828 = arith.addf %add3A_742, %mul3A_827 : vector<16xf32>
          %mul3A_829 = arith.mulf %get3A_826, %get3A_812 : vector<16xf32>
          %add3A_830 = arith.addf %add3A_744, %mul3A_829 : vector<16xf32>
          %add3A_831 = arith.constant 32 : i32
          %add3A_832 = arith.addi %mul3A_141, %add3A_831 : i32
          %get3A_833 = arith.index_cast %scan3A_800 : i32 to index
          %get3A_834 = arith.index_cast %add3A_832 : i32 to index
          %get3A_835 = tpu.vector_load %arg7[%get3A_833, %get3A_834] {strides = array<i32>} : memref<64x512xf32, #tpu.memory_space<vmem>>, vector<16xf32>,
          %mul3A_836 = arith.mulf %get3A_835, %get3A_806 : vector<16xf32>
          %add3A_837 = arith.addf %add3A_751, %mul3A_836 : vector<16xf32>
          %mul3A_838 = arith.mulf %get3A_835, %get3A_812 : vector<16xf32>
          %add3A_839 = arith.addf %add3A_753, %mul3A_838 : vector<16xf32>
          %add3A_840 = arith.constant 48 : i32
          %add3A_841 = arith.addi %mul3A_141, %add3A_840 : i32
          %get3A_842 = arith.index_cast %scan3A_800 : i32 to index
          %get3A_843 = arith.index_cast %add3A_841 : i32 to index
          %get3A_844 = tpu.vector_load %arg7[%get3A_842, %get3A_843] {strides = array<i32>} : memref<64x512xf32, #tpu.memory_space<vmem>>, vector<16xf32>,
          %mul3A_845 = arith.mulf %get3A_844, %get3A_806 : vector<16xf32>
          %add3A_846 = arith.addf %add3A_760, %mul3A_845 : vector<16xf32>
          %mul3A_847 = arith.mulf %get3A_844, %get3A_812 : vector<16xf32>
          %add3A_848 = arith.addf %add3A_762, %mul3A_847 : vector<16xf32>
          %add3A_849 = arith.constant 64 : i32
          %add3A_850 = arith.addi %mul3A_141, %add3A_849 : i32
          %get3A_851 = arith.index_cast %scan3A_800 : i32 to index
          %get3A_852 = arith.index_cast %add3A_850 : i32 to index
          %get3A_853 = tpu.vector_load %arg7[%get3A_851, %get3A_852] {strides = array<i32>} : memref<64x512xf32, #tpu.memory_space<vmem>>, vector<16xf32>,
          %mul3A_854 = arith.mulf %get3A_853, %get3A_806 : vector<16xf32>
          %add3A_855 = arith.addf %add3A_769, %mul3A_854 : vector<16xf32>
          %mul3A_856 = arith.mulf %get3A_853, %get3A_812 : vector<16xf32>
          %add3A_857 = arith.addf %add3A_771, %mul3A_856 : vector<16xf32>
          %add3A_858 = arith.constant 80 : i32
          %add3A_859 = arith.addi %mul3A_141, %add3A_858 : i32
          %get3A_860 = arith.index_cast %scan3A_800 : i32 to index
          %get3A_861 = arith.index_cast %add3A_859 : i32 to index
          %get3A_862 = tpu.vector_load %arg7[%get3A_860, %get3A_861] {strides = array<i32>} : memref<64x512xf32, #tpu.memory_space<vmem>>, vector<16xf32>,
          %mul3A_863 = arith.mulf %get3A_862, %get3A_806 : vector<16xf32>
          %add3A_864 = arith.addf %add3A_778, %mul3A_863 : vector<16xf32>
          %mul3A_865 = arith.mulf %get3A_862, %get3A_812 : vector<16xf32>
          %add3A_866 = arith.addf %add3A_780, %mul3A_865 : vector<16xf32>
          %add3A_867 = arith.constant 96 : i32
          %add3A_868 = arith.addi %mul3A_141, %add3A_867 : i32
          %get3A_869 = arith.index_cast %scan3A_800 : i32 to index
          %get3A_870 = arith.index_cast %add3A_868 : i32 to index
          %get3A_871 = tpu.vector_load %arg7[%get3A_869, %get3A_870] {strides = array<i32>} : memref<64x512xf32, #tpu.memory_space<vmem>>, vector<16xf32>,
          %mul3A_872 = arith.mulf %get3A_871, %get3A_806 : vector<16xf32>
          %add3A_873 = arith.addf %add3A_787, %mul3A_872 : vector<16xf32>
          %mul3A_874 = arith.mulf %get3A_871, %get3A_812 : vector<16xf32>
          %add3A_875 = arith.addf %add3A_789, %mul3A_874 : vector<16xf32>
          %add3A_876 = arith.constant 112 : i32
          %add3A_877 = arith.addi %mul3A_141, %add3A_876 : i32
          %get3A_878 = arith.index_cast %scan3A_800 : i32 to index
          %get3A_879 = arith.index_cast %add3A_877 : i32 to index
          %get3A_880 = tpu.vector_load %arg7[%get3A_878, %get3A_879] {strides = array<i32>} : memref<64x512xf32, #tpu.memory_space<vmem>>, vector<16xf32>,
          %mul3A_881 = arith.mulf %get3A_880, %get3A_806 : vector<16xf32>
          %add3A_882 = arith.addf %add3A_796, %mul3A_881 : vector<16xf32>
          %mul3A_883 = arith.mulf %get3A_880, %get3A_812 : vector<16xf32>
          %add3A_884 = arith.addf %add3A_798, %mul3A_883 : vector<16xf32>
          %scan3A_885 = arith.constant 7 : i32
          %scan3A_886 = arith.addi %scan3A_268, %scan3A_885 : i32
          %mul3A_887 = arith.constant 16 : i32
          %mul3A_888 = arith.muli %scan3A_886, %mul3A_887 : i32
          %get3A_889 = arith.constant 0 : i32
          %get3A_890 = arith.index_cast %get3A_889 : i32 to index
          %get3A_891 = arith.index_cast %mul3A_888 : i32 to index
          %get3A_892 = tpu.vector_load %arg11[%get3A_890, %get3A_891] {strides = array<i32>} : memref<2x1024xf32, #tpu.memory_space<vmem>>, vector<16xf32>,
          %mul3A_893 = arith.constant 16 : i32
          %mul3A_894 = arith.muli %scan3A_886, %mul3A_893 : i32
          %get3A_895 = arith.constant 1 : i32
          %get3A_896 = arith.index_cast %get3A_895 : i32 to index
          %get3A_897 = arith.index_cast %mul3A_894 : i32 to index
          %get3A_898 = tpu.vector_load %arg11[%get3A_896, %get3A_897] {strides = array<i32>} : memref<2x1024xf32, #tpu.memory_space<vmem>>, vector<16xf32>,
          %add3A_899 = arith.constant 0 : i32
          %add3A_900 = arith.addi %mul3A_141, %add3A_899 : i32
          %get3A_901 = arith.index_cast %scan3A_886 : i32 to index
          %get3A_902 = arith.index_cast %add3A_900 : i32 to index
          %get3A_903 = tpu.vector_load %arg7[%get3A_901, %get3A_902] {strides = array<i32>} : memref<64x512xf32, #tpu.memory_space<vmem>>, vector<16xf32>,
          %mul3A_904 = arith.mulf %get3A_903, %get3A_892 : vector<16xf32>
          %add3A_905 = arith.addf %add3A_819, %mul3A_904 : vector<16xf32>
          %mul3A_906 = arith.mulf %get3A_903, %get3A_898 : vector<16xf32>
          %add3A_907 = arith.addf %add3A_821, %mul3A_906 : vector<16xf32>
          %add3A_908 = arith.constant 16 : i32
          %add3A_909 = arith.addi %mul3A_141, %add3A_908 : i32
          %get3A_910 = arith.index_cast %scan3A_886 : i32 to index
          %get3A_911 = arith.index_cast %add3A_909 : i32 to index
          %get3A_912 = tpu.vector_load %arg7[%get3A_910, %get3A_911] {strides = array<i32>} : memref<64x512xf32, #tpu.memory_space<vmem>>, vector<16xf32>,
          %mul3A_913 = arith.mulf %get3A_912, %get3A_892 : vector<16xf32>
          %add3A_914 = arith.addf %add3A_828, %mul3A_913 : vector<16xf32>
          %mul3A_915 = arith.mulf %get3A_912, %get3A_898 : vector<16xf32>
          %add3A_916 = arith.addf %add3A_830, %mul3A_915 : vector<16xf32>
          %add3A_917 = arith.constant 32 : i32
          %add3A_918 = arith.addi %mul3A_141, %add3A_917 : i32
          %get3A_919 = arith.index_cast %scan3A_886 : i32 to index
          %get3A_920 = arith.index_cast %add3A_918 : i32 to index
          %get3A_921 = tpu.vector_load %arg7[%get3A_919, %get3A_920] {strides = array<i32>} : memref<64x512xf32, #tpu.memory_space<vmem>>, vector<16xf32>,
          %mul3A_922 = arith.mulf %get3A_921, %get3A_892 : vector<16xf32>
          %add3A_923 = arith.addf %add3A_837, %mul3A_922 : vector<16xf32>
          %mul3A_924 = arith.mulf %get3A_921, %get3A_898 : vector<16xf32>
          %add3A_925 = arith.addf %add3A_839, %mul3A_924 : vector<16xf32>
          %add3A_926 = arith.constant 48 : i32
          %add3A_927 = arith.addi %mul3A_141, %add3A_926 : i32
          %get3A_928 = arith.index_cast %scan3A_886 : i32 to index
          %get3A_929 = arith.index_cast %add3A_927 : i32 to index
          %get3A_930 = tpu.vector_load %arg7[%get3A_928, %get3A_929] {strides = array<i32>} : memref<64x512xf32, #tpu.memory_space<vmem>>, vector<16xf32>,
          %mul3A_931 = arith.mulf %get3A_930, %get3A_892 : vector<16xf32>
          %add3A_932 = arith.addf %add3A_846, %mul3A_931 : vector<16xf32>
          %mul3A_933 = arith.mulf %get3A_930, %get3A_898 : vector<16xf32>
          %add3A_934 = arith.addf %add3A_848, %mul3A_933 : vector<16xf32>
          %add3A_935 = arith.constant 64 : i32
          %add3A_936 = arith.addi %mul3A_141, %add3A_935 : i32
          %get3A_937 = arith.index_cast %scan3A_886 : i32 to index
          %get3A_938 = arith.index_cast %add3A_936 : i32 to index
          %get3A_939 = tpu.vector_load %arg7[%get3A_937, %get3A_938] {strides = array<i32>} : memref<64x512xf32, #tpu.memory_space<vmem>>, vector<16xf32>,
          %mul3A_940 = arith.mulf %get3A_939, %get3A_892 : vector<16xf32>
          %add3A_941 = arith.addf %add3A_855, %mul3A_940 : vector<16xf32>
          %mul3A_942 = arith.mulf %get3A_939, %get3A_898 : vector<16xf32>
          %add3A_943 = arith.addf %add3A_857, %mul3A_942 : vector<16xf32>
          %add3A_944 = arith.constant 80 : i32
          %add3A_945 = arith.addi %mul3A_141, %add3A_944 : i32
          %get3A_946 = arith.index_cast %scan3A_886 : i32 to index
          %get3A_947 = arith.index_cast %add3A_945 : i32 to index
          %get3A_948 = tpu.vector_load %arg7[%get3A_946, %get3A_947] {strides = array<i32>} : memref<64x512xf32, #tpu.memory_space<vmem>>, vector<16xf32>,
          %mul3A_949 = arith.mulf %get3A_948, %get3A_892 : vector<16xf32>
          %add3A_950 = arith.addf %add3A_864, %mul3A_949 : vector<16xf32>
          %mul3A_951 = arith.mulf %get3A_948, %get3A_898 : vector<16xf32>
          %add3A_952 = arith.addf %add3A_866, %mul3A_951 : vector<16xf32>
          %add3A_953 = arith.constant 96 : i32
          %add3A_954 = arith.addi %mul3A_141, %add3A_953 : i32
          %get3A_955 = arith.index_cast %scan3A_886 : i32 to index
          %get3A_956 = arith.index_cast %add3A_954 : i32 to index
          %get3A_957 = tpu.vector_load %arg7[%get3A_955, %get3A_956] {strides = array<i32>} : memref<64x512xf32, #tpu.memory_space<vmem>>, vector<16xf32>,
          %mul3A_958 = arith.mulf %get3A_957, %get3A_892 : vector<16xf32>
          %add3A_959 = arith.addf %add3A_873, %mul3A_958 : vector<16xf32>
          %mul3A_960 = arith.mulf %get3A_957, %get3A_898 : vector<16xf32>
          %add3A_961 = arith.addf %add3A_875, %mul3A_960 : vector<16xf32>
          %add3A_962 = arith.constant 112 : i32
          %add3A_963 = arith.addi %mul3A_141, %add3A_962 : i32
          %get3A_964 = arith.index_cast %scan3A_886 : i32 to index
          %get3A_965 = arith.index_cast %add3A_963 : i32 to index
          %get3A_966 = tpu.vector_load %arg7[%get3A_964, %get3A_965] {strides = array<i32>} : memref<64x512xf32, #tpu.memory_space<vmem>>, vector<16xf32>,
          %mul3A_967 = arith.mulf %get3A_966, %get3A_892 : vector<16xf32>
          %add3A_968 = arith.addf %add3A_882, %mul3A_967 : vector<16xf32>
          %mul3A_969 = arith.mulf %get3A_966, %get3A_898 : vector<16xf32>
          %add3A_970 = arith.addf %add3A_884, %mul3A_969 : vector<16xf32>
          scf.yield %add3A_905, %add3A_907, %add3A_914, %add3A_916, %add3A_923, %add3A_925, %add3A_932, %add3A_934, %add3A_941, %add3A_943, %add3A_950, %add3A_952, %add3A_959, %add3A_961, %add3A_968, %add3A_970 : vector<16xf32>, vector<16xf32>, vector<16xf32>, vector<16xf32>, vector<16xf32>, vector<16xf32>, vector<16xf32>, vector<16xf32>, vector<16xf32>, vector<16xf32>, vector<16xf32>, vector<16xf32>, vector<16xf32>, vector<16xf32>, vector<16xf32>, vector<16xf32>
        }
        %scan3A_147 = arith.constant 64 : i32
        %add3A_148 = arith.constant 0 : i32
        %add3A_149 = arith.addi %mul3A_141, %add3A_148 : i32
        %add3A_150 = vector.broadcast %add3A_149 : i32 to vector<16xi32>
        %add3A_151 = arith.addi %add3A_150, %iota3A : vector<16xi32>
        %mul3A_152 = arith.constant 8 : i32
        %mul3A_153 = vector.broadcast %mul3A_152 : i32 to vector<16xi32>
        %mul3A_154 = arith.muli %add3A_151, %mul3A_153 : vector<16xi32>
        %add3A_155 = arith.addf %scan3A_146#0, %get3A_8 : vector<16xf32>
        tpu.vector_store_idx %arg9[%mul3A_154], %add3A_155 : memref<4096xf32, #tpu.memory_space<vmem>>[vector<16xi32>], vector<16xf32>,
        %mul3A_156 = arith.constant 8 : i32
        %mul3A_157 = vector.broadcast %mul3A_156 : i32 to vector<16xi32>
        %mul3A_158 = arith.muli %add3A_151, %mul3A_157 : vector<16xi32>
        %add3A_159 = arith.constant 1 : i32
        %add3A_160 = vector.broadcast %add3A_159 : i32 to vector<16xi32>
        %add3A_161 = arith.addi %mul3A_158, %add3A_160 : vector<16xi32>
        %add3A_162 = arith.addf %scan3A_146#1, %get3A_12 : vector<16xf32>
        tpu.vector_store_idx %arg9[%add3A_161], %add3A_162 : memref<4096xf32, #tpu.memory_space<vmem>>[vector<16xi32>], vector<16xf32>,
        %add3A_163 = arith.constant 16 : i32
        %add3A_164 = arith.addi %mul3A_141, %add3A_163 : i32
        %add3A_165 = vector.broadcast %add3A_164 : i32 to vector<16xi32>
        %add3A_166 = arith.addi %add3A_165, %iota3A : vector<16xi32>
        %mul3A_167 = arith.constant 8 : i32
        %mul3A_168 = vector.broadcast %mul3A_167 : i32 to vector<16xi32>
        %mul3A_169 = arith.muli %add3A_166, %mul3A_168 : vector<16xi32>
        %add3A_170 = arith.addf %scan3A_146#2, %get3A_8 : vector<16xf32>
        tpu.vector_store_idx %arg9[%mul3A_169], %add3A_170 : memref<4096xf32, #tpu.memory_space<vmem>>[vector<16xi32>], vector<16xf32>,
        %mul3A_171 = arith.constant 8 : i32
        %mul3A_172 = vector.broadcast %mul3A_171 : i32 to vector<16xi32>
        %mul3A_173 = arith.muli %add3A_166, %mul3A_172 : vector<16xi32>
        %add3A_174 = arith.constant 1 : i32
        %add3A_175 = vector.broadcast %add3A_174 : i32 to vector<16xi32>
        %add3A_176 = arith.addi %mul3A_173, %add3A_175 : vector<16xi32>
        %add3A_177 = arith.addf %scan3A_146#3, %get3A_12 : vector<16xf32>
        tpu.vector_store_idx %arg9[%add3A_176], %add3A_177 : memref<4096xf32, #tpu.memory_space<vmem>>[vector<16xi32>], vector<16xf32>,
        %add3A_178 = arith.constant 32 : i32
        %add3A_179 = arith.addi %mul3A_141, %add3A_178 : i32
        %add3A_180 = vector.broadcast %add3A_179 : i32 to vector<16xi32>
        %add3A_181 = arith.addi %add3A_180, %iota3A : vector<16xi32>
        %mul3A_182 = arith.constant 8 : i32
        %mul3A_183 = vector.broadcast %mul3A_182 : i32 to vector<16xi32>
        %mul3A_184 = arith.muli %add3A_181, %mul3A_183 : vector<16xi32>
        %add3A_185 = arith.addf %scan3A_146#4, %get3A_8 : vector<16xf32>
        tpu.vector_store_idx %arg9[%mul3A_184], %add3A_185 : memref<4096xf32, #tpu.memory_space<vmem>>[vector<16xi32>], vector<16xf32>,
        %mul3A_186 = arith.constant 8 : i32
        %mul3A_187 = vector.broadcast %mul3A_186 : i32 to vector<16xi32>
        %mul3A_188 = arith.muli %add3A_181, %mul3A_187 : vector<16xi32>
        %add3A_189 = arith.constant 1 : i32
        %add3A_190 = vector.broadcast %add3A_189 : i32 to vector<16xi32>
        %add3A_191 = arith.addi %mul3A_188, %add3A_190 : vector<16xi32>
        %add3A_192 = arith.addf %scan3A_146#5, %get3A_12 : vector<16xf32>
        tpu.vector_store_idx %arg9[%add3A_191], %add3A_192 : memref<4096xf32, #tpu.memory_space<vmem>>[vector<16xi32>], vector<16xf32>,
        %add3A_193 = arith.constant 48 : i32
        %add3A_194 = arith.addi %mul3A_141, %add3A_193 : i32
        %add3A_195 = vector.broadcast %add3A_194 : i32 to vector<16xi32>
        %add3A_196 = arith.addi %add3A_195, %iota3A : vector<16xi32>
        %mul3A_197 = arith.constant 8 : i32
        %mul3A_198 = vector.broadcast %mul3A_197 : i32 to vector<16xi32>
        %mul3A_199 = arith.muli %add3A_196, %mul3A_198 : vector<16xi32>
        %add3A_200 = arith.addf %scan3A_146#6, %get3A_8 : vector<16xf32>
        tpu.vector_store_idx %arg9[%mul3A_199], %add3A_200 : memref<4096xf32, #tpu.memory_space<vmem>>[vector<16xi32>], vector<16xf32>,
        %mul3A_201 = arith.constant 8 : i32
        %mul3A_202 = vector.broadcast %mul3A_201 : i32 to vector<16xi32>
        %mul3A_203 = arith.muli %add3A_196, %mul3A_202 : vector<16xi32>
        %add3A_204 = arith.constant 1 : i32
        %add3A_205 = vector.broadcast %add3A_204 : i32 to vector<16xi32>
        %add3A_206 = arith.addi %mul3A_203, %add3A_205 : vector<16xi32>
        %add3A_207 = arith.addf %scan3A_146#7, %get3A_12 : vector<16xf32>
        tpu.vector_store_idx %arg9[%add3A_206], %add3A_207 : memref<4096xf32, #tpu.memory_space<vmem>>[vector<16xi32>], vector<16xf32>,
        %add3A_208 = arith.constant 64 : i32
        %add3A_209 = arith.addi %mul3A_141, %add3A_208 : i32
        %add3A_210 = vector.broadcast %add3A_209 : i32 to vector<16xi32>
        %add3A_211 = arith.addi %add3A_210, %iota3A : vector<16xi32>
        %mul3A_212 = arith.constant 8 : i32
        %mul3A_213 = vector.broadcast %mul3A_212 : i32 to vector<16xi32>
        %mul3A_214 = arith.muli %add3A_211, %mul3A_213 : vector<16xi32>
        %add3A_215 = arith.addf %scan3A_146#8, %get3A_8 : vector<16xf32>
        tpu.vector_store_idx %arg9[%mul3A_214], %add3A_215 : memref<4096xf32, #tpu.memory_space<vmem>>[vector<16xi32>], vector<16xf32>,
        %mul3A_216 = arith.constant 8 : i32
        %mul3A_217 = vector.broadcast %mul3A_216 : i32 to vector<16xi32>
        %mul3A_218 = arith.muli %add3A_211, %mul3A_217 : vector<16xi32>
        %add3A_219 = arith.constant 1 : i32
        %add3A_220 = vector.broadcast %add3A_219 : i32 to vector<16xi32>
        %add3A_221 = arith.addi %mul3A_218, %add3A_220 : vector<16xi32>
        %add3A_222 = arith.addf %scan3A_146#9, %get3A_12 : vector<16xf32>
        tpu.vector_store_idx %arg9[%add3A_221], %add3A_222 : memref<4096xf32, #tpu.memory_space<vmem>>[vector<16xi32>], vector<16xf32>,
        %add3A_223 = arith.constant 80 : i32
        %add3A_224 = arith.addi %mul3A_141, %add3A_223 : i32
        %add3A_225 = vector.broadcast %add3A_224 : i32 to vector<16xi32>
        %add3A_226 = arith.addi %add3A_225, %iota3A : vector<16xi32>
        %mul3A_227 = arith.constant 8 : i32
        %mul3A_228 = vector.broadcast %mul3A_227 : i32 to vector<16xi32>
        %mul3A_229 = arith.muli %add3A_226, %mul3A_228 : vector<16xi32>
        %add3A_230 = arith.addf %scan3A_146#10, %get3A_8 : vector<16xf32>
        tpu.vector_store_idx %arg9[%mul3A_229], %add3A_230 : memref<4096xf32, #tpu.memory_space<vmem>>[vector<16xi32>], vector<16xf32>,
        %mul3A_231 = arith.constant 8 : i32
        %mul3A_232 = vector.broadcast %mul3A_231 : i32 to vector<16xi32>
        %mul3A_233 = arith.muli %add3A_226, %mul3A_232 : vector<16xi32>
        %add3A_234 = arith.constant 1 : i32
        %add3A_235 = vector.broadcast %add3A_234 : i32 to vector<16xi32>
        %add3A_236 = arith.addi %mul3A_233, %add3A_235 : vector<16xi32>
        %add3A_237 = arith.addf %scan3A_146#11, %get3A_12 : vector<16xf32>
        tpu.vector_store_idx %arg9[%add3A_236], %add3A_237 : memref<4096xf32, #tpu.memory_space<vmem>>[vector<16xi32>], vector<16xf32>,
        %add3A_238 = arith.constant 96 : i32
        %add3A_239 = arith.addi %mul3A_141, %add3A_238 : i32
        %add3A_240 = vector.broadcast %add3A_239 : i32 to vector<16xi32>
        %add3A_241 = arith.addi %add3A_240, %iota3A : vector<16xi32>
        %mul3A_242 = arith.constant 8 : i32
        %mul3A_243 = vector.broadcast %mul3A_242 : i32 to vector<16xi32>
        %mul3A_244 = arith.muli %add3A_241, %mul3A_243 : vector<16xi32>
        %add3A_245 = arith.addf %scan3A_146#12, %get3A_8 : vector<16xf32>
        tpu.vector_store_idx %arg9[%mul3A_244], %add3A_245 : memref<4096xf32, #tpu.memory_space<vmem>>[vector<16xi32>], vector<16xf32>,
        %mul3A_246 = arith.constant 8 : i32
        %mul3A_247 = vector.broadcast %mul3A_246 : i32 to vector<16xi32>
        %mul3A_248 = arith.muli %add3A_241, %mul3A_247 : vector<16xi32>
        %add3A_249 = arith.constant 1 : i32
        %add3A_250 = vector.broadcast %add3A_249 : i32 to vector<16xi32>
        %add3A_251 = arith.addi %mul3A_248, %add3A_250 : vector<16xi32>
        %add3A_252 = arith.addf %scan3A_146#13, %get3A_12 : vector<16xf32>
        tpu.vector_store_idx %arg9[%add3A_251], %add3A_252 : memref<4096xf32, #tpu.memory_space<vmem>>[vector<16xi32>], vector<16xf32>,
        %add3A_253 = arith.constant 112 : i32
        %add3A_254 = arith.addi %mul3A_141, %add3A_253 : i32
        %add3A_255 = vector.broadcast %add3A_254 : i32 to vector<16xi32>
        %add3A_256 = arith.addi %add3A_255, %iota3A : vector<16xi32>
        %mul3A_257 = arith.constant 8 : i32
        %mul3A_258 = vector.broadcast %mul3A_257 : i32 to vector<16xi32>
        %mul3A_259 = arith.muli %add3A_256, %mul3A_258 : vector<16xi32>
        %add3A_260 = arith.addf %scan3A_146#14, %get3A_8 : vector<16xf32>
        tpu.vector_store_idx %arg9[%mul3A_259], %add3A_260 : memref<4096xf32, #tpu.memory_space<vmem>>[vector<16xi32>], vector<16xf32>,
        %mul3A_261 = arith.constant 8 : i32
        %mul3A_262 = vector.broadcast %mul3A_261 : i32 to vector<16xi32>
        %mul3A_263 = arith.muli %add3A_256, %mul3A_262 : vector<16xi32>
        %add3A_264 = arith.constant 1 : i32
        %add3A_265 = vector.broadcast %add3A_264 : i32 to vector<16xi32>
        %add3A_266 = arith.addi %mul3A_263, %add3A_265 : vector<16xi32>
        %add3A_267 = arith.addf %scan3A_146#15, %get3A_12 : vector<16xf32>
        tpu.vector_store_idx %arg9[%add3A_266], %add3A_267 : memref<4096xf32, #tpu.memory_space<vmem>>[vector<16xi32>], vector<16xf32>,
      }
      %scan3A_79 = arith.constant 4 : i32
      %mul3A_80 = arith.constant 8 : i32
      %mul3A_81 = arith.muli %mul3A_73, %mul3A_80 : i32
      "tpu.region"() ({
        %run_scoped3A = tpu.sem_alloc : memref<!tpu.dma_semaphore, #tpu.memory_space<semaphore_mem>>
        %dma_start3A_137 = tpu.memref_slice %arg6[%mul3A_81] : memref<4919808xf32, #tpu.memory_space<hbm>> -> memref<4096xf32, #tpu.memory_space<hbm>>
        %dma_start3A_138 = tpu.memref_slice %arg6[%mul3A_81] : memref<4919808xf32, #tpu.memory_space<hbm>> -> memref<4096xf32, #tpu.memory_space<hbm>>
        tpu.enqueue_dma source(%arg9 : memref<4096xf32, #tpu.memory_space<vmem>>) target(%dma_start3A_138 : memref<4096xf32, #tpu.memory_space<hbm>>) target_semaphore(%run_scoped3A : memref<!tpu.dma_semaphore, #tpu.memory_space<semaphore_mem>>)
        %dma_wait3A_139 = tpu.memref_slice %arg6[%mul3A_81] : memref<4919808xf32, #tpu.memory_space<hbm>> -> memref<4096xf32, #tpu.memory_space<hbm>>
        %dma_wait3A_140 = tpu.memref_slice %arg6[%mul3A_81] : memref<4919808xf32, #tpu.memory_space<hbm>> -> memref<4096xf32, #tpu.memory_space<hbm>>
        tpu.wait_dma2 semaphore(%run_scoped3A : memref<!tpu.dma_semaphore, #tpu.memory_space<semaphore_mem>>) src(%arg9 : memref<4096xf32, #tpu.memory_space<vmem>>) dst(%dma_wait3A_140 : memref<4096xf32, #tpu.memory_space<hbm>>)
        tpu.yield
      }) : () -> ()
      %add3A_82 = arith.constant 2 : i32
      %add3A_83 = arith.addi %mul3A_60, %add3A_82 : i32
      %mul3A_84 = arith.constant 38 : i32
      %mul3A_85 = arith.muli %add3A, %mul3A_84 : i32
      %add3A_86 = arith.addi %mul3A_85, %add3A_83 : i32
      %min3A_87 = arith.constant 1200 : i32
      %min3A_88 = arith.minsi %add3A_86, %min3A_87 : i32
      %mul3A_89 = arith.constant 512 : i32
      %mul3A_90 = arith.muli %min3A_88, %mul3A_89 : i32
      %add3A_91 = arith.constant 385024 : i32
      %add3A_92 = arith.addi %add3A_91, %mul3A_90 : i32
      %multiple_of3A_93 = tpu.assume_multiple %add3A_92, 128 : i32
      %dma_start3A_94 = arith.constant 0 : i32
      %dma_start3A_95 = tpu.memref_slice %arg2[%dma_start3A_94, %multiple_of3A_93] : memref<64x1000000xf32, #tpu.memory_space<hbm>> -> memref<64x512xf32, #tpu.memory_space<hbm>>
      %dma_start3A_96 = arith.constant 0 : i32
      %dma_start3A_97 = tpu.memref_slice %arg2[%dma_start3A_96, %multiple_of3A_93] : memref<64x1000000xf32, #tpu.memory_space<hbm>> -> memref<64x512xf32, #tpu.memory_space<hbm>>
      tpu.enqueue_dma source(%dma_start3A_97 : memref<64x512xf32, #tpu.memory_space<hbm>>) target(%arg7 : memref<64x512xf32, #tpu.memory_space<vmem>>) target_semaphore(%arg13 : memref<!tpu.dma_semaphore, #tpu.memory_space<semaphore_mem>>)
      %dma_wait3A_98 = arith.constant 0 : i32
      %dma_wait3A_99 = arith.constant 0 : i32
      %dma_wait3A_100 = tpu.memref_slice %arg2[%dma_wait3A_98, %dma_wait3A_99] : memref<64x1000000xf32, #tpu.memory_space<hbm>> -> memref<64x512xf32, #tpu.memory_space<hbm>>
      %dma_wait3A_101 = arith.constant 0 : i32
      %dma_wait3A_102 = arith.constant 0 : i32
      %dma_wait3A_103 = tpu.memref_slice %arg2[%dma_wait3A_101, %dma_wait3A_102] : memref<64x1000000xf32, #tpu.memory_space<hbm>> -> memref<64x512xf32, #tpu.memory_space<hbm>>
      tpu.wait_dma2 semaphore(%arg14 : memref<!tpu.dma_semaphore, #tpu.memory_space<semaphore_mem>>) src(%dma_wait3A_103 : memref<64x512xf32, #tpu.memory_space<hbm>>) dst(%arg8 : memref<64x512xf32, #tpu.memory_space<vmem>>)
      %add3A_104 = arith.constant 1 : i32
      %add3A_105 = arith.addi %mul3A_60, %add3A_104 : i32
      %mul3A_106 = arith.constant 38 : i32
      %mul3A_107 = arith.muli %add3A, %mul3A_106 : i32
      %add3A_108 = arith.addi %mul3A_107, %add3A_105 : i32
      %min3A_109 = arith.constant 1200 : i32
      %min3A_110 = arith.minsi %add3A_108, %min3A_109 : i32
      %mul3A_111 = arith.constant 512 : i32
      %mul3A_112 = arith.muli %min3A_110, %mul3A_111 : i32
      %scan3A_113 = arith.constant 0 : i32
      %scan3A_114 = arith.constant 0 : i32
      %scan3A_115 = arith.constant 4 : i32
      %scan3A_116 = arith.addi %scan3A_114, %scan3A_115 : i32
      %scan3A_117 = arith.constant 1 : i32
      scf.for %scan3A_137 = %scan3A_114 to %scan3A_116 step %scan3A_117  : i32 {
        %mul3A_138 = arith.constant 8 : i32
        %mul3A_139 = arith.muli %scan3A_137, %mul3A_138 : i32
        %mul3A_140 = arith.constant 16 : i32
        %mul3A_141 = arith.muli %mul3A_139, %mul3A_140 : i32
        %scan3A_142 = arith.constant 0 : i32
        %scan3A_143 = arith.constant 64 : i32
        %scan3A_144 = arith.addi %scan3A_142, %scan3A_143 : i32
        %scan3A_145 = arith.constant 8 : i32
        %scan3A_146:16 = scf.for %scan3A_268 = %scan3A_142 to %scan3A_144 step %scan3A_145 iter_args(%scan3A_269 = %broadcast_in_dim3A_1, %scan3A_270 = %broadcast_in_dim3A_1, %scan3A_271 = %broadcast_in_dim3A_1, %scan3A_272 = %broadcast_in_dim3A_1, %scan3A_273 = %broadcast_in_dim3A_1, %scan3A_274 = %broadcast_in_dim3A_1, %scan3A_275 = %broadcast_in_dim3A_1, %scan3A_276 = %broadcast_in_dim3A_1, %scan3A_277 = %broadcast_in_dim3A_1, %scan3A_278 = %broadcast_in_dim3A_1, %scan3A_279 = %broadcast_in_dim3A_1, %scan3A_280 = %broadcast_in_dim3A_1, %scan3A_281 = %broadcast_in_dim3A_1, %scan3A_282 = %broadcast_in_dim3A_1, %scan3A_283 = %broadcast_in_dim3A_1, %scan3A_284 = %broadcast_in_dim3A_1) -> (vector<16xf32>, vector<16xf32>, vector<16xf32>, vector<16xf32>, vector<16xf32>, vector<16xf32>, vector<16xf32>, vector<16xf32>, vector<16xf32>, vector<16xf32>, vector<16xf32>, vector<16xf32>, vector<16xf32>, vector<16xf32>, vector<16xf32>, vector<16xf32>)  : i32 {
          %mul3A_285 = arith.constant 16 : i32
          %mul3A_286 = arith.muli %scan3A_268, %mul3A_285 : i32
          %get3A_287 = arith.constant 0 : i32
          %get3A_288 = arith.index_cast %get3A_287 : i32 to index
          %get3A_289 = arith.index_cast %mul3A_286 : i32 to index
          %get3A_290 = tpu.vector_load %arg11[%get3A_288, %get3A_289] {strides = array<i32>} : memref<2x1024xf32, #tpu.memory_space<vmem>>, vector<16xf32>,
          %mul3A_291 = arith.constant 16 : i32
          %mul3A_292 = arith.muli %scan3A_268, %mul3A_291 : i32
          %get3A_293 = arith.constant 1 : i32
          %get3A_294 = arith.index_cast %get3A_293 : i32 to index
          %get3A_295 = arith.index_cast %mul3A_292 : i32 to index
          %get3A_296 = tpu.vector_load %arg11[%get3A_294, %get3A_295] {strides = array<i32>} : memref<2x1024xf32, #tpu.memory_space<vmem>>, vector<16xf32>,
          %add3A_297 = arith.constant 0 : i32
          %add3A_298 = arith.addi %mul3A_141, %add3A_297 : i32
          %get3A_299 = arith.index_cast %scan3A_268 : i32 to index
          %get3A_300 = arith.index_cast %add3A_298 : i32 to index
          %get3A_301 = tpu.vector_load %arg8[%get3A_299, %get3A_300] {strides = array<i32>} : memref<64x512xf32, #tpu.memory_space<vmem>>, vector<16xf32>,
          %mul3A_302 = arith.mulf %get3A_301, %get3A_290 : vector<16xf32>
          %add3A_303 = arith.addf %scan3A_269, %mul3A_302 : vector<16xf32>
          %mul3A_304 = arith.mulf %get3A_301, %get3A_296 : vector<16xf32>
          %add3A_305 = arith.addf %scan3A_270, %mul3A_304 : vector<16xf32>
          %add3A_306 = arith.constant 16 : i32
          %add3A_307 = arith.addi %mul3A_141, %add3A_306 : i32
          %get3A_308 = arith.index_cast %scan3A_268 : i32 to index
          %get3A_309 = arith.index_cast %add3A_307 : i32 to index
          %get3A_310 = tpu.vector_load %arg8[%get3A_308, %get3A_309] {strides = array<i32>} : memref<64x512xf32, #tpu.memory_space<vmem>>, vector<16xf32>,
          %mul3A_311 = arith.mulf %get3A_310, %get3A_290 : vector<16xf32>
          %add3A_312 = arith.addf %scan3A_271, %mul3A_311 : vector<16xf32>
          %mul3A_313 = arith.mulf %get3A_310, %get3A_296 : vector<16xf32>
          %add3A_314 = arith.addf %scan3A_272, %mul3A_313 : vector<16xf32>
          %add3A_315 = arith.constant 32 : i32
          %add3A_316 = arith.addi %mul3A_141, %add3A_315 : i32
          %get3A_317 = arith.index_cast %scan3A_268 : i32 to index
          %get3A_318 = arith.index_cast %add3A_316 : i32 to index
          %get3A_319 = tpu.vector_load %arg8[%get3A_317, %get3A_318] {strides = array<i32>} : memref<64x512xf32, #tpu.memory_space<vmem>>, vector<16xf32>,
          %mul3A_320 = arith.mulf %get3A_319, %get3A_290 : vector<16xf32>
          %add3A_321 = arith.addf %scan3A_273, %mul3A_320 : vector<16xf32>
          %mul3A_322 = arith.mulf %get3A_319, %get3A_296 : vector<16xf32>
          %add3A_323 = arith.addf %scan3A_274, %mul3A_322 : vector<16xf32>
          %add3A_324 = arith.constant 48 : i32
          %add3A_325 = arith.addi %mul3A_141, %add3A_324 : i32
          %get3A_326 = arith.index_cast %scan3A_268 : i32 to index
          %get3A_327 = arith.index_cast %add3A_325 : i32 to index
          %get3A_328 = tpu.vector_load %arg8[%get3A_326, %get3A_327] {strides = array<i32>} : memref<64x512xf32, #tpu.memory_space<vmem>>, vector<16xf32>,
          %mul3A_329 = arith.mulf %get3A_328, %get3A_290 : vector<16xf32>
          %add3A_330 = arith.addf %scan3A_275, %mul3A_329 : vector<16xf32>
          %mul3A_331 = arith.mulf %get3A_328, %get3A_296 : vector<16xf32>
          %add3A_332 = arith.addf %scan3A_276, %mul3A_331 : vector<16xf32>
          %add3A_333 = arith.constant 64 : i32
          %add3A_334 = arith.addi %mul3A_141, %add3A_333 : i32
          %get3A_335 = arith.index_cast %scan3A_268 : i32 to index
          %get3A_336 = arith.index_cast %add3A_334 : i32 to index
          %get3A_337 = tpu.vector_load %arg8[%get3A_335, %get3A_336] {strides = array<i32>} : memref<64x512xf32, #tpu.memory_space<vmem>>, vector<16xf32>,
          %mul3A_338 = arith.mulf %get3A_337, %get3A_290 : vector<16xf32>
          %add3A_339 = arith.addf %scan3A_277, %mul3A_338 : vector<16xf32>
          %mul3A_340 = arith.mulf %get3A_337, %get3A_296 : vector<16xf32>
          %add3A_341 = arith.addf %scan3A_278, %mul3A_340 : vector<16xf32>
          %add3A_342 = arith.constant 80 : i32
          %add3A_343 = arith.addi %mul3A_141, %add3A_342 : i32
          %get3A_344 = arith.index_cast %scan3A_268 : i32 to index
          %get3A_345 = arith.index_cast %add3A_343 : i32 to index
          %get3A_346 = tpu.vector_load %arg8[%get3A_344, %get3A_345] {strides = array<i32>} : memref<64x512xf32, #tpu.memory_space<vmem>>, vector<16xf32>,
          %mul3A_347 = arith.mulf %get3A_346, %get3A_290 : vector<16xf32>
          %add3A_348 = arith.addf %scan3A_279, %mul3A_347 : vector<16xf32>
          %mul3A_349 = arith.mulf %get3A_346, %get3A_296 : vector<16xf32>
          %add3A_350 = arith.addf %scan3A_280, %mul3A_349 : vector<16xf32>
          %add3A_351 = arith.constant 96 : i32
          %add3A_352 = arith.addi %mul3A_141, %add3A_351 : i32
          %get3A_353 = arith.index_cast %scan3A_268 : i32 to index
          %get3A_354 = arith.index_cast %add3A_352 : i32 to index
          %get3A_355 = tpu.vector_load %arg8[%get3A_353, %get3A_354] {strides = array<i32>} : memref<64x512xf32, #tpu.memory_space<vmem>>, vector<16xf32>,
          %mul3A_356 = arith.mulf %get3A_355, %get3A_290 : vector<16xf32>
          %add3A_357 = arith.addf %scan3A_281, %mul3A_356 : vector<16xf32>
          %mul3A_358 = arith.mulf %get3A_355, %get3A_296 : vector<16xf32>
          %add3A_359 = arith.addf %scan3A_282, %mul3A_358 : vector<16xf32>
          %add3A_360 = arith.constant 112 : i32
          %add3A_361 = arith.addi %mul3A_141, %add3A_360 : i32
          %get3A_362 = arith.index_cast %scan3A_268 : i32 to index
          %get3A_363 = arith.index_cast %add3A_361 : i32 to index
          %get3A_364 = tpu.vector_load %arg8[%get3A_362, %get3A_363] {strides = array<i32>} : memref<64x512xf32, #tpu.memory_space<vmem>>, vector<16xf32>,
          %mul3A_365 = arith.mulf %get3A_364, %get3A_290 : vector<16xf32>
          %add3A_366 = arith.addf %scan3A_283, %mul3A_365 : vector<16xf32>
          %mul3A_367 = arith.mulf %get3A_364, %get3A_296 : vector<16xf32>
          %add3A_368 = arith.addf %scan3A_284, %mul3A_367 : vector<16xf32>
          %scan3A_369 = arith.constant 1 : i32
          %scan3A_370 = arith.addi %scan3A_268, %scan3A_369 : i32
          %mul3A_371 = arith.constant 16 : i32
          %mul3A_372 = arith.muli %scan3A_370, %mul3A_371 : i32
          %get3A_373 = arith.constant 0 : i32
          %get3A_374 = arith.index_cast %get3A_373 : i32 to index
          %get3A_375 = arith.index_cast %mul3A_372 : i32 to index
          %get3A_376 = tpu.vector_load %arg11[%get3A_374, %get3A_375] {strides = array<i32>} : memref<2x1024xf32, #tpu.memory_space<vmem>>, vector<16xf32>,
          %mul3A_377 = arith.constant 16 : i32
          %mul3A_378 = arith.muli %scan3A_370, %mul3A_377 : i32
          %get3A_379 = arith.constant 1 : i32
          %get3A_380 = arith.index_cast %get3A_379 : i32 to index
          %get3A_381 = arith.index_cast %mul3A_378 : i32 to index
          %get3A_382 = tpu.vector_load %arg11[%get3A_380, %get3A_381] {strides = array<i32>} : memref<2x1024xf32, #tpu.memory_space<vmem>>, vector<16xf32>,
          %add3A_383 = arith.constant 0 : i32
          %add3A_384 = arith.addi %mul3A_141, %add3A_383 : i32
          %get3A_385 = arith.index_cast %scan3A_370 : i32 to index
          %get3A_386 = arith.index_cast %add3A_384 : i32 to index
          %get3A_387 = tpu.vector_load %arg8[%get3A_385, %get3A_386] {strides = array<i32>} : memref<64x512xf32, #tpu.memory_space<vmem>>, vector<16xf32>,
          %mul3A_388 = arith.mulf %get3A_387, %get3A_376 : vector<16xf32>
          %add3A_389 = arith.addf %add3A_303, %mul3A_388 : vector<16xf32>
          %mul3A_390 = arith.mulf %get3A_387, %get3A_382 : vector<16xf32>
          %add3A_391 = arith.addf %add3A_305, %mul3A_390 : vector<16xf32>
          %add3A_392 = arith.constant 16 : i32
          %add3A_393 = arith.addi %mul3A_141, %add3A_392 : i32
          %get3A_394 = arith.index_cast %scan3A_370 : i32 to index
          %get3A_395 = arith.index_cast %add3A_393 : i32 to index
          %get3A_396 = tpu.vector_load %arg8[%get3A_394, %get3A_395] {strides = array<i32>} : memref<64x512xf32, #tpu.memory_space<vmem>>, vector<16xf32>,
          %mul3A_397 = arith.mulf %get3A_396, %get3A_376 : vector<16xf32>
          %add3A_398 = arith.addf %add3A_312, %mul3A_397 : vector<16xf32>
          %mul3A_399 = arith.mulf %get3A_396, %get3A_382 : vector<16xf32>
          %add3A_400 = arith.addf %add3A_314, %mul3A_399 : vector<16xf32>
          %add3A_401 = arith.constant 32 : i32
          %add3A_402 = arith.addi %mul3A_141, %add3A_401 : i32
          %get3A_403 = arith.index_cast %scan3A_370 : i32 to index
          %get3A_404 = arith.index_cast %add3A_402 : i32 to index
          %get3A_405 = tpu.vector_load %arg8[%get3A_403, %get3A_404] {strides = array<i32>} : memref<64x512xf32, #tpu.memory_space<vmem>>, vector<16xf32>,
          %mul3A_406 = arith.mulf %get3A_405, %get3A_376 : vector<16xf32>
          %add3A_407 = arith.addf %add3A_321, %mul3A_406 : vector<16xf32>
          %mul3A_408 = arith.mulf %get3A_405, %get3A_382 : vector<16xf32>
          %add3A_409 = arith.addf %add3A_323, %mul3A_408 : vector<16xf32>
          %add3A_410 = arith.constant 48 : i32
          %add3A_411 = arith.addi %mul3A_141, %add3A_410 : i32
          %get3A_412 = arith.index_cast %scan3A_370 : i32 to index
          %get3A_413 = arith.index_cast %add3A_411 : i32 to index
          %get3A_414 = tpu.vector_load %arg8[%get3A_412, %get3A_413] {strides = array<i32>} : memref<64x512xf32, #tpu.memory_space<vmem>>, vector<16xf32>,
          %mul3A_415 = arith.mulf %get3A_414, %get3A_376 : vector<16xf32>
          %add3A_416 = arith.addf %add3A_330, %mul3A_415 : vector<16xf32>
          %mul3A_417 = arith.mulf %get3A_414, %get3A_382 : vector<16xf32>
          %add3A_418 = arith.addf %add3A_332, %mul3A_417 : vector<16xf32>
          %add3A_419 = arith.constant 64 : i32
          %add3A_420 = arith.addi %mul3A_141, %add3A_419 : i32
          %get3A_421 = arith.index_cast %scan3A_370 : i32 to index
          %get3A_422 = arith.index_cast %add3A_420 : i32 to index
          %get3A_423 = tpu.vector_load %arg8[%get3A_421, %get3A_422] {strides = array<i32>} : memref<64x512xf32, #tpu.memory_space<vmem>>, vector<16xf32>,
          %mul3A_424 = arith.mulf %get3A_423, %get3A_376 : vector<16xf32>
          %add3A_425 = arith.addf %add3A_339, %mul3A_424 : vector<16xf32>
          %mul3A_426 = arith.mulf %get3A_423, %get3A_382 : vector<16xf32>
          %add3A_427 = arith.addf %add3A_341, %mul3A_426 : vector<16xf32>
          %add3A_428 = arith.constant 80 : i32
          %add3A_429 = arith.addi %mul3A_141, %add3A_428 : i32
          %get3A_430 = arith.index_cast %scan3A_370 : i32 to index
          %get3A_431 = arith.index_cast %add3A_429 : i32 to index
          %get3A_432 = tpu.vector_load %arg8[%get3A_430, %get3A_431] {strides = array<i32>} : memref<64x512xf32, #tpu.memory_space<vmem>>, vector<16xf32>,
          %mul3A_433 = arith.mulf %get3A_432, %get3A_376 : vector<16xf32>
          %add3A_434 = arith.addf %add3A_348, %mul3A_433 : vector<16xf32>
          %mul3A_435 = arith.mulf %get3A_432, %get3A_382 : vector<16xf32>
          %add3A_436 = arith.addf %add3A_350, %mul3A_435 : vector<16xf32>
          %add3A_437 = arith.constant 96 : i32
          %add3A_438 = arith.addi %mul3A_141, %add3A_437 : i32
          %get3A_439 = arith.index_cast %scan3A_370 : i32 to index
          %get3A_440 = arith.index_cast %add3A_438 : i32 to index
          %get3A_441 = tpu.vector_load %arg8[%get3A_439, %get3A_440] {strides = array<i32>} : memref<64x512xf32, #tpu.memory_space<vmem>>, vector<16xf32>,
          %mul3A_442 = arith.mulf %get3A_441, %get3A_376 : vector<16xf32>
          %add3A_443 = arith.addf %add3A_357, %mul3A_442 : vector<16xf32>
          %mul3A_444 = arith.mulf %get3A_441, %get3A_382 : vector<16xf32>
          %add3A_445 = arith.addf %add3A_359, %mul3A_444 : vector<16xf32>
          %add3A_446 = arith.constant 112 : i32
          %add3A_447 = arith.addi %mul3A_141, %add3A_446 : i32
          %get3A_448 = arith.index_cast %scan3A_370 : i32 to index
          %get3A_449 = arith.index_cast %add3A_447 : i32 to index
          %get3A_450 = tpu.vector_load %arg8[%get3A_448, %get3A_449] {strides = array<i32>} : memref<64x512xf32, #tpu.memory_space<vmem>>, vector<16xf32>,
          %mul3A_451 = arith.mulf %get3A_450, %get3A_376 : vector<16xf32>
          %add3A_452 = arith.addf %add3A_366, %mul3A_451 : vector<16xf32>
          %mul3A_453 = arith.mulf %get3A_450, %get3A_382 : vector<16xf32>
          %add3A_454 = arith.addf %add3A_368, %mul3A_453 : vector<16xf32>
          %scan3A_455 = arith.constant 2 : i32
          %scan3A_456 = arith.addi %scan3A_268, %scan3A_455 : i32
          %mul3A_457 = arith.constant 16 : i32
          %mul3A_458 = arith.muli %scan3A_456, %mul3A_457 : i32
          %get3A_459 = arith.constant 0 : i32
          %get3A_460 = arith.index_cast %get3A_459 : i32 to index
          %get3A_461 = arith.index_cast %mul3A_458 : i32 to index
          %get3A_462 = tpu.vector_load %arg11[%get3A_460, %get3A_461] {strides = array<i32>} : memref<2x1024xf32, #tpu.memory_space<vmem>>, vector<16xf32>,
          %mul3A_463 = arith.constant 16 : i32
          %mul3A_464 = arith.muli %scan3A_456, %mul3A_463 : i32
          %get3A_465 = arith.constant 1 : i32
          %get3A_466 = arith.index_cast %get3A_465 : i32 to index
          %get3A_467 = arith.index_cast %mul3A_464 : i32 to index
          %get3A_468 = tpu.vector_load %arg11[%get3A_466, %get3A_467] {strides = array<i32>} : memref<2x1024xf32, #tpu.memory_space<vmem>>, vector<16xf32>,
          %add3A_469 = arith.constant 0 : i32
          %add3A_470 = arith.addi %mul3A_141, %add3A_469 : i32
          %get3A_471 = arith.index_cast %scan3A_456 : i32 to index
          %get3A_472 = arith.index_cast %add3A_470 : i32 to index
          %get3A_473 = tpu.vector_load %arg8[%get3A_471, %get3A_472] {strides = array<i32>} : memref<64x512xf32, #tpu.memory_space<vmem>>, vector<16xf32>,
          %mul3A_474 = arith.mulf %get3A_473, %get3A_462 : vector<16xf32>
          %add3A_475 = arith.addf %add3A_389, %mul3A_474 : vector<16xf32>
          %mul3A_476 = arith.mulf %get3A_473, %get3A_468 : vector<16xf32>
          %add3A_477 = arith.addf %add3A_391, %mul3A_476 : vector<16xf32>
          %add3A_478 = arith.constant 16 : i32
          %add3A_479 = arith.addi %mul3A_141, %add3A_478 : i32
          %get3A_480 = arith.index_cast %scan3A_456 : i32 to index
          %get3A_481 = arith.index_cast %add3A_479 : i32 to index
          %get3A_482 = tpu.vector_load %arg8[%get3A_480, %get3A_481] {strides = array<i32>} : memref<64x512xf32, #tpu.memory_space<vmem>>, vector<16xf32>,
          %mul3A_483 = arith.mulf %get3A_482, %get3A_462 : vector<16xf32>
          %add3A_484 = arith.addf %add3A_398, %mul3A_483 : vector<16xf32>
          %mul3A_485 = arith.mulf %get3A_482, %get3A_468 : vector<16xf32>
          %add3A_486 = arith.addf %add3A_400, %mul3A_485 : vector<16xf32>
          %add3A_487 = arith.constant 32 : i32
          %add3A_488 = arith.addi %mul3A_141, %add3A_487 : i32
          %get3A_489 = arith.index_cast %scan3A_456 : i32 to index
          %get3A_490 = arith.index_cast %add3A_488 : i32 to index
          %get3A_491 = tpu.vector_load %arg8[%get3A_489, %get3A_490] {strides = array<i32>} : memref<64x512xf32, #tpu.memory_space<vmem>>, vector<16xf32>,
          %mul3A_492 = arith.mulf %get3A_491, %get3A_462 : vector<16xf32>
          %add3A_493 = arith.addf %add3A_407, %mul3A_492 : vector<16xf32>
          %mul3A_494 = arith.mulf %get3A_491, %get3A_468 : vector<16xf32>
          %add3A_495 = arith.addf %add3A_409, %mul3A_494 : vector<16xf32>
          %add3A_496 = arith.constant 48 : i32
          %add3A_497 = arith.addi %mul3A_141, %add3A_496 : i32
          %get3A_498 = arith.index_cast %scan3A_456 : i32 to index
          %get3A_499 = arith.index_cast %add3A_497 : i32 to index
          %get3A_500 = tpu.vector_load %arg8[%get3A_498, %get3A_499] {strides = array<i32>} : memref<64x512xf32, #tpu.memory_space<vmem>>, vector<16xf32>,
          %mul3A_501 = arith.mulf %get3A_500, %get3A_462 : vector<16xf32>
          %add3A_502 = arith.addf %add3A_416, %mul3A_501 : vector<16xf32>
          %mul3A_503 = arith.mulf %get3A_500, %get3A_468 : vector<16xf32>
          %add3A_504 = arith.addf %add3A_418, %mul3A_503 : vector<16xf32>
          %add3A_505 = arith.constant 64 : i32
          %add3A_506 = arith.addi %mul3A_141, %add3A_505 : i32
          %get3A_507 = arith.index_cast %scan3A_456 : i32 to index
          %get3A_508 = arith.index_cast %add3A_506 : i32 to index
          %get3A_509 = tpu.vector_load %arg8[%get3A_507, %get3A_508] {strides = array<i32>} : memref<64x512xf32, #tpu.memory_space<vmem>>, vector<16xf32>,
          %mul3A_510 = arith.mulf %get3A_509, %get3A_462 : vector<16xf32>
          %add3A_511 = arith.addf %add3A_425, %mul3A_510 : vector<16xf32>
          %mul3A_512 = arith.mulf %get3A_509, %get3A_468 : vector<16xf32>
          %add3A_513 = arith.addf %add3A_427, %mul3A_512 : vector<16xf32>
          %add3A_514 = arith.constant 80 : i32
          %add3A_515 = arith.addi %mul3A_141, %add3A_514 : i32
          %get3A_516 = arith.index_cast %scan3A_456 : i32 to index
          %get3A_517 = arith.index_cast %add3A_515 : i32 to index
          %get3A_518 = tpu.vector_load %arg8[%get3A_516, %get3A_517] {strides = array<i32>} : memref<64x512xf32, #tpu.memory_space<vmem>>, vector<16xf32>,
          %mul3A_519 = arith.mulf %get3A_518, %get3A_462 : vector<16xf32>
          %add3A_520 = arith.addf %add3A_434, %mul3A_519 : vector<16xf32>
          %mul3A_521 = arith.mulf %get3A_518, %get3A_468 : vector<16xf32>
          %add3A_522 = arith.addf %add3A_436, %mul3A_521 : vector<16xf32>
          %add3A_523 = arith.constant 96 : i32
          %add3A_524 = arith.addi %mul3A_141, %add3A_523 : i32
          %get3A_525 = arith.index_cast %scan3A_456 : i32 to index
          %get3A_526 = arith.index_cast %add3A_524 : i32 to index
          %get3A_527 = tpu.vector_load %arg8[%get3A_525, %get3A_526] {strides = array<i32>} : memref<64x512xf32, #tpu.memory_space<vmem>>, vector<16xf32>,
          %mul3A_528 = arith.mulf %get3A_527, %get3A_462 : vector<16xf32>
          %add3A_529 = arith.addf %add3A_443, %mul3A_528 : vector<16xf32>
          %mul3A_530 = arith.mulf %get3A_527, %get3A_468 : vector<16xf32>
          %add3A_531 = arith.addf %add3A_445, %mul3A_530 : vector<16xf32>
          %add3A_532 = arith.constant 112 : i32
          %add3A_533 = arith.addi %mul3A_141, %add3A_532 : i32
          %get3A_534 = arith.index_cast %scan3A_456 : i32 to index
          %get3A_535 = arith.index_cast %add3A_533 : i32 to index
          %get3A_536 = tpu.vector_load %arg8[%get3A_534, %get3A_535] {strides = array<i32>} : memref<64x512xf32, #tpu.memory_space<vmem>>, vector<16xf32>,
          %mul3A_537 = arith.mulf %get3A_536, %get3A_462 : vector<16xf32>
          %add3A_538 = arith.addf %add3A_452, %mul3A_537 : vector<16xf32>
          %mul3A_539 = arith.mulf %get3A_536, %get3A_468 : vector<16xf32>
          %add3A_540 = arith.addf %add3A_454, %mul3A_539 : vector<16xf32>
          %scan3A_541 = arith.constant 3 : i32
          %scan3A_542 = arith.addi %scan3A_268, %scan3A_541 : i32
          %mul3A_543 = arith.constant 16 : i32
          %mul3A_544 = arith.muli %scan3A_542, %mul3A_543 : i32
          %get3A_545 = arith.constant 0 : i32
          %get3A_546 = arith.index_cast %get3A_545 : i32 to index
          %get3A_547 = arith.index_cast %mul3A_544 : i32 to index
          %get3A_548 = tpu.vector_load %arg11[%get3A_546, %get3A_547] {strides = array<i32>} : memref<2x1024xf32, #tpu.memory_space<vmem>>, vector<16xf32>,
          %mul3A_549 = arith.constant 16 : i32
          %mul3A_550 = arith.muli %scan3A_542, %mul3A_549 : i32
          %get3A_551 = arith.constant 1 : i32
          %get3A_552 = arith.index_cast %get3A_551 : i32 to index
          %get3A_553 = arith.index_cast %mul3A_550 : i32 to index
          %get3A_554 = tpu.vector_load %arg11[%get3A_552, %get3A_553] {strides = array<i32>} : memref<2x1024xf32, #tpu.memory_space<vmem>>, vector<16xf32>,
          %add3A_555 = arith.constant 0 : i32
          %add3A_556 = arith.addi %mul3A_141, %add3A_555 : i32
          %get3A_557 = arith.index_cast %scan3A_542 : i32 to index
          %get3A_558 = arith.index_cast %add3A_556 : i32 to index
          %get3A_559 = tpu.vector_load %arg8[%get3A_557, %get3A_558] {strides = array<i32>} : memref<64x512xf32, #tpu.memory_space<vmem>>, vector<16xf32>,
          %mul3A_560 = arith.mulf %get3A_559, %get3A_548 : vector<16xf32>
          %add3A_561 = arith.addf %add3A_475, %mul3A_560 : vector<16xf32>
          %mul3A_562 = arith.mulf %get3A_559, %get3A_554 : vector<16xf32>
          %add3A_563 = arith.addf %add3A_477, %mul3A_562 : vector<16xf32>
          %add3A_564 = arith.constant 16 : i32
          %add3A_565 = arith.addi %mul3A_141, %add3A_564 : i32
          %get3A_566 = arith.index_cast %scan3A_542 : i32 to index
          %get3A_567 = arith.index_cast %add3A_565 : i32 to index
          %get3A_568 = tpu.vector_load %arg8[%get3A_566, %get3A_567] {strides = array<i32>} : memref<64x512xf32, #tpu.memory_space<vmem>>, vector<16xf32>,
          %mul3A_569 = arith.mulf %get3A_568, %get3A_548 : vector<16xf32>
          %add3A_570 = arith.addf %add3A_484, %mul3A_569 : vector<16xf32>
          %mul3A_571 = arith.mulf %get3A_568, %get3A_554 : vector<16xf32>
          %add3A_572 = arith.addf %add3A_486, %mul3A_571 : vector<16xf32>
          %add3A_573 = arith.constant 32 : i32
          %add3A_574 = arith.addi %mul3A_141, %add3A_573 : i32
          %get3A_575 = arith.index_cast %scan3A_542 : i32 to index
          %get3A_576 = arith.index_cast %add3A_574 : i32 to index
          %get3A_577 = tpu.vector_load %arg8[%get3A_575, %get3A_576] {strides = array<i32>} : memref<64x512xf32, #tpu.memory_space<vmem>>, vector<16xf32>,
          %mul3A_578 = arith.mulf %get3A_577, %get3A_548 : vector<16xf32>
          %add3A_579 = arith.addf %add3A_493, %mul3A_578 : vector<16xf32>
          %mul3A_580 = arith.mulf %get3A_577, %get3A_554 : vector<16xf32>
          %add3A_581 = arith.addf %add3A_495, %mul3A_580 : vector<16xf32>
          %add3A_582 = arith.constant 48 : i32
          %add3A_583 = arith.addi %mul3A_141, %add3A_582 : i32
          %get3A_584 = arith.index_cast %scan3A_542 : i32 to index
          %get3A_585 = arith.index_cast %add3A_583 : i32 to index
          %get3A_586 = tpu.vector_load %arg8[%get3A_584, %get3A_585] {strides = array<i32>} : memref<64x512xf32, #tpu.memory_space<vmem>>, vector<16xf32>,
          %mul3A_587 = arith.mulf %get3A_586, %get3A_548 : vector<16xf32>
          %add3A_588 = arith.addf %add3A_502, %mul3A_587 : vector<16xf32>
          %mul3A_589 = arith.mulf %get3A_586, %get3A_554 : vector<16xf32>
          %add3A_590 = arith.addf %add3A_504, %mul3A_589 : vector<16xf32>
          %add3A_591 = arith.constant 64 : i32
          %add3A_592 = arith.addi %mul3A_141, %add3A_591 : i32
          %get3A_593 = arith.index_cast %scan3A_542 : i32 to index
          %get3A_594 = arith.index_cast %add3A_592 : i32 to index
          %get3A_595 = tpu.vector_load %arg8[%get3A_593, %get3A_594] {strides = array<i32>} : memref<64x512xf32, #tpu.memory_space<vmem>>, vector<16xf32>,
          %mul3A_596 = arith.mulf %get3A_595, %get3A_548 : vector<16xf32>
          %add3A_597 = arith.addf %add3A_511, %mul3A_596 : vector<16xf32>
          %mul3A_598 = arith.mulf %get3A_595, %get3A_554 : vector<16xf32>
          %add3A_599 = arith.addf %add3A_513, %mul3A_598 : vector<16xf32>
          %add3A_600 = arith.constant 80 : i32
          %add3A_601 = arith.addi %mul3A_141, %add3A_600 : i32
          %get3A_602 = arith.index_cast %scan3A_542 : i32 to index
          %get3A_603 = arith.index_cast %add3A_601 : i32 to index
          %get3A_604 = tpu.vector_load %arg8[%get3A_602, %get3A_603] {strides = array<i32>} : memref<64x512xf32, #tpu.memory_space<vmem>>, vector<16xf32>,
          %mul3A_605 = arith.mulf %get3A_604, %get3A_548 : vector<16xf32>
          %add3A_606 = arith.addf %add3A_520, %mul3A_605 : vector<16xf32>
          %mul3A_607 = arith.mulf %get3A_604, %get3A_554 : vector<16xf32>
          %add3A_608 = arith.addf %add3A_522, %mul3A_607 : vector<16xf32>
          %add3A_609 = arith.constant 96 : i32
          %add3A_610 = arith.addi %mul3A_141, %add3A_609 : i32
          %get3A_611 = arith.index_cast %scan3A_542 : i32 to index
          %get3A_612 = arith.index_cast %add3A_610 : i32 to index
          %get3A_613 = tpu.vector_load %arg8[%get3A_611, %get3A_612] {strides = array<i32>} : memref<64x512xf32, #tpu.memory_space<vmem>>, vector<16xf32>,
          %mul3A_614 = arith.mulf %get3A_613, %get3A_548 : vector<16xf32>
          %add3A_615 = arith.addf %add3A_529, %mul3A_614 : vector<16xf32>
          %mul3A_616 = arith.mulf %get3A_613, %get3A_554 : vector<16xf32>
          %add3A_617 = arith.addf %add3A_531, %mul3A_616 : vector<16xf32>
          %add3A_618 = arith.constant 112 : i32
          %add3A_619 = arith.addi %mul3A_141, %add3A_618 : i32
          %get3A_620 = arith.index_cast %scan3A_542 : i32 to index
          %get3A_621 = arith.index_cast %add3A_619 : i32 to index
          %get3A_622 = tpu.vector_load %arg8[%get3A_620, %get3A_621] {strides = array<i32>} : memref<64x512xf32, #tpu.memory_space<vmem>>, vector<16xf32>,
          %mul3A_623 = arith.mulf %get3A_622, %get3A_548 : vector<16xf32>
          %add3A_624 = arith.addf %add3A_538, %mul3A_623 : vector<16xf32>
          %mul3A_625 = arith.mulf %get3A_622, %get3A_554 : vector<16xf32>
          %add3A_626 = arith.addf %add3A_540, %mul3A_625 : vector<16xf32>
          %scan3A_627 = arith.constant 4 : i32
          %scan3A_628 = arith.addi %scan3A_268, %scan3A_627 : i32
          %mul3A_629 = arith.constant 16 : i32
          %mul3A_630 = arith.muli %scan3A_628, %mul3A_629 : i32
          %get3A_631 = arith.constant 0 : i32
          %get3A_632 = arith.index_cast %get3A_631 : i32 to index
          %get3A_633 = arith.index_cast %mul3A_630 : i32 to index
          %get3A_634 = tpu.vector_load %arg11[%get3A_632, %get3A_633] {strides = array<i32>} : memref<2x1024xf32, #tpu.memory_space<vmem>>, vector<16xf32>,
          %mul3A_635 = arith.constant 16 : i32
          %mul3A_636 = arith.muli %scan3A_628, %mul3A_635 : i32
          %get3A_637 = arith.constant 1 : i32
          %get3A_638 = arith.index_cast %get3A_637 : i32 to index
          %get3A_639 = arith.index_cast %mul3A_636 : i32 to index
          %get3A_640 = tpu.vector_load %arg11[%get3A_638, %get3A_639] {strides = array<i32>} : memref<2x1024xf32, #tpu.memory_space<vmem>>, vector<16xf32>,
          %add3A_641 = arith.constant 0 : i32
          %add3A_642 = arith.addi %mul3A_141, %add3A_641 : i32
          %get3A_643 = arith.index_cast %scan3A_628 : i32 to index
          %get3A_644 = arith.index_cast %add3A_642 : i32 to index
          %get3A_645 = tpu.vector_load %arg8[%get3A_643, %get3A_644] {strides = array<i32>} : memref<64x512xf32, #tpu.memory_space<vmem>>, vector<16xf32>,
          %mul3A_646 = arith.mulf %get3A_645, %get3A_634 : vector<16xf32>
          %add3A_647 = arith.addf %add3A_561, %mul3A_646 : vector<16xf32>
          %mul3A_648 = arith.mulf %get3A_645, %get3A_640 : vector<16xf32>
          %add3A_649 = arith.addf %add3A_563, %mul3A_648 : vector<16xf32>
          %add3A_650 = arith.constant 16 : i32
          %add3A_651 = arith.addi %mul3A_141, %add3A_650 : i32
          %get3A_652 = arith.index_cast %scan3A_628 : i32 to index
          %get3A_653 = arith.index_cast %add3A_651 : i32 to index
          %get3A_654 = tpu.vector_load %arg8[%get3A_652, %get3A_653] {strides = array<i32>} : memref<64x512xf32, #tpu.memory_space<vmem>>, vector<16xf32>,
          %mul3A_655 = arith.mulf %get3A_654, %get3A_634 : vector<16xf32>
          %add3A_656 = arith.addf %add3A_570, %mul3A_655 : vector<16xf32>
          %mul3A_657 = arith.mulf %get3A_654, %get3A_640 : vector<16xf32>
          %add3A_658 = arith.addf %add3A_572, %mul3A_657 : vector<16xf32>
          %add3A_659 = arith.constant 32 : i32
          %add3A_660 = arith.addi %mul3A_141, %add3A_659 : i32
          %get3A_661 = arith.index_cast %scan3A_628 : i32 to index
          %get3A_662 = arith.index_cast %add3A_660 : i32 to index
          %get3A_663 = tpu.vector_load %arg8[%get3A_661, %get3A_662] {strides = array<i32>} : memref<64x512xf32, #tpu.memory_space<vmem>>, vector<16xf32>,
          %mul3A_664 = arith.mulf %get3A_663, %get3A_634 : vector<16xf32>
          %add3A_665 = arith.addf %add3A_579, %mul3A_664 : vector<16xf32>
          %mul3A_666 = arith.mulf %get3A_663, %get3A_640 : vector<16xf32>
          %add3A_667 = arith.addf %add3A_581, %mul3A_666 : vector<16xf32>
          %add3A_668 = arith.constant 48 : i32
          %add3A_669 = arith.addi %mul3A_141, %add3A_668 : i32
          %get3A_670 = arith.index_cast %scan3A_628 : i32 to index
          %get3A_671 = arith.index_cast %add3A_669 : i32 to index
          %get3A_672 = tpu.vector_load %arg8[%get3A_670, %get3A_671] {strides = array<i32>} : memref<64x512xf32, #tpu.memory_space<vmem>>, vector<16xf32>,
          %mul3A_673 = arith.mulf %get3A_672, %get3A_634 : vector<16xf32>
          %add3A_674 = arith.addf %add3A_588, %mul3A_673 : vector<16xf32>
          %mul3A_675 = arith.mulf %get3A_672, %get3A_640 : vector<16xf32>
          %add3A_676 = arith.addf %add3A_590, %mul3A_675 : vector<16xf32>
          %add3A_677 = arith.constant 64 : i32
          %add3A_678 = arith.addi %mul3A_141, %add3A_677 : i32
          %get3A_679 = arith.index_cast %scan3A_628 : i32 to index
          %get3A_680 = arith.index_cast %add3A_678 : i32 to index
          %get3A_681 = tpu.vector_load %arg8[%get3A_679, %get3A_680] {strides = array<i32>} : memref<64x512xf32, #tpu.memory_space<vmem>>, vector<16xf32>,
          %mul3A_682 = arith.mulf %get3A_681, %get3A_634 : vector<16xf32>
          %add3A_683 = arith.addf %add3A_597, %mul3A_682 : vector<16xf32>
          %mul3A_684 = arith.mulf %get3A_681, %get3A_640 : vector<16xf32>
          %add3A_685 = arith.addf %add3A_599, %mul3A_684 : vector<16xf32>
          %add3A_686 = arith.constant 80 : i32
          %add3A_687 = arith.addi %mul3A_141, %add3A_686 : i32
          %get3A_688 = arith.index_cast %scan3A_628 : i32 to index
          %get3A_689 = arith.index_cast %add3A_687 : i32 to index
          %get3A_690 = tpu.vector_load %arg8[%get3A_688, %get3A_689] {strides = array<i32>} : memref<64x512xf32, #tpu.memory_space<vmem>>, vector<16xf32>,
          %mul3A_691 = arith.mulf %get3A_690, %get3A_634 : vector<16xf32>
          %add3A_692 = arith.addf %add3A_606, %mul3A_691 : vector<16xf32>
          %mul3A_693 = arith.mulf %get3A_690, %get3A_640 : vector<16xf32>
          %add3A_694 = arith.addf %add3A_608, %mul3A_693 : vector<16xf32>
          %add3A_695 = arith.constant 96 : i32
          %add3A_696 = arith.addi %mul3A_141, %add3A_695 : i32
          %get3A_697 = arith.index_cast %scan3A_628 : i32 to index
          %get3A_698 = arith.index_cast %add3A_696 : i32 to index
          %get3A_699 = tpu.vector_load %arg8[%get3A_697, %get3A_698] {strides = array<i32>} : memref<64x512xf32, #tpu.memory_space<vmem>>, vector<16xf32>,
          %mul3A_700 = arith.mulf %get3A_699, %get3A_634 : vector<16xf32>
          %add3A_701 = arith.addf %add3A_615, %mul3A_700 : vector<16xf32>
          %mul3A_702 = arith.mulf %get3A_699, %get3A_640 : vector<16xf32>
          %add3A_703 = arith.addf %add3A_617, %mul3A_702 : vector<16xf32>
          %add3A_704 = arith.constant 112 : i32
          %add3A_705 = arith.addi %mul3A_141, %add3A_704 : i32
          %get3A_706 = arith.index_cast %scan3A_628 : i32 to index
          %get3A_707 = arith.index_cast %add3A_705 : i32 to index
          %get3A_708 = tpu.vector_load %arg8[%get3A_706, %get3A_707] {strides = array<i32>} : memref<64x512xf32, #tpu.memory_space<vmem>>, vector<16xf32>,
          %mul3A_709 = arith.mulf %get3A_708, %get3A_634 : vector<16xf32>
          %add3A_710 = arith.addf %add3A_624, %mul3A_709 : vector<16xf32>
          %mul3A_711 = arith.mulf %get3A_708, %get3A_640 : vector<16xf32>
          %add3A_712 = arith.addf %add3A_626, %mul3A_711 : vector<16xf32>
          %scan3A_713 = arith.constant 5 : i32
          %scan3A_714 = arith.addi %scan3A_268, %scan3A_713 : i32
          %mul3A_715 = arith.constant 16 : i32
          %mul3A_716 = arith.muli %scan3A_714, %mul3A_715 : i32
          %get3A_717 = arith.constant 0 : i32
          %get3A_718 = arith.index_cast %get3A_717 : i32 to index
          %get3A_719 = arith.index_cast %mul3A_716 : i32 to index
          %get3A_720 = tpu.vector_load %arg11[%get3A_718, %get3A_719] {strides = array<i32>} : memref<2x1024xf32, #tpu.memory_space<vmem>>, vector<16xf32>,
          %mul3A_721 = arith.constant 16 : i32
          %mul3A_722 = arith.muli %scan3A_714, %mul3A_721 : i32
          %get3A_723 = arith.constant 1 : i32
          %get3A_724 = arith.index_cast %get3A_723 : i32 to index
          %get3A_725 = arith.index_cast %mul3A_722 : i32 to index
          %get3A_726 = tpu.vector_load %arg11[%get3A_724, %get3A_725] {strides = array<i32>} : memref<2x1024xf32, #tpu.memory_space<vmem>>, vector<16xf32>,
          %add3A_727 = arith.constant 0 : i32
          %add3A_728 = arith.addi %mul3A_141, %add3A_727 : i32
          %get3A_729 = arith.index_cast %scan3A_714 : i32 to index
          %get3A_730 = arith.index_cast %add3A_728 : i32 to index
          %get3A_731 = tpu.vector_load %arg8[%get3A_729, %get3A_730] {strides = array<i32>} : memref<64x512xf32, #tpu.memory_space<vmem>>, vector<16xf32>,
          %mul3A_732 = arith.mulf %get3A_731, %get3A_720 : vector<16xf32>
          %add3A_733 = arith.addf %add3A_647, %mul3A_732 : vector<16xf32>
          %mul3A_734 = arith.mulf %get3A_731, %get3A_726 : vector<16xf32>
          %add3A_735 = arith.addf %add3A_649, %mul3A_734 : vector<16xf32>
          %add3A_736 = arith.constant 16 : i32
          %add3A_737 = arith.addi %mul3A_141, %add3A_736 : i32
          %get3A_738 = arith.index_cast %scan3A_714 : i32 to index
          %get3A_739 = arith.index_cast %add3A_737 : i32 to index
          %get3A_740 = tpu.vector_load %arg8[%get3A_738, %get3A_739] {strides = array<i32>} : memref<64x512xf32, #tpu.memory_space<vmem>>, vector<16xf32>,
          %mul3A_741 = arith.mulf %get3A_740, %get3A_720 : vector<16xf32>
          %add3A_742 = arith.addf %add3A_656, %mul3A_741 : vector<16xf32>
          %mul3A_743 = arith.mulf %get3A_740, %get3A_726 : vector<16xf32>
          %add3A_744 = arith.addf %add3A_658, %mul3A_743 : vector<16xf32>
          %add3A_745 = arith.constant 32 : i32
          %add3A_746 = arith.addi %mul3A_141, %add3A_745 : i32
          %get3A_747 = arith.index_cast %scan3A_714 : i32 to index
          %get3A_748 = arith.index_cast %add3A_746 : i32 to index
          %get3A_749 = tpu.vector_load %arg8[%get3A_747, %get3A_748] {strides = array<i32>} : memref<64x512xf32, #tpu.memory_space<vmem>>, vector<16xf32>,
          %mul3A_750 = arith.mulf %get3A_749, %get3A_720 : vector<16xf32>
          %add3A_751 = arith.addf %add3A_665, %mul3A_750 : vector<16xf32>
          %mul3A_752 = arith.mulf %get3A_749, %get3A_726 : vector<16xf32>
          %add3A_753 = arith.addf %add3A_667, %mul3A_752 : vector<16xf32>
          %add3A_754 = arith.constant 48 : i32
          %add3A_755 = arith.addi %mul3A_141, %add3A_754 : i32
          %get3A_756 = arith.index_cast %scan3A_714 : i32 to index
          %get3A_757 = arith.index_cast %add3A_755 : i32 to index
          %get3A_758 = tpu.vector_load %arg8[%get3A_756, %get3A_757] {strides = array<i32>} : memref<64x512xf32, #tpu.memory_space<vmem>>, vector<16xf32>,
          %mul3A_759 = arith.mulf %get3A_758, %get3A_720 : vector<16xf32>
          %add3A_760 = arith.addf %add3A_674, %mul3A_759 : vector<16xf32>
          %mul3A_761 = arith.mulf %get3A_758, %get3A_726 : vector<16xf32>
          %add3A_762 = arith.addf %add3A_676, %mul3A_761 : vector<16xf32>
          %add3A_763 = arith.constant 64 : i32
          %add3A_764 = arith.addi %mul3A_141, %add3A_763 : i32
          %get3A_765 = arith.index_cast %scan3A_714 : i32 to index
          %get3A_766 = arith.index_cast %add3A_764 : i32 to index
          %get3A_767 = tpu.vector_load %arg8[%get3A_765, %get3A_766] {strides = array<i32>} : memref<64x512xf32, #tpu.memory_space<vmem>>, vector<16xf32>,
          %mul3A_768 = arith.mulf %get3A_767, %get3A_720 : vector<16xf32>
          %add3A_769 = arith.addf %add3A_683, %mul3A_768 : vector<16xf32>
          %mul3A_770 = arith.mulf %get3A_767, %get3A_726 : vector<16xf32>
          %add3A_771 = arith.addf %add3A_685, %mul3A_770 : vector<16xf32>
          %add3A_772 = arith.constant 80 : i32
          %add3A_773 = arith.addi %mul3A_141, %add3A_772 : i32
          %get3A_774 = arith.index_cast %scan3A_714 : i32 to index
          %get3A_775 = arith.index_cast %add3A_773 : i32 to index
          %get3A_776 = tpu.vector_load %arg8[%get3A_774, %get3A_775] {strides = array<i32>} : memref<64x512xf32, #tpu.memory_space<vmem>>, vector<16xf32>,
          %mul3A_777 = arith.mulf %get3A_776, %get3A_720 : vector<16xf32>
          %add3A_778 = arith.addf %add3A_692, %mul3A_777 : vector<16xf32>
          %mul3A_779 = arith.mulf %get3A_776, %get3A_726 : vector<16xf32>
          %add3A_780 = arith.addf %add3A_694, %mul3A_779 : vector<16xf32>
          %add3A_781 = arith.constant 96 : i32
          %add3A_782 = arith.addi %mul3A_141, %add3A_781 : i32
          %get3A_783 = arith.index_cast %scan3A_714 : i32 to index
          %get3A_784 = arith.index_cast %add3A_782 : i32 to index
          %get3A_785 = tpu.vector_load %arg8[%get3A_783, %get3A_784] {strides = array<i32>} : memref<64x512xf32, #tpu.memory_space<vmem>>, vector<16xf32>,
          %mul3A_786 = arith.mulf %get3A_785, %get3A_720 : vector<16xf32>
          %add3A_787 = arith.addf %add3A_701, %mul3A_786 : vector<16xf32>
          %mul3A_788 = arith.mulf %get3A_785, %get3A_726 : vector<16xf32>
          %add3A_789 = arith.addf %add3A_703, %mul3A_788 : vector<16xf32>
          %add3A_790 = arith.constant 112 : i32
          %add3A_791 = arith.addi %mul3A_141, %add3A_790 : i32
          %get3A_792 = arith.index_cast %scan3A_714 : i32 to index
          %get3A_793 = arith.index_cast %add3A_791 : i32 to index
          %get3A_794 = tpu.vector_load %arg8[%get3A_792, %get3A_793] {strides = array<i32>} : memref<64x512xf32, #tpu.memory_space<vmem>>, vector<16xf32>,
          %mul3A_795 = arith.mulf %get3A_794, %get3A_720 : vector<16xf32>
          %add3A_796 = arith.addf %add3A_710, %mul3A_795 : vector<16xf32>
          %mul3A_797 = arith.mulf %get3A_794, %get3A_726 : vector<16xf32>
          %add3A_798 = arith.addf %add3A_712, %mul3A_797 : vector<16xf32>
          %scan3A_799 = arith.constant 6 : i32
          %scan3A_800 = arith.addi %scan3A_268, %scan3A_799 : i32
          %mul3A_801 = arith.constant 16 : i32
          %mul3A_802 = arith.muli %scan3A_800, %mul3A_801 : i32
          %get3A_803 = arith.constant 0 : i32
          %get3A_804 = arith.index_cast %get3A_803 : i32 to index
          %get3A_805 = arith.index_cast %mul3A_802 : i32 to index
          %get3A_806 = tpu.vector_load %arg11[%get3A_804, %get3A_805] {strides = array<i32>} : memref<2x1024xf32, #tpu.memory_space<vmem>>, vector<16xf32>,
          %mul3A_807 = arith.constant 16 : i32
          %mul3A_808 = arith.muli %scan3A_800, %mul3A_807 : i32
          %get3A_809 = arith.constant 1 : i32
          %get3A_810 = arith.index_cast %get3A_809 : i32 to index
          %get3A_811 = arith.index_cast %mul3A_808 : i32 to index
          %get3A_812 = tpu.vector_load %arg11[%get3A_810, %get3A_811] {strides = array<i32>} : memref<2x1024xf32, #tpu.memory_space<vmem>>, vector<16xf32>,
          %add3A_813 = arith.constant 0 : i32
          %add3A_814 = arith.addi %mul3A_141, %add3A_813 : i32
          %get3A_815 = arith.index_cast %scan3A_800 : i32 to index
          %get3A_816 = arith.index_cast %add3A_814 : i32 to index
          %get3A_817 = tpu.vector_load %arg8[%get3A_815, %get3A_816] {strides = array<i32>} : memref<64x512xf32, #tpu.memory_space<vmem>>, vector<16xf32>,
          %mul3A_818 = arith.mulf %get3A_817, %get3A_806 : vector<16xf32>
          %add3A_819 = arith.addf %add3A_733, %mul3A_818 : vector<16xf32>
          %mul3A_820 = arith.mulf %get3A_817, %get3A_812 : vector<16xf32>
          %add3A_821 = arith.addf %add3A_735, %mul3A_820 : vector<16xf32>
          %add3A_822 = arith.constant 16 : i32
          %add3A_823 = arith.addi %mul3A_141, %add3A_822 : i32
          %get3A_824 = arith.index_cast %scan3A_800 : i32 to index
          %get3A_825 = arith.index_cast %add3A_823 : i32 to index
          %get3A_826 = tpu.vector_load %arg8[%get3A_824, %get3A_825] {strides = array<i32>} : memref<64x512xf32, #tpu.memory_space<vmem>>, vector<16xf32>,
          %mul3A_827 = arith.mulf %get3A_826, %get3A_806 : vector<16xf32>
          %add3A_828 = arith.addf %add3A_742, %mul3A_827 : vector<16xf32>
          %mul3A_829 = arith.mulf %get3A_826, %get3A_812 : vector<16xf32>
          %add3A_830 = arith.addf %add3A_744, %mul3A_829 : vector<16xf32>
          %add3A_831 = arith.constant 32 : i32
          %add3A_832 = arith.addi %mul3A_141, %add3A_831 : i32
          %get3A_833 = arith.index_cast %scan3A_800 : i32 to index
          %get3A_834 = arith.index_cast %add3A_832 : i32 to index
          %get3A_835 = tpu.vector_load %arg8[%get3A_833, %get3A_834] {strides = array<i32>} : memref<64x512xf32, #tpu.memory_space<vmem>>, vector<16xf32>,
          %mul3A_836 = arith.mulf %get3A_835, %get3A_806 : vector<16xf32>
          %add3A_837 = arith.addf %add3A_751, %mul3A_836 : vector<16xf32>
          %mul3A_838 = arith.mulf %get3A_835, %get3A_812 : vector<16xf32>
          %add3A_839 = arith.addf %add3A_753, %mul3A_838 : vector<16xf32>
          %add3A_840 = arith.constant 48 : i32
          %add3A_841 = arith.addi %mul3A_141, %add3A_840 : i32
          %get3A_842 = arith.index_cast %scan3A_800 : i32 to index
          %get3A_843 = arith.index_cast %add3A_841 : i32 to index
          %get3A_844 = tpu.vector_load %arg8[%get3A_842, %get3A_843] {strides = array<i32>} : memref<64x512xf32, #tpu.memory_space<vmem>>, vector<16xf32>,
          %mul3A_845 = arith.mulf %get3A_844, %get3A_806 : vector<16xf32>
          %add3A_846 = arith.addf %add3A_760, %mul3A_845 : vector<16xf32>
          %mul3A_847 = arith.mulf %get3A_844, %get3A_812 : vector<16xf32>
          %add3A_848 = arith.addf %add3A_762, %mul3A_847 : vector<16xf32>
          %add3A_849 = arith.constant 64 : i32
          %add3A_850 = arith.addi %mul3A_141, %add3A_849 : i32
          %get3A_851 = arith.index_cast %scan3A_800 : i32 to index
          %get3A_852 = arith.index_cast %add3A_850 : i32 to index
          %get3A_853 = tpu.vector_load %arg8[%get3A_851, %get3A_852] {strides = array<i32>} : memref<64x512xf32, #tpu.memory_space<vmem>>, vector<16xf32>,
          %mul3A_854 = arith.mulf %get3A_853, %get3A_806 : vector<16xf32>
          %add3A_855 = arith.addf %add3A_769, %mul3A_854 : vector<16xf32>
          %mul3A_856 = arith.mulf %get3A_853, %get3A_812 : vector<16xf32>
          %add3A_857 = arith.addf %add3A_771, %mul3A_856 : vector<16xf32>
          %add3A_858 = arith.constant 80 : i32
          %add3A_859 = arith.addi %mul3A_141, %add3A_858 : i32
          %get3A_860 = arith.index_cast %scan3A_800 : i32 to index
          %get3A_861 = arith.index_cast %add3A_859 : i32 to index
          %get3A_862 = tpu.vector_load %arg8[%get3A_860, %get3A_861] {strides = array<i32>} : memref<64x512xf32, #tpu.memory_space<vmem>>, vector<16xf32>,
          %mul3A_863 = arith.mulf %get3A_862, %get3A_806 : vector<16xf32>
          %add3A_864 = arith.addf %add3A_778, %mul3A_863 : vector<16xf32>
          %mul3A_865 = arith.mulf %get3A_862, %get3A_812 : vector<16xf32>
          %add3A_866 = arith.addf %add3A_780, %mul3A_865 : vector<16xf32>
          %add3A_867 = arith.constant 96 : i32
          %add3A_868 = arith.addi %mul3A_141, %add3A_867 : i32
          %get3A_869 = arith.index_cast %scan3A_800 : i32 to index
          %get3A_870 = arith.index_cast %add3A_868 : i32 to index
          %get3A_871 = tpu.vector_load %arg8[%get3A_869, %get3A_870] {strides = array<i32>} : memref<64x512xf32, #tpu.memory_space<vmem>>, vector<16xf32>,
          %mul3A_872 = arith.mulf %get3A_871, %get3A_806 : vector<16xf32>
          %add3A_873 = arith.addf %add3A_787, %mul3A_872 : vector<16xf32>
          %mul3A_874 = arith.mulf %get3A_871, %get3A_812 : vector<16xf32>
          %add3A_875 = arith.addf %add3A_789, %mul3A_874 : vector<16xf32>
          %add3A_876 = arith.constant 112 : i32
          %add3A_877 = arith.addi %mul3A_141, %add3A_876 : i32
          %get3A_878 = arith.index_cast %scan3A_800 : i32 to index
          %get3A_879 = arith.index_cast %add3A_877 : i32 to index
          %get3A_880 = tpu.vector_load %arg8[%get3A_878, %get3A_879] {strides = array<i32>} : memref<64x512xf32, #tpu.memory_space<vmem>>, vector<16xf32>,
          %mul3A_881 = arith.mulf %get3A_880, %get3A_806 : vector<16xf32>
          %add3A_882 = arith.addf %add3A_796, %mul3A_881 : vector<16xf32>
          %mul3A_883 = arith.mulf %get3A_880, %get3A_812 : vector<16xf32>
          %add3A_884 = arith.addf %add3A_798, %mul3A_883 : vector<16xf32>
          %scan3A_885 = arith.constant 7 : i32
          %scan3A_886 = arith.addi %scan3A_268, %scan3A_885 : i32
          %mul3A_887 = arith.constant 16 : i32
          %mul3A_888 = arith.muli %scan3A_886, %mul3A_887 : i32
          %get3A_889 = arith.constant 0 : i32
          %get3A_890 = arith.index_cast %get3A_889 : i32 to index
          %get3A_891 = arith.index_cast %mul3A_888 : i32 to index
          %get3A_892 = tpu.vector_load %arg11[%get3A_890, %get3A_891] {strides = array<i32>} : memref<2x1024xf32, #tpu.memory_space<vmem>>, vector<16xf32>,
          %mul3A_893 = arith.constant 16 : i32
          %mul3A_894 = arith.muli %scan3A_886, %mul3A_893 : i32
          %get3A_895 = arith.constant 1 : i32
          %get3A_896 = arith.index_cast %get3A_895 : i32 to index
          %get3A_897 = arith.index_cast %mul3A_894 : i32 to index
          %get3A_898 = tpu.vector_load %arg11[%get3A_896, %get3A_897] {strides = array<i32>} : memref<2x1024xf32, #tpu.memory_space<vmem>>, vector<16xf32>,
          %add3A_899 = arith.constant 0 : i32
          %add3A_900 = arith.addi %mul3A_141, %add3A_899 : i32
          %get3A_901 = arith.index_cast %scan3A_886 : i32 to index
          %get3A_902 = arith.index_cast %add3A_900 : i32 to index
          %get3A_903 = tpu.vector_load %arg8[%get3A_901, %get3A_902] {strides = array<i32>} : memref<64x512xf32, #tpu.memory_space<vmem>>, vector<16xf32>,
          %mul3A_904 = arith.mulf %get3A_903, %get3A_892 : vector<16xf32>
          %add3A_905 = arith.addf %add3A_819, %mul3A_904 : vector<16xf32>
          %mul3A_906 = arith.mulf %get3A_903, %get3A_898 : vector<16xf32>
          %add3A_907 = arith.addf %add3A_821, %mul3A_906 : vector<16xf32>
          %add3A_908 = arith.constant 16 : i32
          %add3A_909 = arith.addi %mul3A_141, %add3A_908 : i32
          %get3A_910 = arith.index_cast %scan3A_886 : i32 to index
          %get3A_911 = arith.index_cast %add3A_909 : i32 to index
          %get3A_912 = tpu.vector_load %arg8[%get3A_910, %get3A_911] {strides = array<i32>} : memref<64x512xf32, #tpu.memory_space<vmem>>, vector<16xf32>,
          %mul3A_913 = arith.mulf %get3A_912, %get3A_892 : vector<16xf32>
          %add3A_914 = arith.addf %add3A_828, %mul3A_913 : vector<16xf32>
          %mul3A_915 = arith.mulf %get3A_912, %get3A_898 : vector<16xf32>
          %add3A_916 = arith.addf %add3A_830, %mul3A_915 : vector<16xf32>
          %add3A_917 = arith.constant 32 : i32
          %add3A_918 = arith.addi %mul3A_141, %add3A_917 : i32
          %get3A_919 = arith.index_cast %scan3A_886 : i32 to index
          %get3A_920 = arith.index_cast %add3A_918 : i32 to index
          %get3A_921 = tpu.vector_load %arg8[%get3A_919, %get3A_920] {strides = array<i32>} : memref<64x512xf32, #tpu.memory_space<vmem>>, vector<16xf32>,
          %mul3A_922 = arith.mulf %get3A_921, %get3A_892 : vector<16xf32>
          %add3A_923 = arith.addf %add3A_837, %mul3A_922 : vector<16xf32>
          %mul3A_924 = arith.mulf %get3A_921, %get3A_898 : vector<16xf32>
          %add3A_925 = arith.addf %add3A_839, %mul3A_924 : vector<16xf32>
          %add3A_926 = arith.constant 48 : i32
          %add3A_927 = arith.addi %mul3A_141, %add3A_926 : i32
          %get3A_928 = arith.index_cast %scan3A_886 : i32 to index
          %get3A_929 = arith.index_cast %add3A_927 : i32 to index
          %get3A_930 = tpu.vector_load %arg8[%get3A_928, %get3A_929] {strides = array<i32>} : memref<64x512xf32, #tpu.memory_space<vmem>>, vector<16xf32>,
          %mul3A_931 = arith.mulf %get3A_930, %get3A_892 : vector<16xf32>
          %add3A_932 = arith.addf %add3A_846, %mul3A_931 : vector<16xf32>
          %mul3A_933 = arith.mulf %get3A_930, %get3A_898 : vector<16xf32>
          %add3A_934 = arith.addf %add3A_848, %mul3A_933 : vector<16xf32>
          %add3A_935 = arith.constant 64 : i32
          %add3A_936 = arith.addi %mul3A_141, %add3A_935 : i32
          %get3A_937 = arith.index_cast %scan3A_886 : i32 to index
          %get3A_938 = arith.index_cast %add3A_936 : i32 to index
          %get3A_939 = tpu.vector_load %arg8[%get3A_937, %get3A_938] {strides = array<i32>} : memref<64x512xf32, #tpu.memory_space<vmem>>, vector<16xf32>,
          %mul3A_940 = arith.mulf %get3A_939, %get3A_892 : vector<16xf32>
          %add3A_941 = arith.addf %add3A_855, %mul3A_940 : vector<16xf32>
          %mul3A_942 = arith.mulf %get3A_939, %get3A_898 : vector<16xf32>
          %add3A_943 = arith.addf %add3A_857, %mul3A_942 : vector<16xf32>
          %add3A_944 = arith.constant 80 : i32
          %add3A_945 = arith.addi %mul3A_141, %add3A_944 : i32
          %get3A_946 = arith.index_cast %scan3A_886 : i32 to index
          %get3A_947 = arith.index_cast %add3A_945 : i32 to index
          %get3A_948 = tpu.vector_load %arg8[%get3A_946, %get3A_947] {strides = array<i32>} : memref<64x512xf32, #tpu.memory_space<vmem>>, vector<16xf32>,
          %mul3A_949 = arith.mulf %get3A_948, %get3A_892 : vector<16xf32>
          %add3A_950 = arith.addf %add3A_864, %mul3A_949 : vector<16xf32>
          %mul3A_951 = arith.mulf %get3A_948, %get3A_898 : vector<16xf32>
          %add3A_952 = arith.addf %add3A_866, %mul3A_951 : vector<16xf32>
          %add3A_953 = arith.constant 96 : i32
          %add3A_954 = arith.addi %mul3A_141, %add3A_953 : i32
          %get3A_955 = arith.index_cast %scan3A_886 : i32 to index
          %get3A_956 = arith.index_cast %add3A_954 : i32 to index
          %get3A_957 = tpu.vector_load %arg8[%get3A_955, %get3A_956] {strides = array<i32>} : memref<64x512xf32, #tpu.memory_space<vmem>>, vector<16xf32>,
          %mul3A_958 = arith.mulf %get3A_957, %get3A_892 : vector<16xf32>
          %add3A_959 = arith.addf %add3A_873, %mul3A_958 : vector<16xf32>
          %mul3A_960 = arith.mulf %get3A_957, %get3A_898 : vector<16xf32>
          %add3A_961 = arith.addf %add3A_875, %mul3A_960 : vector<16xf32>
          %add3A_962 = arith.constant 112 : i32
          %add3A_963 = arith.addi %mul3A_141, %add3A_962 : i32
          %get3A_964 = arith.index_cast %scan3A_886 : i32 to index
          %get3A_965 = arith.index_cast %add3A_963 : i32 to index
          %get3A_966 = tpu.vector_load %arg8[%get3A_964, %get3A_965] {strides = array<i32>} : memref<64x512xf32, #tpu.memory_space<vmem>>, vector<16xf32>,
          %mul3A_967 = arith.mulf %get3A_966, %get3A_892 : vector<16xf32>
          %add3A_968 = arith.addf %add3A_882, %mul3A_967 : vector<16xf32>
          %mul3A_969 = arith.mulf %get3A_966, %get3A_898 : vector<16xf32>
          %add3A_970 = arith.addf %add3A_884, %mul3A_969 : vector<16xf32>
          scf.yield %add3A_905, %add3A_907, %add3A_914, %add3A_916, %add3A_923, %add3A_925, %add3A_932, %add3A_934, %add3A_941, %add3A_943, %add3A_950, %add3A_952, %add3A_959, %add3A_961, %add3A_968, %add3A_970 : vector<16xf32>, vector<16xf32>, vector<16xf32>, vector<16xf32>, vector<16xf32>, vector<16xf32>, vector<16xf32>, vector<16xf32>, vector<16xf32>, vector<16xf32>, vector<16xf32>, vector<16xf32>, vector<16xf32>, vector<16xf32>, vector<16xf32>, vector<16xf32>
        }
        %scan3A_147 = arith.constant 64 : i32
        %add3A_148 = arith.constant 0 : i32
        %add3A_149 = arith.addi %mul3A_141, %add3A_148 : i32
        %add3A_150 = vector.broadcast %add3A_149 : i32 to vector<16xi32>
        %add3A_151 = arith.addi %add3A_150, %iota3A : vector<16xi32>
        %mul3A_152 = arith.constant 8 : i32
        %mul3A_153 = vector.broadcast %mul3A_152 : i32 to vector<16xi32>
        %mul3A_154 = arith.muli %add3A_151, %mul3A_153 : vector<16xi32>
        %add3A_155 = arith.addf %scan3A_146#0, %get3A_8 : vector<16xf32>
        tpu.vector_store_idx %arg9[%mul3A_154], %add3A_155 : memref<4096xf32, #tpu.memory_space<vmem>>[vector<16xi32>], vector<16xf32>,
        %mul3A_156 = arith.constant 8 : i32
        %mul3A_157 = vector.broadcast %mul3A_156 : i32 to vector<16xi32>
        %mul3A_158 = arith.muli %add3A_151, %mul3A_157 : vector<16xi32>
        %add3A_159 = arith.constant 1 : i32
        %add3A_160 = vector.broadcast %add3A_159 : i32 to vector<16xi32>
        %add3A_161 = arith.addi %mul3A_158, %add3A_160 : vector<16xi32>
        %add3A_162 = arith.addf %scan3A_146#1, %get3A_12 : vector<16xf32>
        tpu.vector_store_idx %arg9[%add3A_161], %add3A_162 : memref<4096xf32, #tpu.memory_space<vmem>>[vector<16xi32>], vector<16xf32>,
        %add3A_163 = arith.constant 16 : i32
        %add3A_164 = arith.addi %mul3A_141, %add3A_163 : i32
        %add3A_165 = vector.broadcast %add3A_164 : i32 to vector<16xi32>
        %add3A_166 = arith.addi %add3A_165, %iota3A : vector<16xi32>
        %mul3A_167 = arith.constant 8 : i32
        %mul3A_168 = vector.broadcast %mul3A_167 : i32 to vector<16xi32>
        %mul3A_169 = arith.muli %add3A_166, %mul3A_168 : vector<16xi32>
        %add3A_170 = arith.addf %scan3A_146#2, %get3A_8 : vector<16xf32>
        tpu.vector_store_idx %arg9[%mul3A_169], %add3A_170 : memref<4096xf32, #tpu.memory_space<vmem>>[vector<16xi32>], vector<16xf32>,
        %mul3A_171 = arith.constant 8 : i32
        %mul3A_172 = vector.broadcast %mul3A_171 : i32 to vector<16xi32>
        %mul3A_173 = arith.muli %add3A_166, %mul3A_172 : vector<16xi32>
        %add3A_174 = arith.constant 1 : i32
        %add3A_175 = vector.broadcast %add3A_174 : i32 to vector<16xi32>
        %add3A_176 = arith.addi %mul3A_173, %add3A_175 : vector<16xi32>
        %add3A_177 = arith.addf %scan3A_146#3, %get3A_12 : vector<16xf32>
        tpu.vector_store_idx %arg9[%add3A_176], %add3A_177 : memref<4096xf32, #tpu.memory_space<vmem>>[vector<16xi32>], vector<16xf32>,
        %add3A_178 = arith.constant 32 : i32
        %add3A_179 = arith.addi %mul3A_141, %add3A_178 : i32
        %add3A_180 = vector.broadcast %add3A_179 : i32 to vector<16xi32>
        %add3A_181 = arith.addi %add3A_180, %iota3A : vector<16xi32>
        %mul3A_182 = arith.constant 8 : i32
        %mul3A_183 = vector.broadcast %mul3A_182 : i32 to vector<16xi32>
        %mul3A_184 = arith.muli %add3A_181, %mul3A_183 : vector<16xi32>
        %add3A_185 = arith.addf %scan3A_146#4, %get3A_8 : vector<16xf32>
        tpu.vector_store_idx %arg9[%mul3A_184], %add3A_185 : memref<4096xf32, #tpu.memory_space<vmem>>[vector<16xi32>], vector<16xf32>,
        %mul3A_186 = arith.constant 8 : i32
        %mul3A_187 = vector.broadcast %mul3A_186 : i32 to vector<16xi32>
        %mul3A_188 = arith.muli %add3A_181, %mul3A_187 : vector<16xi32>
        %add3A_189 = arith.constant 1 : i32
        %add3A_190 = vector.broadcast %add3A_189 : i32 to vector<16xi32>
        %add3A_191 = arith.addi %mul3A_188, %add3A_190 : vector<16xi32>
        %add3A_192 = arith.addf %scan3A_146#5, %get3A_12 : vector<16xf32>
        tpu.vector_store_idx %arg9[%add3A_191], %add3A_192 : memref<4096xf32, #tpu.memory_space<vmem>>[vector<16xi32>], vector<16xf32>,
        %add3A_193 = arith.constant 48 : i32
        %add3A_194 = arith.addi %mul3A_141, %add3A_193 : i32
        %add3A_195 = vector.broadcast %add3A_194 : i32 to vector<16xi32>
        %add3A_196 = arith.addi %add3A_195, %iota3A : vector<16xi32>
        %mul3A_197 = arith.constant 8 : i32
        %mul3A_198 = vector.broadcast %mul3A_197 : i32 to vector<16xi32>
        %mul3A_199 = arith.muli %add3A_196, %mul3A_198 : vector<16xi32>
        %add3A_200 = arith.addf %scan3A_146#6, %get3A_8 : vector<16xf32>
        tpu.vector_store_idx %arg9[%mul3A_199], %add3A_200 : memref<4096xf32, #tpu.memory_space<vmem>>[vector<16xi32>], vector<16xf32>,
        %mul3A_201 = arith.constant 8 : i32
        %mul3A_202 = vector.broadcast %mul3A_201 : i32 to vector<16xi32>
        %mul3A_203 = arith.muli %add3A_196, %mul3A_202 : vector<16xi32>
        %add3A_204 = arith.constant 1 : i32
        %add3A_205 = vector.broadcast %add3A_204 : i32 to vector<16xi32>
        %add3A_206 = arith.addi %mul3A_203, %add3A_205 : vector<16xi32>
        %add3A_207 = arith.addf %scan3A_146#7, %get3A_12 : vector<16xf32>
        tpu.vector_store_idx %arg9[%add3A_206], %add3A_207 : memref<4096xf32, #tpu.memory_space<vmem>>[vector<16xi32>], vector<16xf32>,
        %add3A_208 = arith.constant 64 : i32
        %add3A_209 = arith.addi %mul3A_141, %add3A_208 : i32
        %add3A_210 = vector.broadcast %add3A_209 : i32 to vector<16xi32>
        %add3A_211 = arith.addi %add3A_210, %iota3A : vector<16xi32>
        %mul3A_212 = arith.constant 8 : i32
        %mul3A_213 = vector.broadcast %mul3A_212 : i32 to vector<16xi32>
        %mul3A_214 = arith.muli %add3A_211, %mul3A_213 : vector<16xi32>
        %add3A_215 = arith.addf %scan3A_146#8, %get3A_8 : vector<16xf32>
        tpu.vector_store_idx %arg9[%mul3A_214], %add3A_215 : memref<4096xf32, #tpu.memory_space<vmem>>[vector<16xi32>], vector<16xf32>,
        %mul3A_216 = arith.constant 8 : i32
        %mul3A_217 = vector.broadcast %mul3A_216 : i32 to vector<16xi32>
        %mul3A_218 = arith.muli %add3A_211, %mul3A_217 : vector<16xi32>
        %add3A_219 = arith.constant 1 : i32
        %add3A_220 = vector.broadcast %add3A_219 : i32 to vector<16xi32>
        %add3A_221 = arith.addi %mul3A_218, %add3A_220 : vector<16xi32>
        %add3A_222 = arith.addf %scan3A_146#9, %get3A_12 : vector<16xf32>
        tpu.vector_store_idx %arg9[%add3A_221], %add3A_222 : memref<4096xf32, #tpu.memory_space<vmem>>[vector<16xi32>], vector<16xf32>,
        %add3A_223 = arith.constant 80 : i32
        %add3A_224 = arith.addi %mul3A_141, %add3A_223 : i32
        %add3A_225 = vector.broadcast %add3A_224 : i32 to vector<16xi32>
        %add3A_226 = arith.addi %add3A_225, %iota3A : vector<16xi32>
        %mul3A_227 = arith.constant 8 : i32
        %mul3A_228 = vector.broadcast %mul3A_227 : i32 to vector<16xi32>
        %mul3A_229 = arith.muli %add3A_226, %mul3A_228 : vector<16xi32>
        %add3A_230 = arith.addf %scan3A_146#10, %get3A_8 : vector<16xf32>
        tpu.vector_store_idx %arg9[%mul3A_229], %add3A_230 : memref<4096xf32, #tpu.memory_space<vmem>>[vector<16xi32>], vector<16xf32>,
        %mul3A_231 = arith.constant 8 : i32
        %mul3A_232 = vector.broadcast %mul3A_231 : i32 to vector<16xi32>
        %mul3A_233 = arith.muli %add3A_226, %mul3A_232 : vector<16xi32>
        %add3A_234 = arith.constant 1 : i32
        %add3A_235 = vector.broadcast %add3A_234 : i32 to vector<16xi32>
        %add3A_236 = arith.addi %mul3A_233, %add3A_235 : vector<16xi32>
        %add3A_237 = arith.addf %scan3A_146#11, %get3A_12 : vector<16xf32>
        tpu.vector_store_idx %arg9[%add3A_236], %add3A_237 : memref<4096xf32, #tpu.memory_space<vmem>>[vector<16xi32>], vector<16xf32>,
        %add3A_238 = arith.constant 96 : i32
        %add3A_239 = arith.addi %mul3A_141, %add3A_238 : i32
        %add3A_240 = vector.broadcast %add3A_239 : i32 to vector<16xi32>
        %add3A_241 = arith.addi %add3A_240, %iota3A : vector<16xi32>
        %mul3A_242 = arith.constant 8 : i32
        %mul3A_243 = vector.broadcast %mul3A_242 : i32 to vector<16xi32>
        %mul3A_244 = arith.muli %add3A_241, %mul3A_243 : vector<16xi32>
        %add3A_245 = arith.addf %scan3A_146#12, %get3A_8 : vector<16xf32>
        tpu.vector_store_idx %arg9[%mul3A_244], %add3A_245 : memref<4096xf32, #tpu.memory_space<vmem>>[vector<16xi32>], vector<16xf32>,
        %mul3A_246 = arith.constant 8 : i32
        %mul3A_247 = vector.broadcast %mul3A_246 : i32 to vector<16xi32>
        %mul3A_248 = arith.muli %add3A_241, %mul3A_247 : vector<16xi32>
        %add3A_249 = arith.constant 1 : i32
        %add3A_250 = vector.broadcast %add3A_249 : i32 to vector<16xi32>
        %add3A_251 = arith.addi %mul3A_248, %add3A_250 : vector<16xi32>
        %add3A_252 = arith.addf %scan3A_146#13, %get3A_12 : vector<16xf32>
        tpu.vector_store_idx %arg9[%add3A_251], %add3A_252 : memref<4096xf32, #tpu.memory_space<vmem>>[vector<16xi32>], vector<16xf32>,
        %add3A_253 = arith.constant 112 : i32
        %add3A_254 = arith.addi %mul3A_141, %add3A_253 : i32
        %add3A_255 = vector.broadcast %add3A_254 : i32 to vector<16xi32>
        %add3A_256 = arith.addi %add3A_255, %iota3A : vector<16xi32>
        %mul3A_257 = arith.constant 8 : i32
        %mul3A_258 = vector.broadcast %mul3A_257 : i32 to vector<16xi32>
        %mul3A_259 = arith.muli %add3A_256, %mul3A_258 : vector<16xi32>
        %add3A_260 = arith.addf %scan3A_146#14, %get3A_8 : vector<16xf32>
        tpu.vector_store_idx %arg9[%mul3A_259], %add3A_260 : memref<4096xf32, #tpu.memory_space<vmem>>[vector<16xi32>], vector<16xf32>,
        %mul3A_261 = arith.constant 8 : i32
        %mul3A_262 = vector.broadcast %mul3A_261 : i32 to vector<16xi32>
        %mul3A_263 = arith.muli %add3A_256, %mul3A_262 : vector<16xi32>
        %add3A_264 = arith.constant 1 : i32
        %add3A_265 = vector.broadcast %add3A_264 : i32 to vector<16xi32>
        %add3A_266 = arith.addi %mul3A_263, %add3A_265 : vector<16xi32>
        %add3A_267 = arith.addf %scan3A_146#15, %get3A_12 : vector<16xf32>
        tpu.vector_store_idx %arg9[%add3A_266], %add3A_267 : memref<4096xf32, #tpu.memory_space<vmem>>[vector<16xi32>], vector<16xf32>,
      }
      %scan3A_118 = arith.constant 4 : i32
      %mul3A_119 = arith.constant 8 : i32
      %mul3A_120 = arith.muli %mul3A_112, %mul3A_119 : i32
      "tpu.region"() ({
        %run_scoped3A = tpu.sem_alloc : memref<!tpu.dma_semaphore, #tpu.memory_space<semaphore_mem>>
        %dma_start3A_137 = tpu.memref_slice %arg6[%mul3A_120] : memref<4919808xf32, #tpu.memory_space<hbm>> -> memref<4096xf32, #tpu.memory_space<hbm>>
        %dma_start3A_138 = tpu.memref_slice %arg6[%mul3A_120] : memref<4919808xf32, #tpu.memory_space<hbm>> -> memref<4096xf32, #tpu.memory_space<hbm>>
        tpu.enqueue_dma source(%arg9 : memref<4096xf32, #tpu.memory_space<vmem>>) target(%dma_start3A_138 : memref<4096xf32, #tpu.memory_space<hbm>>) target_semaphore(%run_scoped3A : memref<!tpu.dma_semaphore, #tpu.memory_space<semaphore_mem>>)
        %dma_wait3A_139 = tpu.memref_slice %arg6[%mul3A_120] : memref<4919808xf32, #tpu.memory_space<hbm>> -> memref<4096xf32, #tpu.memory_space<hbm>>
        %dma_wait3A_140 = tpu.memref_slice %arg6[%mul3A_120] : memref<4919808xf32, #tpu.memory_space<hbm>> -> memref<4096xf32, #tpu.memory_space<hbm>>
        tpu.wait_dma2 semaphore(%run_scoped3A : memref<!tpu.dma_semaphore, #tpu.memory_space<semaphore_mem>>) src(%arg9 : memref<4096xf32, #tpu.memory_space<vmem>>) dst(%dma_wait3A_140 : memref<4096xf32, #tpu.memory_space<hbm>>)
        tpu.yield
      }) : () -> ()
      %add3A_121 = arith.constant 3 : i32
      %add3A_122 = arith.addi %mul3A_60, %add3A_121 : i32
      %mul3A_123 = arith.constant 38 : i32
      %mul3A_124 = arith.muli %add3A, %mul3A_123 : i32
      %add3A_125 = arith.addi %mul3A_124, %add3A_122 : i32
      %min3A_126 = arith.constant 1200 : i32
      %min3A_127 = arith.minsi %add3A_125, %min3A_126 : i32
      %mul3A_128 = arith.constant 512 : i32
      %mul3A_129 = arith.muli %min3A_127, %mul3A_128 : i32
      %add3A_130 = arith.constant 385024 : i32
      %add3A_131 = arith.addi %add3A_130, %mul3A_129 : i32
      %multiple_of3A_132 = tpu.assume_multiple %add3A_131, 128 : i32
      %dma_start3A_133 = arith.constant 0 : i32
      %dma_start3A_134 = tpu.memref_slice %arg2[%dma_start3A_133, %multiple_of3A_132] : memref<64x1000000xf32, #tpu.memory_space<hbm>> -> memref<64x512xf32, #tpu.memory_space<hbm>>
      %dma_start3A_135 = arith.constant 0 : i32
      %dma_start3A_136 = tpu.memref_slice %arg2[%dma_start3A_135, %multiple_of3A_132] : memref<64x1000000xf32, #tpu.memory_space<hbm>> -> memref<64x512xf32, #tpu.memory_space<hbm>>
      tpu.enqueue_dma source(%dma_start3A_136 : memref<64x512xf32, #tpu.memory_space<hbm>>) target(%arg8 : memref<64x512xf32, #tpu.memory_space<vmem>>) target_semaphore(%arg14 : memref<!tpu.dma_semaphore, #tpu.memory_space<semaphore_mem>>)
    }
    %scan3A_44 = arith.constant 19 : i32
    %dma_wait3A = arith.constant 0 : i32
    %dma_wait3A_45 = arith.constant 0 : i32
    %dma_wait3A_46 = tpu.memref_slice %arg2[%dma_wait3A, %dma_wait3A_45] : memref<64x1000000xf32, #tpu.memory_space<hbm>> -> memref<64x512xf32, #tpu.memory_space<hbm>>
    %dma_wait3A_47 = arith.constant 0 : i32
    %dma_wait3A_48 = arith.constant 0 : i32
    %dma_wait3A_49 = tpu.memref_slice %arg2[%dma_wait3A_47, %dma_wait3A_48] : memref<64x1000000xf32, #tpu.memory_space<hbm>> -> memref<64x512xf32, #tpu.memory_space<hbm>>
    tpu.wait_dma2 semaphore(%arg13 : memref<!tpu.dma_semaphore, #tpu.memory_space<semaphore_mem>>) src(%dma_wait3A_49 : memref<64x512xf32, #tpu.memory_space<hbm>>) dst(%arg7 : memref<64x512xf32, #tpu.memory_space<vmem>>)
    %dma_wait3A_50 = arith.constant 0 : i32
    %dma_wait3A_51 = arith.constant 0 : i32
    %dma_wait3A_52 = tpu.memref_slice %arg2[%dma_wait3A_50, %dma_wait3A_51] : memref<64x1000000xf32, #tpu.memory_space<hbm>> -> memref<64x512xf32, #tpu.memory_space<hbm>>
    %dma_wait3A_53 = arith.constant 0 : i32
    %dma_wait3A_54 = arith.constant 0 : i32
    %dma_wait3A_55 = tpu.memref_slice %arg2[%dma_wait3A_53, %dma_wait3A_54] : memref<64x1000000xf32, #tpu.memory_space<hbm>> -> memref<64x512xf32, #tpu.memory_space<hbm>>
    tpu.wait_dma2 semaphore(%arg14 : memref<!tpu.dma_semaphore, #tpu.memory_space<semaphore_mem>>) src(%dma_wait3A_55 : memref<64x512xf32, #tpu.memory_space<hbm>>) dst(%arg8 : memref<64x512xf32, #tpu.memory_space<vmem>>)
    %eq3A = arith.constant 0 : i32
    %eq3A_56 = arith.cmpi eq, %add3A, %eq3A : i32
    %convert_element_type3A = arith.extui %eq3A_56 : i1 to i32
    %cond3A = arith.constant 0 : i32
    %cond3A_57 = arith.cmpi ne, %convert_element_type3A, %cond3A : i32
    scf.if %cond3A_57 {
      "tpu.region"() ({
        %run_scoped3A = tpu.sem_alloc : memref<!tpu.dma_semaphore, #tpu.memory_space<semaphore_mem>>
        tpu.enqueue_dma source(%arg3 : memref<64x64xf32, #tpu.memory_space<hbm>>) target(%arg10 : memref<64x64xf32, #tpu.memory_space<vmem>>) target_semaphore(%run_scoped3A : memref<!tpu.dma_semaphore, #tpu.memory_space<semaphore_mem>>)
        tpu.wait_dma2 semaphore(%run_scoped3A : memref<!tpu.dma_semaphore, #tpu.memory_space<semaphore_mem>>) src(%arg3 : memref<64x64xf32, #tpu.memory_space<hbm>>) dst(%arg10 : memref<64x64xf32, #tpu.memory_space<vmem>>)
        tpu.yield
      }) : () -> ()
      %scan3A_58 = arith.constant 0 : i32
      %scan3A_59 = arith.constant 64 : i32
      %scan3A_60 = arith.addi %scan3A_58, %scan3A_59 : i32
      %scan3A_61 = arith.constant 8 : i32
      %scan3A_62:8 = scf.for %scan3A_120 = %scan3A_58 to %scan3A_60 step %scan3A_61 iter_args(%scan3A_121 = %broadcast_in_dim3A_1, %scan3A_122 = %broadcast_in_dim3A_1, %scan3A_123 = %broadcast_in_dim3A_1, %scan3A_124 = %broadcast_in_dim3A_1, %scan3A_125 = %broadcast_in_dim3A_1, %scan3A_126 = %broadcast_in_dim3A_1, %scan3A_127 = %broadcast_in_dim3A_1, %scan3A_128 = %broadcast_in_dim3A_1) -> (vector<16xf32>, vector<16xf32>, vector<16xf32>, vector<16xf32>, vector<16xf32>, vector<16xf32>, vector<16xf32>, vector<16xf32>)  : i32 {
        %mul3A_129 = arith.constant 16 : i32
        %mul3A_130 = arith.muli %scan3A_120, %mul3A_129 : i32
        %get3A_131 = arith.constant 0 : i32
        %get3A_132 = arith.index_cast %get3A_131 : i32 to index
        %get3A_133 = arith.index_cast %mul3A_130 : i32 to index
        %get3A_134 = tpu.vector_load %arg11[%get3A_132, %get3A_133] {strides = array<i32>} : memref<2x1024xf32, #tpu.memory_space<vmem>>, vector<16xf32>,
        %mul3A_135 = arith.constant 16 : i32
        %mul3A_136 = arith.muli %scan3A_120, %mul3A_135 : i32
        %get3A_137 = arith.constant 1 : i32
        %get3A_138 = arith.index_cast %get3A_137 : i32 to index
        %get3A_139 = arith.index_cast %mul3A_136 : i32 to index
        %get3A_140 = tpu.vector_load %arg11[%get3A_138, %get3A_139] {strides = array<i32>} : memref<2x1024xf32, #tpu.memory_space<vmem>>, vector<16xf32>,
        %get3A_141 = arith.index_cast %scan3A_120 : i32 to index
        %get3A_142 = arith.constant 0 : index
        %get3A_143 = tpu.vector_load %arg10[%get3A_141, %get3A_142] {strides = array<i32>} : memref<64x64xf32, #tpu.memory_space<vmem>>, vector<16xf32>,
        %mul3A_144 = arith.mulf %get3A_143, %get3A_134 : vector<16xf32>
        %add3A_145 = arith.addf %scan3A_121, %mul3A_144 : vector<16xf32>
        %mul3A_146 = arith.mulf %get3A_143, %get3A_140 : vector<16xf32>
        %add3A_147 = arith.addf %scan3A_122, %mul3A_146 : vector<16xf32>
        %get3A_148 = arith.index_cast %scan3A_120 : i32 to index
        %get3A_149 = arith.constant 16 : index
        %get3A_150 = tpu.vector_load %arg10[%get3A_148, %get3A_149] {strides = array<i32>} : memref<64x64xf32, #tpu.memory_space<vmem>>, vector<16xf32>,
        %mul3A_151 = arith.mulf %get3A_150, %get3A_134 : vector<16xf32>
        %add3A_152 = arith.addf %scan3A_123, %mul3A_151 : vector<16xf32>
        %mul3A_153 = arith.mulf %get3A_150, %get3A_140 : vector<16xf32>
        %add3A_154 = arith.addf %scan3A_124, %mul3A_153 : vector<16xf32>
        %get3A_155 = arith.index_cast %scan3A_120 : i32 to index
        %get3A_156 = arith.constant 32 : index
        %get3A_157 = tpu.vector_load %arg10[%get3A_155, %get3A_156] {strides = array<i32>} : memref<64x64xf32, #tpu.memory_space<vmem>>, vector<16xf32>,
        %mul3A_158 = arith.mulf %get3A_157, %get3A_134 : vector<16xf32>
        %add3A_159 = arith.addf %scan3A_125, %mul3A_158 : vector<16xf32>
        %mul3A_160 = arith.mulf %get3A_157, %get3A_140 : vector<16xf32>
        %add3A_161 = arith.addf %scan3A_126, %mul3A_160 : vector<16xf32>
        %get3A_162 = arith.index_cast %scan3A_120 : i32 to index
        %get3A_163 = arith.constant 48 : index
        %get3A_164 = tpu.vector_load %arg10[%get3A_162, %get3A_163] {strides = array<i32>} : memref<64x64xf32, #tpu.memory_space<vmem>>, vector<16xf32>,
        %mul3A_165 = arith.mulf %get3A_164, %get3A_134 : vector<16xf32>
        %add3A_166 = arith.addf %scan3A_127, %mul3A_165 : vector<16xf32>
        %mul3A_167 = arith.mulf %get3A_164, %get3A_140 : vector<16xf32>
        %add3A_168 = arith.addf %scan3A_128, %mul3A_167 : vector<16xf32>
        %scan3A_169 = arith.constant 1 : i32
        %scan3A_170 = arith.addi %scan3A_120, %scan3A_169 : i32
        %mul3A_171 = arith.constant 16 : i32
        %mul3A_172 = arith.muli %scan3A_170, %mul3A_171 : i32
        %get3A_173 = arith.constant 0 : i32
        %get3A_174 = arith.index_cast %get3A_173 : i32 to index
        %get3A_175 = arith.index_cast %mul3A_172 : i32 to index
        %get3A_176 = tpu.vector_load %arg11[%get3A_174, %get3A_175] {strides = array<i32>} : memref<2x1024xf32, #tpu.memory_space<vmem>>, vector<16xf32>,
        %mul3A_177 = arith.constant 16 : i32
        %mul3A_178 = arith.muli %scan3A_170, %mul3A_177 : i32
        %get3A_179 = arith.constant 1 : i32
        %get3A_180 = arith.index_cast %get3A_179 : i32 to index
        %get3A_181 = arith.index_cast %mul3A_178 : i32 to index
        %get3A_182 = tpu.vector_load %arg11[%get3A_180, %get3A_181] {strides = array<i32>} : memref<2x1024xf32, #tpu.memory_space<vmem>>, vector<16xf32>,
        %get3A_183 = arith.index_cast %scan3A_170 : i32 to index
        %get3A_184 = arith.constant 0 : index
        %get3A_185 = tpu.vector_load %arg10[%get3A_183, %get3A_184] {strides = array<i32>} : memref<64x64xf32, #tpu.memory_space<vmem>>, vector<16xf32>,
        %mul3A_186 = arith.mulf %get3A_185, %get3A_176 : vector<16xf32>
        %add3A_187 = arith.addf %add3A_145, %mul3A_186 : vector<16xf32>
        %mul3A_188 = arith.mulf %get3A_185, %get3A_182 : vector<16xf32>
        %add3A_189 = arith.addf %add3A_147, %mul3A_188 : vector<16xf32>
        %get3A_190 = arith.index_cast %scan3A_170 : i32 to index
        %get3A_191 = arith.constant 16 : index
        %get3A_192 = tpu.vector_load %arg10[%get3A_190, %get3A_191] {strides = array<i32>} : memref<64x64xf32, #tpu.memory_space<vmem>>, vector<16xf32>,
        %mul3A_193 = arith.mulf %get3A_192, %get3A_176 : vector<16xf32>
        %add3A_194 = arith.addf %add3A_152, %mul3A_193 : vector<16xf32>
        %mul3A_195 = arith.mulf %get3A_192, %get3A_182 : vector<16xf32>
        %add3A_196 = arith.addf %add3A_154, %mul3A_195 : vector<16xf32>
        %get3A_197 = arith.index_cast %scan3A_170 : i32 to index
        %get3A_198 = arith.constant 32 : index
        %get3A_199 = tpu.vector_load %arg10[%get3A_197, %get3A_198] {strides = array<i32>} : memref<64x64xf32, #tpu.memory_space<vmem>>, vector<16xf32>,
        %mul3A_200 = arith.mulf %get3A_199, %get3A_176 : vector<16xf32>
        %add3A_201 = arith.addf %add3A_159, %mul3A_200 : vector<16xf32>
        %mul3A_202 = arith.mulf %get3A_199, %get3A_182 : vector<16xf32>
        %add3A_203 = arith.addf %add3A_161, %mul3A_202 : vector<16xf32>
        %get3A_204 = arith.index_cast %scan3A_170 : i32 to index
        %get3A_205 = arith.constant 48 : index
        %get3A_206 = tpu.vector_load %arg10[%get3A_204, %get3A_205] {strides = array<i32>} : memref<64x64xf32, #tpu.memory_space<vmem>>, vector<16xf32>,
        %mul3A_207 = arith.mulf %get3A_206, %get3A_176 : vector<16xf32>
        %add3A_208 = arith.addf %add3A_166, %mul3A_207 : vector<16xf32>
        %mul3A_209 = arith.mulf %get3A_206, %get3A_182 : vector<16xf32>
        %add3A_210 = arith.addf %add3A_168, %mul3A_209 : vector<16xf32>
        %scan3A_211 = arith.constant 2 : i32
        %scan3A_212 = arith.addi %scan3A_120, %scan3A_211 : i32
        %mul3A_213 = arith.constant 16 : i32
        %mul3A_214 = arith.muli %scan3A_212, %mul3A_213 : i32
        %get3A_215 = arith.constant 0 : i32
        %get3A_216 = arith.index_cast %get3A_215 : i32 to index
        %get3A_217 = arith.index_cast %mul3A_214 : i32 to index
        %get3A_218 = tpu.vector_load %arg11[%get3A_216, %get3A_217] {strides = array<i32>} : memref<2x1024xf32, #tpu.memory_space<vmem>>, vector<16xf32>,
        %mul3A_219 = arith.constant 16 : i32
        %mul3A_220 = arith.muli %scan3A_212, %mul3A_219 : i32
        %get3A_221 = arith.constant 1 : i32
        %get3A_222 = arith.index_cast %get3A_221 : i32 to index
        %get3A_223 = arith.index_cast %mul3A_220 : i32 to index
        %get3A_224 = tpu.vector_load %arg11[%get3A_222, %get3A_223] {strides = array<i32>} : memref<2x1024xf32, #tpu.memory_space<vmem>>, vector<16xf32>,
        %get3A_225 = arith.index_cast %scan3A_212 : i32 to index
        %get3A_226 = arith.constant 0 : index
        %get3A_227 = tpu.vector_load %arg10[%get3A_225, %get3A_226] {strides = array<i32>} : memref<64x64xf32, #tpu.memory_space<vmem>>, vector<16xf32>,
        %mul3A_228 = arith.mulf %get3A_227, %get3A_218 : vector<16xf32>
        %add3A_229 = arith.addf %add3A_187, %mul3A_228 : vector<16xf32>
        %mul3A_230 = arith.mulf %get3A_227, %get3A_224 : vector<16xf32>
        %add3A_231 = arith.addf %add3A_189, %mul3A_230 : vector<16xf32>
        %get3A_232 = arith.index_cast %scan3A_212 : i32 to index
        %get3A_233 = arith.constant 16 : index
        %get3A_234 = tpu.vector_load %arg10[%get3A_232, %get3A_233] {strides = array<i32>} : memref<64x64xf32, #tpu.memory_space<vmem>>, vector<16xf32>,
        %mul3A_235 = arith.mulf %get3A_234, %get3A_218 : vector<16xf32>
        %add3A_236 = arith.addf %add3A_194, %mul3A_235 : vector<16xf32>
        %mul3A_237 = arith.mulf %get3A_234, %get3A_224 : vector<16xf32>
        %add3A_238 = arith.addf %add3A_196, %mul3A_237 : vector<16xf32>
        %get3A_239 = arith.index_cast %scan3A_212 : i32 to index
        %get3A_240 = arith.constant 32 : index
        %get3A_241 = tpu.vector_load %arg10[%get3A_239, %get3A_240] {strides = array<i32>} : memref<64x64xf32, #tpu.memory_space<vmem>>, vector<16xf32>,
        %mul3A_242 = arith.mulf %get3A_241, %get3A_218 : vector<16xf32>
        %add3A_243 = arith.addf %add3A_201, %mul3A_242 : vector<16xf32>
        %mul3A_244 = arith.mulf %get3A_241, %get3A_224 : vector<16xf32>
        %add3A_245 = arith.addf %add3A_203, %mul3A_244 : vector<16xf32>
        %get3A_246 = arith.index_cast %scan3A_212 : i32 to index
        %get3A_247 = arith.constant 48 : index
        %get3A_248 = tpu.vector_load %arg10[%get3A_246, %get3A_247] {strides = array<i32>} : memref<64x64xf32, #tpu.memory_space<vmem>>, vector<16xf32>,
        %mul3A_249 = arith.mulf %get3A_248, %get3A_218 : vector<16xf32>
        %add3A_250 = arith.addf %add3A_208, %mul3A_249 : vector<16xf32>
        %mul3A_251 = arith.mulf %get3A_248, %get3A_224 : vector<16xf32>
        %add3A_252 = arith.addf %add3A_210, %mul3A_251 : vector<16xf32>
        %scan3A_253 = arith.constant 3 : i32
        %scan3A_254 = arith.addi %scan3A_120, %scan3A_253 : i32
        %mul3A_255 = arith.constant 16 : i32
        %mul3A_256 = arith.muli %scan3A_254, %mul3A_255 : i32
        %get3A_257 = arith.constant 0 : i32
        %get3A_258 = arith.index_cast %get3A_257 : i32 to index
        %get3A_259 = arith.index_cast %mul3A_256 : i32 to index
        %get3A_260 = tpu.vector_load %arg11[%get3A_258, %get3A_259] {strides = array<i32>} : memref<2x1024xf32, #tpu.memory_space<vmem>>, vector<16xf32>,
        %mul3A_261 = arith.constant 16 : i32
        %mul3A_262 = arith.muli %scan3A_254, %mul3A_261 : i32
        %get3A_263 = arith.constant 1 : i32
        %get3A_264 = arith.index_cast %get3A_263 : i32 to index
        %get3A_265 = arith.index_cast %mul3A_262 : i32 to index
        %get3A_266 = tpu.vector_load %arg11[%get3A_264, %get3A_265] {strides = array<i32>} : memref<2x1024xf32, #tpu.memory_space<vmem>>, vector<16xf32>,
        %get3A_267 = arith.index_cast %scan3A_254 : i32 to index
        %get3A_268 = arith.constant 0 : index
        %get3A_269 = tpu.vector_load %arg10[%get3A_267, %get3A_268] {strides = array<i32>} : memref<64x64xf32, #tpu.memory_space<vmem>>, vector<16xf32>,
        %mul3A_270 = arith.mulf %get3A_269, %get3A_260 : vector<16xf32>
        %add3A_271 = arith.addf %add3A_229, %mul3A_270 : vector<16xf32>
        %mul3A_272 = arith.mulf %get3A_269, %get3A_266 : vector<16xf32>
        %add3A_273 = arith.addf %add3A_231, %mul3A_272 : vector<16xf32>
        %get3A_274 = arith.index_cast %scan3A_254 : i32 to index
        %get3A_275 = arith.constant 16 : index
        %get3A_276 = tpu.vector_load %arg10[%get3A_274, %get3A_275] {strides = array<i32>} : memref<64x64xf32, #tpu.memory_space<vmem>>, vector<16xf32>,
        %mul3A_277 = arith.mulf %get3A_276, %get3A_260 : vector<16xf32>
        %add3A_278 = arith.addf %add3A_236, %mul3A_277 : vector<16xf32>
        %mul3A_279 = arith.mulf %get3A_276, %get3A_266 : vector<16xf32>
        %add3A_280 = arith.addf %add3A_238, %mul3A_279 : vector<16xf32>
        %get3A_281 = arith.index_cast %scan3A_254 : i32 to index
        %get3A_282 = arith.constant 32 : index
        %get3A_283 = tpu.vector_load %arg10[%get3A_281, %get3A_282] {strides = array<i32>} : memref<64x64xf32, #tpu.memory_space<vmem>>, vector<16xf32>,
        %mul3A_284 = arith.mulf %get3A_283, %get3A_260 : vector<16xf32>
        %add3A_285 = arith.addf %add3A_243, %mul3A_284 : vector<16xf32>
        %mul3A_286 = arith.mulf %get3A_283, %get3A_266 : vector<16xf32>
        %add3A_287 = arith.addf %add3A_245, %mul3A_286 : vector<16xf32>
        %get3A_288 = arith.index_cast %scan3A_254 : i32 to index
        %get3A_289 = arith.constant 48 : index
        %get3A_290 = tpu.vector_load %arg10[%get3A_288, %get3A_289] {strides = array<i32>} : memref<64x64xf32, #tpu.memory_space<vmem>>, vector<16xf32>,
        %mul3A_291 = arith.mulf %get3A_290, %get3A_260 : vector<16xf32>
        %add3A_292 = arith.addf %add3A_250, %mul3A_291 : vector<16xf32>
        %mul3A_293 = arith.mulf %get3A_290, %get3A_266 : vector<16xf32>
        %add3A_294 = arith.addf %add3A_252, %mul3A_293 : vector<16xf32>
        %scan3A_295 = arith.constant 4 : i32
        %scan3A_296 = arith.addi %scan3A_120, %scan3A_295 : i32
        %mul3A_297 = arith.constant 16 : i32
        %mul3A_298 = arith.muli %scan3A_296, %mul3A_297 : i32
        %get3A_299 = arith.constant 0 : i32
        %get3A_300 = arith.index_cast %get3A_299 : i32 to index
        %get3A_301 = arith.index_cast %mul3A_298 : i32 to index
        %get3A_302 = tpu.vector_load %arg11[%get3A_300, %get3A_301] {strides = array<i32>} : memref<2x1024xf32, #tpu.memory_space<vmem>>, vector<16xf32>,
        %mul3A_303 = arith.constant 16 : i32
        %mul3A_304 = arith.muli %scan3A_296, %mul3A_303 : i32
        %get3A_305 = arith.constant 1 : i32
        %get3A_306 = arith.index_cast %get3A_305 : i32 to index
        %get3A_307 = arith.index_cast %mul3A_304 : i32 to index
        %get3A_308 = tpu.vector_load %arg11[%get3A_306, %get3A_307] {strides = array<i32>} : memref<2x1024xf32, #tpu.memory_space<vmem>>, vector<16xf32>,
        %get3A_309 = arith.index_cast %scan3A_296 : i32 to index
        %get3A_310 = arith.constant 0 : index
        %get3A_311 = tpu.vector_load %arg10[%get3A_309, %get3A_310] {strides = array<i32>} : memref<64x64xf32, #tpu.memory_space<vmem>>, vector<16xf32>,
        %mul3A_312 = arith.mulf %get3A_311, %get3A_302 : vector<16xf32>
        %add3A_313 = arith.addf %add3A_271, %mul3A_312 : vector<16xf32>
        %mul3A_314 = arith.mulf %get3A_311, %get3A_308 : vector<16xf32>
        %add3A_315 = arith.addf %add3A_273, %mul3A_314 : vector<16xf32>
        %get3A_316 = arith.index_cast %scan3A_296 : i32 to index
        %get3A_317 = arith.constant 16 : index
        %get3A_318 = tpu.vector_load %arg10[%get3A_316, %get3A_317] {strides = array<i32>} : memref<64x64xf32, #tpu.memory_space<vmem>>, vector<16xf32>,
        %mul3A_319 = arith.mulf %get3A_318, %get3A_302 : vector<16xf32>
        %add3A_320 = arith.addf %add3A_278, %mul3A_319 : vector<16xf32>
        %mul3A_321 = arith.mulf %get3A_318, %get3A_308 : vector<16xf32>
        %add3A_322 = arith.addf %add3A_280, %mul3A_321 : vector<16xf32>
        %get3A_323 = arith.index_cast %scan3A_296 : i32 to index
        %get3A_324 = arith.constant 32 : index
        %get3A_325 = tpu.vector_load %arg10[%get3A_323, %get3A_324] {strides = array<i32>} : memref<64x64xf32, #tpu.memory_space<vmem>>, vector<16xf32>,
        %mul3A_326 = arith.mulf %get3A_325, %get3A_302 : vector<16xf32>
        %add3A_327 = arith.addf %add3A_285, %mul3A_326 : vector<16xf32>
        %mul3A_328 = arith.mulf %get3A_325, %get3A_308 : vector<16xf32>
        %add3A_329 = arith.addf %add3A_287, %mul3A_328 : vector<16xf32>
        %get3A_330 = arith.index_cast %scan3A_296 : i32 to index
        %get3A_331 = arith.constant 48 : index
        %get3A_332 = tpu.vector_load %arg10[%get3A_330, %get3A_331] {strides = array<i32>} : memref<64x64xf32, #tpu.memory_space<vmem>>, vector<16xf32>,
        %mul3A_333 = arith.mulf %get3A_332, %get3A_302 : vector<16xf32>
        %add3A_334 = arith.addf %add3A_292, %mul3A_333 : vector<16xf32>
        %mul3A_335 = arith.mulf %get3A_332, %get3A_308 : vector<16xf32>
        %add3A_336 = arith.addf %add3A_294, %mul3A_335 : vector<16xf32>
        %scan3A_337 = arith.constant 5 : i32
        %scan3A_338 = arith.addi %scan3A_120, %scan3A_337 : i32
        %mul3A_339 = arith.constant 16 : i32
        %mul3A_340 = arith.muli %scan3A_338, %mul3A_339 : i32
        %get3A_341 = arith.constant 0 : i32
        %get3A_342 = arith.index_cast %get3A_341 : i32 to index
        %get3A_343 = arith.index_cast %mul3A_340 : i32 to index
        %get3A_344 = tpu.vector_load %arg11[%get3A_342, %get3A_343] {strides = array<i32>} : memref<2x1024xf32, #tpu.memory_space<vmem>>, vector<16xf32>,
        %mul3A_345 = arith.constant 16 : i32
        %mul3A_346 = arith.muli %scan3A_338, %mul3A_345 : i32
        %get3A_347 = arith.constant 1 : i32
        %get3A_348 = arith.index_cast %get3A_347 : i32 to index
        %get3A_349 = arith.index_cast %mul3A_346 : i32 to index
        %get3A_350 = tpu.vector_load %arg11[%get3A_348, %get3A_349] {strides = array<i32>} : memref<2x1024xf32, #tpu.memory_space<vmem>>, vector<16xf32>,
        %get3A_351 = arith.index_cast %scan3A_338 : i32 to index
        %get3A_352 = arith.constant 0 : index
        %get3A_353 = tpu.vector_load %arg10[%get3A_351, %get3A_352] {strides = array<i32>} : memref<64x64xf32, #tpu.memory_space<vmem>>, vector<16xf32>,
        %mul3A_354 = arith.mulf %get3A_353, %get3A_344 : vector<16xf32>
        %add3A_355 = arith.addf %add3A_313, %mul3A_354 : vector<16xf32>
        %mul3A_356 = arith.mulf %get3A_353, %get3A_350 : vector<16xf32>
        %add3A_357 = arith.addf %add3A_315, %mul3A_356 : vector<16xf32>
        %get3A_358 = arith.index_cast %scan3A_338 : i32 to index
        %get3A_359 = arith.constant 16 : index
        %get3A_360 = tpu.vector_load %arg10[%get3A_358, %get3A_359] {strides = array<i32>} : memref<64x64xf32, #tpu.memory_space<vmem>>, vector<16xf32>,
        %mul3A_361 = arith.mulf %get3A_360, %get3A_344 : vector<16xf32>
        %add3A_362 = arith.addf %add3A_320, %mul3A_361 : vector<16xf32>
        %mul3A_363 = arith.mulf %get3A_360, %get3A_350 : vector<16xf32>
        %add3A_364 = arith.addf %add3A_322, %mul3A_363 : vector<16xf32>
        %get3A_365 = arith.index_cast %scan3A_338 : i32 to index
        %get3A_366 = arith.constant 32 : index
        %get3A_367 = tpu.vector_load %arg10[%get3A_365, %get3A_366] {strides = array<i32>} : memref<64x64xf32, #tpu.memory_space<vmem>>, vector<16xf32>,
        %mul3A_368 = arith.mulf %get3A_367, %get3A_344 : vector<16xf32>
        %add3A_369 = arith.addf %add3A_327, %mul3A_368 : vector<16xf32>
        %mul3A_370 = arith.mulf %get3A_367, %get3A_350 : vector<16xf32>
        %add3A_371 = arith.addf %add3A_329, %mul3A_370 : vector<16xf32>
        %get3A_372 = arith.index_cast %scan3A_338 : i32 to index
        %get3A_373 = arith.constant 48 : index
        %get3A_374 = tpu.vector_load %arg10[%get3A_372, %get3A_373] {strides = array<i32>} : memref<64x64xf32, #tpu.memory_space<vmem>>, vector<16xf32>,
        %mul3A_375 = arith.mulf %get3A_374, %get3A_344 : vector<16xf32>
        %add3A_376 = arith.addf %add3A_334, %mul3A_375 : vector<16xf32>
        %mul3A_377 = arith.mulf %get3A_374, %get3A_350 : vector<16xf32>
        %add3A_378 = arith.addf %add3A_336, %mul3A_377 : vector<16xf32>
        %scan3A_379 = arith.constant 6 : i32
        %scan3A_380 = arith.addi %scan3A_120, %scan3A_379 : i32
        %mul3A_381 = arith.constant 16 : i32
        %mul3A_382 = arith.muli %scan3A_380, %mul3A_381 : i32
        %get3A_383 = arith.constant 0 : i32
        %get3A_384 = arith.index_cast %get3A_383 : i32 to index
        %get3A_385 = arith.index_cast %mul3A_382 : i32 to index
        %get3A_386 = tpu.vector_load %arg11[%get3A_384, %get3A_385] {strides = array<i32>} : memref<2x1024xf32, #tpu.memory_space<vmem>>, vector<16xf32>,
        %mul3A_387 = arith.constant 16 : i32
        %mul3A_388 = arith.muli %scan3A_380, %mul3A_387 : i32
        %get3A_389 = arith.constant 1 : i32
        %get3A_390 = arith.index_cast %get3A_389 : i32 to index
        %get3A_391 = arith.index_cast %mul3A_388 : i32 to index
        %get3A_392 = tpu.vector_load %arg11[%get3A_390, %get3A_391] {strides = array<i32>} : memref<2x1024xf32, #tpu.memory_space<vmem>>, vector<16xf32>,
        %get3A_393 = arith.index_cast %scan3A_380 : i32 to index
        %get3A_394 = arith.constant 0 : index
        %get3A_395 = tpu.vector_load %arg10[%get3A_393, %get3A_394] {strides = array<i32>} : memref<64x64xf32, #tpu.memory_space<vmem>>, vector<16xf32>,
        %mul3A_396 = arith.mulf %get3A_395, %get3A_386 : vector<16xf32>
        %add3A_397 = arith.addf %add3A_355, %mul3A_396 : vector<16xf32>
        %mul3A_398 = arith.mulf %get3A_395, %get3A_392 : vector<16xf32>
        %add3A_399 = arith.addf %add3A_357, %mul3A_398 : vector<16xf32>
        %get3A_400 = arith.index_cast %scan3A_380 : i32 to index
        %get3A_401 = arith.constant 16 : index
        %get3A_402 = tpu.vector_load %arg10[%get3A_400, %get3A_401] {strides = array<i32>} : memref<64x64xf32, #tpu.memory_space<vmem>>, vector<16xf32>,
        %mul3A_403 = arith.mulf %get3A_402, %get3A_386 : vector<16xf32>
        %add3A_404 = arith.addf %add3A_362, %mul3A_403 : vector<16xf32>
        %mul3A_405 = arith.mulf %get3A_402, %get3A_392 : vector<16xf32>
        %add3A_406 = arith.addf %add3A_364, %mul3A_405 : vector<16xf32>
        %get3A_407 = arith.index_cast %scan3A_380 : i32 to index
        %get3A_408 = arith.constant 32 : index
        %get3A_409 = tpu.vector_load %arg10[%get3A_407, %get3A_408] {strides = array<i32>} : memref<64x64xf32, #tpu.memory_space<vmem>>, vector<16xf32>,
        %mul3A_410 = arith.mulf %get3A_409, %get3A_386 : vector<16xf32>
        %add3A_411 = arith.addf %add3A_369, %mul3A_410 : vector<16xf32>
        %mul3A_412 = arith.mulf %get3A_409, %get3A_392 : vector<16xf32>
        %add3A_413 = arith.addf %add3A_371, %mul3A_412 : vector<16xf32>
        %get3A_414 = arith.index_cast %scan3A_380 : i32 to index
        %get3A_415 = arith.constant 48 : index
        %get3A_416 = tpu.vector_load %arg10[%get3A_414, %get3A_415] {strides = array<i32>} : memref<64x64xf32, #tpu.memory_space<vmem>>, vector<16xf32>,
        %mul3A_417 = arith.mulf %get3A_416, %get3A_386 : vector<16xf32>
        %add3A_418 = arith.addf %add3A_376, %mul3A_417 : vector<16xf32>
        %mul3A_419 = arith.mulf %get3A_416, %get3A_392 : vector<16xf32>
        %add3A_420 = arith.addf %add3A_378, %mul3A_419 : vector<16xf32>
        %scan3A_421 = arith.constant 7 : i32
        %scan3A_422 = arith.addi %scan3A_120, %scan3A_421 : i32
        %mul3A_423 = arith.constant 16 : i32
        %mul3A_424 = arith.muli %scan3A_422, %mul3A_423 : i32
        %get3A_425 = arith.constant 0 : i32
        %get3A_426 = arith.index_cast %get3A_425 : i32 to index
        %get3A_427 = arith.index_cast %mul3A_424 : i32 to index
        %get3A_428 = tpu.vector_load %arg11[%get3A_426, %get3A_427] {strides = array<i32>} : memref<2x1024xf32, #tpu.memory_space<vmem>>, vector<16xf32>,
        %mul3A_429 = arith.constant 16 : i32
        %mul3A_430 = arith.muli %scan3A_422, %mul3A_429 : i32
        %get3A_431 = arith.constant 1 : i32
        %get3A_432 = arith.index_cast %get3A_431 : i32 to index
        %get3A_433 = arith.index_cast %mul3A_430 : i32 to index
        %get3A_434 = tpu.vector_load %arg11[%get3A_432, %get3A_433] {strides = array<i32>} : memref<2x1024xf32, #tpu.memory_space<vmem>>, vector<16xf32>,
        %get3A_435 = arith.index_cast %scan3A_422 : i32 to index
        %get3A_436 = arith.constant 0 : index
        %get3A_437 = tpu.vector_load %arg10[%get3A_435, %get3A_436] {strides = array<i32>} : memref<64x64xf32, #tpu.memory_space<vmem>>, vector<16xf32>,
        %mul3A_438 = arith.mulf %get3A_437, %get3A_428 : vector<16xf32>
        %add3A_439 = arith.addf %add3A_397, %mul3A_438 : vector<16xf32>
        %mul3A_440 = arith.mulf %get3A_437, %get3A_434 : vector<16xf32>
        %add3A_441 = arith.addf %add3A_399, %mul3A_440 : vector<16xf32>
        %get3A_442 = arith.index_cast %scan3A_422 : i32 to index
        %get3A_443 = arith.constant 16 : index
        %get3A_444 = tpu.vector_load %arg10[%get3A_442, %get3A_443] {strides = array<i32>} : memref<64x64xf32, #tpu.memory_space<vmem>>, vector<16xf32>,
        %mul3A_445 = arith.mulf %get3A_444, %get3A_428 : vector<16xf32>
        %add3A_446 = arith.addf %add3A_404, %mul3A_445 : vector<16xf32>
        %mul3A_447 = arith.mulf %get3A_444, %get3A_434 : vector<16xf32>
        %add3A_448 = arith.addf %add3A_406, %mul3A_447 : vector<16xf32>
        %get3A_449 = arith.index_cast %scan3A_422 : i32 to index
        %get3A_450 = arith.constant 32 : index
        %get3A_451 = tpu.vector_load %arg10[%get3A_449, %get3A_450] {strides = array<i32>} : memref<64x64xf32, #tpu.memory_space<vmem>>, vector<16xf32>,
        %mul3A_452 = arith.mulf %get3A_451, %get3A_428 : vector<16xf32>
        %add3A_453 = arith.addf %add3A_411, %mul3A_452 : vector<16xf32>
        %mul3A_454 = arith.mulf %get3A_451, %get3A_434 : vector<16xf32>
        %add3A_455 = arith.addf %add3A_413, %mul3A_454 : vector<16xf32>
        %get3A_456 = arith.index_cast %scan3A_422 : i32 to index
        %get3A_457 = arith.constant 48 : index
        %get3A_458 = tpu.vector_load %arg10[%get3A_456, %get3A_457] {strides = array<i32>} : memref<64x64xf32, #tpu.memory_space<vmem>>, vector<16xf32>,
        %mul3A_459 = arith.mulf %get3A_458, %get3A_428 : vector<16xf32>
        %add3A_460 = arith.addf %add3A_418, %mul3A_459 : vector<16xf32>
        %mul3A_461 = arith.mulf %get3A_458, %get3A_434 : vector<16xf32>
        %add3A_462 = arith.addf %add3A_420, %mul3A_461 : vector<16xf32>
        scf.yield %add3A_439, %add3A_441, %add3A_446, %add3A_448, %add3A_453, %add3A_455, %add3A_460, %add3A_462 : vector<16xf32>, vector<16xf32>, vector<16xf32>, vector<16xf32>, vector<16xf32>, vector<16xf32>, vector<16xf32>, vector<16xf32>
      }
      %scan3A_63 = arith.constant 64 : i32
      %add3A_64 = arith.constant 0 : i32
      %add3A_65 = vector.broadcast %add3A_64 : i32 to vector<16xi32>
      %add3A_66 = arith.addi %add3A_65, %iota3A : vector<16xi32>
      %mul3A_67 = arith.constant 8 : i32
      %mul3A_68 = vector.broadcast %mul3A_67 : i32 to vector<16xi32>
      %mul3A_69 = arith.muli %add3A_66, %mul3A_68 : vector<16xi32>
      %add3A_70 = arith.addf %scan3A_62#0, %get3A_8 : vector<16xf32>
      tpu.vector_store_idx %arg9[%mul3A_69], %add3A_70 : memref<4096xf32, #tpu.memory_space<vmem>>[vector<16xi32>], vector<16xf32>,
      %mul3A_71 = arith.constant 8 : i32
      %mul3A_72 = vector.broadcast %mul3A_71 : i32 to vector<16xi32>
      %mul3A_73 = arith.muli %add3A_66, %mul3A_72 : vector<16xi32>
      %add3A_74 = arith.constant 1 : i32
      %add3A_75 = vector.broadcast %add3A_74 : i32 to vector<16xi32>
      %add3A_76 = arith.addi %mul3A_73, %add3A_75 : vector<16xi32>
      %add3A_77 = arith.addf %scan3A_62#1, %get3A_12 : vector<16xf32>
      tpu.vector_store_idx %arg9[%add3A_76], %add3A_77 : memref<4096xf32, #tpu.memory_space<vmem>>[vector<16xi32>], vector<16xf32>,
      %add3A_78 = arith.constant 16 : i32
      %add3A_79 = vector.broadcast %add3A_78 : i32 to vector<16xi32>
      %add3A_80 = arith.addi %add3A_79, %iota3A : vector<16xi32>
      %mul3A_81 = arith.constant 8 : i32
      %mul3A_82 = vector.broadcast %mul3A_81 : i32 to vector<16xi32>
      %mul3A_83 = arith.muli %add3A_80, %mul3A_82 : vector<16xi32>
      %add3A_84 = arith.addf %scan3A_62#2, %get3A_8 : vector<16xf32>
      tpu.vector_store_idx %arg9[%mul3A_83], %add3A_84 : memref<4096xf32, #tpu.memory_space<vmem>>[vector<16xi32>], vector<16xf32>,
      %mul3A_85 = arith.constant 8 : i32
      %mul3A_86 = vector.broadcast %mul3A_85 : i32 to vector<16xi32>
      %mul3A_87 = arith.muli %add3A_80, %mul3A_86 : vector<16xi32>
      %add3A_88 = arith.constant 1 : i32
      %add3A_89 = vector.broadcast %add3A_88 : i32 to vector<16xi32>
      %add3A_90 = arith.addi %mul3A_87, %add3A_89 : vector<16xi32>
      %add3A_91 = arith.addf %scan3A_62#3, %get3A_12 : vector<16xf32>
      tpu.vector_store_idx %arg9[%add3A_90], %add3A_91 : memref<4096xf32, #tpu.memory_space<vmem>>[vector<16xi32>], vector<16xf32>,
      %add3A_92 = arith.constant 32 : i32
      %add3A_93 = vector.broadcast %add3A_92 : i32 to vector<16xi32>
      %add3A_94 = arith.addi %add3A_93, %iota3A : vector<16xi32>
      %mul3A_95 = arith.constant 8 : i32
      %mul3A_96 = vector.broadcast %mul3A_95 : i32 to vector<16xi32>
      %mul3A_97 = arith.muli %add3A_94, %mul3A_96 : vector<16xi32>
      %add3A_98 = arith.addf %scan3A_62#4, %get3A_8 : vector<16xf32>
      tpu.vector_store_idx %arg9[%mul3A_97], %add3A_98 : memref<4096xf32, #tpu.memory_space<vmem>>[vector<16xi32>], vector<16xf32>,
      %mul3A_99 = arith.constant 8 : i32
      %mul3A_100 = vector.broadcast %mul3A_99 : i32 to vector<16xi32>
      %mul3A_101 = arith.muli %add3A_94, %mul3A_100 : vector<16xi32>
      %add3A_102 = arith.constant 1 : i32
      %add3A_103 = vector.broadcast %add3A_102 : i32 to vector<16xi32>
      %add3A_104 = arith.addi %mul3A_101, %add3A_103 : vector<16xi32>
      %add3A_105 = arith.addf %scan3A_62#5, %get3A_12 : vector<16xf32>
      tpu.vector_store_idx %arg9[%add3A_104], %add3A_105 : memref<4096xf32, #tpu.memory_space<vmem>>[vector<16xi32>], vector<16xf32>,
      %add3A_106 = arith.constant 48 : i32
      %add3A_107 = vector.broadcast %add3A_106 : i32 to vector<16xi32>
      %add3A_108 = arith.addi %add3A_107, %iota3A : vector<16xi32>
      %mul3A_109 = arith.constant 8 : i32
      %mul3A_110 = vector.broadcast %mul3A_109 : i32 to vector<16xi32>
      %mul3A_111 = arith.muli %add3A_108, %mul3A_110 : vector<16xi32>
      %add3A_112 = arith.addf %scan3A_62#6, %get3A_8 : vector<16xf32>
      tpu.vector_store_idx %arg9[%mul3A_111], %add3A_112 : memref<4096xf32, #tpu.memory_space<vmem>>[vector<16xi32>], vector<16xf32>,
      %mul3A_113 = arith.constant 8 : i32
      %mul3A_114 = vector.broadcast %mul3A_113 : i32 to vector<16xi32>
      %mul3A_115 = arith.muli %add3A_108, %mul3A_114 : vector<16xi32>
      %add3A_116 = arith.constant 1 : i32
      %add3A_117 = vector.broadcast %add3A_116 : i32 to vector<16xi32>
      %add3A_118 = arith.addi %mul3A_115, %add3A_117 : vector<16xi32>
      %add3A_119 = arith.addf %scan3A_62#7, %get3A_12 : vector<16xf32>
      tpu.vector_store_idx %arg9[%add3A_118], %add3A_119 : memref<4096xf32, #tpu.memory_space<vmem>>[vector<16xi32>], vector<16xf32>,
      "tpu.region"() ({
        %run_scoped3A = tpu.sem_alloc : memref<!tpu.dma_semaphore, #tpu.memory_space<semaphore_mem>>
        %dma_start3A_120 = arith.constant 0 : i32
        %dma_start3A_121 = tpu.memref_slice %arg9[%dma_start3A_120] : memref<4096xf32, #tpu.memory_space<vmem>> -> memref<512xf32, #tpu.memory_space<vmem>>
        %dma_start3A_122 = arith.constant 4919296 : i32
        %dma_start3A_123 = tpu.memref_slice %arg6[%dma_start3A_122] : memref<4919808xf32, #tpu.memory_space<hbm>> -> memref<512xf32, #tpu.memory_space<hbm>>
        %dma_start3A_124 = arith.constant 4919296 : i32
        %dma_start3A_125 = tpu.memref_slice %arg6[%dma_start3A_124] : memref<4919808xf32, #tpu.memory_space<hbm>> -> memref<512xf32, #tpu.memory_space<hbm>>
        %dma_start3A_126 = arith.constant 0 : i32
        %dma_start3A_127 = tpu.memref_slice %arg9[%dma_start3A_126] : memref<4096xf32, #tpu.memory_space<vmem>> -> memref<512xf32, #tpu.memory_space<vmem>>
        tpu.enqueue_dma source(%dma_start3A_127 : memref<512xf32, #tpu.memory_space<vmem>>) target(%dma_start3A_125 : memref<512xf32, #tpu.memory_space<hbm>>) target_semaphore(%run_scoped3A : memref<!tpu.dma_semaphore, #tpu.memory_space<semaphore_mem>>)
        %dma_wait3A_128 = arith.constant 0 : i32
        %dma_wait3A_129 = tpu.memref_slice %arg9[%dma_wait3A_128] : memref<4096xf32, #tpu.memory_space<vmem>> -> memref<512xf32, #tpu.memory_space<vmem>>
        %dma_wait3A_130 = arith.constant 4919296 : i32
        %dma_wait3A_131 = tpu.memref_slice %arg6[%dma_wait3A_130] : memref<4919808xf32, #tpu.memory_space<hbm>> -> memref<512xf32, #tpu.memory_space<hbm>>
        %dma_wait3A_132 = arith.constant 4919296 : i32
        %dma_wait3A_133 = tpu.memref_slice %arg6[%dma_wait3A_132] : memref<4919808xf32, #tpu.memory_space<hbm>> -> memref<512xf32, #tpu.memory_space<hbm>>
        %dma_wait3A_134 = arith.constant 0 : i32
        %dma_wait3A_135 = tpu.memref_slice %arg9[%dma_wait3A_134] : memref<4096xf32, #tpu.memory_space<vmem>> -> memref<512xf32, #tpu.memory_space<vmem>>
        tpu.wait_dma2 semaphore(%run_scoped3A : memref<!tpu.dma_semaphore, #tpu.memory_space<semaphore_mem>>) src(%dma_wait3A_135 : memref<512xf32, #tpu.memory_space<vmem>>) dst(%dma_wait3A_133 : memref<512xf32, #tpu.memory_space<hbm>>)
        tpu.yield
      }) : () -> ()
    } else {
    }
    return
  }
}

#map = affine_map<(d0, d1) -> (0, 0)>
#map1 = affine_map<(d0, d1) -> (0)>
module attributes {stable_mosaic.version = 14 : i64} {
  func.func @_gather_sc(%arg0: i32, %arg1: i32, %arg2: memref<32x512xi32, #tpu.memory_space<hbm>>, %arg3: memref<385024x8xf32, #tpu.memory_space<hbm>>, %arg4: memref<4919808xf32, #tpu.memory_space<hbm>>, %arg5: memref<2x16384xf32, #tpu.memory_space<hbm>>, %arg6: memref<512xi32, #tpu.memory_space<vmem>>, %arg7: memref<512x8xf32, #tpu.memory_space<vmem>>, %arg8: memref<4096xf32, #tpu.memory_space<vmem>>, %arg9: memref<512xf32, #tpu.memory_space<vmem>>, %arg10: memref<512xf32, #tpu.memory_space<vmem>>, %arg11: memref<!tpu.dma_semaphore, #tpu.memory_space<semaphore_mem>>, %arg12: memref<!tpu.dma_semaphore, #tpu.memory_space<semaphore_mem>>) attributes {dimension_semantics = [#tpu.dimension_semantics<core_parallel>, #tpu.dimension_semantics<subcore_parallel>], iteration_bounds = array<i64: 2, 16>, scalar_prefetch = 0 : i64, scratch_operands = 7 : i64, tpu.core_type = #tpu.core_type<sc_vector_subcore>, window_params = [{transform_indices = #map}, {transform_indices = #map}, {transform_indices = #map1}, {transform_indices = #map}]} {
    %mul3A = arith.constant 2 : i32
    %mul3A_0 = arith.muli %arg1, %mul3A : i32
    %add3A = arith.addi %mul3A_0, %arg0 : i32
    "tpu.region"() ({
      %run_scoped3A_39 = tpu.sem_alloc : memref<!tpu.dma_semaphore, #tpu.memory_space<semaphore_mem>>
      %dma_start3A = arith.constant 0 : i32
      %dma_start3A_40 = tpu.memref_slice %arg2[%add3A, %dma_start3A] : memref<32x512xi32, #tpu.memory_space<hbm>> -> memref<1x512xi32, #tpu.memory_space<hbm>>
      %dma_start3A_41 = tpu.memref_squeeze %dma_start3A_40 : memref<1x512xi32, #tpu.memory_space<hbm>> -> memref<512xi32, #tpu.memory_space<hbm>>
      %dma_start3A_42 = arith.constant 0 : i32
      %dma_start3A_43 = tpu.memref_slice %arg2[%add3A, %dma_start3A_42] : memref<32x512xi32, #tpu.memory_space<hbm>> -> memref<1x512xi32, #tpu.memory_space<hbm>>
      %dma_start3A_44 = tpu.memref_squeeze %dma_start3A_43 : memref<1x512xi32, #tpu.memory_space<hbm>> -> memref<512xi32, #tpu.memory_space<hbm>>
      tpu.enqueue_dma source(%dma_start3A_44 : memref<512xi32, #tpu.memory_space<hbm>>) target(%arg6 : memref<512xi32, #tpu.memory_space<vmem>>) target_semaphore(%run_scoped3A_39 : memref<!tpu.dma_semaphore, #tpu.memory_space<semaphore_mem>>)
      %dma_wait3A = arith.constant 0 : i32
      %dma_wait3A_45 = tpu.memref_slice %arg2[%add3A, %dma_wait3A] : memref<32x512xi32, #tpu.memory_space<hbm>> -> memref<1x512xi32, #tpu.memory_space<hbm>>
      %dma_wait3A_46 = tpu.memref_squeeze %dma_wait3A_45 : memref<1x512xi32, #tpu.memory_space<hbm>> -> memref<512xi32, #tpu.memory_space<hbm>>
      %dma_wait3A_47 = arith.constant 0 : i32
      %dma_wait3A_48 = tpu.memref_slice %arg2[%add3A, %dma_wait3A_47] : memref<32x512xi32, #tpu.memory_space<hbm>> -> memref<1x512xi32, #tpu.memory_space<hbm>>
      %dma_wait3A_49 = tpu.memref_squeeze %dma_wait3A_48 : memref<1x512xi32, #tpu.memory_space<hbm>> -> memref<512xi32, #tpu.memory_space<hbm>>
      tpu.wait_dma2 semaphore(%run_scoped3A_39 : memref<!tpu.dma_semaphore, #tpu.memory_space<semaphore_mem>>) src(%dma_wait3A_49 : memref<512xi32, #tpu.memory_space<hbm>>) dst(%arg6 : memref<512xi32, #tpu.memory_space<vmem>>)
      tpu.yield
    }) : () -> ()
    %iota3A = tpu.iota {dimensions = array<i32: 0>} : vector<16xi32>
    %broadcast_in_dim3A = arith.constant 0 : i32
    %broadcast_in_dim3A_1 = vector.broadcast %broadcast_in_dim3A : i32 to vector<16xi32>
    %broadcast_in_dim3A_2 = arith.constant 1 : i32
    %broadcast_in_dim3A_3 = vector.broadcast %broadcast_in_dim3A_2 : i32 to vector<16xi32>
    %scan3A = arith.constant 0 : i32
    %scan3A_4 = arith.constant 0 : i32
    %scan3A_5 = arith.constant 32 : i32
    %scan3A_6 = arith.addi %scan3A_4, %scan3A_5 : i32
    %scan3A_7 = arith.constant 1 : i32
    %scan3A_8 = scf.for %scan3A_39 = %scan3A_4 to %scan3A_6 step %scan3A_7 iter_args(%scan3A_40 = %scan3A) -> (i32)  : i32 {
      %mul3A_41 = arith.constant 16 : i32
      %mul3A_42 = arith.muli %scan3A_39, %mul3A_41 : i32
      %get3A = arith.index_cast %mul3A_42 : i32 to index
      %get3A_43 = tpu.vector_load %arg6[%get3A] {strides = array<i32>} : memref<512xi32, #tpu.memory_space<vmem>>, vector<16xi32>,
      %lt3A = arith.constant 385024 : i32
      %lt3A_44 = vector.broadcast %lt3A : i32 to vector<16xi32>
      %lt3A_45 = arith.cmpi slt, %get3A_43, %lt3A_44 : vector<16xi32>
      %all_reduce_population_count3A = tpu.all_reduce %lt3A_45 {dim = 0 : i64, kind = #tpu.reduction_kind<sum>} : vector<16xi1> -> vector<16xi32>
      %slice3A = vector.extract_strided_slice %all_reduce_population_count3A {offsets = [0], sizes = [1], strides = [1]} : vector<16xi32> to vector<1xi32>
      %squeeze3A = vector.extract %slice3A[0] : i32 from vector<1xi32>
      %slice3A_46 = vector.extract_strided_slice %get3A_43 {offsets = [0], sizes = [1], strides = [1]} : vector<16xi32> to vector<1xi32>
      %squeeze3A_47 = vector.extract %slice3A_46[0] : i32 from vector<1xi32>
      %mul3A_48 = arith.constant 16 : i32
      %mul3A_49 = arith.muli %scan3A_39, %mul3A_48 : i32
      %add3A_50 = arith.constant 0 : i32
      %add3A_51 = arith.addi %mul3A_49, %add3A_50 : i32
      %lt3A_52 = arith.constant 385024 : i32
      %lt3A_53 = arith.cmpi slt, %squeeze3A_47, %lt3A_52 : i32
      %convert_element_type3A = arith.extui %lt3A_53 : i1 to i32
      %cond3A = arith.constant 0 : i32
      %cond3A_54 = arith.cmpi ne, %convert_element_type3A, %cond3A : i32
      scf.if %cond3A_54 {
        %dma_start3A = arith.constant 0 : i32
        %dma_start3A_300 = tpu.memref_slice %arg7[%add3A_51, %dma_start3A] : memref<512x8xf32, #tpu.memory_space<vmem>> -> memref<1x8xf32, #tpu.memory_space<vmem>>
        %dma_start3A_301 = arith.constant 0 : i32
        %dma_start3A_302 = tpu.memref_slice %arg3[%squeeze3A_47, %dma_start3A_301] : memref<385024x8xf32, #tpu.memory_space<hbm>> -> memref<1x8xf32, #tpu.memory_space<hbm>>
        %dma_start3A_303 = arith.constant 0 : i32
        %dma_start3A_304 = tpu.memref_slice %arg7[%add3A_51, %dma_start3A_303] : memref<512x8xf32, #tpu.memory_space<vmem>> -> memref<1x8xf32, #tpu.memory_space<vmem>>
        %dma_start3A_305 = arith.constant 0 : i32
        %dma_start3A_306 = tpu.memref_slice %arg3[%squeeze3A_47, %dma_start3A_305] : memref<385024x8xf32, #tpu.memory_space<hbm>> -> memref<1x8xf32, #tpu.memory_space<hbm>>
        tpu.enqueue_dma source(%dma_start3A_306 : memref<1x8xf32, #tpu.memory_space<hbm>>) target(%dma_start3A_304 : memref<1x8xf32, #tpu.memory_space<vmem>>) target_semaphore(%arg11 : memref<!tpu.dma_semaphore, #tpu.memory_space<semaphore_mem>>)
      } else {
      }
      %ge3A = arith.constant 385024 : i32
      %ge3A_55 = arith.cmpi sge, %squeeze3A_47, %ge3A : i32
      %convert_element_type3A_56 = arith.extui %ge3A_55 : i1 to i32
      %cond3A_57 = arith.constant 0 : i32
      %cond3A_58 = arith.cmpi ne, %convert_element_type3A_56, %cond3A_57 : i32
      scf.if %cond3A_58 {
        %sub3A_300 = arith.constant 385024 : i32
        %sub3A_301 = arith.subi %squeeze3A_47, %sub3A_300 : i32
        %mul3A_302 = arith.constant 8 : i32
        %mul3A_303 = arith.muli %sub3A_301, %mul3A_302 : i32
        %mul3A_304 = arith.constant 8 : i32
        %mul3A_305 = arith.muli %add3A_51, %mul3A_304 : i32
        %dma_start3A = tpu.memref_slice %arg8[%mul3A_305] : memref<4096xf32, #tpu.memory_space<vmem>> -> memref<8xf32, #tpu.memory_space<vmem>>
        %dma_start3A_306 = tpu.memref_slice %arg4[%mul3A_303] : memref<4919808xf32, #tpu.memory_space<hbm>> -> memref<8xf32, #tpu.memory_space<hbm>>
        %dma_start3A_307 = tpu.memref_slice %arg8[%mul3A_305] : memref<4096xf32, #tpu.memory_space<vmem>> -> memref<8xf32, #tpu.memory_space<vmem>>
        %dma_start3A_308 = tpu.memref_slice %arg4[%mul3A_303] : memref<4919808xf32, #tpu.memory_space<hbm>> -> memref<8xf32, #tpu.memory_space<hbm>>
        tpu.enqueue_dma source(%dma_start3A_308 : memref<8xf32, #tpu.memory_space<hbm>>) target(%dma_start3A_307 : memref<8xf32, #tpu.memory_space<vmem>>) target_semaphore(%arg12 : memref<!tpu.dma_semaphore, #tpu.memory_space<semaphore_mem>>)
      } else {
      }
      %slice3A_59 = vector.extract_strided_slice %get3A_43 {offsets = [1], sizes = [1], strides = [1]} : vector<16xi32> to vector<1xi32>
      %squeeze3A_60 = vector.extract %slice3A_59[0] : i32 from vector<1xi32>
      %mul3A_61 = arith.constant 16 : i32
      %mul3A_62 = arith.muli %scan3A_39, %mul3A_61 : i32
      %add3A_63 = arith.constant 1 : i32
      %add3A_64 = arith.addi %mul3A_62, %add3A_63 : i32
      %lt3A_65 = arith.constant 385024 : i32
      %lt3A_66 = arith.cmpi slt, %squeeze3A_60, %lt3A_65 : i32
      %convert_element_type3A_67 = arith.extui %lt3A_66 : i1 to i32
      %cond3A_68 = arith.constant 0 : i32
      %cond3A_69 = arith.cmpi ne, %convert_element_type3A_67, %cond3A_68 : i32
      scf.if %cond3A_69 {
        %dma_start3A = arith.constant 0 : i32
        %dma_start3A_300 = tpu.memref_slice %arg7[%add3A_64, %dma_start3A] : memref<512x8xf32, #tpu.memory_space<vmem>> -> memref<1x8xf32, #tpu.memory_space<vmem>>
        %dma_start3A_301 = arith.constant 0 : i32
        %dma_start3A_302 = tpu.memref_slice %arg3[%squeeze3A_60, %dma_start3A_301] : memref<385024x8xf32, #tpu.memory_space<hbm>> -> memref<1x8xf32, #tpu.memory_space<hbm>>
        %dma_start3A_303 = arith.constant 0 : i32
        %dma_start3A_304 = tpu.memref_slice %arg7[%add3A_64, %dma_start3A_303] : memref<512x8xf32, #tpu.memory_space<vmem>> -> memref<1x8xf32, #tpu.memory_space<vmem>>
        %dma_start3A_305 = arith.constant 0 : i32
        %dma_start3A_306 = tpu.memref_slice %arg3[%squeeze3A_60, %dma_start3A_305] : memref<385024x8xf32, #tpu.memory_space<hbm>> -> memref<1x8xf32, #tpu.memory_space<hbm>>
        tpu.enqueue_dma source(%dma_start3A_306 : memref<1x8xf32, #tpu.memory_space<hbm>>) target(%dma_start3A_304 : memref<1x8xf32, #tpu.memory_space<vmem>>) target_semaphore(%arg11 : memref<!tpu.dma_semaphore, #tpu.memory_space<semaphore_mem>>)
      } else {
      }
      %ge3A_70 = arith.constant 385024 : i32
      %ge3A_71 = arith.cmpi sge, %squeeze3A_60, %ge3A_70 : i32
      %convert_element_type3A_72 = arith.extui %ge3A_71 : i1 to i32
      %cond3A_73 = arith.constant 0 : i32
      %cond3A_74 = arith.cmpi ne, %convert_element_type3A_72, %cond3A_73 : i32
      scf.if %cond3A_74 {
        %sub3A_300 = arith.constant 385024 : i32
        %sub3A_301 = arith.subi %squeeze3A_60, %sub3A_300 : i32
        %mul3A_302 = arith.constant 8 : i32
        %mul3A_303 = arith.muli %sub3A_301, %mul3A_302 : i32
        %mul3A_304 = arith.constant 8 : i32
        %mul3A_305 = arith.muli %add3A_64, %mul3A_304 : i32
        %dma_start3A = tpu.memref_slice %arg8[%mul3A_305] : memref<4096xf32, #tpu.memory_space<vmem>> -> memref<8xf32, #tpu.memory_space<vmem>>
        %dma_start3A_306 = tpu.memref_slice %arg4[%mul3A_303] : memref<4919808xf32, #tpu.memory_space<hbm>> -> memref<8xf32, #tpu.memory_space<hbm>>
        %dma_start3A_307 = tpu.memref_slice %arg8[%mul3A_305] : memref<4096xf32, #tpu.memory_space<vmem>> -> memref<8xf32, #tpu.memory_space<vmem>>
        %dma_start3A_308 = tpu.memref_slice %arg4[%mul3A_303] : memref<4919808xf32, #tpu.memory_space<hbm>> -> memref<8xf32, #tpu.memory_space<hbm>>
        tpu.enqueue_dma source(%dma_start3A_308 : memref<8xf32, #tpu.memory_space<hbm>>) target(%dma_start3A_307 : memref<8xf32, #tpu.memory_space<vmem>>) target_semaphore(%arg12 : memref<!tpu.dma_semaphore, #tpu.memory_space<semaphore_mem>>)
      } else {
      }
      %slice3A_75 = vector.extract_strided_slice %get3A_43 {offsets = [2], sizes = [1], strides = [1]} : vector<16xi32> to vector<1xi32>
      %squeeze3A_76 = vector.extract %slice3A_75[0] : i32 from vector<1xi32>
      %mul3A_77 = arith.constant 16 : i32
      %mul3A_78 = arith.muli %scan3A_39, %mul3A_77 : i32
      %add3A_79 = arith.constant 2 : i32
      %add3A_80 = arith.addi %mul3A_78, %add3A_79 : i32
      %lt3A_81 = arith.constant 385024 : i32
      %lt3A_82 = arith.cmpi slt, %squeeze3A_76, %lt3A_81 : i32
      %convert_element_type3A_83 = arith.extui %lt3A_82 : i1 to i32
      %cond3A_84 = arith.constant 0 : i32
      %cond3A_85 = arith.cmpi ne, %convert_element_type3A_83, %cond3A_84 : i32
      scf.if %cond3A_85 {
        %dma_start3A = arith.constant 0 : i32
        %dma_start3A_300 = tpu.memref_slice %arg7[%add3A_80, %dma_start3A] : memref<512x8xf32, #tpu.memory_space<vmem>> -> memref<1x8xf32, #tpu.memory_space<vmem>>
        %dma_start3A_301 = arith.constant 0 : i32
        %dma_start3A_302 = tpu.memref_slice %arg3[%squeeze3A_76, %dma_start3A_301] : memref<385024x8xf32, #tpu.memory_space<hbm>> -> memref<1x8xf32, #tpu.memory_space<hbm>>
        %dma_start3A_303 = arith.constant 0 : i32
        %dma_start3A_304 = tpu.memref_slice %arg7[%add3A_80, %dma_start3A_303] : memref<512x8xf32, #tpu.memory_space<vmem>> -> memref<1x8xf32, #tpu.memory_space<vmem>>
        %dma_start3A_305 = arith.constant 0 : i32
        %dma_start3A_306 = tpu.memref_slice %arg3[%squeeze3A_76, %dma_start3A_305] : memref<385024x8xf32, #tpu.memory_space<hbm>> -> memref<1x8xf32, #tpu.memory_space<hbm>>
        tpu.enqueue_dma source(%dma_start3A_306 : memref<1x8xf32, #tpu.memory_space<hbm>>) target(%dma_start3A_304 : memref<1x8xf32, #tpu.memory_space<vmem>>) target_semaphore(%arg11 : memref<!tpu.dma_semaphore, #tpu.memory_space<semaphore_mem>>)
      } else {
      }
      %ge3A_86 = arith.constant 385024 : i32
      %ge3A_87 = arith.cmpi sge, %squeeze3A_76, %ge3A_86 : i32
      %convert_element_type3A_88 = arith.extui %ge3A_87 : i1 to i32
      %cond3A_89 = arith.constant 0 : i32
      %cond3A_90 = arith.cmpi ne, %convert_element_type3A_88, %cond3A_89 : i32
      scf.if %cond3A_90 {
        %sub3A_300 = arith.constant 385024 : i32
        %sub3A_301 = arith.subi %squeeze3A_76, %sub3A_300 : i32
        %mul3A_302 = arith.constant 8 : i32
        %mul3A_303 = arith.muli %sub3A_301, %mul3A_302 : i32
        %mul3A_304 = arith.constant 8 : i32
        %mul3A_305 = arith.muli %add3A_80, %mul3A_304 : i32
        %dma_start3A = tpu.memref_slice %arg8[%mul3A_305] : memref<4096xf32, #tpu.memory_space<vmem>> -> memref<8xf32, #tpu.memory_space<vmem>>
        %dma_start3A_306 = tpu.memref_slice %arg4[%mul3A_303] : memref<4919808xf32, #tpu.memory_space<hbm>> -> memref<8xf32, #tpu.memory_space<hbm>>
        %dma_start3A_307 = tpu.memref_slice %arg8[%mul3A_305] : memref<4096xf32, #tpu.memory_space<vmem>> -> memref<8xf32, #tpu.memory_space<vmem>>
        %dma_start3A_308 = tpu.memref_slice %arg4[%mul3A_303] : memref<4919808xf32, #tpu.memory_space<hbm>> -> memref<8xf32, #tpu.memory_space<hbm>>
        tpu.enqueue_dma source(%dma_start3A_308 : memref<8xf32, #tpu.memory_space<hbm>>) target(%dma_start3A_307 : memref<8xf32, #tpu.memory_space<vmem>>) target_semaphore(%arg12 : memref<!tpu.dma_semaphore, #tpu.memory_space<semaphore_mem>>)
      } else {
      }
      %slice3A_91 = vector.extract_strided_slice %get3A_43 {offsets = [3], sizes = [1], strides = [1]} : vector<16xi32> to vector<1xi32>
      %squeeze3A_92 = vector.extract %slice3A_91[0] : i32 from vector<1xi32>
      %mul3A_93 = arith.constant 16 : i32
      %mul3A_94 = arith.muli %scan3A_39, %mul3A_93 : i32
      %add3A_95 = arith.constant 3 : i32
      %add3A_96 = arith.addi %mul3A_94, %add3A_95 : i32
      %lt3A_97 = arith.constant 385024 : i32
      %lt3A_98 = arith.cmpi slt, %squeeze3A_92, %lt3A_97 : i32
      %convert_element_type3A_99 = arith.extui %lt3A_98 : i1 to i32
      %cond3A_100 = arith.constant 0 : i32
      %cond3A_101 = arith.cmpi ne, %convert_element_type3A_99, %cond3A_100 : i32
      scf.if %cond3A_101 {
        %dma_start3A = arith.constant 0 : i32
        %dma_start3A_300 = tpu.memref_slice %arg7[%add3A_96, %dma_start3A] : memref<512x8xf32, #tpu.memory_space<vmem>> -> memref<1x8xf32, #tpu.memory_space<vmem>>
        %dma_start3A_301 = arith.constant 0 : i32
        %dma_start3A_302 = tpu.memref_slice %arg3[%squeeze3A_92, %dma_start3A_301] : memref<385024x8xf32, #tpu.memory_space<hbm>> -> memref<1x8xf32, #tpu.memory_space<hbm>>
        %dma_start3A_303 = arith.constant 0 : i32
        %dma_start3A_304 = tpu.memref_slice %arg7[%add3A_96, %dma_start3A_303] : memref<512x8xf32, #tpu.memory_space<vmem>> -> memref<1x8xf32, #tpu.memory_space<vmem>>
        %dma_start3A_305 = arith.constant 0 : i32
        %dma_start3A_306 = tpu.memref_slice %arg3[%squeeze3A_92, %dma_start3A_305] : memref<385024x8xf32, #tpu.memory_space<hbm>> -> memref<1x8xf32, #tpu.memory_space<hbm>>
        tpu.enqueue_dma source(%dma_start3A_306 : memref<1x8xf32, #tpu.memory_space<hbm>>) target(%dma_start3A_304 : memref<1x8xf32, #tpu.memory_space<vmem>>) target_semaphore(%arg11 : memref<!tpu.dma_semaphore, #tpu.memory_space<semaphore_mem>>)
      } else {
      }
      %ge3A_102 = arith.constant 385024 : i32
      %ge3A_103 = arith.cmpi sge, %squeeze3A_92, %ge3A_102 : i32
      %convert_element_type3A_104 = arith.extui %ge3A_103 : i1 to i32
      %cond3A_105 = arith.constant 0 : i32
      %cond3A_106 = arith.cmpi ne, %convert_element_type3A_104, %cond3A_105 : i32
      scf.if %cond3A_106 {
        %sub3A_300 = arith.constant 385024 : i32
        %sub3A_301 = arith.subi %squeeze3A_92, %sub3A_300 : i32
        %mul3A_302 = arith.constant 8 : i32
        %mul3A_303 = arith.muli %sub3A_301, %mul3A_302 : i32
        %mul3A_304 = arith.constant 8 : i32
        %mul3A_305 = arith.muli %add3A_96, %mul3A_304 : i32
        %dma_start3A = tpu.memref_slice %arg8[%mul3A_305] : memref<4096xf32, #tpu.memory_space<vmem>> -> memref<8xf32, #tpu.memory_space<vmem>>
        %dma_start3A_306 = tpu.memref_slice %arg4[%mul3A_303] : memref<4919808xf32, #tpu.memory_space<hbm>> -> memref<8xf32, #tpu.memory_space<hbm>>
        %dma_start3A_307 = tpu.memref_slice %arg8[%mul3A_305] : memref<4096xf32, #tpu.memory_space<vmem>> -> memref<8xf32, #tpu.memory_space<vmem>>
        %dma_start3A_308 = tpu.memref_slice %arg4[%mul3A_303] : memref<4919808xf32, #tpu.memory_space<hbm>> -> memref<8xf32, #tpu.memory_space<hbm>>
        tpu.enqueue_dma source(%dma_start3A_308 : memref<8xf32, #tpu.memory_space<hbm>>) target(%dma_start3A_307 : memref<8xf32, #tpu.memory_space<vmem>>) target_semaphore(%arg12 : memref<!tpu.dma_semaphore, #tpu.memory_space<semaphore_mem>>)
      } else {
      }
      %slice3A_107 = vector.extract_strided_slice %get3A_43 {offsets = [4], sizes = [1], strides = [1]} : vector<16xi32> to vector<1xi32>
      %squeeze3A_108 = vector.extract %slice3A_107[0] : i32 from vector<1xi32>
      %mul3A_109 = arith.constant 16 : i32
      %mul3A_110 = arith.muli %scan3A_39, %mul3A_109 : i32
      %add3A_111 = arith.constant 4 : i32
      %add3A_112 = arith.addi %mul3A_110, %add3A_111 : i32
      %lt3A_113 = arith.constant 385024 : i32
      %lt3A_114 = arith.cmpi slt, %squeeze3A_108, %lt3A_113 : i32
      %convert_element_type3A_115 = arith.extui %lt3A_114 : i1 to i32
      %cond3A_116 = arith.constant 0 : i32
      %cond3A_117 = arith.cmpi ne, %convert_element_type3A_115, %cond3A_116 : i32
      scf.if %cond3A_117 {
        %dma_start3A = arith.constant 0 : i32
        %dma_start3A_300 = tpu.memref_slice %arg7[%add3A_112, %dma_start3A] : memref<512x8xf32, #tpu.memory_space<vmem>> -> memref<1x8xf32, #tpu.memory_space<vmem>>
        %dma_start3A_301 = arith.constant 0 : i32
        %dma_start3A_302 = tpu.memref_slice %arg3[%squeeze3A_108, %dma_start3A_301] : memref<385024x8xf32, #tpu.memory_space<hbm>> -> memref<1x8xf32, #tpu.memory_space<hbm>>
        %dma_start3A_303 = arith.constant 0 : i32
        %dma_start3A_304 = tpu.memref_slice %arg7[%add3A_112, %dma_start3A_303] : memref<512x8xf32, #tpu.memory_space<vmem>> -> memref<1x8xf32, #tpu.memory_space<vmem>>
        %dma_start3A_305 = arith.constant 0 : i32
        %dma_start3A_306 = tpu.memref_slice %arg3[%squeeze3A_108, %dma_start3A_305] : memref<385024x8xf32, #tpu.memory_space<hbm>> -> memref<1x8xf32, #tpu.memory_space<hbm>>
        tpu.enqueue_dma source(%dma_start3A_306 : memref<1x8xf32, #tpu.memory_space<hbm>>) target(%dma_start3A_304 : memref<1x8xf32, #tpu.memory_space<vmem>>) target_semaphore(%arg11 : memref<!tpu.dma_semaphore, #tpu.memory_space<semaphore_mem>>)
      } else {
      }
      %ge3A_118 = arith.constant 385024 : i32
      %ge3A_119 = arith.cmpi sge, %squeeze3A_108, %ge3A_118 : i32
      %convert_element_type3A_120 = arith.extui %ge3A_119 : i1 to i32
      %cond3A_121 = arith.constant 0 : i32
      %cond3A_122 = arith.cmpi ne, %convert_element_type3A_120, %cond3A_121 : i32
      scf.if %cond3A_122 {
        %sub3A_300 = arith.constant 385024 : i32
        %sub3A_301 = arith.subi %squeeze3A_108, %sub3A_300 : i32
        %mul3A_302 = arith.constant 8 : i32
        %mul3A_303 = arith.muli %sub3A_301, %mul3A_302 : i32
        %mul3A_304 = arith.constant 8 : i32
        %mul3A_305 = arith.muli %add3A_112, %mul3A_304 : i32
        %dma_start3A = tpu.memref_slice %arg8[%mul3A_305] : memref<4096xf32, #tpu.memory_space<vmem>> -> memref<8xf32, #tpu.memory_space<vmem>>
        %dma_start3A_306 = tpu.memref_slice %arg4[%mul3A_303] : memref<4919808xf32, #tpu.memory_space<hbm>> -> memref<8xf32, #tpu.memory_space<hbm>>
        %dma_start3A_307 = tpu.memref_slice %arg8[%mul3A_305] : memref<4096xf32, #tpu.memory_space<vmem>> -> memref<8xf32, #tpu.memory_space<vmem>>
        %dma_start3A_308 = tpu.memref_slice %arg4[%mul3A_303] : memref<4919808xf32, #tpu.memory_space<hbm>> -> memref<8xf32, #tpu.memory_space<hbm>>
        tpu.enqueue_dma source(%dma_start3A_308 : memref<8xf32, #tpu.memory_space<hbm>>) target(%dma_start3A_307 : memref<8xf32, #tpu.memory_space<vmem>>) target_semaphore(%arg12 : memref<!tpu.dma_semaphore, #tpu.memory_space<semaphore_mem>>)
      } else {
      }
      %slice3A_123 = vector.extract_strided_slice %get3A_43 {offsets = [5], sizes = [1], strides = [1]} : vector<16xi32> to vector<1xi32>
      %squeeze3A_124 = vector.extract %slice3A_123[0] : i32 from vector<1xi32>
      %mul3A_125 = arith.constant 16 : i32
      %mul3A_126 = arith.muli %scan3A_39, %mul3A_125 : i32
      %add3A_127 = arith.constant 5 : i32
      %add3A_128 = arith.addi %mul3A_126, %add3A_127 : i32
      %lt3A_129 = arith.constant 385024 : i32
      %lt3A_130 = arith.cmpi slt, %squeeze3A_124, %lt3A_129 : i32
      %convert_element_type3A_131 = arith.extui %lt3A_130 : i1 to i32
      %cond3A_132 = arith.constant 0 : i32
      %cond3A_133 = arith.cmpi ne, %convert_element_type3A_131, %cond3A_132 : i32
      scf.if %cond3A_133 {
        %dma_start3A = arith.constant 0 : i32
        %dma_start3A_300 = tpu.memref_slice %arg7[%add3A_128, %dma_start3A] : memref<512x8xf32, #tpu.memory_space<vmem>> -> memref<1x8xf32, #tpu.memory_space<vmem>>
        %dma_start3A_301 = arith.constant 0 : i32
        %dma_start3A_302 = tpu.memref_slice %arg3[%squeeze3A_124, %dma_start3A_301] : memref<385024x8xf32, #tpu.memory_space<hbm>> -> memref<1x8xf32, #tpu.memory_space<hbm>>
        %dma_start3A_303 = arith.constant 0 : i32
        %dma_start3A_304 = tpu.memref_slice %arg7[%add3A_128, %dma_start3A_303] : memref<512x8xf32, #tpu.memory_space<vmem>> -> memref<1x8xf32, #tpu.memory_space<vmem>>
        %dma_start3A_305 = arith.constant 0 : i32
        %dma_start3A_306 = tpu.memref_slice %arg3[%squeeze3A_124, %dma_start3A_305] : memref<385024x8xf32, #tpu.memory_space<hbm>> -> memref<1x8xf32, #tpu.memory_space<hbm>>
        tpu.enqueue_dma source(%dma_start3A_306 : memref<1x8xf32, #tpu.memory_space<hbm>>) target(%dma_start3A_304 : memref<1x8xf32, #tpu.memory_space<vmem>>) target_semaphore(%arg11 : memref<!tpu.dma_semaphore, #tpu.memory_space<semaphore_mem>>)
      } else {
      }
      %ge3A_134 = arith.constant 385024 : i32
      %ge3A_135 = arith.cmpi sge, %squeeze3A_124, %ge3A_134 : i32
      %convert_element_type3A_136 = arith.extui %ge3A_135 : i1 to i32
      %cond3A_137 = arith.constant 0 : i32
      %cond3A_138 = arith.cmpi ne, %convert_element_type3A_136, %cond3A_137 : i32
      scf.if %cond3A_138 {
        %sub3A_300 = arith.constant 385024 : i32
        %sub3A_301 = arith.subi %squeeze3A_124, %sub3A_300 : i32
        %mul3A_302 = arith.constant 8 : i32
        %mul3A_303 = arith.muli %sub3A_301, %mul3A_302 : i32
        %mul3A_304 = arith.constant 8 : i32
        %mul3A_305 = arith.muli %add3A_128, %mul3A_304 : i32
        %dma_start3A = tpu.memref_slice %arg8[%mul3A_305] : memref<4096xf32, #tpu.memory_space<vmem>> -> memref<8xf32, #tpu.memory_space<vmem>>
        %dma_start3A_306 = tpu.memref_slice %arg4[%mul3A_303] : memref<4919808xf32, #tpu.memory_space<hbm>> -> memref<8xf32, #tpu.memory_space<hbm>>
        %dma_start3A_307 = tpu.memref_slice %arg8[%mul3A_305] : memref<4096xf32, #tpu.memory_space<vmem>> -> memref<8xf32, #tpu.memory_space<vmem>>
        %dma_start3A_308 = tpu.memref_slice %arg4[%mul3A_303] : memref<4919808xf32, #tpu.memory_space<hbm>> -> memref<8xf32, #tpu.memory_space<hbm>>
        tpu.enqueue_dma source(%dma_start3A_308 : memref<8xf32, #tpu.memory_space<hbm>>) target(%dma_start3A_307 : memref<8xf32, #tpu.memory_space<vmem>>) target_semaphore(%arg12 : memref<!tpu.dma_semaphore, #tpu.memory_space<semaphore_mem>>)
      } else {
      }
      %slice3A_139 = vector.extract_strided_slice %get3A_43 {offsets = [6], sizes = [1], strides = [1]} : vector<16xi32> to vector<1xi32>
      %squeeze3A_140 = vector.extract %slice3A_139[0] : i32 from vector<1xi32>
      %mul3A_141 = arith.constant 16 : i32
      %mul3A_142 = arith.muli %scan3A_39, %mul3A_141 : i32
      %add3A_143 = arith.constant 6 : i32
      %add3A_144 = arith.addi %mul3A_142, %add3A_143 : i32
      %lt3A_145 = arith.constant 385024 : i32
      %lt3A_146 = arith.cmpi slt, %squeeze3A_140, %lt3A_145 : i32
      %convert_element_type3A_147 = arith.extui %lt3A_146 : i1 to i32
      %cond3A_148 = arith.constant 0 : i32
      %cond3A_149 = arith.cmpi ne, %convert_element_type3A_147, %cond3A_148 : i32
      scf.if %cond3A_149 {
        %dma_start3A = arith.constant 0 : i32
        %dma_start3A_300 = tpu.memref_slice %arg7[%add3A_144, %dma_start3A] : memref<512x8xf32, #tpu.memory_space<vmem>> -> memref<1x8xf32, #tpu.memory_space<vmem>>
        %dma_start3A_301 = arith.constant 0 : i32
        %dma_start3A_302 = tpu.memref_slice %arg3[%squeeze3A_140, %dma_start3A_301] : memref<385024x8xf32, #tpu.memory_space<hbm>> -> memref<1x8xf32, #tpu.memory_space<hbm>>
        %dma_start3A_303 = arith.constant 0 : i32
        %dma_start3A_304 = tpu.memref_slice %arg7[%add3A_144, %dma_start3A_303] : memref<512x8xf32, #tpu.memory_space<vmem>> -> memref<1x8xf32, #tpu.memory_space<vmem>>
        %dma_start3A_305 = arith.constant 0 : i32
        %dma_start3A_306 = tpu.memref_slice %arg3[%squeeze3A_140, %dma_start3A_305] : memref<385024x8xf32, #tpu.memory_space<hbm>> -> memref<1x8xf32, #tpu.memory_space<hbm>>
        tpu.enqueue_dma source(%dma_start3A_306 : memref<1x8xf32, #tpu.memory_space<hbm>>) target(%dma_start3A_304 : memref<1x8xf32, #tpu.memory_space<vmem>>) target_semaphore(%arg11 : memref<!tpu.dma_semaphore, #tpu.memory_space<semaphore_mem>>)
      } else {
      }
      %ge3A_150 = arith.constant 385024 : i32
      %ge3A_151 = arith.cmpi sge, %squeeze3A_140, %ge3A_150 : i32
      %convert_element_type3A_152 = arith.extui %ge3A_151 : i1 to i32
      %cond3A_153 = arith.constant 0 : i32
      %cond3A_154 = arith.cmpi ne, %convert_element_type3A_152, %cond3A_153 : i32
      scf.if %cond3A_154 {
        %sub3A_300 = arith.constant 385024 : i32
        %sub3A_301 = arith.subi %squeeze3A_140, %sub3A_300 : i32
        %mul3A_302 = arith.constant 8 : i32
        %mul3A_303 = arith.muli %sub3A_301, %mul3A_302 : i32
        %mul3A_304 = arith.constant 8 : i32
        %mul3A_305 = arith.muli %add3A_144, %mul3A_304 : i32
        %dma_start3A = tpu.memref_slice %arg8[%mul3A_305] : memref<4096xf32, #tpu.memory_space<vmem>> -> memref<8xf32, #tpu.memory_space<vmem>>
        %dma_start3A_306 = tpu.memref_slice %arg4[%mul3A_303] : memref<4919808xf32, #tpu.memory_space<hbm>> -> memref<8xf32, #tpu.memory_space<hbm>>
        %dma_start3A_307 = tpu.memref_slice %arg8[%mul3A_305] : memref<4096xf32, #tpu.memory_space<vmem>> -> memref<8xf32, #tpu.memory_space<vmem>>
        %dma_start3A_308 = tpu.memref_slice %arg4[%mul3A_303] : memref<4919808xf32, #tpu.memory_space<hbm>> -> memref<8xf32, #tpu.memory_space<hbm>>
        tpu.enqueue_dma source(%dma_start3A_308 : memref<8xf32, #tpu.memory_space<hbm>>) target(%dma_start3A_307 : memref<8xf32, #tpu.memory_space<vmem>>) target_semaphore(%arg12 : memref<!tpu.dma_semaphore, #tpu.memory_space<semaphore_mem>>)
      } else {
      }
      %slice3A_155 = vector.extract_strided_slice %get3A_43 {offsets = [7], sizes = [1], strides = [1]} : vector<16xi32> to vector<1xi32>
      %squeeze3A_156 = vector.extract %slice3A_155[0] : i32 from vector<1xi32>
      %mul3A_157 = arith.constant 16 : i32
      %mul3A_158 = arith.muli %scan3A_39, %mul3A_157 : i32
      %add3A_159 = arith.constant 7 : i32
      %add3A_160 = arith.addi %mul3A_158, %add3A_159 : i32
      %lt3A_161 = arith.constant 385024 : i32
      %lt3A_162 = arith.cmpi slt, %squeeze3A_156, %lt3A_161 : i32
      %convert_element_type3A_163 = arith.extui %lt3A_162 : i1 to i32
      %cond3A_164 = arith.constant 0 : i32
      %cond3A_165 = arith.cmpi ne, %convert_element_type3A_163, %cond3A_164 : i32
      scf.if %cond3A_165 {
        %dma_start3A = arith.constant 0 : i32
        %dma_start3A_300 = tpu.memref_slice %arg7[%add3A_160, %dma_start3A] : memref<512x8xf32, #tpu.memory_space<vmem>> -> memref<1x8xf32, #tpu.memory_space<vmem>>
        %dma_start3A_301 = arith.constant 0 : i32
        %dma_start3A_302 = tpu.memref_slice %arg3[%squeeze3A_156, %dma_start3A_301] : memref<385024x8xf32, #tpu.memory_space<hbm>> -> memref<1x8xf32, #tpu.memory_space<hbm>>
        %dma_start3A_303 = arith.constant 0 : i32
        %dma_start3A_304 = tpu.memref_slice %arg7[%add3A_160, %dma_start3A_303] : memref<512x8xf32, #tpu.memory_space<vmem>> -> memref<1x8xf32, #tpu.memory_space<vmem>>
        %dma_start3A_305 = arith.constant 0 : i32
        %dma_start3A_306 = tpu.memref_slice %arg3[%squeeze3A_156, %dma_start3A_305] : memref<385024x8xf32, #tpu.memory_space<hbm>> -> memref<1x8xf32, #tpu.memory_space<hbm>>
        tpu.enqueue_dma source(%dma_start3A_306 : memref<1x8xf32, #tpu.memory_space<hbm>>) target(%dma_start3A_304 : memref<1x8xf32, #tpu.memory_space<vmem>>) target_semaphore(%arg11 : memref<!tpu.dma_semaphore, #tpu.memory_space<semaphore_mem>>)
      } else {
      }
      %ge3A_166 = arith.constant 385024 : i32
      %ge3A_167 = arith.cmpi sge, %squeeze3A_156, %ge3A_166 : i32
      %convert_element_type3A_168 = arith.extui %ge3A_167 : i1 to i32
      %cond3A_169 = arith.constant 0 : i32
      %cond3A_170 = arith.cmpi ne, %convert_element_type3A_168, %cond3A_169 : i32
      scf.if %cond3A_170 {
        %sub3A_300 = arith.constant 385024 : i32
        %sub3A_301 = arith.subi %squeeze3A_156, %sub3A_300 : i32
        %mul3A_302 = arith.constant 8 : i32
        %mul3A_303 = arith.muli %sub3A_301, %mul3A_302 : i32
        %mul3A_304 = arith.constant 8 : i32
        %mul3A_305 = arith.muli %add3A_160, %mul3A_304 : i32
        %dma_start3A = tpu.memref_slice %arg8[%mul3A_305] : memref<4096xf32, #tpu.memory_space<vmem>> -> memref<8xf32, #tpu.memory_space<vmem>>
        %dma_start3A_306 = tpu.memref_slice %arg4[%mul3A_303] : memref<4919808xf32, #tpu.memory_space<hbm>> -> memref<8xf32, #tpu.memory_space<hbm>>
        %dma_start3A_307 = tpu.memref_slice %arg8[%mul3A_305] : memref<4096xf32, #tpu.memory_space<vmem>> -> memref<8xf32, #tpu.memory_space<vmem>>
        %dma_start3A_308 = tpu.memref_slice %arg4[%mul3A_303] : memref<4919808xf32, #tpu.memory_space<hbm>> -> memref<8xf32, #tpu.memory_space<hbm>>
        tpu.enqueue_dma source(%dma_start3A_308 : memref<8xf32, #tpu.memory_space<hbm>>) target(%dma_start3A_307 : memref<8xf32, #tpu.memory_space<vmem>>) target_semaphore(%arg12 : memref<!tpu.dma_semaphore, #tpu.memory_space<semaphore_mem>>)
      } else {
      }
      %slice3A_171 = vector.extract_strided_slice %get3A_43 {offsets = [8], sizes = [1], strides = [1]} : vector<16xi32> to vector<1xi32>
      %squeeze3A_172 = vector.extract %slice3A_171[0] : i32 from vector<1xi32>
      %mul3A_173 = arith.constant 16 : i32
      %mul3A_174 = arith.muli %scan3A_39, %mul3A_173 : i32
      %add3A_175 = arith.constant 8 : i32
      %add3A_176 = arith.addi %mul3A_174, %add3A_175 : i32
      %lt3A_177 = arith.constant 385024 : i32
      %lt3A_178 = arith.cmpi slt, %squeeze3A_172, %lt3A_177 : i32
      %convert_element_type3A_179 = arith.extui %lt3A_178 : i1 to i32
      %cond3A_180 = arith.constant 0 : i32
      %cond3A_181 = arith.cmpi ne, %convert_element_type3A_179, %cond3A_180 : i32
      scf.if %cond3A_181 {
        %dma_start3A = arith.constant 0 : i32
        %dma_start3A_300 = tpu.memref_slice %arg7[%add3A_176, %dma_start3A] : memref<512x8xf32, #tpu.memory_space<vmem>> -> memref<1x8xf32, #tpu.memory_space<vmem>>
        %dma_start3A_301 = arith.constant 0 : i32
        %dma_start3A_302 = tpu.memref_slice %arg3[%squeeze3A_172, %dma_start3A_301] : memref<385024x8xf32, #tpu.memory_space<hbm>> -> memref<1x8xf32, #tpu.memory_space<hbm>>
        %dma_start3A_303 = arith.constant 0 : i32
        %dma_start3A_304 = tpu.memref_slice %arg7[%add3A_176, %dma_start3A_303] : memref<512x8xf32, #tpu.memory_space<vmem>> -> memref<1x8xf32, #tpu.memory_space<vmem>>
        %dma_start3A_305 = arith.constant 0 : i32
        %dma_start3A_306 = tpu.memref_slice %arg3[%squeeze3A_172, %dma_start3A_305] : memref<385024x8xf32, #tpu.memory_space<hbm>> -> memref<1x8xf32, #tpu.memory_space<hbm>>
        tpu.enqueue_dma source(%dma_start3A_306 : memref<1x8xf32, #tpu.memory_space<hbm>>) target(%dma_start3A_304 : memref<1x8xf32, #tpu.memory_space<vmem>>) target_semaphore(%arg11 : memref<!tpu.dma_semaphore, #tpu.memory_space<semaphore_mem>>)
      } else {
      }
      %ge3A_182 = arith.constant 385024 : i32
      %ge3A_183 = arith.cmpi sge, %squeeze3A_172, %ge3A_182 : i32
      %convert_element_type3A_184 = arith.extui %ge3A_183 : i1 to i32
      %cond3A_185 = arith.constant 0 : i32
      %cond3A_186 = arith.cmpi ne, %convert_element_type3A_184, %cond3A_185 : i32
      scf.if %cond3A_186 {
        %sub3A_300 = arith.constant 385024 : i32
        %sub3A_301 = arith.subi %squeeze3A_172, %sub3A_300 : i32
        %mul3A_302 = arith.constant 8 : i32
        %mul3A_303 = arith.muli %sub3A_301, %mul3A_302 : i32
        %mul3A_304 = arith.constant 8 : i32
        %mul3A_305 = arith.muli %add3A_176, %mul3A_304 : i32
        %dma_start3A = tpu.memref_slice %arg8[%mul3A_305] : memref<4096xf32, #tpu.memory_space<vmem>> -> memref<8xf32, #tpu.memory_space<vmem>>
        %dma_start3A_306 = tpu.memref_slice %arg4[%mul3A_303] : memref<4919808xf32, #tpu.memory_space<hbm>> -> memref<8xf32, #tpu.memory_space<hbm>>
        %dma_start3A_307 = tpu.memref_slice %arg8[%mul3A_305] : memref<4096xf32, #tpu.memory_space<vmem>> -> memref<8xf32, #tpu.memory_space<vmem>>
        %dma_start3A_308 = tpu.memref_slice %arg4[%mul3A_303] : memref<4919808xf32, #tpu.memory_space<hbm>> -> memref<8xf32, #tpu.memory_space<hbm>>
        tpu.enqueue_dma source(%dma_start3A_308 : memref<8xf32, #tpu.memory_space<hbm>>) target(%dma_start3A_307 : memref<8xf32, #tpu.memory_space<vmem>>) target_semaphore(%arg12 : memref<!tpu.dma_semaphore, #tpu.memory_space<semaphore_mem>>)
      } else {
      }
      %slice3A_187 = vector.extract_strided_slice %get3A_43 {offsets = [9], sizes = [1], strides = [1]} : vector<16xi32> to vector<1xi32>
      %squeeze3A_188 = vector.extract %slice3A_187[0] : i32 from vector<1xi32>
      %mul3A_189 = arith.constant 16 : i32
      %mul3A_190 = arith.muli %scan3A_39, %mul3A_189 : i32
      %add3A_191 = arith.constant 9 : i32
      %add3A_192 = arith.addi %mul3A_190, %add3A_191 : i32
      %lt3A_193 = arith.constant 385024 : i32
      %lt3A_194 = arith.cmpi slt, %squeeze3A_188, %lt3A_193 : i32
      %convert_element_type3A_195 = arith.extui %lt3A_194 : i1 to i32
      %cond3A_196 = arith.constant 0 : i32
      %cond3A_197 = arith.cmpi ne, %convert_element_type3A_195, %cond3A_196 : i32
      scf.if %cond3A_197 {
        %dma_start3A = arith.constant 0 : i32
        %dma_start3A_300 = tpu.memref_slice %arg7[%add3A_192, %dma_start3A] : memref<512x8xf32, #tpu.memory_space<vmem>> -> memref<1x8xf32, #tpu.memory_space<vmem>>
        %dma_start3A_301 = arith.constant 0 : i32
        %dma_start3A_302 = tpu.memref_slice %arg3[%squeeze3A_188, %dma_start3A_301] : memref<385024x8xf32, #tpu.memory_space<hbm>> -> memref<1x8xf32, #tpu.memory_space<hbm>>
        %dma_start3A_303 = arith.constant 0 : i32
        %dma_start3A_304 = tpu.memref_slice %arg7[%add3A_192, %dma_start3A_303] : memref<512x8xf32, #tpu.memory_space<vmem>> -> memref<1x8xf32, #tpu.memory_space<vmem>>
        %dma_start3A_305 = arith.constant 0 : i32
        %dma_start3A_306 = tpu.memref_slice %arg3[%squeeze3A_188, %dma_start3A_305] : memref<385024x8xf32, #tpu.memory_space<hbm>> -> memref<1x8xf32, #tpu.memory_space<hbm>>
        tpu.enqueue_dma source(%dma_start3A_306 : memref<1x8xf32, #tpu.memory_space<hbm>>) target(%dma_start3A_304 : memref<1x8xf32, #tpu.memory_space<vmem>>) target_semaphore(%arg11 : memref<!tpu.dma_semaphore, #tpu.memory_space<semaphore_mem>>)
      } else {
      }
      %ge3A_198 = arith.constant 385024 : i32
      %ge3A_199 = arith.cmpi sge, %squeeze3A_188, %ge3A_198 : i32
      %convert_element_type3A_200 = arith.extui %ge3A_199 : i1 to i32
      %cond3A_201 = arith.constant 0 : i32
      %cond3A_202 = arith.cmpi ne, %convert_element_type3A_200, %cond3A_201 : i32
      scf.if %cond3A_202 {
        %sub3A_300 = arith.constant 385024 : i32
        %sub3A_301 = arith.subi %squeeze3A_188, %sub3A_300 : i32
        %mul3A_302 = arith.constant 8 : i32
        %mul3A_303 = arith.muli %sub3A_301, %mul3A_302 : i32
        %mul3A_304 = arith.constant 8 : i32
        %mul3A_305 = arith.muli %add3A_192, %mul3A_304 : i32
        %dma_start3A = tpu.memref_slice %arg8[%mul3A_305] : memref<4096xf32, #tpu.memory_space<vmem>> -> memref<8xf32, #tpu.memory_space<vmem>>
        %dma_start3A_306 = tpu.memref_slice %arg4[%mul3A_303] : memref<4919808xf32, #tpu.memory_space<hbm>> -> memref<8xf32, #tpu.memory_space<hbm>>
        %dma_start3A_307 = tpu.memref_slice %arg8[%mul3A_305] : memref<4096xf32, #tpu.memory_space<vmem>> -> memref<8xf32, #tpu.memory_space<vmem>>
        %dma_start3A_308 = tpu.memref_slice %arg4[%mul3A_303] : memref<4919808xf32, #tpu.memory_space<hbm>> -> memref<8xf32, #tpu.memory_space<hbm>>
        tpu.enqueue_dma source(%dma_start3A_308 : memref<8xf32, #tpu.memory_space<hbm>>) target(%dma_start3A_307 : memref<8xf32, #tpu.memory_space<vmem>>) target_semaphore(%arg12 : memref<!tpu.dma_semaphore, #tpu.memory_space<semaphore_mem>>)
      } else {
      }
      %slice3A_203 = vector.extract_strided_slice %get3A_43 {offsets = [10], sizes = [1], strides = [1]} : vector<16xi32> to vector<1xi32>
      %squeeze3A_204 = vector.extract %slice3A_203[0] : i32 from vector<1xi32>
      %mul3A_205 = arith.constant 16 : i32
      %mul3A_206 = arith.muli %scan3A_39, %mul3A_205 : i32
      %add3A_207 = arith.constant 10 : i32
      %add3A_208 = arith.addi %mul3A_206, %add3A_207 : i32
      %lt3A_209 = arith.constant 385024 : i32
      %lt3A_210 = arith.cmpi slt, %squeeze3A_204, %lt3A_209 : i32
      %convert_element_type3A_211 = arith.extui %lt3A_210 : i1 to i32
      %cond3A_212 = arith.constant 0 : i32
      %cond3A_213 = arith.cmpi ne, %convert_element_type3A_211, %cond3A_212 : i32
      scf.if %cond3A_213 {
        %dma_start3A = arith.constant 0 : i32
        %dma_start3A_300 = tpu.memref_slice %arg7[%add3A_208, %dma_start3A] : memref<512x8xf32, #tpu.memory_space<vmem>> -> memref<1x8xf32, #tpu.memory_space<vmem>>
        %dma_start3A_301 = arith.constant 0 : i32
        %dma_start3A_302 = tpu.memref_slice %arg3[%squeeze3A_204, %dma_start3A_301] : memref<385024x8xf32, #tpu.memory_space<hbm>> -> memref<1x8xf32, #tpu.memory_space<hbm>>
        %dma_start3A_303 = arith.constant 0 : i32
        %dma_start3A_304 = tpu.memref_slice %arg7[%add3A_208, %dma_start3A_303] : memref<512x8xf32, #tpu.memory_space<vmem>> -> memref<1x8xf32, #tpu.memory_space<vmem>>
        %dma_start3A_305 = arith.constant 0 : i32
        %dma_start3A_306 = tpu.memref_slice %arg3[%squeeze3A_204, %dma_start3A_305] : memref<385024x8xf32, #tpu.memory_space<hbm>> -> memref<1x8xf32, #tpu.memory_space<hbm>>
        tpu.enqueue_dma source(%dma_start3A_306 : memref<1x8xf32, #tpu.memory_space<hbm>>) target(%dma_start3A_304 : memref<1x8xf32, #tpu.memory_space<vmem>>) target_semaphore(%arg11 : memref<!tpu.dma_semaphore, #tpu.memory_space<semaphore_mem>>)
      } else {
      }
      %ge3A_214 = arith.constant 385024 : i32
      %ge3A_215 = arith.cmpi sge, %squeeze3A_204, %ge3A_214 : i32
      %convert_element_type3A_216 = arith.extui %ge3A_215 : i1 to i32
      %cond3A_217 = arith.constant 0 : i32
      %cond3A_218 = arith.cmpi ne, %convert_element_type3A_216, %cond3A_217 : i32
      scf.if %cond3A_218 {
        %sub3A_300 = arith.constant 385024 : i32
        %sub3A_301 = arith.subi %squeeze3A_204, %sub3A_300 : i32
        %mul3A_302 = arith.constant 8 : i32
        %mul3A_303 = arith.muli %sub3A_301, %mul3A_302 : i32
        %mul3A_304 = arith.constant 8 : i32
        %mul3A_305 = arith.muli %add3A_208, %mul3A_304 : i32
        %dma_start3A = tpu.memref_slice %arg8[%mul3A_305] : memref<4096xf32, #tpu.memory_space<vmem>> -> memref<8xf32, #tpu.memory_space<vmem>>
        %dma_start3A_306 = tpu.memref_slice %arg4[%mul3A_303] : memref<4919808xf32, #tpu.memory_space<hbm>> -> memref<8xf32, #tpu.memory_space<hbm>>
        %dma_start3A_307 = tpu.memref_slice %arg8[%mul3A_305] : memref<4096xf32, #tpu.memory_space<vmem>> -> memref<8xf32, #tpu.memory_space<vmem>>
        %dma_start3A_308 = tpu.memref_slice %arg4[%mul3A_303] : memref<4919808xf32, #tpu.memory_space<hbm>> -> memref<8xf32, #tpu.memory_space<hbm>>
        tpu.enqueue_dma source(%dma_start3A_308 : memref<8xf32, #tpu.memory_space<hbm>>) target(%dma_start3A_307 : memref<8xf32, #tpu.memory_space<vmem>>) target_semaphore(%arg12 : memref<!tpu.dma_semaphore, #tpu.memory_space<semaphore_mem>>)
      } else {
      }
      %slice3A_219 = vector.extract_strided_slice %get3A_43 {offsets = [11], sizes = [1], strides = [1]} : vector<16xi32> to vector<1xi32>
      %squeeze3A_220 = vector.extract %slice3A_219[0] : i32 from vector<1xi32>
      %mul3A_221 = arith.constant 16 : i32
      %mul3A_222 = arith.muli %scan3A_39, %mul3A_221 : i32
      %add3A_223 = arith.constant 11 : i32
      %add3A_224 = arith.addi %mul3A_222, %add3A_223 : i32
      %lt3A_225 = arith.constant 385024 : i32
      %lt3A_226 = arith.cmpi slt, %squeeze3A_220, %lt3A_225 : i32
      %convert_element_type3A_227 = arith.extui %lt3A_226 : i1 to i32
      %cond3A_228 = arith.constant 0 : i32
      %cond3A_229 = arith.cmpi ne, %convert_element_type3A_227, %cond3A_228 : i32
      scf.if %cond3A_229 {
        %dma_start3A = arith.constant 0 : i32
        %dma_start3A_300 = tpu.memref_slice %arg7[%add3A_224, %dma_start3A] : memref<512x8xf32, #tpu.memory_space<vmem>> -> memref<1x8xf32, #tpu.memory_space<vmem>>
        %dma_start3A_301 = arith.constant 0 : i32
        %dma_start3A_302 = tpu.memref_slice %arg3[%squeeze3A_220, %dma_start3A_301] : memref<385024x8xf32, #tpu.memory_space<hbm>> -> memref<1x8xf32, #tpu.memory_space<hbm>>
        %dma_start3A_303 = arith.constant 0 : i32
        %dma_start3A_304 = tpu.memref_slice %arg7[%add3A_224, %dma_start3A_303] : memref<512x8xf32, #tpu.memory_space<vmem>> -> memref<1x8xf32, #tpu.memory_space<vmem>>
        %dma_start3A_305 = arith.constant 0 : i32
        %dma_start3A_306 = tpu.memref_slice %arg3[%squeeze3A_220, %dma_start3A_305] : memref<385024x8xf32, #tpu.memory_space<hbm>> -> memref<1x8xf32, #tpu.memory_space<hbm>>
        tpu.enqueue_dma source(%dma_start3A_306 : memref<1x8xf32, #tpu.memory_space<hbm>>) target(%dma_start3A_304 : memref<1x8xf32, #tpu.memory_space<vmem>>) target_semaphore(%arg11 : memref<!tpu.dma_semaphore, #tpu.memory_space<semaphore_mem>>)
      } else {
      }
      %ge3A_230 = arith.constant 385024 : i32
      %ge3A_231 = arith.cmpi sge, %squeeze3A_220, %ge3A_230 : i32
      %convert_element_type3A_232 = arith.extui %ge3A_231 : i1 to i32
      %cond3A_233 = arith.constant 0 : i32
      %cond3A_234 = arith.cmpi ne, %convert_element_type3A_232, %cond3A_233 : i32
      scf.if %cond3A_234 {
        %sub3A_300 = arith.constant 385024 : i32
        %sub3A_301 = arith.subi %squeeze3A_220, %sub3A_300 : i32
        %mul3A_302 = arith.constant 8 : i32
        %mul3A_303 = arith.muli %sub3A_301, %mul3A_302 : i32
        %mul3A_304 = arith.constant 8 : i32
        %mul3A_305 = arith.muli %add3A_224, %mul3A_304 : i32
        %dma_start3A = tpu.memref_slice %arg8[%mul3A_305] : memref<4096xf32, #tpu.memory_space<vmem>> -> memref<8xf32, #tpu.memory_space<vmem>>
        %dma_start3A_306 = tpu.memref_slice %arg4[%mul3A_303] : memref<4919808xf32, #tpu.memory_space<hbm>> -> memref<8xf32, #tpu.memory_space<hbm>>
        %dma_start3A_307 = tpu.memref_slice %arg8[%mul3A_305] : memref<4096xf32, #tpu.memory_space<vmem>> -> memref<8xf32, #tpu.memory_space<vmem>>
        %dma_start3A_308 = tpu.memref_slice %arg4[%mul3A_303] : memref<4919808xf32, #tpu.memory_space<hbm>> -> memref<8xf32, #tpu.memory_space<hbm>>
        tpu.enqueue_dma source(%dma_start3A_308 : memref<8xf32, #tpu.memory_space<hbm>>) target(%dma_start3A_307 : memref<8xf32, #tpu.memory_space<vmem>>) target_semaphore(%arg12 : memref<!tpu.dma_semaphore, #tpu.memory_space<semaphore_mem>>)
      } else {
      }
      %slice3A_235 = vector.extract_strided_slice %get3A_43 {offsets = [12], sizes = [1], strides = [1]} : vector<16xi32> to vector<1xi32>
      %squeeze3A_236 = vector.extract %slice3A_235[0] : i32 from vector<1xi32>
      %mul3A_237 = arith.constant 16 : i32
      %mul3A_238 = arith.muli %scan3A_39, %mul3A_237 : i32
      %add3A_239 = arith.constant 12 : i32
      %add3A_240 = arith.addi %mul3A_238, %add3A_239 : i32
      %lt3A_241 = arith.constant 385024 : i32
      %lt3A_242 = arith.cmpi slt, %squeeze3A_236, %lt3A_241 : i32
      %convert_element_type3A_243 = arith.extui %lt3A_242 : i1 to i32
      %cond3A_244 = arith.constant 0 : i32
      %cond3A_245 = arith.cmpi ne, %convert_element_type3A_243, %cond3A_244 : i32
      scf.if %cond3A_245 {
        %dma_start3A = arith.constant 0 : i32
        %dma_start3A_300 = tpu.memref_slice %arg7[%add3A_240, %dma_start3A] : memref<512x8xf32, #tpu.memory_space<vmem>> -> memref<1x8xf32, #tpu.memory_space<vmem>>
        %dma_start3A_301 = arith.constant 0 : i32
        %dma_start3A_302 = tpu.memref_slice %arg3[%squeeze3A_236, %dma_start3A_301] : memref<385024x8xf32, #tpu.memory_space<hbm>> -> memref<1x8xf32, #tpu.memory_space<hbm>>
        %dma_start3A_303 = arith.constant 0 : i32
        %dma_start3A_304 = tpu.memref_slice %arg7[%add3A_240, %dma_start3A_303] : memref<512x8xf32, #tpu.memory_space<vmem>> -> memref<1x8xf32, #tpu.memory_space<vmem>>
        %dma_start3A_305 = arith.constant 0 : i32
        %dma_start3A_306 = tpu.memref_slice %arg3[%squeeze3A_236, %dma_start3A_305] : memref<385024x8xf32, #tpu.memory_space<hbm>> -> memref<1x8xf32, #tpu.memory_space<hbm>>
        tpu.enqueue_dma source(%dma_start3A_306 : memref<1x8xf32, #tpu.memory_space<hbm>>) target(%dma_start3A_304 : memref<1x8xf32, #tpu.memory_space<vmem>>) target_semaphore(%arg11 : memref<!tpu.dma_semaphore, #tpu.memory_space<semaphore_mem>>)
      } else {
      }
      %ge3A_246 = arith.constant 385024 : i32
      %ge3A_247 = arith.cmpi sge, %squeeze3A_236, %ge3A_246 : i32
      %convert_element_type3A_248 = arith.extui %ge3A_247 : i1 to i32
      %cond3A_249 = arith.constant 0 : i32
      %cond3A_250 = arith.cmpi ne, %convert_element_type3A_248, %cond3A_249 : i32
      scf.if %cond3A_250 {
        %sub3A_300 = arith.constant 385024 : i32
        %sub3A_301 = arith.subi %squeeze3A_236, %sub3A_300 : i32
        %mul3A_302 = arith.constant 8 : i32
        %mul3A_303 = arith.muli %sub3A_301, %mul3A_302 : i32
        %mul3A_304 = arith.constant 8 : i32
        %mul3A_305 = arith.muli %add3A_240, %mul3A_304 : i32
        %dma_start3A = tpu.memref_slice %arg8[%mul3A_305] : memref<4096xf32, #tpu.memory_space<vmem>> -> memref<8xf32, #tpu.memory_space<vmem>>
        %dma_start3A_306 = tpu.memref_slice %arg4[%mul3A_303] : memref<4919808xf32, #tpu.memory_space<hbm>> -> memref<8xf32, #tpu.memory_space<hbm>>
        %dma_start3A_307 = tpu.memref_slice %arg8[%mul3A_305] : memref<4096xf32, #tpu.memory_space<vmem>> -> memref<8xf32, #tpu.memory_space<vmem>>
        %dma_start3A_308 = tpu.memref_slice %arg4[%mul3A_303] : memref<4919808xf32, #tpu.memory_space<hbm>> -> memref<8xf32, #tpu.memory_space<hbm>>
        tpu.enqueue_dma source(%dma_start3A_308 : memref<8xf32, #tpu.memory_space<hbm>>) target(%dma_start3A_307 : memref<8xf32, #tpu.memory_space<vmem>>) target_semaphore(%arg12 : memref<!tpu.dma_semaphore, #tpu.memory_space<semaphore_mem>>)
      } else {
      }
      %slice3A_251 = vector.extract_strided_slice %get3A_43 {offsets = [13], sizes = [1], strides = [1]} : vector<16xi32> to vector<1xi32>
      %squeeze3A_252 = vector.extract %slice3A_251[0] : i32 from vector<1xi32>
      %mul3A_253 = arith.constant 16 : i32
      %mul3A_254 = arith.muli %scan3A_39, %mul3A_253 : i32
      %add3A_255 = arith.constant 13 : i32
      %add3A_256 = arith.addi %mul3A_254, %add3A_255 : i32
      %lt3A_257 = arith.constant 385024 : i32
      %lt3A_258 = arith.cmpi slt, %squeeze3A_252, %lt3A_257 : i32
      %convert_element_type3A_259 = arith.extui %lt3A_258 : i1 to i32
      %cond3A_260 = arith.constant 0 : i32
      %cond3A_261 = arith.cmpi ne, %convert_element_type3A_259, %cond3A_260 : i32
      scf.if %cond3A_261 {
        %dma_start3A = arith.constant 0 : i32
        %dma_start3A_300 = tpu.memref_slice %arg7[%add3A_256, %dma_start3A] : memref<512x8xf32, #tpu.memory_space<vmem>> -> memref<1x8xf32, #tpu.memory_space<vmem>>
        %dma_start3A_301 = arith.constant 0 : i32
        %dma_start3A_302 = tpu.memref_slice %arg3[%squeeze3A_252, %dma_start3A_301] : memref<385024x8xf32, #tpu.memory_space<hbm>> -> memref<1x8xf32, #tpu.memory_space<hbm>>
        %dma_start3A_303 = arith.constant 0 : i32
        %dma_start3A_304 = tpu.memref_slice %arg7[%add3A_256, %dma_start3A_303] : memref<512x8xf32, #tpu.memory_space<vmem>> -> memref<1x8xf32, #tpu.memory_space<vmem>>
        %dma_start3A_305 = arith.constant 0 : i32
        %dma_start3A_306 = tpu.memref_slice %arg3[%squeeze3A_252, %dma_start3A_305] : memref<385024x8xf32, #tpu.memory_space<hbm>> -> memref<1x8xf32, #tpu.memory_space<hbm>>
        tpu.enqueue_dma source(%dma_start3A_306 : memref<1x8xf32, #tpu.memory_space<hbm>>) target(%dma_start3A_304 : memref<1x8xf32, #tpu.memory_space<vmem>>) target_semaphore(%arg11 : memref<!tpu.dma_semaphore, #tpu.memory_space<semaphore_mem>>)
      } else {
      }
      %ge3A_262 = arith.constant 385024 : i32
      %ge3A_263 = arith.cmpi sge, %squeeze3A_252, %ge3A_262 : i32
      %convert_element_type3A_264 = arith.extui %ge3A_263 : i1 to i32
      %cond3A_265 = arith.constant 0 : i32
      %cond3A_266 = arith.cmpi ne, %convert_element_type3A_264, %cond3A_265 : i32
      scf.if %cond3A_266 {
        %sub3A_300 = arith.constant 385024 : i32
        %sub3A_301 = arith.subi %squeeze3A_252, %sub3A_300 : i32
        %mul3A_302 = arith.constant 8 : i32
        %mul3A_303 = arith.muli %sub3A_301, %mul3A_302 : i32
        %mul3A_304 = arith.constant 8 : i32
        %mul3A_305 = arith.muli %add3A_256, %mul3A_304 : i32
        %dma_start3A = tpu.memref_slice %arg8[%mul3A_305] : memref<4096xf32, #tpu.memory_space<vmem>> -> memref<8xf32, #tpu.memory_space<vmem>>
        %dma_start3A_306 = tpu.memref_slice %arg4[%mul3A_303] : memref<4919808xf32, #tpu.memory_space<hbm>> -> memref<8xf32, #tpu.memory_space<hbm>>
        %dma_start3A_307 = tpu.memref_slice %arg8[%mul3A_305] : memref<4096xf32, #tpu.memory_space<vmem>> -> memref<8xf32, #tpu.memory_space<vmem>>
        %dma_start3A_308 = tpu.memref_slice %arg4[%mul3A_303] : memref<4919808xf32, #tpu.memory_space<hbm>> -> memref<8xf32, #tpu.memory_space<hbm>>
        tpu.enqueue_dma source(%dma_start3A_308 : memref<8xf32, #tpu.memory_space<hbm>>) target(%dma_start3A_307 : memref<8xf32, #tpu.memory_space<vmem>>) target_semaphore(%arg12 : memref<!tpu.dma_semaphore, #tpu.memory_space<semaphore_mem>>)
      } else {
      }
      %slice3A_267 = vector.extract_strided_slice %get3A_43 {offsets = [14], sizes = [1], strides = [1]} : vector<16xi32> to vector<1xi32>
      %squeeze3A_268 = vector.extract %slice3A_267[0] : i32 from vector<1xi32>
      %mul3A_269 = arith.constant 16 : i32
      %mul3A_270 = arith.muli %scan3A_39, %mul3A_269 : i32
      %add3A_271 = arith.constant 14 : i32
      %add3A_272 = arith.addi %mul3A_270, %add3A_271 : i32
      %lt3A_273 = arith.constant 385024 : i32
      %lt3A_274 = arith.cmpi slt, %squeeze3A_268, %lt3A_273 : i32
      %convert_element_type3A_275 = arith.extui %lt3A_274 : i1 to i32
      %cond3A_276 = arith.constant 0 : i32
      %cond3A_277 = arith.cmpi ne, %convert_element_type3A_275, %cond3A_276 : i32
      scf.if %cond3A_277 {
        %dma_start3A = arith.constant 0 : i32
        %dma_start3A_300 = tpu.memref_slice %arg7[%add3A_272, %dma_start3A] : memref<512x8xf32, #tpu.memory_space<vmem>> -> memref<1x8xf32, #tpu.memory_space<vmem>>
        %dma_start3A_301 = arith.constant 0 : i32
        %dma_start3A_302 = tpu.memref_slice %arg3[%squeeze3A_268, %dma_start3A_301] : memref<385024x8xf32, #tpu.memory_space<hbm>> -> memref<1x8xf32, #tpu.memory_space<hbm>>
        %dma_start3A_303 = arith.constant 0 : i32
        %dma_start3A_304 = tpu.memref_slice %arg7[%add3A_272, %dma_start3A_303] : memref<512x8xf32, #tpu.memory_space<vmem>> -> memref<1x8xf32, #tpu.memory_space<vmem>>
        %dma_start3A_305 = arith.constant 0 : i32
        %dma_start3A_306 = tpu.memref_slice %arg3[%squeeze3A_268, %dma_start3A_305] : memref<385024x8xf32, #tpu.memory_space<hbm>> -> memref<1x8xf32, #tpu.memory_space<hbm>>
        tpu.enqueue_dma source(%dma_start3A_306 : memref<1x8xf32, #tpu.memory_space<hbm>>) target(%dma_start3A_304 : memref<1x8xf32, #tpu.memory_space<vmem>>) target_semaphore(%arg11 : memref<!tpu.dma_semaphore, #tpu.memory_space<semaphore_mem>>)
      } else {
      }
      %ge3A_278 = arith.constant 385024 : i32
      %ge3A_279 = arith.cmpi sge, %squeeze3A_268, %ge3A_278 : i32
      %convert_element_type3A_280 = arith.extui %ge3A_279 : i1 to i32
      %cond3A_281 = arith.constant 0 : i32
      %cond3A_282 = arith.cmpi ne, %convert_element_type3A_280, %cond3A_281 : i32
      scf.if %cond3A_282 {
        %sub3A_300 = arith.constant 385024 : i32
        %sub3A_301 = arith.subi %squeeze3A_268, %sub3A_300 : i32
        %mul3A_302 = arith.constant 8 : i32
        %mul3A_303 = arith.muli %sub3A_301, %mul3A_302 : i32
        %mul3A_304 = arith.constant 8 : i32
        %mul3A_305 = arith.muli %add3A_272, %mul3A_304 : i32
        %dma_start3A = tpu.memref_slice %arg8[%mul3A_305] : memref<4096xf32, #tpu.memory_space<vmem>> -> memref<8xf32, #tpu.memory_space<vmem>>
        %dma_start3A_306 = tpu.memref_slice %arg4[%mul3A_303] : memref<4919808xf32, #tpu.memory_space<hbm>> -> memref<8xf32, #tpu.memory_space<hbm>>
        %dma_start3A_307 = tpu.memref_slice %arg8[%mul3A_305] : memref<4096xf32, #tpu.memory_space<vmem>> -> memref<8xf32, #tpu.memory_space<vmem>>
        %dma_start3A_308 = tpu.memref_slice %arg4[%mul3A_303] : memref<4919808xf32, #tpu.memory_space<hbm>> -> memref<8xf32, #tpu.memory_space<hbm>>
        tpu.enqueue_dma source(%dma_start3A_308 : memref<8xf32, #tpu.memory_space<hbm>>) target(%dma_start3A_307 : memref<8xf32, #tpu.memory_space<vmem>>) target_semaphore(%arg12 : memref<!tpu.dma_semaphore, #tpu.memory_space<semaphore_mem>>)
      } else {
      }
      %slice3A_283 = vector.extract_strided_slice %get3A_43 {offsets = [15], sizes = [1], strides = [1]} : vector<16xi32> to vector<1xi32>
      %squeeze3A_284 = vector.extract %slice3A_283[0] : i32 from vector<1xi32>
      %mul3A_285 = arith.constant 16 : i32
      %mul3A_286 = arith.muli %scan3A_39, %mul3A_285 : i32
      %add3A_287 = arith.constant 15 : i32
      %add3A_288 = arith.addi %mul3A_286, %add3A_287 : i32
      %lt3A_289 = arith.constant 385024 : i32
      %lt3A_290 = arith.cmpi slt, %squeeze3A_284, %lt3A_289 : i32
      %convert_element_type3A_291 = arith.extui %lt3A_290 : i1 to i32
      %cond3A_292 = arith.constant 0 : i32
      %cond3A_293 = arith.cmpi ne, %convert_element_type3A_291, %cond3A_292 : i32
      scf.if %cond3A_293 {
        %dma_start3A = arith.constant 0 : i32
        %dma_start3A_300 = tpu.memref_slice %arg7[%add3A_288, %dma_start3A] : memref<512x8xf32, #tpu.memory_space<vmem>> -> memref<1x8xf32, #tpu.memory_space<vmem>>
        %dma_start3A_301 = arith.constant 0 : i32
        %dma_start3A_302 = tpu.memref_slice %arg3[%squeeze3A_284, %dma_start3A_301] : memref<385024x8xf32, #tpu.memory_space<hbm>> -> memref<1x8xf32, #tpu.memory_space<hbm>>
        %dma_start3A_303 = arith.constant 0 : i32
        %dma_start3A_304 = tpu.memref_slice %arg7[%add3A_288, %dma_start3A_303] : memref<512x8xf32, #tpu.memory_space<vmem>> -> memref<1x8xf32, #tpu.memory_space<vmem>>
        %dma_start3A_305 = arith.constant 0 : i32
        %dma_start3A_306 = tpu.memref_slice %arg3[%squeeze3A_284, %dma_start3A_305] : memref<385024x8xf32, #tpu.memory_space<hbm>> -> memref<1x8xf32, #tpu.memory_space<hbm>>
        tpu.enqueue_dma source(%dma_start3A_306 : memref<1x8xf32, #tpu.memory_space<hbm>>) target(%dma_start3A_304 : memref<1x8xf32, #tpu.memory_space<vmem>>) target_semaphore(%arg11 : memref<!tpu.dma_semaphore, #tpu.memory_space<semaphore_mem>>)
      } else {
      }
      %ge3A_294 = arith.constant 385024 : i32
      %ge3A_295 = arith.cmpi sge, %squeeze3A_284, %ge3A_294 : i32
      %convert_element_type3A_296 = arith.extui %ge3A_295 : i1 to i32
      %cond3A_297 = arith.constant 0 : i32
      %cond3A_298 = arith.cmpi ne, %convert_element_type3A_296, %cond3A_297 : i32
      scf.if %cond3A_298 {
        %sub3A_300 = arith.constant 385024 : i32
        %sub3A_301 = arith.subi %squeeze3A_284, %sub3A_300 : i32
        %mul3A_302 = arith.constant 8 : i32
        %mul3A_303 = arith.muli %sub3A_301, %mul3A_302 : i32
        %mul3A_304 = arith.constant 8 : i32
        %mul3A_305 = arith.muli %add3A_288, %mul3A_304 : i32
        %dma_start3A = tpu.memref_slice %arg8[%mul3A_305] : memref<4096xf32, #tpu.memory_space<vmem>> -> memref<8xf32, #tpu.memory_space<vmem>>
        %dma_start3A_306 = tpu.memref_slice %arg4[%mul3A_303] : memref<4919808xf32, #tpu.memory_space<hbm>> -> memref<8xf32, #tpu.memory_space<hbm>>
        %dma_start3A_307 = tpu.memref_slice %arg8[%mul3A_305] : memref<4096xf32, #tpu.memory_space<vmem>> -> memref<8xf32, #tpu.memory_space<vmem>>
        %dma_start3A_308 = tpu.memref_slice %arg4[%mul3A_303] : memref<4919808xf32, #tpu.memory_space<hbm>> -> memref<8xf32, #tpu.memory_space<hbm>>
        tpu.enqueue_dma source(%dma_start3A_308 : memref<8xf32, #tpu.memory_space<hbm>>) target(%dma_start3A_307 : memref<8xf32, #tpu.memory_space<vmem>>) target_semaphore(%arg12 : memref<!tpu.dma_semaphore, #tpu.memory_space<semaphore_mem>>)
      } else {
      }
      %add3A_299 = arith.addi %scan3A_40, %squeeze3A : i32
      scf.yield %add3A_299 : i32
    }
    %scan3A_9 = arith.constant 32 : i32
    %while3A = arith.constant 0 : i32
    %while3A_10 = arith.constant 0 : i32
    %while3A_11 = arith.subi %scan3A_8, %while3A_10 : i32
    %while3A_12 = arith.addi %while3A_10, %while3A_11 : i32
    %while3A_13 = arith.constant 1 : i32
    %while3A_14 = arith.divsi %while3A_11, %while3A_13 : i32
    %while3A_15 = arith.muli %while3A_14, %while3A_13 : i32
    %while3A_16 = arith.addi %while3A_10, %while3A_15 : i32
    %while3A_17 = arith.constant 1 : i32
    scf.for %while3A_39 = %while3A_10 to %while3A_16 step %while3A_17  : i32 {
      %dma_wait3A = arith.constant 0 : i32
      %dma_wait3A_40 = arith.constant 0 : i32
      %dma_wait3A_41 = tpu.memref_slice %arg7[%dma_wait3A, %dma_wait3A_40] : memref<512x8xf32, #tpu.memory_space<vmem>> -> memref<1x8xf32, #tpu.memory_space<vmem>>
      %dma_wait3A_42 = arith.constant 0 : i32
      %dma_wait3A_43 = arith.constant 0 : i32
      %dma_wait3A_44 = tpu.memref_slice %arg3[%dma_wait3A_42, %dma_wait3A_43] : memref<385024x8xf32, #tpu.memory_space<hbm>> -> memref<1x8xf32, #tpu.memory_space<hbm>>
      %dma_wait3A_45 = arith.constant 0 : i32
      %dma_wait3A_46 = arith.constant 0 : i32
      %dma_wait3A_47 = tpu.memref_slice %arg7[%dma_wait3A_45, %dma_wait3A_46] : memref<512x8xf32, #tpu.memory_space<vmem>> -> memref<1x8xf32, #tpu.memory_space<vmem>>
      %dma_wait3A_48 = arith.constant 0 : i32
      %dma_wait3A_49 = arith.constant 0 : i32
      %dma_wait3A_50 = tpu.memref_slice %arg3[%dma_wait3A_48, %dma_wait3A_49] : memref<385024x8xf32, #tpu.memory_space<hbm>> -> memref<1x8xf32, #tpu.memory_space<hbm>>
      tpu.wait_dma2 semaphore(%arg11 : memref<!tpu.dma_semaphore, #tpu.memory_space<semaphore_mem>>) src(%dma_wait3A_50 : memref<1x8xf32, #tpu.memory_space<hbm>>) dst(%dma_wait3A_47 : memref<1x8xf32, #tpu.memory_space<vmem>>)
    }
    %while3A_18 = arith.constant 1 : i32
    scf.for %while3A_39 = %while3A_16 to %while3A_12 step %while3A_18  : i32 {
      %dma_wait3A = arith.constant 0 : i32
      %dma_wait3A_40 = arith.constant 0 : i32
      %dma_wait3A_41 = tpu.memref_slice %arg7[%dma_wait3A, %dma_wait3A_40] : memref<512x8xf32, #tpu.memory_space<vmem>> -> memref<1x8xf32, #tpu.memory_space<vmem>>
      %dma_wait3A_42 = arith.constant 0 : i32
      %dma_wait3A_43 = arith.constant 0 : i32
      %dma_wait3A_44 = tpu.memref_slice %arg3[%dma_wait3A_42, %dma_wait3A_43] : memref<385024x8xf32, #tpu.memory_space<hbm>> -> memref<1x8xf32, #tpu.memory_space<hbm>>
      %dma_wait3A_45 = arith.constant 0 : i32
      %dma_wait3A_46 = arith.constant 0 : i32
      %dma_wait3A_47 = tpu.memref_slice %arg7[%dma_wait3A_45, %dma_wait3A_46] : memref<512x8xf32, #tpu.memory_space<vmem>> -> memref<1x8xf32, #tpu.memory_space<vmem>>
      %dma_wait3A_48 = arith.constant 0 : i32
      %dma_wait3A_49 = arith.constant 0 : i32
      %dma_wait3A_50 = tpu.memref_slice %arg3[%dma_wait3A_48, %dma_wait3A_49] : memref<385024x8xf32, #tpu.memory_space<hbm>> -> memref<1x8xf32, #tpu.memory_space<hbm>>
      tpu.wait_dma2 semaphore(%arg11 : memref<!tpu.dma_semaphore, #tpu.memory_space<semaphore_mem>>) src(%dma_wait3A_50 : memref<1x8xf32, #tpu.memory_space<hbm>>) dst(%dma_wait3A_47 : memref<1x8xf32, #tpu.memory_space<vmem>>)
    }
    %sub3A = arith.constant 512 : i32
    %sub3A_19 = arith.subi %sub3A, %scan3A_8 : i32
    %while3A_20 = arith.constant 0 : i32
    %while3A_21 = arith.constant 0 : i32
    %while3A_22 = arith.subi %sub3A_19, %while3A_21 : i32
    %while3A_23 = arith.addi %while3A_21, %while3A_22 : i32
    %while3A_24 = arith.constant 1 : i32
    %while3A_25 = arith.divsi %while3A_22, %while3A_24 : i32
    %while3A_26 = arith.muli %while3A_25, %while3A_24 : i32
    %while3A_27 = arith.addi %while3A_21, %while3A_26 : i32
    %while3A_28 = arith.constant 1 : i32
    scf.for %while3A_39 = %while3A_21 to %while3A_27 step %while3A_28  : i32 {
      %dma_wait3A = arith.constant 0 : i32
      %dma_wait3A_40 = tpu.memref_slice %arg8[%dma_wait3A] : memref<4096xf32, #tpu.memory_space<vmem>> -> memref<8xf32, #tpu.memory_space<vmem>>
      %dma_wait3A_41 = arith.constant 0 : i32
      %dma_wait3A_42 = tpu.memref_slice %arg4[%dma_wait3A_41] : memref<4919808xf32, #tpu.memory_space<hbm>> -> memref<8xf32, #tpu.memory_space<hbm>>
      %dma_wait3A_43 = arith.constant 0 : i32
      %dma_wait3A_44 = tpu.memref_slice %arg8[%dma_wait3A_43] : memref<4096xf32, #tpu.memory_space<vmem>> -> memref<8xf32, #tpu.memory_space<vmem>>
      %dma_wait3A_45 = arith.constant 0 : i32
      %dma_wait3A_46 = tpu.memref_slice %arg4[%dma_wait3A_45] : memref<4919808xf32, #tpu.memory_space<hbm>> -> memref<8xf32, #tpu.memory_space<hbm>>
      tpu.wait_dma2 semaphore(%arg12 : memref<!tpu.dma_semaphore, #tpu.memory_space<semaphore_mem>>) src(%dma_wait3A_46 : memref<8xf32, #tpu.memory_space<hbm>>) dst(%dma_wait3A_44 : memref<8xf32, #tpu.memory_space<vmem>>)
    }
    %while3A_29 = arith.constant 1 : i32
    scf.for %while3A_39 = %while3A_27 to %while3A_23 step %while3A_29  : i32 {
      %dma_wait3A = arith.constant 0 : i32
      %dma_wait3A_40 = tpu.memref_slice %arg8[%dma_wait3A] : memref<4096xf32, #tpu.memory_space<vmem>> -> memref<8xf32, #tpu.memory_space<vmem>>
      %dma_wait3A_41 = arith.constant 0 : i32
      %dma_wait3A_42 = tpu.memref_slice %arg4[%dma_wait3A_41] : memref<4919808xf32, #tpu.memory_space<hbm>> -> memref<8xf32, #tpu.memory_space<hbm>>
      %dma_wait3A_43 = arith.constant 0 : i32
      %dma_wait3A_44 = tpu.memref_slice %arg8[%dma_wait3A_43] : memref<4096xf32, #tpu.memory_space<vmem>> -> memref<8xf32, #tpu.memory_space<vmem>>
      %dma_wait3A_45 = arith.constant 0 : i32
      %dma_wait3A_46 = tpu.memref_slice %arg4[%dma_wait3A_45] : memref<4919808xf32, #tpu.memory_space<hbm>> -> memref<8xf32, #tpu.memory_space<hbm>>
      tpu.wait_dma2 semaphore(%arg12 : memref<!tpu.dma_semaphore, #tpu.memory_space<semaphore_mem>>) src(%dma_wait3A_46 : memref<8xf32, #tpu.memory_space<hbm>>) dst(%dma_wait3A_44 : memref<8xf32, #tpu.memory_space<vmem>>)
    }
    %scan3A_30 = arith.constant 0 : i32
    %scan3A_31 = arith.constant 0 : i32
    %scan3A_32 = arith.constant 32 : i32
    %scan3A_33 = arith.addi %scan3A_31, %scan3A_32 : i32
    %scan3A_34 = arith.constant 1 : i32
    scf.for %scan3A_39 = %scan3A_31 to %scan3A_33 step %scan3A_34  : i32 {
      %mul3A_40 = arith.constant 16 : i32
      %mul3A_41 = arith.muli %scan3A_39, %mul3A_40 : i32
      %add3A_42 = vector.broadcast %mul3A_41 : i32 to vector<16xi32>
      %add3A_43 = arith.addi %add3A_42, %iota3A : vector<16xi32>
      %mul3A_44 = arith.constant 16 : i32
      %mul3A_45 = arith.muli %scan3A_39, %mul3A_44 : i32
      %get3A = arith.index_cast %mul3A_45 : i32 to index
      %get3A_46 = tpu.vector_load %arg6[%get3A] {strides = array<i32>} : memref<512xi32, #tpu.memory_space<vmem>>, vector<16xi32>,
      %lt3A = arith.constant 385024 : i32
      %lt3A_47 = vector.broadcast %lt3A : i32 to vector<16xi32>
      %lt3A_48 = arith.cmpi slt, %get3A_46, %lt3A_47 : vector<16xi32>
      %gather3A = tpu.vector_load_idx %arg7[%add3A_43, %broadcast_in_dim3A_1] : memref<512x8xf32, #tpu.memory_space<vmem>>[vector<16xi32>, vector<16xi32>], vector<16xf32>,
      %mul3A_49 = arith.constant 8 : i32
      %mul3A_50 = vector.broadcast %mul3A_49 : i32 to vector<16xi32>
      %mul3A_51 = arith.muli %add3A_43, %mul3A_50 : vector<16xi32>
      %gather3A_52 = tpu.vector_load_idx %arg8[%mul3A_51] : memref<4096xf32, #tpu.memory_space<vmem>>[vector<16xi32>], vector<16xf32>,
      %select_n3A = arith.select %lt3A_48, %gather3A, %gather3A_52 : vector<16xi1>, vector<16xf32>
      %gather3A_53 = tpu.vector_load_idx %arg7[%add3A_43, %broadcast_in_dim3A_3] : memref<512x8xf32, #tpu.memory_space<vmem>>[vector<16xi32>, vector<16xi32>], vector<16xf32>,
      %mul3A_54 = arith.constant 8 : i32
      %mul3A_55 = vector.broadcast %mul3A_54 : i32 to vector<16xi32>
      %mul3A_56 = arith.muli %add3A_43, %mul3A_55 : vector<16xi32>
      %add3A_57 = arith.constant 1 : i32
      %add3A_58 = vector.broadcast %add3A_57 : i32 to vector<16xi32>
      %add3A_59 = arith.addi %mul3A_56, %add3A_58 : vector<16xi32>
      %gather3A_60 = tpu.vector_load_idx %arg8[%add3A_59] : memref<4096xf32, #tpu.memory_space<vmem>>[vector<16xi32>], vector<16xf32>,
      %select_n3A_61 = arith.select %lt3A_48, %gather3A_53, %gather3A_60 : vector<16xi1>, vector<16xf32>
      %mul3A_62 = arith.constant 16 : i32
      %mul3A_63 = arith.muli %scan3A_39, %mul3A_62 : i32
      %swap3A = arith.index_cast %mul3A_63 : i32 to index
      %swap3A_64 = tpu.vector_load %arg9[%swap3A] {strides = array<i32>} : memref<512xf32, #tpu.memory_space<vmem>>, vector<16xf32>,
      tpu.vector_store %arg9[%swap3A], %select_n3A {strides = array<i32>} : memref<512xf32, #tpu.memory_space<vmem>>, vector<16xf32>,
      %mul3A_65 = arith.constant 16 : i32
      %mul3A_66 = arith.muli %scan3A_39, %mul3A_65 : i32
      %swap3A_67 = arith.index_cast %mul3A_66 : i32 to index
      %swap3A_68 = tpu.vector_load %arg10[%swap3A_67] {strides = array<i32>} : memref<512xf32, #tpu.memory_space<vmem>>, vector<16xf32>,
      tpu.vector_store %arg10[%swap3A_67], %select_n3A_61 {strides = array<i32>} : memref<512xf32, #tpu.memory_space<vmem>>, vector<16xf32>,
    }
    %scan3A_35 = arith.constant 32 : i32
    %mul3A_36 = arith.constant 512 : i32
    %mul3A_37 = arith.muli %add3A, %mul3A_36 : i32
    %multiple_of3A = tpu.assume_multiple %mul3A_37, 128 : i32
    %run_scoped3A = arith.constant 0 : i32
    "tpu.region"() ({
      %run_scoped3A_39 = tpu.sem_alloc : memref<!tpu.dma_semaphore, #tpu.memory_space<semaphore_mem>>
      %dma_start3A = tpu.memref_slice %arg5[%run_scoped3A, %multiple_of3A] : memref<2x16384xf32, #tpu.memory_space<hbm>> -> memref<1x512xf32, #tpu.memory_space<hbm>>
      %dma_start3A_40 = tpu.memref_squeeze %dma_start3A : memref<1x512xf32, #tpu.memory_space<hbm>> -> memref<512xf32, #tpu.memory_space<hbm>>
      %dma_start3A_41 = tpu.memref_slice %arg5[%run_scoped3A, %multiple_of3A] : memref<2x16384xf32, #tpu.memory_space<hbm>> -> memref<1x512xf32, #tpu.memory_space<hbm>>
      %dma_start3A_42 = tpu.memref_squeeze %dma_start3A_41 : memref<1x512xf32, #tpu.memory_space<hbm>> -> memref<512xf32, #tpu.memory_space<hbm>>
      tpu.enqueue_dma source(%arg9 : memref<512xf32, #tpu.memory_space<vmem>>) target(%dma_start3A_42 : memref<512xf32, #tpu.memory_space<hbm>>) target_semaphore(%run_scoped3A_39 : memref<!tpu.dma_semaphore, #tpu.memory_space<semaphore_mem>>)
      %dma_wait3A = tpu.memref_slice %arg5[%run_scoped3A, %multiple_of3A] : memref<2x16384xf32, #tpu.memory_space<hbm>> -> memref<1x512xf32, #tpu.memory_space<hbm>>
      %dma_wait3A_43 = tpu.memref_squeeze %dma_wait3A : memref<1x512xf32, #tpu.memory_space<hbm>> -> memref<512xf32, #tpu.memory_space<hbm>>
      %dma_wait3A_44 = tpu.memref_slice %arg5[%run_scoped3A, %multiple_of3A] : memref<2x16384xf32, #tpu.memory_space<hbm>> -> memref<1x512xf32, #tpu.memory_space<hbm>>
      %dma_wait3A_45 = tpu.memref_squeeze %dma_wait3A_44 : memref<1x512xf32, #tpu.memory_space<hbm>> -> memref<512xf32, #tpu.memory_space<hbm>>
      tpu.wait_dma2 semaphore(%run_scoped3A_39 : memref<!tpu.dma_semaphore, #tpu.memory_space<semaphore_mem>>) src(%arg9 : memref<512xf32, #tpu.memory_space<vmem>>) dst(%dma_wait3A_45 : memref<512xf32, #tpu.memory_space<hbm>>)
      tpu.yield
    }) : () -> ()
    %run_scoped3A_38 = arith.constant 1 : i32
    "tpu.region"() ({
      %run_scoped3A_39 = tpu.sem_alloc : memref<!tpu.dma_semaphore, #tpu.memory_space<semaphore_mem>>
      %dma_start3A = tpu.memref_slice %arg5[%run_scoped3A_38, %multiple_of3A] : memref<2x16384xf32, #tpu.memory_space<hbm>> -> memref<1x512xf32, #tpu.memory_space<hbm>>
      %dma_start3A_40 = tpu.memref_squeeze %dma_start3A : memref<1x512xf32, #tpu.memory_space<hbm>> -> memref<512xf32, #tpu.memory_space<hbm>>
      %dma_start3A_41 = tpu.memref_slice %arg5[%run_scoped3A_38, %multiple_of3A] : memref<2x16384xf32, #tpu.memory_space<hbm>> -> memref<1x512xf32, #tpu.memory_space<hbm>>
      %dma_start3A_42 = tpu.memref_squeeze %dma_start3A_41 : memref<1x512xf32, #tpu.memory_space<hbm>> -> memref<512xf32, #tpu.memory_space<hbm>>
      tpu.enqueue_dma source(%arg10 : memref<512xf32, #tpu.memory_space<vmem>>) target(%dma_start3A_42 : memref<512xf32, #tpu.memory_space<hbm>>) target_semaphore(%run_scoped3A_39 : memref<!tpu.dma_semaphore, #tpu.memory_space<semaphore_mem>>)
      %dma_wait3A = tpu.memref_slice %arg5[%run_scoped3A_38, %multiple_of3A] : memref<2x16384xf32, #tpu.memory_space<hbm>> -> memref<1x512xf32, #tpu.memory_space<hbm>>
      %dma_wait3A_43 = tpu.memref_squeeze %dma_wait3A : memref<1x512xf32, #tpu.memory_space<hbm>> -> memref<512xf32, #tpu.memory_space<hbm>>
      %dma_wait3A_44 = tpu.memref_slice %arg5[%run_scoped3A_38, %multiple_of3A] : memref<2x16384xf32, #tpu.memory_space<hbm>> -> memref<1x512xf32, #tpu.memory_space<hbm>>
      %dma_wait3A_45 = tpu.memref_squeeze %dma_wait3A_44 : memref<1x512xf32, #tpu.memory_space<hbm>> -> memref<512xf32, #tpu.memory_space<hbm>>
      tpu.wait_dma2 semaphore(%run_scoped3A_39 : memref<!tpu.dma_semaphore, #tpu.memory_space<semaphore_mem>>) src(%arg10 : memref<512xf32, #tpu.memory_space<vmem>>) dst(%dma_wait3A_45 : memref<512xf32, #tpu.memory_space<hbm>>)
      tpu.yield
    }) : () -> ()
    return
  }
}

module attributes {stable_mosaic.version = 14 : i64} {
  func.func @_project_tc_body(%arg0: i32, %arg1: memref<64x4096xf32, #tpu.memory_space<vmem>>, %arg2: memref<64x8xf32, #tpu.memory_space<vmem>>, %arg3: memref<1x8xf32, #tpu.memory_space<vmem>>, %arg4: memref<4096x8xf32, #tpu.memory_space<vmem>>) attributes {dimension_semantics = [#tpu.dimension_semantics<arbitrary>], iteration_bounds = array<i64: 94>, scalar_prefetch = 0 : i64, scratch_operands = 0 : i64, tpu.core_type = #tpu.core_type<tc>, window_params = [{transform_indices = @transform_0, window_bounds = array<i64: 64, 4096>}, {pipeline_mode = #tpu.pipeline_mode<synchronous>, transform_indices = @transform_1, window_bounds = array<i64: 64, 8>}, {pipeline_mode = #tpu.pipeline_mode<synchronous>, transform_indices = @transform_2, window_bounds = array<i64: 1, 8>}, {transform_indices = @transform_3, window_bounds = array<i64: 4096, 8>}]} {
    %get3A = arith.constant 0 : index
    %get3A_0 = arith.constant 0 : index
    %get3A_1 = vector.load %arg1[%get3A, %get3A_0] : memref<64x4096xf32, #tpu.memory_space<vmem>>, vector<64x4096xf32>
    %get3A_2 = arith.constant 0 : index
    %get3A_3 = arith.constant 0 : index
    %get3A_4 = vector.load %arg2[%get3A_2, %get3A_3] : memref<64x8xf32, #tpu.memory_space<vmem>>, vector<64x8xf32>
    %dot_general3A = arith.constant dense<0.000000e+00> : vector<4096x8xf32>
    %dot_general3A_5 = tpu.matmul %get3A_1, %get3A_4, %dot_general3A {dimension_numbers = #tpu.dot_dimension_numbers<[0], [0], [1], [1], [0, 1, 1, 1], [], []>, transpose_lhs_hint = false} : vector<64x4096xf32>, vector<64x8xf32>, vector<4096x8xf32> -> vector<4096x8xf32>
    %get3A_6 = arith.constant 0 : index
    %get3A_7 = arith.constant 0 : index
    %get3A_8 = vector.load %arg3[%get3A_6, %get3A_7] : memref<1x8xf32, #tpu.memory_space<vmem>>, vector<1x8xf32>
    %add3A = vector.broadcast %get3A_8 : vector<1x8xf32> to vector<4096x8xf32>
    %add3A_9 = arith.addf %dot_general3A_5, %add3A : vector<4096x8xf32>
    %swap3A = arith.constant 0 : index
    %swap3A_10 = arith.constant 0 : index
    %swap3A_11 = vector.load %arg4[%swap3A, %swap3A_10] : memref<4096x8xf32, #tpu.memory_space<vmem>>, vector<4096x8xf32>
    tpu.vector_store %arg4[%swap3A, %swap3A_10], %add3A_9 {strides = array<i32>} : memref<4096x8xf32, #tpu.memory_space<vmem>>, vector<4096x8xf32>,
    return
  }
  func.func @transform_0(%arg0: i32) -> (i32, i32) {
    %c0_i32 = arith.constant 0 : i32
    %c0_i32_0 = arith.constant 0 : i32
    return %c0_i32, %arg0 : i32, i32
  }
  func.func @transform_1(%arg0: i32) -> (i32, i32) {
    %c0_i32 = arith.constant 0 : i32
    %c0_i32_0 = arith.constant 0 : i32
    %c0_i32_1 = arith.constant 0 : i32
    return %c0_i32, %c0_i32_0 : i32, i32
  }
  func.func @transform_2(%arg0: i32) -> (i32, i32) {
    %c0_i32 = arith.constant 0 : i32
    %c0_i32_0 = arith.constant 0 : i32
    %c0_i32_1 = arith.constant 0 : i32
    return %c0_i32, %c0_i32_0 : i32, i32
  }
  func.func @transform_3(%arg0: i32) -> (i32, i32) {
    %c0_i32 = arith.constant 0 : i32
    %c0_i32_0 = arith.constant 0 : i32
    return %arg0, %c0_i32 : i32, i32
  }
}

</mosaic_0001>

<sc_bundles>
// kernel: kernel.5.cloned.1.call-start
scs
__scs_entry_jumppad:
0x0: {  	(pc) =	sbr.rel $0x88, $3  }
0x1: {  	(tag) =	ssettag $0x0;
	lr =	simm.s32 $0x1  }
0x2: {  	[smem:$0x3F9D] =	sst lr;
	_ =	strace $0xD0000000  }
0x3: {  	_ = 	snop  }
0x4: {  	_ = 	snop  }
0x5: {  	_ = 	snop  }
0x6: {  	_ = 	snop  }
0x7: {  	_ = 	snop  }
__scs_overlays_trampoline_lowered:
0x8: {  	[smem:$0x3FAC] =	sst s0  }
0x9: {  	[smem:$0x3FAD] =	sst s1  }
0xa: {  	[smem:$0x3FAE] =	sst s2  }
0xb: {  	[smem:$0x3FAF] =	sst s3  }
0xc: {  	[smem:$0x3FB0] =	sst s4  }
0xd: {  	[smem:$0x3FB1] =	sst s5  }
0xe: {  	[smem:$0x3FB2] =	sst s6  }
0xf: {  	[smem:$0x3FB3] =	sst s7  }
0x10: {  	[smem:$0x3FB4] =	sst s8  }
0x11: {  	[smem:$0x3FB5] =	sst s9;
	s0 =	simm.s32 @!p0 $0x0  }
0x12: {  	s1 =	sld [smem:$0x3F9B];
	s0 =	simm.s32 @p0 $0x1  }
0x13: {  	[smem:$0x3FB6] =	sst s0;
	s0 =	simm.s32 @!p1 $0x0  }
0x14: {  	s2 =	sld [smem:$0x3F9A];
	s0 =	simm.s32 @p1 $0x1  }
0x15: {  	[smem:$0x3FB7] =	sst s0;
	s0 =	simm.s32 @!p2 $0x0  }
0x16: {  	s3 =	sld [smem:$0x3FDB];
	s0 =	simm.s32 @p2 $0x1  }
0x17: {  	s4 =	simm.s32 $0x1BF5;
	[smem:$0x3FB9] =	sst s0  }
0x18: {  	s0 =	sld [smem:$0x3F9C];
	_ =	swait.ge [sflag:s4], $0x0  }
0x19: {  	s7 =	sld [smem:$0x3F9D]  }
0x1a: {  	s8 =	sadd.s32 $0xFFFFE003, lr  }
0x1b: {  	s9 =	sadd.s32 $0xFFFFFEF7, lr;
	s5 =	simm.s32 $0xFFFFFFFF;
	p2 =	slt.u32 s8, $0xFFFFF086  }
0x1c: {  	p1 =	slt.u32 s9, $0xF7A;
	s5 =	simm.s32 @!p2 $0x0  }
0x1d: {  	s5 =	simm.s32 @p1 $0x1;
	p0 =	seq.s32 s7, s2  }
0x1e: {  	s7 =	smul.u32 @!p0 $0xF7A, s2;
	p2 =	seq.s32 @!p0 s5, $0x0  }
0x1f: {  	s9 =	smul.u32 $0xF7A, s1;
	s8 =	simm.s32 @!p0 $0x1BF5;
	p2 =	por !p2, p0  }
0x20: {  	[sflag:s8] =	ssyncset.s32 @!p0 $0xFFFFF086;
	s6 =	sadd.s32 @!p0 s3, s7;
	s7 =	simm.s32 @!p0 $0x108  }
0x21: {  	s3 =	sadd.s32 s3, s9;
	s6 =	sadd.s32 @!p0 $0x88, s6;
	s7 =	simm.s32 @p2 $0x1082  }
0x22: {  	[simem:s7], [sflag:s8] =	dma.local @!p0 [hbm:s6], $0xF7A  }
0x23: {  	s9 =	sor.u32 $0xD0000000, s2;
	s6 =	simm.s32 $0x108;
	_ =	swait.ge @!p0 [sflag:s8], $0x0  }
0x24: {  	s3 =	sadd.s32 $0x88, s3;
	s6 =	simm.s32 @!p1 $0x1082;
	[sflag:s4] =	ssyncset.s32 $0xFFFFF086  }
0x25: {  	[simem:s6], [sflag:s4] =	dma.local [hbm:s3], $0xF7A  }
0x26: {  	[smem:$0x3F9D] =	sst s1;
	(tag) =	ssettag s2;
	_ =	strace s9  }
0x27: {  	s1 =	sld [smem:$0x3FAD]  }
0x28: {  	s2 =	sld [smem:$0x3FAE]  }
0x29: {  	s4 =	sld [smem:$0x3FB0]  }
0x2a: {  	p0 =	seq.s32 s5, $0x0;
	s5 =	sld [smem:$0x3FB1]  }
0x2b: {  	s6 =	sld [smem:$0x3FB2]  }
0x2c: {  	s7 =	sld [smem:$0x3FB3]  }
0x2d: {  	s3 =	simm.s32 $0x108;
	s8 =	sld [smem:$0x3FB4]  }
0x2e: {  	s3 =	simm.s32 @!p0 $0x1082;
	s9 =	sld [smem:$0x3FB5]  }
0x2f: {  	lr =	sadd.s32 s0, s3;
	s0 =	sld [smem:$0x3FAC]  }
0x30: {  	s3 =	sld [smem:$0x3FAF]  }
0x31: {  	[smem:$0x3FB8] =	sst s10  }
0x32: {  	s10 =	sld [smem:$0x3FB6];
	_ =	sdelay $0x3  }
0x33: {  	p0 =	seq.s32 s10, $0x1;
	s10 =	sld [smem:$0x3FB8];
	_ =	sdelay $0x3  }
0x34: {  	[smem:$0x3FB8] =	sst s10  }
0x35: {  	s10 =	sld [smem:$0x3FB7];
	_ =	sdelay $0x3  }
0x36: {  	p1 =	seq.s32 s10, $0x1;
	s10 =	sld [smem:$0x3FB8];
	_ =	sdelay $0x3  }
0x37: {  	[smem:$0x3FB8] =	sst s10  }
0x38: {  	s10 =	sld [smem:$0x3FB9]  }
0x39: {  	_ = 	snop;
	(pc) =	sbr.ind lr, $3  }
0x3a: {  	_ = 	snop  }
0x3b: {  	_ = 	snop  }
0x3c: {  	p2 =	seq.s32 s10, $0x1;
	s10 =	sld [smem:$0x3FB8]  }
0x3d: {  	_ =	shalt  }
0x3e: {  	_ =	shalt  }
0x3f: {  	_ =	shalt  }
0x40: {  	_ =	shalt  }
0x41: {  	_ =	shalt  }
0x42: {  	_ =	shalt  }
0x43: {  	_ =	shalt  }
0x44: {  	_ =	shalt  }
0x45: {  	_ =	shalt  }
0x46: {  	_ =	shalt  }
0x47: {  	_ =	shalt  }
0x48: {  	_ =	shalt  }
0x49: {  	_ =	shalt  }
0x4a: {  	_ =	shalt  }
0x4b: {  	_ =	shalt  }
0x4c: {  	_ =	shalt  }
0x4d: {  	_ =	shalt  }
0x4e: {  	_ =	shalt  }
0x4f: {  	_ =	shalt  }
0x50: {  	_ =	shalt  }
0x51: {  	_ =	shalt  }
0x52: {  	_ =	shalt  }
0x53: {  	_ =	shalt  }
0x54: {  	_ =	shalt  }
0x55: {  	_ =	shalt  }
0x56: {  	_ =	shalt  }
0x57: {  	_ =	shalt  }
0x58: {  	_ =	shalt  }
0x59: {  	_ =	shalt  }
0x5a: {  	_ =	shalt  }
0x5b: {  	_ =	shalt  }
0x5c: {  	_ =	shalt  }
0x5d: {  	_ =	shalt  }
0x5e: {  	_ =	shalt  }
0x5f: {  	_ =	shalt  }
0x60: {  	_ =	shalt  }
0x61: {  	_ =	shalt  }
0x62: {  	_ =	shalt  }
0x63: {  	_ =	shalt  }
0x64: {  	_ =	shalt  }
0x65: {  	_ =	shalt  }
0x66: {  	_ =	shalt  }
0x67: {  	_ =	shalt  }
0x68: {  	_ =	shalt  }
0x69: {  	_ =	shalt  }
0x6a: {  	_ =	shalt  }
0x6b: {  	_ =	shalt  }
0x6c: {  	_ =	shalt  }
0x6d: {  	_ =	shalt  }
0x6e: {  	_ =	shalt  }
0x6f: {  	_ =	shalt  }
0x70: {  	_ =	shalt  }
0x71: {  	_ =	shalt  }
0x72: {  	_ =	shalt  }
0x73: {  	_ =	shalt  }
0x74: {  	_ =	shalt  }
0x75: {  	_ =	shalt  }
0x76: {  	_ =	shalt  }
0x77: {  	_ =	shalt  }
0x78: {  	_ =	shalt  }
0x79: {  	_ =	shalt  }
0x7a: {  	_ =	shalt  }
0x7b: {  	_ =	shalt  }
0x7c: {  	_ =	shalt  }
0x7d: {  	_ =	shalt  }
0x7e: {  	_ =	shalt  }
0x7f: {  	_ =	shalt  }
0x80: {  	_ =	shalt  }
0x81: {  	_ =	shalt  }
0x82: {  	_ =	shalt  }
0x83: {  	_ =	shalt  }
0x84: {  	_ =	shalt  }
0x85: {  	_ =	shalt  }
0x86: {  	_ =	shalt  }
0x87: {  	_ =	shalt  }
.Lfunc_end0:
.L_simem_size_0:
called_computation_lowered:
.L_overlay_start_0:
0x88: {  	s2 =	sld [smem:$0x3FD9]  }
0x89: {  	s3 =	sld [smem:$0x3FFE];
	_ =	sdelay $0x1  }
0x8a: {  	s1 =	srdreg.scid  }
0x8b: {  	s0 =	sand.u32 $0x1, s1  }
0x8c: {  	s17 =	sshll.u32 s0, $0xA;
	s2 =	sadd.s32 s3, s2  }
0x8d: {  	s2 =	sadd.s32 s2, s17  }
0x8e: {  	[smem:$0x3FC4] =	sst s2  }
0x8f: {  	_ = 	snop  }
0x90: {  	s2 =	sld [smem:$0x3FC8]  }
0x91: {  	s18 =	sld [smem:$0x3FD0];
	(tm) =	ssettm $0x1  }
0x92: {  	s4 =	sld [smem:$0x3FFB];
	_ =	sdelay $0x3  }
0x93: {  	_ =	strace s4  }
0x94: {  	s4 =	sld [smem:$0x3FFC];
	_ =	sdelay $0x3  }
0x95: {  	_ =	strace s4  }
0x96: {  	s4 =	sld [smem:$0x3FFD];
	_ =	sdelay $0x3  }
0x97: {  	_ =	strace s4  }
0x98: {  	_ =	strace $0x8FFFFFFF  }
0x99: {  	s19 =	sld [smem:$0x3FDB];
	_ =	sdelay $0x1  }
0x9a: {  	s5 =	simm.s32 $_scs_section_size  }
0x9b: {  	s6 =	simm.s32 $_size__tile_overlayer_lowered;
	s7 =	simm.s32 $_tile_overlayer_lowered  }
0x9c: {  	s22 =	simm.s32 $0x1BFF;
	s21 =	sshll.u32 s7, $0x1;
	s4 =	sadd.s32 s5, s19  }
0x9d: {  	s8 =	simm.s32 $0x0;
	s20 =	sshll.u32 s6, $0x1;
	s6 =	sadd.s32 s21, s4  }
0x9e: {  	[timem:s8], [sflag:s22] =	dma.local [hbm:s6], s20  }
0x9f: {  	_ =	swait.ge [sflag:s22], s20  }
0xa0: {  	s5 =	ssub.s32 $0x0, s20;
	[sflag:s22] =	ssyncset.done $0x0  }
0xa1: {  	[sflag:s22] =	ssyncadd.s32 s5;
	_ =	sdelay $0x1  }
0xa2: {  	s23 =	simm.s32 $0x1B8B  }
0xa3: {  	_ =	swait.ge [sflag:s23], $0x1  }
0xa4: {  	[sflag:s23] =	ssyncset.done $0x0  }
0xa5: {  	s25 =	simm.s32 $0x1B8E;
	s24 =	sld [smem:$0x3FFE];
	[sflag:s23] =	ssyncadd.s32 $0xFFFFFFFF  }
0xa6: {  	s26 =	simm.s32 $execute0_lowered;
	[smem:$0x3FD2] =	sst s25  }
0xa7: {  	s6 =	sshll.u32 s26, $0x1;
	_ =	strace $0x80000046;
	[dreg:$0x1] =	wrdreg $0xFFFFFFFF  }
0xa8: {  	s28 =	simm.s32 $_size_execute0_lowered;
	s4 =	sadd.s32 s4, s6;
	[dreg:$0x0] =	wrdreg $0x0  }
0xa9: {  	s6 =	sshll.u32 s28, $0x1;
	[dreg:$0x2] =	wrdreg s4  }
0xaa: {  	[dreg:$0x3] =	wrdreg s6  }
0xab: {  	[dreg:$0x4] =	wrdreg $0xC0  }
0xac: {  	_ =	task [dreg:s8], $0x5FFFF  }
0xad: {  	[dreg:$0x1] =	wrdreg $0xFFFFFFFF  }
0xae: {  	[dreg:$0x0] =	wrdreg $0x60  }
0xaf: {  	[dreg:$0x2] =	wrdreg s2  }
0xb0: {  	[dreg:$0x3] =	wrdreg s18  }
0xb1: {  	[dreg:$0x4] =	wrdreg s24  }
0xb2: {  	[dreg:$0x5] =	wrdreg $0x9  }
0xb3: {  	_ =	task.clear_ibuf [dreg:s8], $0x6FFFF;
	_ =	strace $0x90000046  }
0xb4: {  	s29 =	simm.s32 $0x9;
	_ =	strace $0x80000048  }
0xb5: {  	_ =	swait.ge [sflag:s29], $0x1  }
0xb6: {  	[sflag:s29] =	ssyncadd.s32 $0xFFFFFFFF  }
0xb7: {  	_ =	strace $0x90000048  }
0xb8: {  	_ =	sfence  }
0xb9: {  	s30 =	sld [smem:$0x0];
	_ =	sdelay $0x2  }
0xba: {  	s31 =	sshll.u32 s1, $0xD;
	s1 =	sshrl.u32 s1, $0x2  }
0xbb: {  	s3 =	sand.u32 $0x4000, s31;
	s1 =	sadd.s32 s1, s30  }
0xbc: {  	s0 =	sor.u32 s3, s0;
	s1 =	sshll.u32 s1, $0x11  }
0xbd: {  	s0 =	sor.u32 s1, s0  }
0xbe: {  	s0 =	sadd.s32 $0x8F2B, s0  }
0xbf: {  	[sflag:s0] =	ssyncadd.remote.s32 $0x1  }
0xc0: {  	_ =	sfence.sel $0xFFFF  }
0xc1: {  	[dreg:$0x0] =	wrdreg $0xFFFFFFFF;
	(pc) =	sbr.abs _section_cstart, $3  }
0xc2: {  	[dreg:$0x1] =	wrdreg $0xFFFFFFFF  }
0xc3: {  	_ =	task.clear_ibuf [dreg:s8], $0x2FFFF;
	_ =	strace $0x9FFFFFFF  }
0xc4: {  	(tm) =	ssettm $0x7FFFFFFF  }
0xc5: {  	_ =	shalt  }
tec
execute0_lowered:
.L_overlay_start_1:
0x0: {  	(tag) =	ssettag $0x1  }
0x1: {  	s0 =	rddreg [dreg:$0x0]  }
0x2: {  	s1 =	rddreg [dreg:$0x2];
	s2 =	srdreg.scid  }
0x3: {  	s4 =	stileid.u32;
	s3 =	simm.s32 $0x0;
	s16 =	simm.s32 $0x13000  }
0x4: {  	s17 =	simm.s32 $0x3;
	s18 =	simm.s32 $0x13800;
	s19 =	simm.s32 $0x1000  }
0x5: {  	s20 =	simm.s32 $0x7A1400;
	s21 =	simm.s32 $0x8000;
	s22 =	simm.s32 $0x1  }
0x6: {  	s23 =	simm.s32 $0x10000;
	s24 =	simm.s32 $0x2;
	s26 =	simm.s32 $0x0  }
0x7: {  	s2 =	sand.u32 $0x1, s2;
	s4 =	sshll.u32 s4, $0x1;
	[smem:$0x7FF] =	sst s3  }
0x8: {  	s6 =	sadd.s32 $0x400, s1;
	s7 =	sadd.s32 $0x600, s1;
	s25 =	sor.u32 s2, s4  }
0x9: {  	s14 =	sadd.s32 $0x96800, s1;
	_ =	strace $0x80000047;
	s5 =	smul.u32 $0x26, s25  }
.Ltmp0:
0xa: {  	s4 =	sadd.s32 $0x200, s1;
	s2 =	ssub.s32 $0x2, s2;
	(pc) =	sbr.rel .LBB2_1-.Ltmp0, $4  }
0xb: {  	v0 =	vlaneseq.u32;
	s9 =	sshrl.u32 s2, $0x1;
	s10 =	smul.u32 $0x4C00, s25;
	p0 =	sne.s32 s25, $0x0  }
0xc: {  	v0 =	vmul.u32 $0x8, v0;
	s2 =	ssub.s32 s2, s9;
	s9 =	sadd.s32 $0x5E000, s0;
	s8 =	sor.u32 $0x1, s5  }
0xd: {  	s10 =	sadd.s32 s10, s9;
	s12 =	sadd.s32 $0x2, s5;
	s31 =	sshll.u32 s8, $0x9  }
0xe: {  	[tilespmem:$0x1FFF0] =	vst v0;
	s13 =	sadd.s32 $0x3, s5;
	s15 =	smax.u32 s2, $0x1;
	s11 =	sadd.s32 s31, s9  }
.LBB2_15:
0xf: {  	s26 =	sadd.s32 $0x1, s26  }
0x10: {  	p1 =	sne.s32 s26, s15  }
.Ltmp1:
0x11: {  	_ = 	snop;
	(pc) =	sbr.rel @!p1 .LBB2_16-.Ltmp1, $1  }
0x12: {  	_ =	sdelay $0x3  }
.LBB2_1:
0x13: {  	[tilespmem:s16], [sflag:$0x3] =	stream.linear.gather [hbm4b:s4+s3], $0x800, $0x38;
	[tilespmem:$0x13900] =	vst v63  }
0x14: {  	_ =	swait.ge [sflag:s17], $0x800  }
0x15: {  	[sflag:s17] =	ssyncset.done $0x0  }
0x16: {  	[sflag:s17] =	ssyncadd.s32 $0xFFFFF800  }
0x17: {  	[tilespmem:s18], [sflag:$0x3] =	stream.linear.gather [hbm4b:s6+s3], $0x100, $0x38;
	[tilespmem:$0x13900] =	vst v63  }
0x18: {  	_ =	swait.ge [sflag:s17], $0x100  }
0x19: {  	[sflag:s17] =	ssyncset.done $0x0  }
0x1a: {  	[sflag:s17] =	ssyncadd.s32 $0xFFFFFF00  }
0x1b: {  	v0 =	vld [tilespmem:$0x13800]  }
0x1c: {  	v63 =	vld [tilespmem:$0x13880]  }
0x1d: {  	[tilespmem:s3], [sflag:$0x1] =	stream.strided.gather [hbm4b:s10+s19], $0x8000, s20, s19, $0x38;
	[tilespmem:$0x13900] =	vst v63  }
0x1e: {  	_ = 	snop  }
0x1f: {  	[tilespmem:s21], [sflag:$0x2] =	stream.strided.gather [hbm4b:s11+s19], $0x8000, s20, s19, $0x38;
	[tilespmem:$0x13900] =	vst v63  }
0x20: {  	[tilespmem:$0x1FFD0] =	vst v0  }
0x21: {  	s28 =	simm.s32 $0x0;
	[tilespmem:$0x1FFE0] =	vst v63  }
.LBB2_2:
0x22: {  	_ =	swait.ge [sflag:s22], $0x8000  }
0x23: {  	[sflag:s22] =	ssyncset.done $0x0  }
0x24: {  	s29 =	simm.s32 $0x0;
	s30 =	simm.s32 $0x200;
	[sflag:s22] =	ssyncadd.s32 $0xFFFF8000  }
.LBB2_3:
0x25: {  	v0 =	vld [tilespmem:s30+$0x180]  }
0x26: {  	v1 =	vld [tilespmem:s30+$0x190]  }
0x27: {  	v7 =	vld [tilespmem:s30+$0x1A0]  }
0x28: {  	v8 =	vld [tilespmem:s30+$0x1B0]  }
0x29: {  	v11 =	vld [tilespmem:s30+$0x1C0]  }
0x2a: {  	v12 =	vld [tilespmem:s30+$0x1D0]  }
0x2b: {  	v13 =	vld [tilespmem:s30+$0x1E0]  }
0x2c: {  	v14 =	vld [tilespmem:s30+$0x100]  }
0x2d: {  	v15 =	vld [tilespmem:s30+$0x110]  }
0x2e: {  	v16 =	vld [tilespmem:s30+$0x120]  }
0x2f: {  	v17 =	vld [tilespmem:s30+$0x130]  }
0x30: {  	v18 =	vld [tilespmem:s30+$0x140]  }
0x31: {  	s0 =	simm.s32 $0x13080;
	v19 =	vld [tilespmem:s30+$0x150]  }
0x32: {  	v4 =	vld [tilespmem:s0+$0xFFFFFFF0]  }
0x33: {  	v43 =	vld [tilespmem:s0+$0x70]  }
0x34: {  	v20 =	vld [tilespmem:s30+$0x160]  }
0x35: {  	v35 =	vld [tilespmem:s30+$0xFFFFFF10]  }
0x36: {  	v34 =	vld [tilespmem:s30+$0xFFFFFF80]  }
0x37: {  	v3 =	vld [tilespmem:s30+$0xFFFFFF90];
	v21 =	vmul.f32 v0, v4  }
0x38: {  	v6 =	vld [tilespmem:s0+$0xFFFFFFE0];
	v22 =	vmul.f32 v0, v43;
	v29 =	vmul.f32 v1, v4  }
0x39: {  	v5 =	vld [tilespmem:s0+$0x60];
	v30 =	vmul.f32 v1, v43;
	v2 =	vmul.f32 v7, v4  }
0x3a: {  	v24 =	vld [tilespmem:s0+$0xFFFFFFA0];
	v7 =	vmul.f32 v7, v43;
	v1 =	vmul.f32 v8, v4  }
0x3b: {  	v25 =	vld [tilespmem:s0+$0x20];
	v0 =	vmul.f32 v8, v43;
	v23 =	vmul.f32 v11, v4  }
0x3c: {  	v32 =	vld [tilespmem:s0+$0xFFFFFF90];
	v60 =	vmul.f32 v11, v43;
	v59 =	vmul.f32 v12, v4  }
0x3d: {  	v38 =	vld [tilespmem:s0+$0xFFFFFF80];
	v56 =	vmul.f32 v12, v43;
	v51 =	vmul.f32 v13, v4  }
0x3e: {  	v39 =	vld [tilespmem:s0+$0x0];
	v36 =	vmul.f32 v13, v43;
	v31 =	vmul.f32 v14, v6  }
0x3f: {  	v26 =	vld [tilespmem:s0+$0xFFFFFFB0];
	v40 =	vmul.f32 v14, v5;
	v41 =	vmul.f32 v15, v6  }
0x40: {  	v27 =	vld [tilespmem:s0+$0x30];
	v15 =	vmul.f32 v15, v5;
	v12 =	vmul.f32 v16, v6  }
0x41: {  	v11 =	vld [tilespmem:s30+$0xFFFFFF00];
	v14 =	vmul.f32 v16, v5;
	v8 =	vmul.f32 v17, v6  }
0x42: {  	v13 =	vld [tilespmem:s30+$0xFFFFFE80];
	v28 =	vmul.f32 v17, v5;
	v62 =	vmul.f32 v18, v6  }
0x43: {  	v16 =	vld [tilespmem:s30+$0xFFFFFE00];
	v48 =	vmul.f32 v18, v5;
	v63 =	vmul.f32 v19, v6  }
0x44: {  	v17 =	vld [tilespmem:s30+$0xFFFFFE10];
	v61 =	vmul.f32 v19, v5;
	v52 =	vmul.f32 v20, v6  }
0x45: {  	v37 =	vld [tilespmem:s0+$0x10];
	v57 =	vmul.f32 v35, v24;
	v42 =	vmul.f32 v34, v26  }
0x46: {  	v18 =	vld [tilespmem:s30+$0xFFFFFE90];
	v34 =	vmul.f32 v34, v27;
	v55 =	vmul.f32 v3, v26  }
0x47: {  	v19 =	vmul.f32 v11, v24;
	v33 =	vmul.f32 v11, v25  }
0x48: {  	v54 =	vld [tilespmem:s30+$0x0];
	v11 =	vmul.f32 v13, v32;
	v44 =	vmul.f32 v16, v38  }
0x49: {  	v50 =	vld [tilespmem:s30+$0x80];
	v16 =	vmul.f32 v16, v39;
	v45 =	vmul.f32 v17, v38  }
0x4a: {  	v53 =	vimm.f32 $0.0e+00;
	v9 =	vld [tilespmem:s0+$0xFFFFFFD0];
	v47 =	vmul.f32 v13, v37;
	v17 =	vmul.f32 v17, v39  }
0x4b: {  	v49 =	vmul.f32 v18, v32;
	v13 =	vld [tilespmem:s0+$0x40];
	v44 =	vadd.f32 v44, v53;
	v16 =	vadd.f32 v16, v53  }
0x4c: {  	v10 =	vld [tilespmem:s0+$0xFFFFFFC0];
	v18 =	vmul.f32 v18, v37;
	v45 =	vadd.f32 v45, v53;
	v17 =	vadd.f32 v17, v53  }
0x4d: {  	v58 =	vld [tilespmem:s30+$0x10];
	v3 =	vmul.f32 v3, v27;
	v11 =	vadd.f32 v11, v44;
	v16 =	vadd.f32 v47, v16  }
0x4e: {  	v45 =	vadd.f32 v49, v45;
	v17 =	vadd.f32 v18, v17;
	v18 =	vmul.f32 v35, v25  }
0x4f: {  	v49 =	vmul.f32 v50, v9;
	v19 =	vadd.f32 v19, v11;
	v11 =	vld [tilespmem:s0+$0x50];
	v16 =	vadd.f32 v33, v16  }
0x50: {  	v44 =	vmul.f32 v54, v13;
	v45 =	vadd.f32 v57, v45;
	v17 =	vadd.f32 v18, v17;
	v18 =	vld [tilespmem:s30+$0x90]  }
0x51: {  	v35 =	vld [tilespmem:s30+$0xA0];
	v57 =	vmul.f32 v54, v10;
	v19 =	vadd.f32 v42, v19;
	v16 =	vadd.f32 v34, v16  }
0x52: {  	v45 =	vadd.f32 v55, v45;
	v17 =	vadd.f32 v3, v17;
	v3 =	vmul.f32 v58, v13  }
0x53: {  	v55 =	vmul.f32 v20, v5;
	v20 =	vmul.f32 v58, v10;
	v58 =	vld [tilespmem:s30+$0xFFFFFEA0];
	v19 =	vadd.f32 v57, v19  }
0x54: {  	v16 =	vadd.f32 v44, v16;
	v17 =	vadd.f32 v3, v17;
	v3 =	vld [tilespmem:s30+$0xFFFFFE20];
	v33 =	vmul.f32 v50, v11  }
0x55: {  	v20 =	vadd.f32 v20, v45;
	v50 =	vmul.f32 v18, v9;
	v18 =	vmul.f32 v18, v11  }
0x56: {  	v54 =	vld [tilespmem:s30+$0xFFFFFE30];
	v44 =	vmul.f32 v35, v9;
	v19 =	vadd.f32 v49, v19;
	v16 =	vadd.f32 v33, v16  }
0x57: {  	v47 =	vld [tilespmem:s30+$0xB0];
	v46 =	vmul.f32 v35, v11;
	v20 =	vadd.f32 v50, v20;
	v17 =	vadd.f32 v18, v17  }
0x58: {  	v49 =	vld [tilespmem:s30+$0xFFFFFF20];
	v18 =	vmul.f32 v58, v32;
	v34 =	vmul.f32 v58, v37;
	v19 =	vadd.f32 v31, v19  }
0x59: {  	v31 =	vld [tilespmem:s30+$0xFFFFFEB0];
	v16 =	vadd.f32 v40, v16;
	v20 =	vadd.f32 v41, v20;
	v50 =	vmul.f32 v3, v38  }
0x5a: {  	v3 =	vmul.f32 v3, v39;
	v15 =	vadd.f32 v15, v17;
	v57 =	vadd.f32 v21, v19  }
0x5b: {  	v17 =	vmul.f32 v54, v38;
	v58 =	vadd.f32 v22, v16;
	v35 =	vadd.f32 v29, v20  }
0x5c: {  	v19 =	vmul.f32 v54, v39;
	v16 =	vld [tilespmem:s30+$0xFFFFFF30];
	v54 =	vadd.f32 v30, v15;
	v20 =	vadd.f32 v50, v53  }
0x5d: {  	v45 =	vmul.f32 v47, v9;
	v15 =	vld [tilespmem:s30+$0xFFFFFFA0];
	v21 =	vadd.f32 v3, v53;
	v17 =	vadd.f32 v17, v53  }
0x5e: {  	v29 =	vld [tilespmem:s30+$0xFFFFFFB0];
	v40 =	vmul.f32 v49, v25;
	v19 =	vadd.f32 v19, v53;
	v22 =	vmul.f32 v31, v32  }
0x5f: {  	v30 =	vmul.f32 v31, v37;
	v18 =	vadd.f32 v18, v20;
	v20 =	vmul.f32 v49, v24  }
0x60: {  	v50 =	vmul.f32 v47, v11;
	v21 =	vadd.f32 v34, v21;
	v31 =	vld [tilespmem:s30+$0x20];
	v17 =	vadd.f32 v22, v17  }
0x61: {  	v19 =	vadd.f32 v30, v19;
	v22 =	vld [tilespmem:s30+$0x30];
	v18 =	vadd.f32 v20, v18;
	v30 =	vmul.f32 v16, v24  }
0x62: {  	v49 =	vld [tilespmem:s30+$0xC0];
	v21 =	vadd.f32 v40, v21;
	v16 =	vmul.f32 v16, v25;
	v20 =	vmul.f32 v15, v26  }
0x63: {  	v15 =	vmul.f32 v15, v27;
	v17 =	vadd.f32 v30, v17;
	v30 =	vmul.f32 v29, v26  }
0x64: {  	v16 =	vadd.f32 v16, v19;
	v19 =	vld [tilespmem:s30+$0xD0];
	v29 =	vmul.f32 v29, v27;
	v18 =	vadd.f32 v20, v18  }
0x65: {  	v15 =	vadd.f32 v15, v21;
	v20 =	vld [tilespmem:s30+$0xE0];
	v21 =	vmul.f32 v31, v10;
	v31 =	vmul.f32 v31, v13  }
0x66: {  	v17 =	vadd.f32 v30, v17;
	v16 =	vadd.f32 v29, v16;
	v29 =	vmul.f32 v22, v10  }
0x67: {  	v41 =	vmul.f32 v49, v9;
	v30 =	vld [tilespmem:s30+$0x40];
	v22 =	vmul.f32 v22, v13;
	v18 =	vadd.f32 v21, v18  }
0x68: {  	v47 =	vmul.f32 v49, v11;
	v21 =	vld [tilespmem:s30+$0xFFFFFEC0];
	v15 =	vadd.f32 v31, v15;
	v17 =	vadd.f32 v29, v17  }
0x69: {  	v31 =	vld [tilespmem:s30+$0xFFFFFE50];
	v16 =	vadd.f32 v22, v16;
	v18 =	vadd.f32 v44, v18;
	v3 =	vmul.f32 v19, v9  }
0x6a: {  	v22 =	vld [tilespmem:s30+$0xFFFFFE40];
	v15 =	vadd.f32 v46, v15;
	v42 =	vmul.f32 v20, v9;
	v20 =	vmul.f32 v20, v11  }
0x6b: {  	v19 =	vmul.f32 v19, v11;
	v17 =	vadd.f32 v45, v17;
	v16 =	vadd.f32 v50, v16  }
0x6c: {  	v12 =	vadd.f32 v12, v18;
	v14 =	vadd.f32 v14, v15;
	[tilespmem:$0x1FFC0] =	vst v20;
	v20 =	vmul.f32 v30, v10  }
0x6d: {  	v44 =	vmul.f32 v30, v13;
	v29 =	vmul.f32 v21, v32;
	v8 =	vadd.f32 v8, v17  }
0x6e: {  	v18 =	vld [tilespmem:s30+$0xFFFFFED0];
	v16 =	vadd.f32 v28, v16;
	v33 =	vadd.f32 v7, v14;
	v7 =	vmul.f32 v31, v38  }
0x6f: {  	v17 =	vld [tilespmem:s30+$0xFFFFFF40];
	v40 =	vadd.f32 v2, v12;
	v12 =	vmul.f32 v31, v39;
	v15 =	vmul.f32 v22, v38  }
0x70: {  	v2 =	vld [tilespmem:s30+$0xFFFFFF50];
	v22 =	vmul.f32 v22, v39;
	v34 =	vadd.f32 v1, v8;
	v31 =	vadd.f32 v0, v16  }
0x71: {  	v21 =	vmul.f32 v21, v37;
	v14 =	vld [tilespmem:s30+$0x50];
	v7 =	vadd.f32 v7, v53;
	v1 =	vadd.f32 v15, v53  }
0x72: {  	v30 =	vimm.f32 $0.0e+00;
	v8 =	vld [tilespmem:s30+$0xFFFFFFC0];
	v12 =	vadd.f32 v12, v53;
	v0 =	vadd.f32 v22, v53  }
0x73: {  	v16 =	vld [tilespmem:s30+$0xFFFFFFD0];
	v15 =	vmul.f32 v18, v32;
	v18 =	vmul.f32 v18, v37;
	v1 =	vadd.f32 v29, v1  }
0x74: {  	v0 =	vadd.f32 v21, v0;
	v21 =	vmul.f32 v17, v24;
	v17 =	vmul.f32 v17, v25  }
0x75: {  	v7 =	vadd.f32 v15, v7;
	v12 =	vadd.f32 v18, v12;
	v18 =	vmul.f32 v2, v24  }
0x76: {  	v15 =	vld [tilespmem:s30+$0x60];
	v2 =	vmul.f32 v2, v25;
	v22 =	vmul.f32 v14, v10;
	v1 =	vadd.f32 v21, v1  }
0x77: {  	v21 =	vmul.f32 v8, v26;
	v0 =	vadd.f32 v17, v0;
	v17 =	vld [tilespmem:s30+$0xFFFFFFE0];
	v8 =	vmul.f32 v8, v27  }
0x78: {  	v7 =	vadd.f32 v18, v7;
	v18 =	vld [tilespmem:s30+$0xFFFFFF60];
	v2 =	vadd.f32 v2, v12;
	v12 =	vmul.f32 v16, v26  }
0x79: {  	v14 =	vmul.f32 v14, v13;
	v0 =	vadd.f32 v8, v0;
	v8 =	vmul.f32 v16, v27  }
0x7a: {  	v29 =	vimm.f32 $0.0e+00;
	v1 =	vadd.f32 v21, v1;
	v21 =	vld [tilespmem:s30+$0xFFFFFEE0];
	v16 =	vadd.f32 v12, v7  }
0x7b: {  	v49 =	vmul.f32 v15, v10;
	v50 =	vmul.f32 v15, v13;
	v2 =	vadd.f32 v8, v2  }
0x7c: {  	v15 =	vadd.f32 v20, v1;
	v20 =	vadd.f32 v22, v16;
	v7 =	vmul.f32 v17, v26  }
0x7d: {  	v8 =	vmul.f32 v17, v27;
	v12 =	vmul.f32 v18, v24;
	v17 =	vadd.f32 v44, v0  }
0x7e: {  	v16 =	vld [tilespmem:s30+$0xFFFFFE60];
	v1 =	vmul.f32 v18, v25;
	v14 =	vadd.f32 v14, v2;
	v18 =	vadd.f32 v41, v15  }
0x7f: {  	s1 =	simm.s32 $0x0;
	v15 =	vld [tilespmem:s30+$0xFFFFFE70];
	v20 =	vadd.f32 v3, v20;
	v3 =	vimm.f32 $0.0e+00;
	v0 =	vmul.f32 v21, v32  }
0x80: {  	s2 =	simm.s32 $0x13180;
	s31 =	smov.u32 s30;
	s0 =	smov.u32 s30;
	v17 =	vadd.f32 v47, v17;
	v2 =	vmul.f32 v21, v37;
	v19 =	vadd.f32 v19, v14;
	v14 =	vld [tilespmem:s30+$0xFFFFFEF0]  }
.LBB2_4:
0x81: {  	v18 =	vadd.f32 v62, v18  }
0x82: {  	v17 =	vadd.f32 v48, v17  }
0x83: {  	v20 =	vadd.f32 v63, v20;
	v18 =	vadd.f32 v23, v18  }
0x84: {  	v19 =	vadd.f32 v61, v19;
	v17 =	vadd.f32 v60, v17  }
0x85: {  	v45 =	vld [tilespmem:s0+$0xFFFFFF70];
	v22 =	vmul.f32 v16, v38;
	v16 =	vmul.f32 v16, v39;
	[tilespmem:$0x1FEE0] =	vst v18;
	v18 =	vadd.f32 v59, v20  }
0x86: {  	v47 =	vmul.f32 v15, v38;
	[tilespmem:$0x1FEF0] =	vst v17  }
0x87: {  	v15 =	vmul.f32 v15, v39;
	v17 =	vld [tilespmem:s31+$0xFFFFFFF0];
	v16 =	vadd.f32 v16, v29;
	[tilespmem:$0x1FF00] =	vst v18;
	v18 =	vadd.f32 v56, v19  }
0x88: {  	v20 =	vmul.f32 v14, v32;
	v19 =	vadd.f32 v22, v53;
	v22 =	vadd.f32 v47, v3  }
0x89: {  	v23 =	vld [tilespmem:s31+$0x70];
	v15 =	vadd.f32 v15, v30;
	v14 =	vmul.f32 v14, v37;
	v2 =	vadd.f32 v2, v16  }
0x8a: {  	v21 =	vld [tilespmem:s2+$0xFFFFFFF0];
	v16 =	vmul.f32 v45, v24;
	v0 =	vadd.f32 v0, v19;
	v19 =	vadd.f32 v20, v22  }
0x8b: {  	v14 =	vadd.f32 v14, v15;
	v15 =	vmul.f32 v45, v25;
	v20 =	vld [tilespmem:s31+$0xF0];
	v1 =	vadd.f32 v1, v2  }
0x8c: {  	v3 =	vld [tilespmem:$0x1FFC0];
	v2 =	vmul.f32 v17, v26;
	v0 =	vadd.f32 v12, v0;
	v12 =	vadd.f32 v16, v19  }
0x8d: {  	v14 =	vadd.f32 v15, v14;
	v15 =	vmul.f32 v17, v27;
	v16 =	vld [tilespmem:s31+$0x170]  }
0x8e: {  	s0 =	sadd.s32 $0x1000, s0;
	v0 =	vadd.f32 v7, v0;
	v7 =	vmul.f32 v23, v10;
	v2 =	vadd.f32 v2, v12;
	v12 =	vld [tilespmem:s31+$0x1F0]  }
0x8f: {  	[tilespmem:$0x1FF20] =	vst v18;
	v18 =	vld [tilespmem:s0+$0x180];
	v1 =	vadd.f32 v8, v1;
	v8 =	vadd.f32 v15, v14;
	v10 =	vmul.f32 v23, v13  }
0x90: {  	v46 =	vld [tilespmem:s2+$0x70];
	v9 =	vmul.f32 v20, v9;
	v2 =	vadd.f32 v7, v2  }
0x91: {  	v7 =	vadd.f32 v10, v8;
	v8 =	vmul.f32 v20, v11  }
0x92: {  	v1 =	vadd.f32 v50, v1;
	v2 =	vadd.f32 v9, v2  }
0x93: {  	v48 =	vld [tilespmem:s0+$0x190];
	v7 =	vadd.f32 v8, v7;
	v8 =	vmul.f32 v16, v5;
	v9 =	vmul.f32 v12, v4;
	v4 =	vmovc v21  }
0x94: {  	v1 =	vadd.f32 v3, v1;
	v3 =	vmul.f32 v18, v4  }
0x95: {  	v7 =	vadd.f32 v8, v7;
	v8 =	vmul.f32 v12, v43;
	v43 =	vmov v46  }
0x96: {  	[tilespmem:$0x1FD90] =	vst v3;
	v3 =	vmul.f32 v18, v43  }
0x97: {  	v22 =	vld [tilespmem:s0+$0x1A0]  }
0x98: {  	[tilespmem:$0x1FDA0] =	vst v3;
	v3 =	vmul.f32 v48, v4  }
0x99: {  	v0 =	vadd.f32 v49, v0  }
0x9a: {  	[tilespmem:$0x1FDB0] =	vst v3;
	v3 =	vmul.f32 v48, v43  }
0x9b: {  	v17 =	vld [tilespmem:s0+$0x1B0];
	v0 =	vadd.f32 v42, v0  }
0x9c: {  	v44 =	vmov v31;
	v31 =	vld [tilespmem:s0+$0xFFFFFF80];
	[tilespmem:$0x1FDC0] =	vst v3;
	v3 =	vmul.f32 v22, v4  }
0x9d: {  	v61 =	vld [tilespmem:s0+$0xFFFFFE80];
	v0 =	vadd.f32 v52, v0  }
0x9e: {  	v14 =	vld [tilespmem:s0+$0x1D0];
	[tilespmem:$0x1FEA0] =	vst v3;
	v3 =	vmul.f32 v22, v43  }
0x9f: {  	v13 =	vld [tilespmem:s0+$0x1C0];
	v10 =	vmul.f32 v16, v6;
	v1 =	vadd.f32 v55, v1;
	v0 =	vadd.f32 v51, v0  }
0xa0: {  	v15 =	vld [tilespmem:s0+$0x1E0];
	[tilespmem:$0x1FEB0] =	vst v3;
	v3 =	vmul.f32 v17, v4  }
0xa1: {  	v6 =	vld [tilespmem:s2+$0xFFFFFFE0];
	v2 =	vadd.f32 v10, v2;
	[tilespmem:$0x1FE00] =	vst v0;
	v0 =	vadd.f32 v36, v1  }
0xa2: {  	v5 =	vld [tilespmem:s2+$0x60];
	[tilespmem:$0x1FEC0] =	vst v3;
	v3 =	vmul.f32 v17, v43  }
0xa3: {  	v16 =	vld [tilespmem:s0+$0x100];
	v1 =	vadd.f32 v9, v2;
	[tilespmem:$0x1FF30] =	vst v0  }
0xa4: {  	v12 =	vld [tilespmem:s0+$0x110];
	[tilespmem:$0x1FED0] =	vst v3;
	v3 =	vmul.f32 v13, v4  }
0xa5: {  	v0 =	vld [tilespmem:s0+$0x120];
	[tilespmem:$0x1FD80] =	vst v1;
	v1 =	vadd.f32 v8, v7  }
0xa6: {  	v8 =	vld [tilespmem:s0+$0x150];
	[tilespmem:$0x1FF50] =	vst v3;
	v3 =	vmul.f32 v14, v43  }
0xa7: {  	[tilespmem:$0x1FF10] =	vst v1;
	v1 =	vld [tilespmem:s0+$0x130]  }
0xa8: {  	v24 =	vld [tilespmem:s0+$0xA0];
	[tilespmem:$0x1FE10] =	vst v3;
	v3 =	vmul.f32 v15, v43  }
0xa9: {  	v19 =	vld [tilespmem:s0+$0x160];
	v47 =	vmul.f32 v14, v4  }
0xaa: {  	v18 =	vmul.f32 v16, v5;
	v9 =	vld [tilespmem:s2+$0xFFFFFFD0];
	[tilespmem:$0x1FDF0] =	vst v3;
	v3 =	vmul.f32 v0, v6  }
0xab: {  	v60 =	vld [tilespmem:s0+$0xFFFFFF00];
	v63 =	vmul.f32 v8, v6;
	v17 =	vmul.f32 v16, v6  }
0xac: {  	v11 =	vld [tilespmem:s2+$0x50];
	v16 =	vmul.f32 v12, v5;
	[tilespmem:$0x1FE60] =	vst v3;
	v3 =	vmul.f32 v1, v6  }
0xad: {  	v2 =	vld [tilespmem:s0+$0x140];
	v14 =	vmul.f32 v15, v4;
	v15 =	vmul.f32 v12, v6  }
0xae: {  	v25 =	vld [tilespmem:s0+$0xB0];
	v12 =	vmul.f32 v19, v5;
	[tilespmem:$0x1FE80] =	vst v3;
	v3 =	vmul.f32 v8, v5  }
0xaf: {  	v59 =	vld [tilespmem:s0+$0x50];
	v8 =	vmul.f32 v19, v6;
	v19 =	vmul.f32 v24, v9  }
0xb0: {  	v21 =	vld [tilespmem:s0+$0x90]  }
0xb1: {  	v10 =	vld [tilespmem:s2+$0xFFFFFFC0];
	[tilespmem:$0x1FE20] =	vst v19;
	v19 =	vmul.f32 v24, v11  }
0xb2: {  	v46 =	vmul.f32 v2, v6;
	v22 =	vld [tilespmem:s0+$0xC0];
	v0 =	vmul.f32 v0, v5  }
0xb3: {  	v48 =	vmul.f32 v2, v5;
	v2 =	vld [tilespmem:s0+$0x40];
	[tilespmem:$0x1FE30] =	vst v19;
	v19 =	vmul.f32 v25, v9  }
0xb4: {  	[tilespmem:$0x1FE70] =	vst v0;
	v0 =	vld [tilespmem:s0+$0x20]  }
0xb5: {  	v7 =	vmul.f32 v13, v43;
	v13 =	vld [tilespmem:s2+$0x40];
	[tilespmem:$0x1FE40] =	vst v19;
	v19 =	vmul.f32 v25, v11  }
0xb6: {  	v52 =	vld [tilespmem:s0+$0xD0]  }
0xb7: {  	v55 =	vld [tilespmem:s0+$0x0];
	[tilespmem:$0x1FE50] =	vst v19;
	v19 =	vmul.f32 v22, v9  }
0xb8: {  	v38 =	vld [tilespmem:s2+$0xFFFFFF80];
	v30 =	vmul.f32 v21, v11;
	v29 =	vmul.f32 v21, v9  }
0xb9: {  	v39 =	vld [tilespmem:s2+$0x0];
	v21 =	vmul.f32 v0, v10;
	[tilespmem:$0x1FF80] =	vst v19;
	v19 =	vmul.f32 v22, v11  }
0xba: {  	v32 =	vld [tilespmem:s2+$0xFFFFFF90];
	v22 =	vmul.f32 v0, v13;
	v0 =	vmul.f32 v2, v10  }
0xbb: {  	v53 =	vld [tilespmem:s0+$0xE0];
	[tilespmem:$0x1FF90] =	vst v19;
	v19 =	vmul.f32 v52, v9  }
0xbc: {  	v56 =	vld [tilespmem:s0+$0x10];
	v51 =	vmul.f32 v55, v10;
	[tilespmem:$0x1FF40] =	vst v0;
	v0 =	vmul.f32 v59, v10  }
0xbd: {  	[tilespmem:$0x1FFA0] =	vst v19;
	v19 =	vmul.f32 v52, v11;
	v52 =	vmul.f32 v55, v13;
	v55 =	vld [tilespmem:s0+$0xFFFFFE00]  }
0xbe: {  	v37 =	vld [tilespmem:s2+$0x10];
	v1 =	vmul.f32 v1, v5;
	[tilespmem:$0x1FF60] =	vst v0;
	v0 =	vmul.f32 v59, v13  }
0xbf: {  	v20 =	vld [tilespmem:s0+$0x80]  }
0xc0: {  	v42 =	vmul.f32 v53, v9;
	[tilespmem:$0x1FE90] =	vst v1;
	v1 =	vld [tilespmem:s0+$0x30]  }
0xc1: {  	v45 =	vmul.f32 v56, v13;
	v24 =	vld [tilespmem:s2+$0xFFFFFFA0];
	[tilespmem:$0x1FFB0] =	vst v19;
	v19 =	vmul.f32 v53, v11  }
0xc2: {  	v53 =	vmul.f32 v56, v10;
	[tilespmem:$0x1FF70] =	vst v0;
	v56 =	vld [tilespmem:s0+$0xFFFFFE10];
	v0 =	vmov v58;
	v58 =	vmul.f32 v55, v38  }
0xc3: {  	[tilespmem:$0x1FDE0] =	vst v34;
	v26 =	vld [tilespmem:s2+$0xFFFFFFB0];
	v41 =	vmul.f32 v61, v32;
	v34 =	vmul.f32 v61, v37;
	v61 =	vmov v57  }
0xc4: {  	v62 =	vmov v35;
	v35 =	vld [tilespmem:s0+$0xFFFFFE90];
	v28 =	vmul.f32 v20, v11;
	v58 =	vadd.f32 v58, v61  }
0xc5: {  	v27 =	vld [tilespmem:s2+$0x30];
	v23 =	vmul.f32 v20, v9;
	v20 =	vmul.f32 v1, v13;
	[tilespmem:$0x1FFC0] =	vst v19  }
0xc6: {  	v25 =	vld [tilespmem:s2+$0x20];
	v19 =	vmul.f32 v1, v10;
	v1 =	vmovc v40;
	v40 =	vmul.f32 v60, v24;
	v41 =	vadd.f32 v41, v58  }
0xc7: {  	v55 =	vmul.f32 v55, v39;
	v59 =	vmul.f32 v56, v38  }
0xc8: {  	v57 =	vld [tilespmem:s0+$0xFFFFFF10];
	v36 =	vmul.f32 v31, v26;
	v40 =	vadd.f32 v40, v41  }
0xc9: {  	v55 =	vadd.f32 v55, v0;
	v59 =	vadd.f32 v59, v62  }
0xca: {  	v0 =	vmul.f32 v35, v32;
	v36 =	vadd.f32 v36, v40  }
0xcb: {  	[tilespmem:$0x1FDD0] =	vst v33;
	v31 =	vmul.f32 v31, v27;
	v33 =	vmul.f32 v60, v25;
	v60 =	vld [tilespmem:s0+$0xFFFFFF90];
	v34 =	vadd.f32 v34, v55  }
0xcc: {  	v56 =	vmul.f32 v56, v39;
	v58 =	vadd.f32 v0, v59;
	v0 =	vld [tilespmem:$0x1FD90];
	v36 =	vadd.f32 v51, v36  }
0xcd: {  	v55 =	vmul.f32 v57, v24;
	v33 =	vadd.f32 v33, v34;
	v59 =	vmovc v47;
	v47 =	vmul.f32 v57, v25;
	v57 =	vld [tilespmem:s0+$0xFFFFFF20]  }
0xce: {  	v35 =	vmul.f32 v35, v37;
	v56 =	vadd.f32 v56, v54;
	v23 =	vadd.f32 v23, v36  }
0xcf: {  	v31 =	vadd.f32 v31, v33  }
0xd0: {  	v35 =	vadd.f32 v35, v56;
	v17 =	vadd.f32 v17, v23  }
0xd1: {  	v34 =	vmul.f32 v60, v26;
	v55 =	vadd.f32 v55, v58;
	v31 =	vadd.f32 v52, v31  }
0xd2: {  	v56 =	vmul.f32 v57, v24;
	v52 =	vmul.f32 v57, v25;
	v57 =	vadd.f32 v0, v17;
	v0 =	vld [tilespmem:$0x1FDA0]  }
0xd3: {  	v28 =	vadd.f32 v28, v31  }
0xd4: {  	v34 =	vadd.f32 v34, v55  }
0xd5: {  	v18 =	vadd.f32 v18, v28  }
0xd6: {  	v35 =	vadd.f32 v47, v35;
	v47 =	vmul.f32 v60, v27;
	v34 =	vadd.f32 v53, v34  }
0xd7: {  	v58 =	vadd.f32 v0, v18;
	v0 =	vld [tilespmem:$0x1FDB0]  }
0xd8: {  	v35 =	vadd.f32 v47, v35;
	v29 =	vadd.f32 v29, v34;
	_ =	sdelay $0x1  }
0xd9: {  	v35 =	vadd.f32 v45, v35;
	v15 =	vadd.f32 v15, v29;
	_ =	sdelay $0x1  }
0xda: {  	v30 =	vadd.f32 v30, v35;
	v35 =	vadd.f32 v0, v15;
	v0 =	vld [tilespmem:$0x1FDC0];
	_ =	sdelay $0x1  }
0xdb: {  	v62 =	vld [tilespmem:s0+$0xFFFFFFA0]  }
0xdc: {  	v40 =	vld [tilespmem:s0+$0xFFFFFE20];
	v16 =	vadd.f32 v16, v30  }
0xdd: {  	v41 =	vld [tilespmem:s0+$0xFFFFFEA0]  }
0xde: {  	v54 =	vadd.f32 v0, v16;
	v0 =	vld [tilespmem:$0x1FDD0];
	_ =	sdelay $0x1  }
0xdf: {  	v33 =	vmul.f32 v62, v26;
	v55 =	vmul.f32 v62, v27  }
0xe0: {  	v62 =	vmov v46;
	v51 =	vld [tilespmem:s0+$0xFFFFFE30];
	v46 =	vmul.f32 v40, v38;
	v23 =	vmul.f32 v40, v39;
	_ =	sdelay $0x1  }
0xe1: {  	v60 =	vmovc v7;
	v47 =	vmul.f32 v41, v32;
	v7 =	vadd.f32 v46, v1;
	v15 =	vadd.f32 v23, v0;
	v0 =	vld [tilespmem:$0x1FDE0];
	_ =	sdelay $0x1  }
0xe2: {  	v7 =	vadd.f32 v47, v7  }
0xe3: {  	v29 =	vmul.f32 v51, v38  }
0xe4: {  	v45 =	vld [tilespmem:s0+$0xFFFFFEB0];
	v7 =	vadd.f32 v56, v7  }
0xe5: {  	v31 =	vmul.f32 v41, v37;
	v23 =	vadd.f32 v29, v0;
	v0 =	vld [tilespmem:$0x1FE20]  }
0xe6: {  	v7 =	vadd.f32 v33, v7  }
0xe7: {  	v28 =	vld [tilespmem:s0+$0xFFFFFF30];
	v15 =	vadd.f32 v31, v15  }
0xe8: {  	v7 =	vadd.f32 v21, v7  }
0xe9: {  	v17 =	vmul.f32 v51, v39;
	v18 =	vld [tilespmem:s0+$0xFFFFFFB0];
	v15 =	vadd.f32 v52, v15  }
0xea: {  	v16 =	vmul.f32 v45, v32;
	v7 =	vadd.f32 v0, v7;
	v0 =	vld [tilespmem:$0x1FE30]  }
0xeb: {  	v17 =	vadd.f32 v17, v44;
	v15 =	vadd.f32 v55, v15  }
0xec: {  	v31 =	vmul.f32 v28, v24;
	v29 =	vmul.f32 v45, v37;
	v16 =	vadd.f32 v16, v23  }
0xed: {  	v15 =	vadd.f32 v22, v15  }
0xee: {  	v17 =	vadd.f32 v29, v17;
	v29 =	vmul.f32 v18, v26;
	v16 =	vadd.f32 v31, v16  }
0xef: {  	v55 =	vmov v12;
	v12 =	vadd.f32 v0, v15;
	v0 =	vld [tilespmem:$0x1FE40]  }
0xf0: {  	v16 =	vadd.f32 v29, v16  }
0xf1: {  	v23 =	vmul.f32 v28, v25  }
0xf2: {  	v16 =	vadd.f32 v19, v16  }
0xf3: {  	v18 =	vmul.f32 v18, v27;
	v17 =	vadd.f32 v23, v17  }
0xf4: {  	v16 =	vadd.f32 v0, v16;
	v0 =	vld [tilespmem:$0x1FE50]  }
0xf5: {  	v17 =	vadd.f32 v18, v17;
	_ =	sdelay $0x1  }
0xf6: {  	v17 =	vadd.f32 v20, v17;
	_ =	sdelay $0x1  }
0xf7: {  	v52 =	vmov v8;
	v8 =	vadd.f32 v0, v17;
	v0 =	vld [tilespmem:$0x1FE60];
	_ =	sdelay $0x4  }
0xf8: {  	v7 =	vadd.f32 v0, v7;
	v0 =	vld [tilespmem:$0x1FE70];
	_ =	sdelay $0x4  }
0xf9: {  	v12 =	vadd.f32 v0, v12;
	v0 =	vld [tilespmem:$0x1FE80];
	_ =	sdelay $0x4  }
0xfa: {  	v16 =	vadd.f32 v0, v16;
	v0 =	vld [tilespmem:$0x1FE90];
	_ =	sdelay $0x4  }
0xfb: {  	v8 =	vadd.f32 v0, v8;
	v0 =	vld [tilespmem:$0x1FEA0];
	_ =	sdelay $0x4  }
0xfc: {  	v40 =	vadd.f32 v0, v7;
	v0 =	vld [tilespmem:$0x1FEB0];
	_ =	sdelay $0x4  }
0xfd: {  	v33 =	vadd.f32 v0, v12;
	v0 =	vld [tilespmem:$0x1FEC0];
	_ =	sdelay $0x3  }
0xfe: {  	v31 =	vld [tilespmem:s0+$0xFFFFFE40]  }
0xff: {  	v34 =	vadd.f32 v0, v16;
	v0 =	vld [tilespmem:$0x1FED0];
	_ =	sdelay $0x4  }
0x100: {  	v20 =	vmul.f32 v31, v39;
	v17 =	vmul.f32 v31, v38;
	v31 =	vadd.f32 v0, v8;
	v0 =	vld [tilespmem:$0x1FEE0];
	_ =	sdelay $0x4  }
0x101: {  	v8 =	vadd.f32 v17, v0;
	v0 =	vld [tilespmem:$0x1FEF0];
	_ =	sdelay $0x1  }
0x102: {  	v30 =	vld [tilespmem:s0+$0xFFFFFFC0]  }
0x103: {  	v21 =	vld [tilespmem:s0+$0xFFFFFE50]  }
0x104: {  	v28 =	vld [tilespmem:s0+$0xFFFFFF40]  }
0x105: {  	v16 =	vadd.f32 v20, v0;
	v0 =	vld [tilespmem:$0x1FF00]  }
0x106: {  	v47 =	vld [tilespmem:s0+$0xFFFFFEC0]  }
0x107: {  	v23 =	vmul.f32 v30, v26  }
0x108: {  	v18 =	vmul.f32 v30, v27;
	v30 =	vmul.f32 v21, v38  }
0x109: {  	v15 =	vld [tilespmem:s0+$0xFFFFFED0]  }
0x10a: {  	v29 =	vmul.f32 v28, v24;
	v20 =	vadd.f32 v30, v0;
	v0 =	vld [tilespmem:$0x1FF20]  }
0x10b: {  	v22 =	vmul.f32 v28, v25;
	v28 =	vld [tilespmem:s0+$0xFFFFFF50];
	v19 =	vmul.f32 v47, v32;
	_ =	sdelay $0x1  }
0x10c: {  	v7 =	vmul.f32 v21, v39;
	v12 =	vld [tilespmem:s0+$0xFFFFFFD0];
	v8 =	vadd.f32 v19, v8  }
0x10d: {  	v51 =	vmov v14;
	v14 =	vmul.f32 v47, v37;
	v17 =	vmul.f32 v15, v32  }
0x10e: {  	v8 =	vadd.f32 v29, v8;
	v7 =	vadd.f32 v7, v0;
	v0 =	vld [tilespmem:$0x1FF40]  }
0x10f: {  	v14 =	vadd.f32 v14, v16;
	v16 =	vmul.f32 v28, v24;
	v17 =	vadd.f32 v17, v20;
	_ =	sdelay $0x1  }
0x110: {  	v23 =	vadd.f32 v23, v8;
	v20 =	vmul.f32 v12, v26;
	v17 =	vadd.f32 v16, v17  }
0x111: {  	v15 =	vmul.f32 v15, v37;
	v19 =	vld [tilespmem:s0+$0xFFFFFF60];
	v14 =	vadd.f32 v22, v14  }
0x112: {  	v17 =	vadd.f32 v20, v17;
	v20 =	vadd.f32 v0, v23;
	v0 =	vld [tilespmem:$0x1FF60]  }
0x113: {  	v7 =	vadd.f32 v15, v7;
	v15 =	vmul.f32 v28, v25  }
0x114: {  	v2 =	vmul.f32 v2, v13;
	v14 =	vadd.f32 v18, v14  }
0x115: {  	v21 =	vld [tilespmem:s0+$0xFFFFFFE0];
	v12 =	vmul.f32 v12, v27;
	v15 =	vadd.f32 v15, v7  }
0x116: {  	v1 =	vmul.f32 v19, v25;
	v2 =	vadd.f32 v2, v14;
	v14 =	vld [tilespmem:$0x1FF80]  }
0x117: {  	v18 =	vadd.f32 v12, v15;
	v12 =	vmul.f32 v19, v24;
	v19 =	vadd.f32 v0, v17;
	v0 =	vld [tilespmem:$0x1FF70]  }
0x118: {  	v50 =	vld [tilespmem:s0+$0x60]  }
0x119: {  	v61 =	vmov v3;
	v3 =	vld [tilespmem:$0x1FD80]  }
0x11a: {  	v36 =	vld [tilespmem:$0x1FDF0]  }
0x11b: {  	v53 =	vld [tilespmem:$0x1FE00];
	v8 =	vmul.f32 v21, v27  }
0x11c: {  	v7 =	vmul.f32 v21, v26;
	v21 =	vadd.f32 v0, v18;
	v18 =	vadd.f32 v14, v20;
	v20 =	vld [tilespmem:$0x1FFA0]  }
0x11d: {  	v56 =	vld [tilespmem:$0x1FE10]  }
0x11e: {  	v29 =	vld [tilespmem:$0x1FF30]  }
0x11f: {  	v22 =	vld [tilespmem:s0+$0xFFFFFEE0]  }
0x120: {  	s1 =	sadd.s32 $0x8, s1;
	v14 =	vld [tilespmem:$0x1FF90]  }
0x121: {  	p1 =	slt.u32 s1, $0x38;
	v20 =	vadd.f32 v20, v19;
	v19 =	vld [tilespmem:$0x1FFB0]  }
.Ltmp2:
0x122: {  	v30 =	vld [tilespmem:$0x1FF10];
	(pc) =	sbr.rel @p1 .LBB2_4-.Ltmp2, $4  }
0x123: {  	v16 =	vld [tilespmem:s0+$0xFFFFFE60]  }
0x124: {  	v49 =	vmul.f32 v50, v10;
	v23 =	vld [tilespmem:$0x1FF50]  }
0x125: {  	v50 =	vmul.f32 v50, v13;
	v15 =	vld [tilespmem:s0+$0xFFFFFE70];
	v0 =	vmul.f32 v22, v32  }
0x126: {  	s31 =	smov.u32 s0;
	s2 =	sadd.s32 $0x100, s2;
	v17 =	vadd.f32 v14, v2;
	v2 =	vmul.f32 v22, v37;
	v14 =	vld [tilespmem:s0+$0xFFFFFEF0];
	v19 =	vadd.f32 v19, v21  }
0x127: {  	v18 =	vadd.f32 v62, v18  }
0x128: {  	v20 =	vadd.f32 v63, v20;
	v22 =	vld [tilespmem:s0+$0xFFFFFF70];
	v21 =	vmul.f32 v16, v38;
	v17 =	vadd.f32 v48, v17  }
0x129: {  	v28 =	vld [tilespmem:s31+$0xFFFFFFF0];
	v48 =	vmul.f32 v16, v39;
	v19 =	vadd.f32 v61, v19;
	v18 =	vadd.f32 v23, v18  }
0x12a: {  	v46 =	vld [tilespmem:s31+$0xF0];
	v20 =	vadd.f32 v59, v20;
	v61 =	vmul.f32 v15, v38;
	v17 =	vadd.f32 v60, v17  }
0x12b: {  	v62 =	vmul.f32 v15, v39;
	v19 =	vadd.f32 v56, v19;
	v21 =	vadd.f32 v21, v53  }
0x12c: {  	v16 =	vadd.f32 v48, v29;
	v63 =	vmul.f32 v14, v32;
	v38 =	vmul.f32 v14, v37  }
0x12d: {  	v39 =	vld [tilespmem:s31+$0x70];
	v23 =	vadd.f32 v61, v3;
	v15 =	vadd.f32 v62, v30;
	v41 =	vmul.f32 v22, v24  }
0x12e: {  	s0 =	sshll.u32 s29, $0x7;
	v29 =	vld [tilespmem:$0x1FFE0];
	v0 =	vadd.f32 v0, v21;
	v45 =	vmul.f32 v22, v25;
	v47 =	vmul.f32 v28, v26  }
0x12f: {  	s25 =	sor.u32 $0x20, s0;
	v56 =	vld [tilespmem:s31+$0x170];
	v2 =	vadd.f32 v2, v16;
	v53 =	vmul.f32 v28, v27;
	v9 =	vmul.f32 v46, v9  }
0x130: {  	v62 =	vld [tilespmem:s31+$0x1F0];
	v25 =	vmov s25;
	s31 =	sor.u32 $0x30, s0;
	v44 =	vadd.f32 v63, v23;
	v14 =	vadd.f32 v38, v15  }
0x131: {  	s1 =	sor.u32 $0x10, s0;
	v32 =	vmov s31;
	v0 =	vadd.f32 v12, v0;
	v1 =	vadd.f32 v1, v2  }
0x132: {  	v15 =	vmov s0;
	v23 =	vmov s1;
	v48 =	vadd.f32 v41, v44  }
0x133: {  	v59 =	vmul.f32 v39, v10;
	v30 =	vadd.f32 v58, v29;
	v14 =	vadd.f32 v45, v14  }
0x134: {  	v22 =	vld [tilespmem:$0x1FFF0];
	v61 =	vmul.f32 v39, v13;
	v38 =	vadd.f32 v54, v29;
	v2 =	vadd.f32 v47, v48  }
0x135: {  	v13 =	vmul.f32 v46, v11;
	v54 =	vadd.f32 v17, v29;
	v60 =	vadd.f32 v53, v14;
	v14 =	vld [tilespmem:$0x1FFC0]  }
0x136: {  	v6 =	vmul.f32 v56, v6;
	v1 =	vadd.f32 v8, v1;
	v2 =	vadd.f32 v59, v2  }
0x137: {  	v26 =	vld [tilespmem:$0x1FFD0];
	v5 =	vmul.f32 v56, v5;
	v0 =	vadd.f32 v7, v0;
	v63 =	vadd.f32 v61, v60  }
0x138: {  	v16 =	vshll.u32 v15, $0x3;
	v1 =	vadd.f32 v50, v1;
	v2 =	vadd.f32 v9, v2  }
0x139: {  	v44 =	vadd.f32 v33, v29;
	v21 =	vmul.f32 v62, v43;
	v7 =	vadd.f32 v13, v63  }
0x13a: {  	v1 =	vadd.f32 v14, v1;
	v2 =	vadd.f32 v6, v2;
	v6 =	vor.u32 v22, v16  }
0x13b: {  	v5 =	vadd.f32 v5, v7;
	v7 =	vshll.u32 v23, $0x3;
	v24 =	vor.u32 $0x1, v6  }
0x13c: {  	v27 =	vadd.f32 v57, v26;
	v0 =	vadd.f32 v49, v0;
	v7 =	vor.u32 v22, v7  }
0x13d: {  	v9 =	vshll.u32 v25, $0x3;
	v1 =	vadd.f32 v55, v1;
	v28 =	vor.u32 $0x1, v7  }
0x13e: {  	v47 =	vadd.f32 v34, v26;
	v13 =	vshll.u32 v32, $0x3;
	v9 =	vor.u32 v22, v9  }
0x13f: {  	s2 =	sor.u32 $0x40, s0;
	v37 =	vor.u32 $0x1, v9;
	v1 =	vadd.f32 v36, v1;
	v36 =	vadd.f32 v35, v26;
	[tilespmem:v6+s23+$0x0] =	vst.idx.msk $0xffff, v27  }
0x140: {  	v41 =	vmov s2;
	v0 =	vadd.f32 v42, v0;
	v39 =	vor.u32 v22, v13;
	[tilespmem:v24+s23+$0x0] =	vst.idx.msk $0xffff, v30  }
0x141: {  	s25 =	sor.u32 $0x50, s0;
	v42 =	vadd.f32 v40, v26;
	v13 =	vshll.u32 v41, $0x3;
	v43 =	vor.u32 $0x1, v39;
	[tilespmem:v7+s23+$0x0] =	vst.idx.msk $0xffff, v36  }
0x142: {  	v46 =	vmov s25;
	v0 =	vadd.f32 v52, v0;
	v45 =	vor.u32 v22, v13;
	[tilespmem:v28+s23+$0x0] =	vst.idx.msk $0xffff, v38  }
0x143: {  	s31 =	sor.u32 $0x60, s0;
	v49 =	vadd.f32 v31, v29;
	v13 =	vshll.u32 v46, $0x3;
	v48 =	vor.u32 $0x1, v45;
	[tilespmem:v9+s23+$0x0] =	vst.idx.msk $0xffff, v42  }
0x144: {  	v0 =	vadd.f32 v51, v0;
	v51 =	vmov s31;
	v50 =	vor.u32 v22, v13;
	[tilespmem:v37+s23+$0x0] =	vst.idx.msk $0xffff, v44  }
0x145: {  	s0 =	sor.u32 $0x70, s0;
	v52 =	vadd.f32 v18, v26;
	v13 =	vshll.u32 v51, $0x3;
	v53 =	vor.u32 $0x1, v50;
	[tilespmem:v39+s23+$0x0] =	vst.idx.msk $0xffff, v47  }
0x146: {  	v56 =	vmov s0;
	v4 =	vmul.f32 v62, v4;
	v55 =	vor.u32 v22, v13;
	[tilespmem:v43+s23+$0x0] =	vst.idx.msk $0xffff, v49  }
0x147: {  	v57 =	vadd.f32 v20, v26;
	v13 =	vshll.u32 v56, $0x3;
	v58 =	vor.u32 $0x1, v55;
	[tilespmem:v45+s23+$0x0] =	vst.idx.msk $0xffff, v52  }
0x148: {  	s29 =	sadd.s32 $0x1, s29;
	v59 =	vadd.f32 v19, v29;
	v60 =	vor.u32 v22, v13;
	[tilespmem:v48+s23+$0x0] =	vst.idx.msk $0xffff, v54  }
0x149: {  	p1 =	sne.s32 s29, $0x4;
	v2 =	vadd.f32 v4, v2;
	v0 =	vadd.f32 v0, v26;
	v61 =	vor.u32 $0x1, v60;
	[tilespmem:v50+s23+$0x0] =	vst.idx.msk $0xffff, v57  }
.Ltmp3:
0x14a: {  	v3 =	vadd.f32 v21, v5;
	v1 =	vadd.f32 v1, v29;
	[tilespmem:v53+s23+$0x0] =	vst.idx.msk $0xffff, v59;
	(pc) =	sbr.rel @p1 .LBB2_3-.Ltmp3, $4  }
0x14b: {  	v62 =	vadd.f32 v2, v26;
	[tilespmem:v55+s23+$0x0] =	vst.idx.msk $0xffff, v0  }
0x14c: {  	v63 =	vadd.f32 v3, v29;
	[tilespmem:v58+s23+$0x0] =	vst.idx.msk $0xffff, v1  }
0x14d: {  	[tilespmem:v60+s23+$0x0] =	vst.idx.msk $0xffff, v62  }
0x14e: {  	s30 =	sadd.s32 $0x400, s30;
	[tilespmem:v61+s23+$0x0] =	vst.idx.msk $0xffff, v63  }
0x14f: {  	s29 =	sshll.u32 s28, $0x1  }
0x150: {  	s0 =	sadd.s32 s5, s29  }
0x151: {  	s0 =	smin.u32 s0, $0x4B0  }
0x152: {  	s0 =	sshll.u32 s0, $0x9  }
0x153: {  	s30 =	simm.s32 $0x0;
	s31 =	sadd.s32 s29, s12;
	s0 =	sadd.s32 s7, s0  }
0x154: {  	[hbm4b:s0+s30] =	stream.linear.scatter [tilespmem:s23], [sflag:$0x3], $0x1000, $0x38;
	[tilespmem:$0x13900] =	vst v63  }
0x155: {  	s0 =	smin.u32 s31, $0x4B0;
	_ =	swait.ge [sflag:s17], $0x1000  }
0x156: {  	s0 =	sshll.u32 s0, $0x9;
	[sflag:s17] =	ssyncset.done $0x0  }
0x157: {  	s0 =	sadd.s32 s0, s9;
	[sflag:s17] =	ssyncadd.s32 $0xFFFFF000  }
0x158: {  	[tilespmem:s30], [sflag:$0x1] =	stream.strided.gather [hbm4b:s0+s19], $0x8000, s20, s19, $0x38;
	[tilespmem:$0x13900] =	vst v63  }
0x159: {  	_ =	swait.ge [sflag:s24], $0x8000  }
0x15a: {  	[sflag:s24] =	ssyncset.done $0x0  }
0x15b: {  	s1 =	simm.s32 $0x8200;
	[sflag:s24] =	ssyncadd.s32 $0xFFFF8000  }
.LBB2_7:
0x15c: {  	v0 =	vld [tilespmem:s1+$0x180]  }
0x15d: {  	v1 =	vld [tilespmem:s1+$0x190]  }
0x15e: {  	v7 =	vld [tilespmem:s1+$0x1A0]  }
0x15f: {  	v8 =	vld [tilespmem:s1+$0x1B0]  }
0x160: {  	v11 =	vld [tilespmem:s1+$0x1C0]  }
0x161: {  	v12 =	vld [tilespmem:s1+$0x1D0]  }
0x162: {  	v13 =	vld [tilespmem:s1+$0x1E0]  }
0x163: {  	v14 =	vld [tilespmem:s1+$0x100]  }
0x164: {  	v15 =	vld [tilespmem:s1+$0x110]  }
0x165: {  	v16 =	vld [tilespmem:s1+$0x120]  }
0x166: {  	v17 =	vld [tilespmem:s1+$0x130]  }
0x167: {  	v18 =	vld [tilespmem:s1+$0x140]  }
0x168: {  	s0 =	simm.s32 $0x13080;
	v19 =	vld [tilespmem:s1+$0x150]  }
0x169: {  	v4 =	vld [tilespmem:s0+$0xFFFFFFF0]  }
0x16a: {  	v43 =	vld [tilespmem:s0+$0x70]  }
0x16b: {  	v20 =	vld [tilespmem:s1+$0x160]  }
0x16c: {  	v35 =	vld [tilespmem:s1+$0xFFFFFF10]  }
0x16d: {  	v34 =	vld [tilespmem:s1+$0xFFFFFF80]  }
0x16e: {  	v3 =	vld [tilespmem:s1+$0xFFFFFF90];
	v21 =	vmul.f32 v0, v4  }
0x16f: {  	v6 =	vld [tilespmem:s0+$0xFFFFFFE0];
	v22 =	vmul.f32 v0, v43;
	v29 =	vmul.f32 v1, v4  }
0x170: {  	v5 =	vld [tilespmem:s0+$0x60];
	v30 =	vmul.f32 v1, v43;
	v2 =	vmul.f32 v7, v4  }
0x171: {  	v24 =	vld [tilespmem:s0+$0xFFFFFFA0];
	v7 =	vmul.f32 v7, v43;
	v1 =	vmul.f32 v8, v4  }
0x172: {  	v25 =	vld [tilespmem:s0+$0x20];
	v0 =	vmul.f32 v8, v43;
	v23 =	vmul.f32 v11, v4  }
0x173: {  	v32 =	vld [tilespmem:s0+$0xFFFFFF90];
	v60 =	vmul.f32 v11, v43;
	v59 =	vmul.f32 v12, v4  }
0x174: {  	v38 =	vld [tilespmem:s0+$0xFFFFFF80];
	v56 =	vmul.f32 v12, v43;
	v51 =	vmul.f32 v13, v4  }
0x175: {  	v39 =	vld [tilespmem:s0+$0x0];
	v36 =	vmul.f32 v13, v43;
	v31 =	vmul.f32 v14, v6  }
0x176: {  	v26 =	vld [tilespmem:s0+$0xFFFFFFB0];
	v40 =	vmul.f32 v14, v5;
	v41 =	vmul.f32 v15, v6  }
0x177: {  	v27 =	vld [tilespmem:s0+$0x30];
	v15 =	vmul.f32 v15, v5;
	v12 =	vmul.f32 v16, v6  }
0x178: {  	v11 =	vld [tilespmem:s1+$0xFFFFFF00];
	v14 =	vmul.f32 v16, v5;
	v8 =	vmul.f32 v17, v6  }
0x179: {  	v13 =	vld [tilespmem:s1+$0xFFFFFE80];
	v28 =	vmul.f32 v17, v5;
	v62 =	vmul.f32 v18, v6  }
0x17a: {  	v16 =	vld [tilespmem:s1+$0xFFFFFE00];
	v48 =	vmul.f32 v18, v5;
	v63 =	vmul.f32 v19, v6  }
0x17b: {  	v17 =	vld [tilespmem:s1+$0xFFFFFE10];
	v61 =	vmul.f32 v19, v5;
	v52 =	vmul.f32 v20, v6  }
0x17c: {  	v37 =	vld [tilespmem:s0+$0x10];
	v57 =	vmul.f32 v35, v24;
	v42 =	vmul.f32 v34, v26  }
0x17d: {  	v18 =	vld [tilespmem:s1+$0xFFFFFE90];
	v34 =	vmul.f32 v34, v27;
	v55 =	vmul.f32 v3, v26  }
0x17e: {  	v19 =	vmul.f32 v11, v24;
	v33 =	vmul.f32 v11, v25  }
0x17f: {  	v54 =	vld [tilespmem:s1+$0x0];
	v11 =	vmul.f32 v13, v32;
	v44 =	vmul.f32 v16, v38  }
0x180: {  	v50 =	vld [tilespmem:s1+$0x80];
	v16 =	vmul.f32 v16, v39;
	v45 =	vmul.f32 v17, v38  }
0x181: {  	v53 =	vimm.f32 $0.0e+00;
	v9 =	vld [tilespmem:s0+$0xFFFFFFD0];
	v47 =	vmul.f32 v13, v37;
	v17 =	vmul.f32 v17, v39  }
0x182: {  	v49 =	vmul.f32 v18, v32;
	v13 =	vld [tilespmem:s0+$0x40];
	v44 =	vadd.f32 v44, v53;
	v16 =	vadd.f32 v16, v53  }
0x183: {  	v10 =	vld [tilespmem:s0+$0xFFFFFFC0];
	v18 =	vmul.f32 v18, v37;
	v45 =	vadd.f32 v45, v53;
	v17 =	vadd.f32 v17, v53  }
0x184: {  	v58 =	vld [tilespmem:s1+$0x10];
	v3 =	vmul.f32 v3, v27;
	v11 =	vadd.f32 v11, v44;
	v16 =	vadd.f32 v47, v16  }
0x185: {  	v45 =	vadd.f32 v49, v45;
	v17 =	vadd.f32 v18, v17;
	v18 =	vmul.f32 v35, v25  }
0x186: {  	v49 =	vmul.f32 v50, v9;
	v19 =	vadd.f32 v19, v11;
	v11 =	vld [tilespmem:s0+$0x50];
	v16 =	vadd.f32 v33, v16  }
0x187: {  	v44 =	vmul.f32 v54, v13;
	v45 =	vadd.f32 v57, v45;
	v17 =	vadd.f32 v18, v17;
	v18 =	vld [tilespmem:s1+$0x90]  }
0x188: {  	v35 =	vld [tilespmem:s1+$0xA0];
	v57 =	vmul.f32 v54, v10;
	v19 =	vadd.f32 v42, v19;
	v16 =	vadd.f32 v34, v16  }
0x189: {  	v45 =	vadd.f32 v55, v45;
	v17 =	vadd.f32 v3, v17;
	v3 =	vmul.f32 v58, v13  }
0x18a: {  	v55 =	vmul.f32 v20, v5;
	v20 =	vmul.f32 v58, v10;
	v58 =	vld [tilespmem:s1+$0xFFFFFEA0];
	v19 =	vadd.f32 v57, v19  }
0x18b: {  	v16 =	vadd.f32 v44, v16;
	v17 =	vadd.f32 v3, v17;
	v3 =	vld [tilespmem:s1+$0xFFFFFE20];
	v33 =	vmul.f32 v50, v11  }
0x18c: {  	v20 =	vadd.f32 v20, v45;
	v50 =	vmul.f32 v18, v9;
	v18 =	vmul.f32 v18, v11  }
0x18d: {  	v54 =	vld [tilespmem:s1+$0xFFFFFE30];
	v44 =	vmul.f32 v35, v9;
	v19 =	vadd.f32 v49, v19;
	v16 =	vadd.f32 v33, v16  }
0x18e: {  	v47 =	vld [tilespmem:s1+$0xB0];
	v46 =	vmul.f32 v35, v11;
	v20 =	vadd.f32 v50, v20;
	v17 =	vadd.f32 v18, v17  }
0x18f: {  	v49 =	vld [tilespmem:s1+$0xFFFFFF20];
	v18 =	vmul.f32 v58, v32;
	v34 =	vmul.f32 v58, v37;
	v19 =	vadd.f32 v31, v19  }
0x190: {  	v31 =	vld [tilespmem:s1+$0xFFFFFEB0];
	v16 =	vadd.f32 v40, v16;
	v20 =	vadd.f32 v41, v20;
	v50 =	vmul.f32 v3, v38  }
0x191: {  	v3 =	vmul.f32 v3, v39;
	v15 =	vadd.f32 v15, v17;
	v57 =	vadd.f32 v21, v19  }
0x192: {  	v17 =	vmul.f32 v54, v38;
	v58 =	vadd.f32 v22, v16;
	v35 =	vadd.f32 v29, v20  }
0x193: {  	v19 =	vmul.f32 v54, v39;
	v16 =	vld [tilespmem:s1+$0xFFFFFF30];
	v54 =	vadd.f32 v30, v15;
	v20 =	vadd.f32 v50, v53  }
0x194: {  	v45 =	vmul.f32 v47, v9;
	v15 =	vld [tilespmem:s1+$0xFFFFFFA0];
	v21 =	vadd.f32 v3, v53;
	v17 =	vadd.f32 v17, v53  }
0x195: {  	v29 =	vld [tilespmem:s1+$0xFFFFFFB0];
	v40 =	vmul.f32 v49, v25;
	v19 =	vadd.f32 v19, v53;
	v22 =	vmul.f32 v31, v32  }
0x196: {  	v30 =	vmul.f32 v31, v37;
	v18 =	vadd.f32 v18, v20;
	v20 =	vmul.f32 v49, v24  }
0x197: {  	v50 =	vmul.f32 v47, v11;
	v21 =	vadd.f32 v34, v21;
	v31 =	vld [tilespmem:s1+$0x20];
	v17 =	vadd.f32 v22, v17  }
0x198: {  	v19 =	vadd.f32 v30, v19;
	v22 =	vld [tilespmem:s1+$0x30];
	v18 =	vadd.f32 v20, v18;
	v30 =	vmul.f32 v16, v24  }
0x199: {  	v49 =	vld [tilespmem:s1+$0xC0];
	v21 =	vadd.f32 v40, v21;
	v16 =	vmul.f32 v16, v25;
	v20 =	vmul.f32 v15, v26  }
0x19a: {  	v15 =	vmul.f32 v15, v27;
	v17 =	vadd.f32 v30, v17;
	v30 =	vmul.f32 v29, v26  }
0x19b: {  	v16 =	vadd.f32 v16, v19;
	v19 =	vld [tilespmem:s1+$0xD0];
	v29 =	vmul.f32 v29, v27;
	v18 =	vadd.f32 v20, v18  }
0x19c: {  	v15 =	vadd.f32 v15, v21;
	v20 =	vld [tilespmem:s1+$0xE0];
	v21 =	vmul.f32 v31, v10;
	v31 =	vmul.f32 v31, v13  }
0x19d: {  	v17 =	vadd.f32 v30, v17;
	v16 =	vadd.f32 v29, v16;
	v29 =	vmul.f32 v22, v10  }
0x19e: {  	v41 =	vmul.f32 v49, v9;
	v30 =	vld [tilespmem:s1+$0x40];
	v22 =	vmul.f32 v22, v13;
	v18 =	vadd.f32 v21, v18  }
0x19f: {  	v47 =	vmul.f32 v49, v11;
	v21 =	vld [tilespmem:s1+$0xFFFFFEC0];
	v15 =	vadd.f32 v31, v15;
	v17 =	vadd.f32 v29, v17  }
0x1a0: {  	v31 =	vld [tilespmem:s1+$0xFFFFFE50];
	v16 =	vadd.f32 v22, v16;
	v18 =	vadd.f32 v44, v18;
	v3 =	vmul.f32 v19, v9  }
0x1a1: {  	v22 =	vld [tilespmem:s1+$0xFFFFFE40];
	v15 =	vadd.f32 v46, v15;
	v42 =	vmul.f32 v20, v9;
	v20 =	vmul.f32 v20, v11  }
0x1a2: {  	v19 =	vmul.f32 v19, v11;
	v17 =	vadd.f32 v45, v17;
	v16 =	vadd.f32 v50, v16  }
0x1a3: {  	v12 =	vadd.f32 v12, v18;
	v14 =	vadd.f32 v14, v15;
	[tilespmem:$0x1FD70] =	vst v20;
	v20 =	vmul.f32 v30, v10  }
0x1a4: {  	v44 =	vmul.f32 v30, v13;
	v29 =	vmul.f32 v21, v32;
	v8 =	vadd.f32 v8, v17  }
0x1a5: {  	v18 =	vld [tilespmem:s1+$0xFFFFFED0];
	v16 =	vadd.f32 v28, v16;
	v33 =	vadd.f32 v7, v14;
	v7 =	vmul.f32 v31, v38  }
0x1a6: {  	v17 =	vld [tilespmem:s1+$0xFFFFFF40];
	v40 =	vadd.f32 v2, v12;
	v12 =	vmul.f32 v31, v39;
	v15 =	vmul.f32 v22, v38  }
0x1a7: {  	v2 =	vld [tilespmem:s1+$0xFFFFFF50];
	v22 =	vmul.f32 v22, v39;
	v34 =	vadd.f32 v1, v8;
	v31 =	vadd.f32 v0, v16  }
0x1a8: {  	v21 =	vmul.f32 v21, v37;
	v14 =	vld [tilespmem:s1+$0x50];
	v7 =	vadd.f32 v7, v53;
	v1 =	vadd.f32 v15, v53  }
0x1a9: {  	v30 =	vimm.f32 $0.0e+00;
	v8 =	vld [tilespmem:s1+$0xFFFFFFC0];
	v12 =	vadd.f32 v12, v53;
	v0 =	vadd.f32 v22, v53  }
0x1aa: {  	v16 =	vld [tilespmem:s1+$0xFFFFFFD0];
	v15 =	vmul.f32 v18, v32;
	v18 =	vmul.f32 v18, v37;
	v1 =	vadd.f32 v29, v1  }
0x1ab: {  	v0 =	vadd.f32 v21, v0;
	v21 =	vmul.f32 v17, v24;
	v17 =	vmul.f32 v17, v25  }
0x1ac: {  	v7 =	vadd.f32 v15, v7;
	v12 =	vadd.f32 v18, v12;
	v18 =	vmul.f32 v2, v24  }
0x1ad: {  	v15 =	vld [tilespmem:s1+$0x60];
	v2 =	vmul.f32 v2, v25;
	v22 =	vmul.f32 v14, v10;
	v1 =	vadd.f32 v21, v1  }
0x1ae: {  	v21 =	vmul.f32 v8, v26;
	v0 =	vadd.f32 v17, v0;
	v17 =	vld [tilespmem:s1+$0xFFFFFFE0];
	v8 =	vmul.f32 v8, v27  }
0x1af: {  	v7 =	vadd.f32 v18, v7;
	v18 =	vld [tilespmem:s1+$0xFFFFFF60];
	v2 =	vadd.f32 v2, v12;
	v12 =	vmul.f32 v16, v26  }
0x1b0: {  	v14 =	vmul.f32 v14, v13;
	v0 =	vadd.f32 v8, v0;
	v8 =	vmul.f32 v16, v27  }
0x1b1: {  	v29 =	vimm.f32 $0.0e+00;
	v1 =	vadd.f32 v21, v1;
	v21 =	vld [tilespmem:s1+$0xFFFFFEE0];
	v16 =	vadd.f32 v12, v7  }
0x1b2: {  	v49 =	vmul.f32 v15, v10;
	v50 =	vmul.f32 v15, v13;
	v2 =	vadd.f32 v8, v2  }
0x1b3: {  	v15 =	vadd.f32 v20, v1;
	v20 =	vadd.f32 v22, v16;
	v7 =	vmul.f32 v17, v26  }
0x1b4: {  	v8 =	vmul.f32 v17, v27;
	v12 =	vmul.f32 v18, v24;
	v17 =	vadd.f32 v44, v0  }
0x1b5: {  	v16 =	vld [tilespmem:s1+$0xFFFFFE60];
	v1 =	vmul.f32 v18, v25;
	v14 =	vadd.f32 v14, v2;
	v18 =	vadd.f32 v41, v15  }
0x1b6: {  	s2 =	simm.s32 $0x0;
	v15 =	vld [tilespmem:s1+$0xFFFFFE70];
	v20 =	vadd.f32 v3, v20;
	v3 =	vimm.f32 $0.0e+00;
	v0 =	vmul.f32 v21, v32  }
0x1b7: {  	s25 =	simm.s32 $0x13180;
	s31 =	smov.u32 s1;
	s0 =	smov.u32 s1;
	v17 =	vadd.f32 v47, v17;
	v2 =	vmul.f32 v21, v37;
	v19 =	vadd.f32 v19, v14;
	v14 =	vld [tilespmem:s1+$0xFFFFFEF0]  }
.LBB2_8:
0x1b8: {  	v18 =	vadd.f32 v62, v18  }
0x1b9: {  	v17 =	vadd.f32 v48, v17  }
0x1ba: {  	v20 =	vadd.f32 v63, v20;
	v18 =	vadd.f32 v23, v18  }
0x1bb: {  	v19 =	vadd.f32 v61, v19;
	v17 =	vadd.f32 v60, v17  }
0x1bc: {  	v45 =	vld [tilespmem:s0+$0xFFFFFF70];
	v22 =	vmul.f32 v16, v38;
	v16 =	vmul.f32 v16, v39;
	[tilespmem:$0x1FC90] =	vst v18;
	v18 =	vadd.f32 v59, v20  }
0x1bd: {  	v47 =	vmul.f32 v15, v38;
	[tilespmem:$0x1FCA0] =	vst v17  }
0x1be: {  	v15 =	vmul.f32 v15, v39;
	v17 =	vld [tilespmem:s31+$0xFFFFFFF0];
	v16 =	vadd.f32 v16, v29;
	[tilespmem:$0x1FCB0] =	vst v18;
	v18 =	vadd.f32 v56, v19  }
0x1bf: {  	v20 =	vmul.f32 v14, v32;
	v19 =	vadd.f32 v22, v53;
	v22 =	vadd.f32 v47, v3  }
0x1c0: {  	v23 =	vld [tilespmem:s31+$0x70];
	v15 =	vadd.f32 v15, v30;
	v14 =	vmul.f32 v14, v37;
	v2 =	vadd.f32 v2, v16  }
0x1c1: {  	v21 =	vld [tilespmem:s25+$0xFFFFFFF0];
	v16 =	vmul.f32 v45, v24;
	v0 =	vadd.f32 v0, v19;
	v19 =	vadd.f32 v20, v22  }
0x1c2: {  	v14 =	vadd.f32 v14, v15;
	v15 =	vmul.f32 v45, v25;
	v20 =	vld [tilespmem:s31+$0xF0];
	v1 =	vadd.f32 v1, v2  }
0x1c3: {  	v3 =	vld [tilespmem:$0x1FD70];
	v2 =	vmul.f32 v17, v26;
	v0 =	vadd.f32 v12, v0;
	v12 =	vadd.f32 v16, v19  }
0x1c4: {  	v14 =	vadd.f32 v15, v14;
	v15 =	vmul.f32 v17, v27;
	v16 =	vld [tilespmem:s31+$0x170]  }
0x1c5: {  	s0 =	sadd.s32 $0x1000, s0;
	v0 =	vadd.f32 v7, v0;
	v7 =	vmul.f32 v23, v10;
	v2 =	vadd.f32 v2, v12;
	v12 =	vld [tilespmem:s31+$0x1F0]  }
0x1c6: {  	[tilespmem:$0x1FCD0] =	vst v18;
	v18 =	vld [tilespmem:s0+$0x180];
	v1 =	vadd.f32 v8, v1;
	v8 =	vadd.f32 v15, v14;
	v10 =	vmul.f32 v23, v13  }
0x1c7: {  	v46 =	vld [tilespmem:s25+$0x70];
	v9 =	vmul.f32 v20, v9;
	v2 =	vadd.f32 v7, v2  }
0x1c8: {  	v7 =	vadd.f32 v10, v8;
	v8 =	vmul.f32 v20, v11  }
0x1c9: {  	v1 =	vadd.f32 v50, v1;
	v2 =	vadd.f32 v9, v2  }
0x1ca: {  	v48 =	vld [tilespmem:s0+$0x190];
	v7 =	vadd.f32 v8, v7;
	v8 =	vmul.f32 v16, v5;
	v9 =	vmul.f32 v12, v4;
	v4 =	vmovc v21  }
0x1cb: {  	v1 =	vadd.f32 v3, v1;
	v3 =	vmul.f32 v18, v4  }
0x1cc: {  	v7 =	vadd.f32 v8, v7;
	v8 =	vmul.f32 v12, v43;
	v43 =	vmov v46  }
0x1cd: {  	[tilespmem:$0x1FB40] =	vst v3;
	v3 =	vmul.f32 v18, v43  }
0x1ce: {  	v22 =	vld [tilespmem:s0+$0x1A0]  }
0x1cf: {  	[tilespmem:$0x1FB50] =	vst v3;
	v3 =	vmul.f32 v48, v4  }
0x1d0: {  	v0 =	vadd.f32 v49, v0  }
0x1d1: {  	[tilespmem:$0x1FB60] =	vst v3;
	v3 =	vmul.f32 v48, v43  }
0x1d2: {  	v17 =	vld [tilespmem:s0+$0x1B0];
	v0 =	vadd.f32 v42, v0  }
0x1d3: {  	v44 =	vmov v31;
	v31 =	vld [tilespmem:s0+$0xFFFFFF80];
	[tilespmem:$0x1FB70] =	vst v3;
	v3 =	vmul.f32 v22, v4  }
0x1d4: {  	v61 =	vld [tilespmem:s0+$0xFFFFFE80];
	v0 =	vadd.f32 v52, v0  }
0x1d5: {  	v14 =	vld [tilespmem:s0+$0x1D0];
	[tilespmem:$0x1FC50] =	vst v3;
	v3 =	vmul.f32 v22, v43  }
0x1d6: {  	v13 =	vld [tilespmem:s0+$0x1C0];
	v10 =	vmul.f32 v16, v6;
	v1 =	vadd.f32 v55, v1;
	v0 =	vadd.f32 v51, v0  }
0x1d7: {  	v15 =	vld [tilespmem:s0+$0x1E0];
	[tilespmem:$0x1FC60] =	vst v3;
	v3 =	vmul.f32 v17, v4  }
0x1d8: {  	v6 =	vld [tilespmem:s25+$0xFFFFFFE0];
	v2 =	vadd.f32 v10, v2;
	[tilespmem:$0x1FBB0] =	vst v0;
	v0 =	vadd.f32 v36, v1  }
0x1d9: {  	v5 =	vld [tilespmem:s25+$0x60];
	[tilespmem:$0x1FC70] =	vst v3;
	v3 =	vmul.f32 v17, v43  }
0x1da: {  	v16 =	vld [tilespmem:s0+$0x100];
	v1 =	vadd.f32 v9, v2;
	[tilespmem:$0x1FCE0] =	vst v0  }
0x1db: {  	v12 =	vld [tilespmem:s0+$0x110];
	[tilespmem:$0x1FC80] =	vst v3;
	v3 =	vmul.f32 v13, v4  }
0x1dc: {  	v0 =	vld [tilespmem:s0+$0x120];
	[tilespmem:$0x1FB30] =	vst v1;
	v1 =	vadd.f32 v8, v7  }
0x1dd: {  	v8 =	vld [tilespmem:s0+$0x150];
	[tilespmem:$0x1FD00] =	vst v3;
	v3 =	vmul.f32 v14, v43  }
0x1de: {  	[tilespmem:$0x1FCC0] =	vst v1;
	v1 =	vld [tilespmem:s0+$0x130]  }
0x1df: {  	v24 =	vld [tilespmem:s0+$0xA0];
	[tilespmem:$0x1FBC0] =	vst v3;
	v3 =	vmul.f32 v15, v43  }
0x1e0: {  	v19 =	vld [tilespmem:s0+$0x160];
	v47 =	vmul.f32 v14, v4  }
0x1e1: {  	v18 =	vmul.f32 v16, v5;
	v9 =	vld [tilespmem:s25+$0xFFFFFFD0];
	[tilespmem:$0x1FBA0] =	vst v3;
	v3 =	vmul.f32 v0, v6  }
0x1e2: {  	v60 =	vld [tilespmem:s0+$0xFFFFFF00];
	v63 =	vmul.f32 v8, v6;
	v17 =	vmul.f32 v16, v6  }
0x1e3: {  	v11 =	vld [tilespmem:s25+$0x50];
	v16 =	vmul.f32 v12, v5;
	[tilespmem:$0x1FC10] =	vst v3;
	v3 =	vmul.f32 v1, v6  }
0x1e4: {  	v2 =	vld [tilespmem:s0+$0x140];
	v14 =	vmul.f32 v15, v4;
	v15 =	vmul.f32 v12, v6  }
0x1e5: {  	v25 =	vld [tilespmem:s0+$0xB0];
	v12 =	vmul.f32 v19, v5;
	[tilespmem:$0x1FC30] =	vst v3;
	v3 =	vmul.f32 v8, v5  }
0x1e6: {  	v59 =	vld [tilespmem:s0+$0x50];
	v8 =	vmul.f32 v19, v6;
	v19 =	vmul.f32 v24, v9  }
0x1e7: {  	v21 =	vld [tilespmem:s0+$0x90]  }
0x1e8: {  	v10 =	vld [tilespmem:s25+$0xFFFFFFC0];
	[tilespmem:$0x1FBD0] =	vst v19;
	v19 =	vmul.f32 v24, v11  }
0x1e9: {  	v46 =	vmul.f32 v2, v6;
	v22 =	vld [tilespmem:s0+$0xC0];
	v0 =	vmul.f32 v0, v5  }
0x1ea: {  	v48 =	vmul.f32 v2, v5;
	v2 =	vld [tilespmem:s0+$0x40];
	[tilespmem:$0x1FBE0] =	vst v19;
	v19 =	vmul.f32 v25, v9  }
0x1eb: {  	[tilespmem:$0x1FC20] =	vst v0;
	v0 =	vld [tilespmem:s0+$0x20]  }
0x1ec: {  	v7 =	vmul.f32 v13, v43;
	v13 =	vld [tilespmem:s25+$0x40];
	[tilespmem:$0x1FBF0] =	vst v19;
	v19 =	vmul.f32 v25, v11  }
0x1ed: {  	v52 =	vld [tilespmem:s0+$0xD0]  }
0x1ee: {  	v55 =	vld [tilespmem:s0+$0x0];
	[tilespmem:$0x1FC00] =	vst v19;
	v19 =	vmul.f32 v22, v9  }
0x1ef: {  	v38 =	vld [tilespmem:s25+$0xFFFFFF80];
	v30 =	vmul.f32 v21, v11;
	v29 =	vmul.f32 v21, v9  }
0x1f0: {  	v39 =	vld [tilespmem:s25+$0x0];
	v21 =	vmul.f32 v0, v10;
	[tilespmem:$0x1FD30] =	vst v19;
	v19 =	vmul.f32 v22, v11  }
0x1f1: {  	v32 =	vld [tilespmem:s25+$0xFFFFFF90];
	v22 =	vmul.f32 v0, v13;
	v0 =	vmul.f32 v2, v10  }
0x1f2: {  	v53 =	vld [tilespmem:s0+$0xE0];
	[tilespmem:$0x1FD40] =	vst v19;
	v19 =	vmul.f32 v52, v9  }
0x1f3: {  	v56 =	vld [tilespmem:s0+$0x10];
	v51 =	vmul.f32 v55, v10;
	[tilespmem:$0x1FCF0] =	vst v0;
	v0 =	vmul.f32 v59, v10  }
0x1f4: {  	[tilespmem:$0x1FD50] =	vst v19;
	v19 =	vmul.f32 v52, v11;
	v52 =	vmul.f32 v55, v13;
	v55 =	vld [tilespmem:s0+$0xFFFFFE00]  }
0x1f5: {  	v37 =	vld [tilespmem:s25+$0x10];
	v1 =	vmul.f32 v1, v5;
	[tilespmem:$0x1FD10] =	vst v0;
	v0 =	vmul.f32 v59, v13  }
0x1f6: {  	v20 =	vld [tilespmem:s0+$0x80]  }
0x1f7: {  	v42 =	vmul.f32 v53, v9;
	[tilespmem:$0x1FC40] =	vst v1;
	v1 =	vld [tilespmem:s0+$0x30]  }
0x1f8: {  	v45 =	vmul.f32 v56, v13;
	v24 =	vld [tilespmem:s25+$0xFFFFFFA0];
	[tilespmem:$0x1FD60] =	vst v19;
	v19 =	vmul.f32 v53, v11  }
0x1f9: {  	v53 =	vmul.f32 v56, v10;
	[tilespmem:$0x1FD20] =	vst v0;
	v56 =	vld [tilespmem:s0+$0xFFFFFE10];
	v0 =	vmov v58;
	v58 =	vmul.f32 v55, v38  }
0x1fa: {  	[tilespmem:$0x1FB90] =	vst v34;
	v26 =	vld [tilespmem:s25+$0xFFFFFFB0];
	v41 =	vmul.f32 v61, v32;
	v34 =	vmul.f32 v61, v37;
	v61 =	vmov v57  }
0x1fb: {  	v62 =	vmov v35;
	v35 =	vld [tilespmem:s0+$0xFFFFFE90];
	v28 =	vmul.f32 v20, v11;
	v58 =	vadd.f32 v58, v61  }
0x1fc: {  	v27 =	vld [tilespmem:s25+$0x30];
	v23 =	vmul.f32 v20, v9;
	v20 =	vmul.f32 v1, v13;
	[tilespmem:$0x1FD70] =	vst v19  }
0x1fd: {  	v25 =	vld [tilespmem:s25+$0x20];
	v19 =	vmul.f32 v1, v10;
	v1 =	vmovc v40;
	v40 =	vmul.f32 v60, v24;
	v41 =	vadd.f32 v41, v58  }
0x1fe: {  	v55 =	vmul.f32 v55, v39;
	v59 =	vmul.f32 v56, v38  }
0x1ff: {  	v57 =	vld [tilespmem:s0+$0xFFFFFF10];
	v36 =	vmul.f32 v31, v26;
	v40 =	vadd.f32 v40, v41  }
0x200: {  	v55 =	vadd.f32 v55, v0;
	v59 =	vadd.f32 v59, v62  }
0x201: {  	v0 =	vmul.f32 v35, v32;
	v36 =	vadd.f32 v36, v40  }
0x202: {  	[tilespmem:$0x1FB80] =	vst v33;
	v31 =	vmul.f32 v31, v27;
	v33 =	vmul.f32 v60, v25;
	v60 =	vld [tilespmem:s0+$0xFFFFFF90];
	v34 =	vadd.f32 v34, v55  }
0x203: {  	v56 =	vmul.f32 v56, v39;
	v58 =	vadd.f32 v0, v59;
	v0 =	vld [tilespmem:$0x1FB40];
	v36 =	vadd.f32 v51, v36  }
0x204: {  	v55 =	vmul.f32 v57, v24;
	v33 =	vadd.f32 v33, v34;
	v59 =	vmovc v47;
	v47 =	vmul.f32 v57, v25;
	v57 =	vld [tilespmem:s0+$0xFFFFFF20]  }
0x205: {  	v35 =	vmul.f32 v35, v37;
	v56 =	vadd.f32 v56, v54;
	v23 =	vadd.f32 v23, v36  }
0x206: {  	v31 =	vadd.f32 v31, v33  }
0x207: {  	v35 =	vadd.f32 v35, v56;
	v17 =	vadd.f32 v17, v23  }
0x208: {  	v34 =	vmul.f32 v60, v26;
	v55 =	vadd.f32 v55, v58;
	v31 =	vadd.f32 v52, v31  }
0x209: {  	v56 =	vmul.f32 v57, v24;
	v52 =	vmul.f32 v57, v25;
	v57 =	vadd.f32 v0, v17;
	v0 =	vld [tilespmem:$0x1FB50]  }
0x20a: {  	v28 =	vadd.f32 v28, v31  }
0x20b: {  	v34 =	vadd.f32 v34, v55  }
0x20c: {  	v18 =	vadd.f32 v18, v28  }
0x20d: {  	v35 =	vadd.f32 v47, v35;
	v47 =	vmul.f32 v60, v27;
	v34 =	vadd.f32 v53, v34  }
0x20e: {  	v58 =	vadd.f32 v0, v18;
	v0 =	vld [tilespmem:$0x1FB60]  }
0x20f: {  	v35 =	vadd.f32 v47, v35;
	v29 =	vadd.f32 v29, v34;
	_ =	sdelay $0x1  }
0x210: {  	v35 =	vadd.f32 v45, v35;
	v15 =	vadd.f32 v15, v29;
	_ =	sdelay $0x1  }
0x211: {  	v30 =	vadd.f32 v30, v35;
	v35 =	vadd.f32 v0, v15;
	v0 =	vld [tilespmem:$0x1FB70];
	_ =	sdelay $0x1  }
0x212: {  	v62 =	vld [tilespmem:s0+$0xFFFFFFA0]  }
0x213: {  	v40 =	vld [tilespmem:s0+$0xFFFFFE20];
	v16 =	vadd.f32 v16, v30  }
0x214: {  	v41 =	vld [tilespmem:s0+$0xFFFFFEA0]  }
0x215: {  	v54 =	vadd.f32 v0, v16;
	v0 =	vld [tilespmem:$0x1FB80];
	_ =	sdelay $0x1  }
0x216: {  	v33 =	vmul.f32 v62, v26;
	v55 =	vmul.f32 v62, v27  }
0x217: {  	v62 =	vmov v46;
	v51 =	vld [tilespmem:s0+$0xFFFFFE30];
	v46 =	vmul.f32 v40, v38;
	v23 =	vmul.f32 v40, v39;
	_ =	sdelay $0x1  }
0x218: {  	v60 =	vmovc v7;
	v47 =	vmul.f32 v41, v32;
	v7 =	vadd.f32 v46, v1;
	v15 =	vadd.f32 v23, v0;
	v0 =	vld [tilespmem:$0x1FB90];
	_ =	sdelay $0x1  }
0x219: {  	v7 =	vadd.f32 v47, v7  }
0x21a: {  	v29 =	vmul.f32 v51, v38  }
0x21b: {  	v45 =	vld [tilespmem:s0+$0xFFFFFEB0];
	v7 =	vadd.f32 v56, v7  }
0x21c: {  	v31 =	vmul.f32 v41, v37;
	v23 =	vadd.f32 v29, v0;
	v0 =	vld [tilespmem:$0x1FBD0]  }
0x21d: {  	v7 =	vadd.f32 v33, v7  }
0x21e: {  	v28 =	vld [tilespmem:s0+$0xFFFFFF30];
	v15 =	vadd.f32 v31, v15  }
0x21f: {  	v7 =	vadd.f32 v21, v7  }
0x220: {  	v17 =	vmul.f32 v51, v39;
	v18 =	vld [tilespmem:s0+$0xFFFFFFB0];
	v15 =	vadd.f32 v52, v15  }
0x221: {  	v16 =	vmul.f32 v45, v32;
	v7 =	vadd.f32 v0, v7;
	v0 =	vld [tilespmem:$0x1FBE0]  }
0x222: {  	v17 =	vadd.f32 v17, v44;
	v15 =	vadd.f32 v55, v15  }
0x223: {  	v31 =	vmul.f32 v28, v24;
	v29 =	vmul.f32 v45, v37;
	v16 =	vadd.f32 v16, v23  }
0x224: {  	v15 =	vadd.f32 v22, v15  }
0x225: {  	v17 =	vadd.f32 v29, v17;
	v29 =	vmul.f32 v18, v26;
	v16 =	vadd.f32 v31, v16  }
0x226: {  	v55 =	vmov v12;
	v12 =	vadd.f32 v0, v15;
	v0 =	vld [tilespmem:$0x1FBF0]  }
0x227: {  	v16 =	vadd.f32 v29, v16  }
0x228: {  	v23 =	vmul.f32 v28, v25  }
0x229: {  	v16 =	vadd.f32 v19, v16  }
0x22a: {  	v18 =	vmul.f32 v18, v27;
	v17 =	vadd.f32 v23, v17  }
0x22b: {  	v16 =	vadd.f32 v0, v16;
	v0 =	vld [tilespmem:$0x1FC00]  }
0x22c: {  	v17 =	vadd.f32 v18, v17;
	_ =	sdelay $0x1  }
0x22d: {  	v17 =	vadd.f32 v20, v17;
	_ =	sdelay $0x1  }
0x22e: {  	v52 =	vmov v8;
	v8 =	vadd.f32 v0, v17;
	v0 =	vld [tilespmem:$0x1FC10];
	_ =	sdelay $0x4  }
0x22f: {  	v7 =	vadd.f32 v0, v7;
	v0 =	vld [tilespmem:$0x1FC20];
	_ =	sdelay $0x4  }
0x230: {  	v12 =	vadd.f32 v0, v12;
	v0 =	vld [tilespmem:$0x1FC30];
	_ =	sdelay $0x4  }
0x231: {  	v16 =	vadd.f32 v0, v16;
	v0 =	vld [tilespmem:$0x1FC40];
	_ =	sdelay $0x4  }
0x232: {  	v8 =	vadd.f32 v0, v8;
	v0 =	vld [tilespmem:$0x1FC50];
	_ =	sdelay $0x4  }
0x233: {  	v40 =	vadd.f32 v0, v7;
	v0 =	vld [tilespmem:$0x1FC60];
	_ =	sdelay $0x4  }
0x234: {  	v33 =	vadd.f32 v0, v12;
	v0 =	vld [tilespmem:$0x1FC70];
	_ =	sdelay $0x3  }
0x235: {  	v31 =	vld [tilespmem:s0+$0xFFFFFE40]  }
0x236: {  	v34 =	vadd.f32 v0, v16;
	v0 =	vld [tilespmem:$0x1FC80];
	_ =	sdelay $0x4  }
0x237: {  	v20 =	vmul.f32 v31, v39;
	v17 =	vmul.f32 v31, v38;
	v31 =	vadd.f32 v0, v8;
	v0 =	vld [tilespmem:$0x1FC90];
	_ =	sdelay $0x4  }
0x238: {  	v8 =	vadd.f32 v17, v0;
	v0 =	vld [tilespmem:$0x1FCA0];
	_ =	sdelay $0x1  }
0x239: {  	v30 =	vld [tilespmem:s0+$0xFFFFFFC0]  }
0x23a: {  	v21 =	vld [tilespmem:s0+$0xFFFFFE50]  }
0x23b: {  	v28 =	vld [tilespmem:s0+$0xFFFFFF40]  }
0x23c: {  	v16 =	vadd.f32 v20, v0;
	v0 =	vld [tilespmem:$0x1FCB0]  }
0x23d: {  	v47 =	vld [tilespmem:s0+$0xFFFFFEC0]  }
0x23e: {  	v23 =	vmul.f32 v30, v26  }
0x23f: {  	v18 =	vmul.f32 v30, v27;
	v30 =	vmul.f32 v21, v38  }
0x240: {  	v15 =	vld [tilespmem:s0+$0xFFFFFED0]  }
0x241: {  	v29 =	vmul.f32 v28, v24;
	v20 =	vadd.f32 v30, v0;
	v0 =	vld [tilespmem:$0x1FCD0]  }
0x242: {  	v22 =	vmul.f32 v28, v25;
	v28 =	vld [tilespmem:s0+$0xFFFFFF50];
	v19 =	vmul.f32 v47, v32;
	_ =	sdelay $0x1  }
0x243: {  	v7 =	vmul.f32 v21, v39;
	v12 =	vld [tilespmem:s0+$0xFFFFFFD0];
	v8 =	vadd.f32 v19, v8  }
0x244: {  	v51 =	vmov v14;
	v14 =	vmul.f32 v47, v37;
	v17 =	vmul.f32 v15, v32  }
0x245: {  	v8 =	vadd.f32 v29, v8;
	v7 =	vadd.f32 v7, v0;
	v0 =	vld [tilespmem:$0x1FCF0]  }
0x246: {  	v14 =	vadd.f32 v14, v16;
	v16 =	vmul.f32 v28, v24;
	v17 =	vadd.f32 v17, v20;
	_ =	sdelay $0x1  }
0x247: {  	v23 =	vadd.f32 v23, v8;
	v20 =	vmul.f32 v12, v26;
	v17 =	vadd.f32 v16, v17  }
0x248: {  	v15 =	vmul.f32 v15, v37;
	v19 =	vld [tilespmem:s0+$0xFFFFFF60];
	v14 =	vadd.f32 v22, v14  }
0x249: {  	v17 =	vadd.f32 v20, v17;
	v20 =	vadd.f32 v0, v23;
	v0 =	vld [tilespmem:$0x1FD10]  }
0x24a: {  	v7 =	vadd.f32 v15, v7;
	v15 =	vmul.f32 v28, v25  }
0x24b: {  	v2 =	vmul.f32 v2, v13;
	v14 =	vadd.f32 v18, v14  }
0x24c: {  	v21 =	vld [tilespmem:s0+$0xFFFFFFE0];
	v12 =	vmul.f32 v12, v27;
	v15 =	vadd.f32 v15, v7  }
0x24d: {  	v1 =	vmul.f32 v19, v25;
	v2 =	vadd.f32 v2, v14;
	v14 =	vld [tilespmem:$0x1FD30]  }
0x24e: {  	v18 =	vadd.f32 v12, v15;
	v12 =	vmul.f32 v19, v24;
	v19 =	vadd.f32 v0, v17;
	v0 =	vld [tilespmem:$0x1FD20]  }
0x24f: {  	v50 =	vld [tilespmem:s0+$0x60]  }
0x250: {  	v61 =	vmov v3;
	v3 =	vld [tilespmem:$0x1FB30]  }
0x251: {  	v36 =	vld [tilespmem:$0x1FBA0]  }
0x252: {  	v53 =	vld [tilespmem:$0x1FBB0];
	v8 =	vmul.f32 v21, v27  }
0x253: {  	v7 =	vmul.f32 v21, v26;
	v21 =	vadd.f32 v0, v18;
	v18 =	vadd.f32 v14, v20;
	v20 =	vld [tilespmem:$0x1FD50]  }
0x254: {  	v56 =	vld [tilespmem:$0x1FBC0]  }
0x255: {  	v29 =	vld [tilespmem:$0x1FCE0]  }
0x256: {  	v22 =	vld [tilespmem:s0+$0xFFFFFEE0]  }
0x257: {  	s2 =	sadd.s32 $0x8, s2;
	v14 =	vld [tilespmem:$0x1FD40]  }
0x258: {  	p1 =	slt.u32 s2, $0x38;
	v20 =	vadd.f32 v20, v19;
	v19 =	vld [tilespmem:$0x1FD60]  }
.Ltmp4:
0x259: {  	v30 =	vld [tilespmem:$0x1FCC0];
	(pc) =	sbr.rel @p1 .LBB2_8-.Ltmp4, $4  }
0x25a: {  	v16 =	vld [tilespmem:s0+$0xFFFFFE60]  }
0x25b: {  	v49 =	vmul.f32 v50, v10;
	v23 =	vld [tilespmem:$0x1FD00]  }
0x25c: {  	v50 =	vmul.f32 v50, v13;
	v15 =	vld [tilespmem:s0+$0xFFFFFE70];
	v0 =	vmul.f32 v22, v32  }
0x25d: {  	s31 =	smov.u32 s0;
	s25 =	sadd.s32 $0x100, s25;
	v17 =	vadd.f32 v14, v2;
	v2 =	vmul.f32 v22, v37;
	v14 =	vld [tilespmem:s0+$0xFFFFFEF0];
	v19 =	vadd.f32 v19, v21  }
0x25e: {  	v18 =	vadd.f32 v62, v18  }
0x25f: {  	v20 =	vadd.f32 v63, v20;
	v21 =	vmul.f32 v16, v38;
	v17 =	vadd.f32 v48, v17  }
0x260: {  	v22 =	vld [tilespmem:s0+$0xFFFFFF70];
	v48 =	vmul.f32 v16, v39;
	v19 =	vadd.f32 v61, v19;
	v18 =	vadd.f32 v23, v18  }
0x261: {  	v28 =	vld [tilespmem:s31+$0xFFFFFFF0];
	v20 =	vadd.f32 v59, v20;
	v61 =	vmul.f32 v15, v38;
	v17 =	vadd.f32 v60, v17  }
0x262: {  	v46 =	vld [tilespmem:s31+$0xF0];
	s0 =	sshll.u32 s30, $0x7;
	v62 =	vmul.f32 v15, v39;
	v19 =	vadd.f32 v56, v19;
	v21 =	vadd.f32 v21, v53  }
0x263: {  	s25 =	sor.u32 $0x30, s0;
	v16 =	vadd.f32 v48, v29;
	v63 =	vmul.f32 v14, v32;
	v38 =	vmul.f32 v14, v37  }
0x264: {  	v39 =	vld [tilespmem:s31+$0x70];
	v32 =	vmov s25;
	v23 =	vadd.f32 v61, v3;
	v15 =	vadd.f32 v62, v30  }
0x265: {  	v29 =	vld [tilespmem:$0x1FFE0];
	v0 =	vadd.f32 v0, v21;
	v41 =	vmul.f32 v22, v24;
	v45 =	vmul.f32 v22, v25  }
0x266: {  	v56 =	vld [tilespmem:s31+$0x170];
	v2 =	vadd.f32 v2, v16;
	v47 =	vmul.f32 v28, v26;
	v53 =	vmul.f32 v28, v27  }
0x267: {  	v62 =	vld [tilespmem:s31+$0x1F0];
	v9 =	vmul.f32 v46, v9;
	s31 =	sor.u32 $0x20, s0;
	v44 =	vadd.f32 v63, v23;
	v14 =	vadd.f32 v38, v15  }
0x268: {  	s2 =	sor.u32 $0x10, s0;
	v25 =	vmov s31;
	v0 =	vadd.f32 v12, v0;
	v1 =	vadd.f32 v1, v2  }
0x269: {  	v15 =	vmov s0;
	v23 =	vmov s2;
	v48 =	vadd.f32 v41, v44  }
0x26a: {  	v59 =	vmul.f32 v39, v10;
	v30 =	vadd.f32 v58, v29;
	v14 =	vadd.f32 v45, v14  }
0x26b: {  	v22 =	vld [tilespmem:$0x1FFF0];
	v61 =	vmul.f32 v39, v13;
	v38 =	vadd.f32 v54, v29;
	v2 =	vadd.f32 v47, v48  }
0x26c: {  	v13 =	vmul.f32 v46, v11;
	v54 =	vadd.f32 v17, v29;
	v60 =	vadd.f32 v53, v14;
	v14 =	vld [tilespmem:$0x1FD70]  }
0x26d: {  	v6 =	vmul.f32 v56, v6;
	v1 =	vadd.f32 v8, v1;
	v2 =	vadd.f32 v59, v2  }
0x26e: {  	v26 =	vld [tilespmem:$0x1FFD0];
	v5 =	vmul.f32 v56, v5;
	v0 =	vadd.f32 v7, v0;
	v63 =	vadd.f32 v61, v60  }
0x26f: {  	v16 =	vshll.u32 v15, $0x3;
	v1 =	vadd.f32 v50, v1;
	v2 =	vadd.f32 v9, v2  }
0x270: {  	v44 =	vadd.f32 v33, v29;
	v21 =	vmul.f32 v62, v43;
	v7 =	vadd.f32 v13, v63  }
0x271: {  	v1 =	vadd.f32 v14, v1;
	v2 =	vadd.f32 v6, v2;
	v6 =	vor.u32 v22, v16  }
0x272: {  	v5 =	vadd.f32 v5, v7;
	v7 =	vshll.u32 v23, $0x3;
	v24 =	vor.u32 $0x1, v6  }
0x273: {  	v27 =	vadd.f32 v57, v26;
	v0 =	vadd.f32 v49, v0;
	v7 =	vor.u32 v22, v7  }
0x274: {  	v9 =	vshll.u32 v25, $0x3;
	v1 =	vadd.f32 v55, v1;
	v28 =	vor.u32 $0x1, v7  }
0x275: {  	v47 =	vadd.f32 v34, v26;
	v13 =	vshll.u32 v32, $0x3;
	v9 =	vor.u32 v22, v9  }
0x276: {  	s31 =	sor.u32 $0x40, s0;
	v37 =	vor.u32 $0x1, v9;
	v1 =	vadd.f32 v36, v1;
	v36 =	vadd.f32 v35, v26;
	[tilespmem:v6+s23+$0x0] =	vst.idx.msk $0xffff, v27  }
0x277: {  	v41 =	vmov s31;
	v0 =	vadd.f32 v42, v0;
	v39 =	vor.u32 v22, v13;
	[tilespmem:v24+s23+$0x0] =	vst.idx.msk $0xffff, v30  }
0x278: {  	s25 =	sor.u32 $0x50, s0;
	v42 =	vadd.f32 v40, v26;
	v13 =	vshll.u32 v41, $0x3;
	v43 =	vor.u32 $0x1, v39;
	[tilespmem:v7+s23+$0x0] =	vst.idx.msk $0xffff, v36  }
0x279: {  	v46 =	vmov s25;
	v0 =	vadd.f32 v52, v0;
	v45 =	vor.u32 v22, v13;
	[tilespmem:v28+s23+$0x0] =	vst.idx.msk $0xffff, v38  }
0x27a: {  	s31 =	sor.u32 $0x60, s0;
	v49 =	vadd.f32 v31, v29;
	v13 =	vshll.u32 v46, $0x3;
	v48 =	vor.u32 $0x1, v45;
	[tilespmem:v9+s23+$0x0] =	vst.idx.msk $0xffff, v42  }
0x27b: {  	v0 =	vadd.f32 v51, v0;
	v51 =	vmov s31;
	v50 =	vor.u32 v22, v13;
	[tilespmem:v37+s23+$0x0] =	vst.idx.msk $0xffff, v44  }
0x27c: {  	s0 =	sor.u32 $0x70, s0;
	v52 =	vadd.f32 v18, v26;
	v13 =	vshll.u32 v51, $0x3;
	v53 =	vor.u32 $0x1, v50;
	[tilespmem:v39+s23+$0x0] =	vst.idx.msk $0xffff, v47  }
0x27d: {  	v4 =	vmul.f32 v62, v4;
	v56 =	vmov s0;
	v55 =	vor.u32 v22, v13;
	[tilespmem:v43+s23+$0x0] =	vst.idx.msk $0xffff, v49  }
0x27e: {  	v57 =	vadd.f32 v20, v26;
	v13 =	vshll.u32 v56, $0x3;
	v58 =	vor.u32 $0x1, v55;
	[tilespmem:v45+s23+$0x0] =	vst.idx.msk $0xffff, v52  }
0x27f: {  	s30 =	sadd.s32 $0x1, s30;
	v59 =	vadd.f32 v19, v29;
	v60 =	vor.u32 v22, v13;
	[tilespmem:v48+s23+$0x0] =	vst.idx.msk $0xffff, v54  }
0x280: {  	p1 =	sne.s32 s30, $0x4;
	v2 =	vadd.f32 v4, v2;
	v0 =	vadd.f32 v0, v26;
	v61 =	vor.u32 $0x1, v60;
	[tilespmem:v50+s23+$0x0] =	vst.idx.msk $0xffff, v57  }
.Ltmp5:
0x281: {  	v3 =	vadd.f32 v21, v5;
	v1 =	vadd.f32 v1, v29;
	[tilespmem:v53+s23+$0x0] =	vst.idx.msk $0xffff, v59;
	(pc) =	sbr.rel @p1 .LBB2_7-.Ltmp5, $4  }
0x282: {  	v62 =	vadd.f32 v2, v26;
	[tilespmem:v55+s23+$0x0] =	vst.idx.msk $0xffff, v0  }
0x283: {  	v63 =	vadd.f32 v3, v29;
	[tilespmem:v58+s23+$0x0] =	vst.idx.msk $0xffff, v1  }
0x284: {  	[tilespmem:v60+s23+$0x0] =	vst.idx.msk $0xffff, v62  }
0x285: {  	s1 =	sadd.s32 $0x400, s1;
	[tilespmem:v61+s23+$0x0] =	vst.idx.msk $0xffff, v63  }
0x286: {  	s0 =	sadd.s32 s29, s8  }
0x287: {  	s0 =	smin.u32 s0, $0x4B0  }
0x288: {  	s28 =	sadd.s32 $0x1, s28;
	s0 =	sshll.u32 s0, $0x9  }
0x289: {  	p1 =	sne.s32 s28, $0x13;
	s0 =	sadd.s32 s7, s0  }
0x28a: {  	[hbm4b:s0+s3] =	stream.linear.scatter [tilespmem:s23], [sflag:$0x3], $0x1000, $0x38;
	[tilespmem:$0x13900] =	vst v63  }
.Ltmp6:
0x28b: {  	s31 =	sadd.s32 s29, s13;
	(pc) =	sbr.rel @p1 .LBB2_2-.Ltmp6, $4  }
0x28c: {  	s0 =	smin.u32 s31, $0x4B0;
	_ =	swait.ge [sflag:s17], $0x1000  }
0x28d: {  	s0 =	sshll.u32 s0, $0x9;
	[sflag:s17] =	ssyncset.done $0x0  }
0x28e: {  	s0 =	sadd.s32 s0, s9;
	[sflag:s17] =	ssyncadd.s32 $0xFFFFF000  }
0x28f: {  	[tilespmem:s21], [sflag:$0x2] =	stream.strided.gather [hbm4b:s0+s19], $0x8000, s20, s19, $0x38;
	[tilespmem:$0x13900] =	vst v63  }
0x290: {  	_ =	swait.ge [sflag:s22], $0x8000  }
.Ltmp7:
0x291: {  	[sflag:s22] =	ssyncset.done $0x0;
	(pc) =	sbr.rel @p0 .LBB2_15-.Ltmp7, $4  }
0x292: {  	[sflag:s22] =	ssyncadd.s32 $0xFFFF8000  }
0x293: {  	_ =	swait.ge [sflag:s24], $0x8000  }
0x294: {  	[sflag:s24] =	ssyncset.done $0x0  }
0x295: {  	[sflag:s24] =	ssyncadd.s32 $0xFFFF8000  }
0x296: {  	s0 =	rddreg [dreg:$0x1];
	s1 =	simm.s32 $0x11000  }
0x297: {  	[tilespmem:s1], [sflag:$0x3] =	stream.linear.gather [hbm4b:s0+s3], $0x2000, $0x38;
	[tilespmem:$0x13900] =	vst v63  }
0x298: {  	_ =	swait.ge [sflag:s17], $0x2000  }
0x299: {  	[sflag:s17] =	ssyncset.done $0x0  }
0x29a: {  	s0 =	simm.s32 $0x11200;
	[sflag:s17] =	ssyncadd.s32 $0xFFFFE000  }
0x29b: {  	v3 =	vld [tilespmem:s0+$0x130]  }
0x29c: {  	s1 =	simm.s32 $0x13080;
	v6 =	vld [tilespmem:s0+$0xA0]  }
0x29d: {  	v5 =	vld [tilespmem:s1+$0x50]  }
0x29e: {  	v18 =	vld [tilespmem:s0+$0xB0]  }
0x29f: {  	v8 =	vld [tilespmem:s0+$0x20]  }
0x2a0: {  	v0 =	vld [tilespmem:s0+$0xFFFFFF30]  }
0x2a1: {  	v1 =	vld [tilespmem:s0+$0xFFFFFF20]  }
0x2a2: {  	v2 =	vld [tilespmem:s0+$0xFFFFFF00]  }
0x2a3: {  	v9 =	vld [tilespmem:s0+$0xFFFFFEB0]  }
0x2a4: {  	v10 =	vld [tilespmem:s0+$0xFFFFFEA0]  }
0x2a5: {  	v11 =	vld [tilespmem:s1+$0xFFFFFF80]  }
0x2a6: {  	v12 =	vld [tilespmem:s0+$0xFFFFFE30]  }
0x2a7: {  	v13 =	vld [tilespmem:s0+$0xFFFFFE20]  }
0x2a8: {  	v25 =	vld [tilespmem:s0+$0xFFFFFE10]  }
0x2a9: {  	v14 =	vld [tilespmem:s0+$0xFFFFFE00]  }
0x2aa: {  	v26 =	vld [tilespmem:s1+$0x0]  }
0x2ab: {  	v27 =	vld [tilespmem:s1+$0x10]  }
0x2ac: {  	v28 =	vld [tilespmem:s1+$0xFFFFFF90];
	v7 =	vmul.f32 v6, v5  }
0x2ad: {  	v33 =	vld [tilespmem:s1+$0xFFFFFFA0];
	v15 =	vmul.f32 v12, v11;
	v16 =	vmul.f32 v13, v11  }
0x2ae: {  	v29 =	vld [tilespmem:s1+$0x20];
	v4 =	vmul.f32 v18, v5;
	v17 =	vmul.f32 v25, v11  }
0x2af: {  	v21 =	vld [tilespmem:s0+$0xFFFFFF10];
	v11 =	vmul.f32 v14, v11;
	v12 =	vmul.f32 v12, v26  }
0x2b0: {  	v20 =	vld [tilespmem:s0+$0xFFFFFE90];
	v13 =	vmul.f32 v13, v26;
	v31 =	vmul.f32 v10, v27  }
0x2b1: {  	v24 =	vld [tilespmem:s0+$0xFFFFFE80];
	v34 =	vmul.f32 v9, v28;
	v41 =	vmul.f32 v9, v27  }
0x2b2: {  	v35 =	vld [tilespmem:s0+$0x30];
	v9 =	vmul.f32 v0, v33;
	v42 =	vmul.f32 v2, v33  }
0x2b3: {  	v19 =	vld [tilespmem:s0+$0xFFFFFFA0];
	v43 =	vmul.f32 v2, v29;
	v44 =	vmul.f32 v1, v33  }
0x2b4: {  	v32 =	vimm.f32 $0.0e+00;
	v37 =	vld [tilespmem:s0+$0xFFFFFFB0];
	v45 =	vmul.f32 v25, v26;
	v1 =	vmul.f32 v1, v29  }
0x2b5: {  	v46 =	vld [tilespmem:s0+$0xFFFFFF80];
	v30 =	vadd.f32 v16, v32;
	v22 =	vadd.f32 v15, v32;
	v15 =	vmul.f32 v14, v26  }
0x2b6: {  	v23 =	vadd.f32 v11, v32;
	v38 =	vadd.f32 v12, v32;
	v12 =	vmul.f32 v24, v28;
	v16 =	vld [tilespmem:s1+$0xFFFFFFB0]  }
0x2b7: {  	v10 =	vmul.f32 v10, v28;
	v17 =	vadd.f32 v17, v32;
	v39 =	vadd.f32 v13, v32;
	v13 =	vld [tilespmem:s1+$0x30]  }
0x2b8: {  	v14 =	vmul.f32 v20, v27;
	v26 =	vld [tilespmem:s0+$0x0];
	v36 =	vadd.f32 v15, v32;
	v40 =	vadd.f32 v12, v23  }
0x2b9: {  	v23 =	vmul.f32 v0, v29;
	v15 =	vld [tilespmem:s1+$0xFFFFFFC0];
	v0 =	vadd.f32 v34, v22;
	v2 =	vadd.f32 v31, v39  }
0x2ba: {  	v11 =	vmul.f32 v21, v29;
	v27 =	vmul.f32 v24, v27;
	v22 =	vld [tilespmem:s1+$0x40];
	v38 =	vadd.f32 v41, v38  }
0x2bb: {  	v12 =	vld [tilespmem:s1+$0xFFFFFFD0];
	v31 =	vmul.f32 v20, v28;
	v63 =	vadd.f32 v9, v0;
	v34 =	vadd.f32 v1, v2  }
0x2bc: {  	v2 =	vld [tilespmem:s1+$0xFFFFFFE0];
	v0 =	vadd.f32 v10, v30;
	v20 =	vadd.f32 v42, v40;
	v30 =	vmul.f32 v21, v33  }
0x2bd: {  	v9 =	vld [tilespmem:s0+$0x180];
	v21 =	vadd.f32 v27, v36;
	v47 =	vmul.f32 v37, v16;
	v10 =	vmul.f32 v37, v13  }
0x2be: {  	v1 =	vld [tilespmem:s0+$0x190];
	v36 =	vmul.f32 v46, v13;
	v37 =	vadd.f32 v45, v32;
	v40 =	vmul.f32 v19, v13  }
0x2bf: {  	v32 =	vld [tilespmem:s0+$0xFFFFFF90];
	v27 =	vmul.f32 v46, v16;
	v29 =	vadd.f32 v44, v0;
	v25 =	vmul.f32 v35, v15  }
0x2c0: {  	v39 =	vadd.f32 v43, v21;
	v24 =	vmul.f32 v8, v15;
	v0 =	vmul.f32 v35, v22;
	v35 =	vld [tilespmem:s0+$0x10]  }
0x2c1: {  	s25 =	simm.s32 $0x0;
	s28 =	simm.s32 $0x11200;
	s2 =	simm.s32 $0x13080;
	v21 =	vld [tilespmem:s0+$0x1A0];
	v28 =	vmul.f32 v18, v12;
	v33 =	vadd.f32 v47, v63;
	v18 =	vmul.f32 v3, v2  }
.LBB2_13:
0x2c2: {  	s25 =	sadd.s32 $0x8, s25;
	v17 =	vadd.f32 v31, v17;
	v19 =	vmul.f32 v19, v16;
	v31 =	vadd.f32 v40, v34;
	v34 =	vld [tilespmem:s0+$0x1B0];
	s28 =	sadd.s32 $0x400, s28;
	s1 =	sadd.s32 $0x100, s1  }
0x2c3: {  	p1 =	slt.u32 s25, $0x38;
	v23 =	vadd.f32 v23, v38;
	v36 =	vadd.f32 v36, v39;
	v38 =	vmul.f32 v26, v22;
	v39 =	vld [tilespmem:s2+$0xFFFFFFF0]  }
0x2c4: {  	v14 =	vadd.f32 v14, v37;
	v8 =	vmul.f32 v8, v22;
	v6 =	vmul.f32 v6, v12;
	v37 =	vld [tilespmem:s0+$0x80]  }
0x2c5: {  	v17 =	vadd.f32 v30, v17;
	v22 =	vmul.f32 v35, v22;
	v16 =	vmul.f32 v32, v16;
	v30 =	vld [tilespmem:s0+$0x90]  }
0x2c6: {  	v25 =	vadd.f32 v25, v33;
	v35 =	vmul.f32 v35, v15;
	v36 =	vadd.f32 v38, v36;
	v33 =	vld [tilespmem:s0+$0x120]  }
0x2c7: {  	v11 =	vadd.f32 v11, v14;
	v14 =	vadd.f32 v19, v29;
	v13 =	vmul.f32 v32, v13;
	v19 =	vld [tilespmem:s2+$0x60]  }
0x2c8: {  	v15 =	vmul.f32 v26, v15;
	v25 =	vadd.f32 v28, v25;
	v26 =	vld [tilespmem:s0+$0x110];
	v28 =	vmul.f32 v21, v39  }
0x2c9: {  	v14 =	vadd.f32 v24, v14;
	v32 =	vmul.f32 v34, v39;
	v24 =	vmul.f32 v37, v12;
	v29 =	vld [tilespmem:s0+$0x100];
	s0 =	smov.u32 s28  }
0x2ca: {  	v8 =	vadd.f32 v8, v31;
	v12 =	vmul.f32 v30, v12;
	v30 =	vmul.f32 v30, v5;
	v31 =	vld [tilespmem:s2+$0x70];
	s2 =	smov.u32 s1  }
0x2cb: {  	v20 =	vadd.f32 v27, v20;
	v14 =	vadd.f32 v6, v14;
	v38 =	vld [tilespmem:s28+$0x130];
	v27 =	vmul.f32 v33, v2  }
0x2cc: {  	v7 =	vadd.f32 v7, v8;
	v25 =	vadd.f32 v18, v25;
	v6 =	vld [tilespmem:s28+$0xA0];
	v33 =	vmul.f32 v33, v19  }
0x2cd: {  	v15 =	vadd.f32 v15, v20;
	v40 =	vld [tilespmem:s1+$0x50];
	v20 =	vmul.f32 v26, v2;
	v14 =	vadd.f32 v27, v14  }
0x2ce: {  	v16 =	vadd.f32 v16, v17;
	v11 =	vadd.f32 v13, v11;
	v18 =	vld [tilespmem:s28+$0xB0];
	v2 =	vmul.f32 v29, v2  }
0x2cf: {  	v37 =	vmul.f32 v37, v5;
	v8 =	vld [tilespmem:s28+$0x20];
	v13 =	vadd.f32 v28, v14;
	v14 =	vmul.f32 v21, v31  }
0x2d0: {  	v16 =	vadd.f32 v35, v16;
	v11 =	vadd.f32 v22, v11;
	v17 =	vmul.f32 v3, v19;
	v21 =	vld [tilespmem:s28+$0xFFFFFF30];
	v3 =	vmovc v38  }
0x2d1: {  	v22 =	vadd.f32 v37, v36;
	v7 =	vadd.f32 v33, v7;
	v28 =	vmul.f32 v1, v39;
	v27 =	vld [tilespmem:s28+$0xFFFFFF20]  }
0x2d2: {  	v15 =	vadd.f32 v24, v15;
	v12 =	vadd.f32 v12, v16;
	v16 =	vmul.f32 v26, v19;
	v33 =	vld [tilespmem:s28+$0xFFFFFF10];
	v5 =	vmovc v40  }
0x2d3: {  	v10 =	vadd.f32 v10, v23;
	v11 =	vadd.f32 v30, v11;
	v19 =	vmul.f32 v29, v19;
	v24 =	vld [tilespmem:s28+$0xFFFFFF00]  }
0x2d4: {  	v12 =	vadd.f32 v20, v12;
	v1 =	vmul.f32 v1, v31;
	v20 =	vadd.f32 v14, v7;
	v23 =	vld [tilespmem:s28+$0xFFFFFEB0]  }
0x2d5: {  	v0 =	vadd.f32 v0, v10;
	v10 =	vmul.f32 v9, v31;
	v7 =	vadd.f32 v16, v11;
	v26 =	vld [tilespmem:s28+$0xFFFFFEA0]  }
0x2d6: {  	v9 =	vmul.f32 v9, v39;
	v2 =	vadd.f32 v2, v15;
	v11 =	vadd.f32 v19, v22;
	v29 =	vld [tilespmem:s28+$0xFFFFFE90]  }
0x2d7: {  	v0 =	vadd.f32 v4, v0;
	v37 =	vadd.f32 v1, v7;
	v1 =	vmul.f32 v34, v31;
	v30 =	vld [tilespmem:s28+$0xFFFFFE80]  }
0x2d8: {  	v7 =	vmul.f32 v6, v5;
	v10 =	vadd.f32 v10, v11;
	v11 =	vadd.f32 v28, v12;
	v14 =	vld [tilespmem:s1+$0xFFFFFF80]  }
0x2d9: {  	v0 =	vadd.f32 v17, v0;
	v2 =	vadd.f32 v9, v2;
	v4 =	vmul.f32 v18, v5;
	v12 =	vld [tilespmem:s28+$0xFFFFFE30]  }
0x2da: {  	v15 =	vadd.f32 v32, v25;
	v9 =	vld [tilespmem:s28+$0xFFFFFE20]  }
0x2db: {  	v0 =	vadd.f32 v1, v0;
	v25 =	vld [tilespmem:s28+$0xFFFFFE10]  }
0x2dc: {  	v1 =	vld [tilespmem:s28+$0xFFFFFE00]  }
0x2dd: {  	v28 =	vld [tilespmem:s1+$0x0]  }
0x2de: {  	v16 =	vmul.f32 v12, v14;
	v32 =	vld [tilespmem:s1+$0x10]  }
0x2df: {  	v17 =	vmul.f32 v9, v14;
	v34 =	vld [tilespmem:s1+$0xFFFFFF90]  }
0x2e0: {  	v19 =	vmul.f32 v25, v14;
	v31 =	vld [tilespmem:s1+$0x20]  }
0x2e1: {  	v22 =	vadd.f32 v16, v15;
	v14 =	vmul.f32 v1, v14;
	v35 =	vadd.f32 v17, v13;
	v36 =	vld [tilespmem:s1+$0xFFFFFFA0]  }
0x2e2: {  	v1 =	vmul.f32 v1, v28;
	v17 =	vadd.f32 v19, v11;
	v11 =	vmul.f32 v12, v28;
	v38 =	vld [tilespmem:s28+$0x30]  }
0x2e3: {  	v9 =	vmul.f32 v9, v28;
	v2 =	vadd.f32 v14, v2;
	v14 =	vmul.f32 v29, v32;
	v19 =	vld [tilespmem:s28+$0xFFFFFFA0]  }
0x2e4: {  	v39 =	vadd.f32 v1, v10;
	v1 =	vmul.f32 v26, v32;
	v10 =	vmul.f32 v23, v34;
	v40 =	vld [tilespmem:s28+$0xFFFFFFB0]  }
0x2e5: {  	v41 =	vadd.f32 v11, v0;
	v0 =	vmul.f32 v30, v34;
	v11 =	vmul.f32 v33, v31;
	v16 =	vld [tilespmem:s1+$0xFFFFFFB0]  }
0x2e6: {  	v42 =	vmul.f32 v23, v32;
	v9 =	vadd.f32 v9, v20;
	v20 =	vmul.f32 v21, v36;
	v13 =	vld [tilespmem:s1+$0x30]  }
0x2e7: {  	v23 =	vmul.f32 v21, v31;
	v0 =	vadd.f32 v0, v2;
	v43 =	vmul.f32 v24, v36;
	v15 =	vld [tilespmem:s1+$0xFFFFFFC0]  }
0x2e8: {  	v2 =	vadd.f32 v10, v22;
	v21 =	vmul.f32 v24, v31;
	v44 =	vmul.f32 v27, v36;
	v22 =	vld [tilespmem:s1+$0x40]  }
0x2e9: {  	v45 =	vmul.f32 v25, v28;
	v1 =	vadd.f32 v1, v9;
	v9 =	vmul.f32 v27, v31;
	v12 =	vld [tilespmem:s1+$0xFFFFFFD0]  }
0x2ea: {  	v31 =	vmul.f32 v29, v34;
	v10 =	vmul.f32 v26, v34;
	v27 =	vadd.f32 v20, v2;
	v46 =	vld [tilespmem:s28+$0xFFFFFF80]  }
0x2eb: {  	v32 =	vmul.f32 v30, v32;
	v34 =	vadd.f32 v9, v1;
	v47 =	vmul.f32 v40, v16;
	v2 =	vld [tilespmem:s1+$0xFFFFFFE0]  }
0x2ec: {  	v26 =	vadd.f32 v10, v35;
	v10 =	vmul.f32 v40, v13;
	v25 =	vmul.f32 v38, v15;
	v9 =	vld [tilespmem:s28+$0x180]  }
.Ltmp8:
0x2ed: {  	v30 =	vmul.f32 v33, v36;
	v20 =	vadd.f32 v43, v0;
	v24 =	vmul.f32 v8, v15;
	v1 =	vld [tilespmem:s28+$0x190];
	(pc) =	sbr.rel @p1 .LBB2_13-.Ltmp8, $4  }
0x2ee: {  	v29 =	vadd.f32 v44, v26;
	v0 =	vmul.f32 v38, v22;
	v26 =	vld [tilespmem:s28+$0x0];
	v28 =	vmul.f32 v18, v12  }
0x2ef: {  	v39 =	vadd.f32 v32, v39;
	v33 =	vadd.f32 v47, v27;
	v36 =	vmul.f32 v46, v13;
	v35 =	vld [tilespmem:s28+$0x10]  }
0x2f0: {  	v37 =	vadd.f32 v45, v37;
	v40 =	vmul.f32 v19, v13;
	v32 =	vld [tilespmem:s28+$0xFFFFFF90];
	v18 =	vmul.f32 v3, v2  }
0x2f1: {  	v39 =	vadd.f32 v21, v39;
	v38 =	vadd.f32 v42, v41;
	v27 =	vmul.f32 v46, v16;
	v21 =	vld [tilespmem:s28+$0x1A0]  }
0x2f2: {  	v17 =	vadd.f32 v31, v17;
	v42 =	vadd.f32 v40, v34;
	v34 =	vld [tilespmem:s0+$0x1B0]  }
0x2f3: {  	v19 =	vmul.f32 v19, v16;
	v43 =	vld [tilespmem:s2+$0xFFFFFFF0];
	v14 =	vadd.f32 v14, v37;
	v8 =	vmul.f32 v8, v22  }
0x2f4: {  	v45 =	vld [tilespmem:s0+$0x80];
	v6 =	vmul.f32 v6, v12;
	v25 =	vadd.f32 v25, v33;
	v23 =	vadd.f32 v23, v38  }
0x2f5: {  	v47 =	vld [tilespmem:s0+$0x90];
	v36 =	vadd.f32 v36, v39;
	v44 =	vmul.f32 v26, v22;
	v53 =	vmul.f32 v26, v15  }
0x2f6: {  	v49 =	vld [tilespmem:s0+$0x120];
	v20 =	vadd.f32 v27, v20;
	v17 =	vadd.f32 v30, v17;
	v48 =	vmul.f32 v35, v22  }
0x2f7: {  	v52 =	vld [tilespmem:s2+$0x60];
	v50 =	vmul.f32 v35, v15;
	v11 =	vadd.f32 v11, v14;
	v51 =	vadd.f32 v19, v29  }
0x2f8: {  	v54 =	vld [tilespmem:s0+$0x110];
	v25 =	vadd.f32 v28, v25;
	v8 =	vadd.f32 v8, v42;
	v46 =	vmul.f32 v32, v16  }
0x2f9: {  	v57 =	vld [tilespmem:s0+$0x100];
	v36 =	vadd.f32 v44, v36;
	v13 =	vmul.f32 v32, v13;
	v15 =	vadd.f32 v53, v20  }
0x2fa: {  	v59 =	vld [tilespmem:s2+$0x70];
	v10 =	vadd.f32 v10, v23;
	v55 =	vmul.f32 v21, v43;
	v56 =	vmul.f32 v45, v12  }
0x2fb: {  	v14 =	vadd.f32 v24, v51;
	v32 =	vmul.f32 v34, v43;
	v58 =	vmul.f32 v47, v12  }
0x2fc: {  	v7 =	vadd.f32 v7, v8;
	v60 =	vmul.f32 v49, v2;
	v61 =	vmul.f32 v47, v5  }
0x2fd: {  	v62 =	vadd.f32 v18, v25;
	v63 =	vmul.f32 v49, v52;
	v25 =	vmul.f32 v54, v2  }
0x2fe: {  	v16 =	vadd.f32 v46, v17;
	v11 =	vadd.f32 v13, v11;
	v30 =	vmul.f32 v57, v2  }
0x2ff: {  	v33 =	vmul.f32 v45, v5;
	v37 =	vmul.f32 v21, v59;
	v0 =	vadd.f32 v0, v10  }
0x300: {  	v3 =	vmul.f32 v3, v52;
	v6 =	vadd.f32 v6, v14;
	v16 =	vadd.f32 v50, v16  }
0x301: {  	v39 =	vmul.f32 v1, v43;
	v11 =	vadd.f32 v48, v11;
	v5 =	vadd.f32 v33, v36  }
0x302: {  	v40 =	vmul.f32 v54, v52;
	v46 =	vld [tilespmem:$0x1FFF0];
	v7 =	vadd.f32 v63, v7;
	v15 =	vadd.f32 v56, v15  }
0x303: {  	v41 =	vmul.f32 v57, v52;
	v0 =	vadd.f32 v4, v0;
	v6 =	vadd.f32 v60, v6  }
0x304: {  	v51 =	vld [tilespmem:$0x1FFD0];
	v42 =	vmul.f32 v1, v59;
	v12 =	vadd.f32 v58, v16;
	v11 =	vadd.f32 v61, v11  }
0x305: {  	v53 =	vld [tilespmem:$0x1FFE0];
	v43 =	vmul.f32 v9, v43;
	v7 =	vadd.f32 v37, v7;
	v2 =	vadd.f32 v30, v15  }
0x306: {  	v44 =	vmul.f32 v9, v59;
	v5 =	vadd.f32 v41, v5;
	v0 =	vadd.f32 v3, v0  }
0x307: {  	v47 =	vor.u32 $0x1, v46;
	v12 =	vadd.f32 v25, v12;
	v2 =	vadd.f32 v43, v2  }
0x308: {  	v49 =	vor.u32 $0x80, v46;
	v45 =	vadd.f32 v40, v11;
	v48 =	vadd.f32 v44, v5  }
0x309: {  	v52 =	vor.u32 $0x81, v46;
	v50 =	vadd.f32 v39, v12;
	v2 =	vadd.f32 v2, v51  }
0x30a: {  	v54 =	vor.u32 $0x100, v46;
	v1 =	vadd.f32 v42, v45;
	v4 =	vadd.f32 v48, v53  }
0x30b: {  	v6 =	vadd.f32 v55, v6;
	v57 =	vor.u32 $0x101, v46;
	[tilespmem:v46+s23+$0x0] =	vst.idx.msk $0xffff, v2;
	v56 =	vadd.f32 v50, v51  }
0x30c: {  	v55 =	vmul.f32 v34, v59;
	v58 =	vor.u32 $0x180, v46;
	v1 =	vadd.f32 v1, v53;
	[tilespmem:v47+s23+$0x0] =	vst.idx.msk $0xffff, v4  }
0x30d: {  	v59 =	vadd.f32 v32, v62;
	v61 =	vor.u32 $0x181, v46;
	v60 =	vadd.f32 v6, v51;
	[tilespmem:v49+s23+$0x0] =	vst.idx.msk $0xffff, v56  }
0x30e: {  	v62 =	vadd.f32 v7, v53;
	v0 =	vadd.f32 v55, v0;
	[tilespmem:v52+s23+$0x0] =	vst.idx.msk $0xffff, v1  }
0x30f: {  	v63 =	vadd.f32 v59, v51;
	[tilespmem:v54+s23+$0x0] =	vst.idx.msk $0xffff, v60  }
0x310: {  	v0 =	vadd.f32 v0, v53;
	[tilespmem:v57+s23+$0x0] =	vst.idx.msk $0xffff, v62  }
0x311: {  	[tilespmem:v58+s23+$0x0] =	vst.idx.msk $0xffff, v63  }
.Ltmp9:
0x312: {  	[tilespmem:v61+s23+$0x0] =	vst.idx.msk $0xffff, v0;
	(pc) =	sbr.rel .LBB2_15-.Ltmp9, $4  }
0x313: {  	[hbm4b:s14+s3] =	stream.linear.scatter [tilespmem:s23], [sflag:$0x3], $0x200, $0x38;
	[tilespmem:$0x13900] =	vst v63  }
0x314: {  	_ =	swait.ge [sflag:s17], $0x200  }
0x315: {  	[sflag:s17] =	ssyncset.done $0x0  }
0x316: {  	[sflag:s17] =	ssyncadd.s32 $0xFFFFFE00  }
.LBB2_16:
0x317: {  	_ =	sfence.sel $0x180000  }
0x318: {  	[bflag:$0x0] =	sbarrier.arrive $0xFFFF  }
0x319: {  	_ =	strace $0x90000047  }
0x31a: {  	s0 =	stileid.u32;
	[bflag:$0x2] =	sbarrier.arrive $0xFFFF  }
0x31b: {  	p0 =	sne.s32 s0, $0x0;
	s0 =	rddreg [dreg:$0x3]  }
0x31c: {  	s0 =	sadd.s32 @!p0 $0x100000, s0  }
0x31d: {  	[sflag:s0] =	ssyncadd.tile.s32 @!p0 $0x1;
	_ =	shalt  }
.Lfunc_end2:
_tile_overlayer_lowered:
.L_overlay_start_2:
0x31e: {  	(tag) =	ssettag $0x2  }
0x31f: {  	s0 =	rddreg [dreg:$0x0];
	s2 =	stileid.u32  }
0x320: {  	s1 =	rddreg [dreg:$0x1];
	p0 =	sne.s32 s2, $0x0  }
0x321: {  	s3 =	rddreg [dreg:$0x2];
	[bflag:$0x3] =	sbarrier.arrive $0xFFFF;
	s2 =	simm.s32 @!p0 $0x1C03  }
0x322: {  	[timem:s3], [sflag:s2] =	dma.local @!p0 [hbm:s0], s1  }
0x323: {  	s0 =	simm.s32 @!p0 $0x3  }
0x324: {  	_ =	swait.ge @!p0 [sflag:s0], s1  }
0x325: {  	s1 =	ssub.s32 @!p0 $0x0, s1;
	[sflag:s0] =	ssyncset.done @!p0 $0x0  }
0x326: {  	[sflag:s0] =	ssyncadd.s32 @!p0 s1  }
0x327: {  	[bflag:$0x3] =	sbarrier.arrive $0xFFFF  }
0x328: {  	_ =	shalt  }

// kernel: kernel.8.cloned.1.call-start
scs
__scs_entry_jumppad:
0x0: {  	(pc) =	sbr.rel $0x88, $3  }
0x1: {  	(tag) =	ssettag $0x0;
	lr =	simm.s32 $0x1  }
0x2: {  	[smem:$0x3F9D] =	sst lr;
	_ =	strace $0xD0000000  }
0x3: {  	_ = 	snop  }
0x4: {  	_ = 	snop  }
0x5: {  	_ = 	snop  }
0x6: {  	_ = 	snop  }
0x7: {  	_ = 	snop  }
__scs_overlays_trampoline_lowered:
0x8: {  	[smem:$0x3FAC] =	sst s0  }
0x9: {  	[smem:$0x3FAD] =	sst s1  }
0xa: {  	[smem:$0x3FAE] =	sst s2  }
0xb: {  	[smem:$0x3FAF] =	sst s3  }
0xc: {  	[smem:$0x3FB0] =	sst s4  }
0xd: {  	[smem:$0x3FB1] =	sst s5  }
0xe: {  	[smem:$0x3FB2] =	sst s6  }
0xf: {  	[smem:$0x3FB3] =	sst s7  }
0x10: {  	[smem:$0x3FB4] =	sst s8  }
0x11: {  	[smem:$0x3FB5] =	sst s9;
	s0 =	simm.s32 @!p0 $0x0  }
0x12: {  	s1 =	sld [smem:$0x3F9B];
	s0 =	simm.s32 @p0 $0x1  }
0x13: {  	[smem:$0x3FB6] =	sst s0;
	s0 =	simm.s32 @!p1 $0x0  }
0x14: {  	s2 =	sld [smem:$0x3F9A];
	s0 =	simm.s32 @p1 $0x1  }
0x15: {  	[smem:$0x3FB7] =	sst s0;
	s0 =	simm.s32 @!p2 $0x0  }
0x16: {  	s3 =	sld [smem:$0x3FDB];
	s0 =	simm.s32 @p2 $0x1  }
0x17: {  	s4 =	simm.s32 $0x1BF5;
	[smem:$0x3FB9] =	sst s0  }
0x18: {  	s0 =	sld [smem:$0x3F9C];
	_ =	swait.ge [sflag:s4], $0x0  }
0x19: {  	s7 =	sld [smem:$0x3F9D]  }
0x1a: {  	s8 =	sadd.s32 $0xFFFFE003, lr  }
0x1b: {  	s9 =	sadd.s32 $0xFFFFFEF7, lr;
	s5 =	simm.s32 $0xFFFFFFFF;
	p2 =	slt.u32 s8, $0xFFFFF086  }
0x1c: {  	p1 =	slt.u32 s9, $0xF7A;
	s5 =	simm.s32 @!p2 $0x0  }
0x1d: {  	s5 =	simm.s32 @p1 $0x1;
	p0 =	seq.s32 s7, s2  }
0x1e: {  	s7 =	smul.u32 @!p0 $0xF7A, s2;
	p2 =	seq.s32 @!p0 s5, $0x0  }
0x1f: {  	s9 =	smul.u32 $0xF7A, s1;
	s8 =	simm.s32 @!p0 $0x1BF5;
	p2 =	por !p2, p0  }
0x20: {  	[sflag:s8] =	ssyncset.s32 @!p0 $0xFFFFF086;
	s6 =	sadd.s32 @!p0 s3, s7;
	s7 =	simm.s32 @!p0 $0x108  }
0x21: {  	s3 =	sadd.s32 s3, s9;
	s6 =	sadd.s32 @!p0 $0x88, s6;
	s7 =	simm.s32 @p2 $0x1082  }
0x22: {  	[simem:s7], [sflag:s8] =	dma.local @!p0 [hbm:s6], $0xF7A  }
0x23: {  	s9 =	sor.u32 $0xD0000000, s2;
	s6 =	simm.s32 $0x108;
	_ =	swait.ge @!p0 [sflag:s8], $0x0  }
0x24: {  	s3 =	sadd.s32 $0x88, s3;
	s6 =	simm.s32 @!p1 $0x1082;
	[sflag:s4] =	ssyncset.s32 $0xFFFFF086  }
0x25: {  	[simem:s6], [sflag:s4] =	dma.local [hbm:s3], $0xF7A  }
0x26: {  	[smem:$0x3F9D] =	sst s1;
	(tag) =	ssettag s2;
	_ =	strace s9  }
0x27: {  	s1 =	sld [smem:$0x3FAD]  }
0x28: {  	s2 =	sld [smem:$0x3FAE]  }
0x29: {  	s4 =	sld [smem:$0x3FB0]  }
0x2a: {  	p0 =	seq.s32 s5, $0x0;
	s5 =	sld [smem:$0x3FB1]  }
0x2b: {  	s6 =	sld [smem:$0x3FB2]  }
0x2c: {  	s7 =	sld [smem:$0x3FB3]  }
0x2d: {  	s3 =	simm.s32 $0x108;
	s8 =	sld [smem:$0x3FB4]  }
0x2e: {  	s3 =	simm.s32 @!p0 $0x1082;
	s9 =	sld [smem:$0x3FB5]  }
0x2f: {  	lr =	sadd.s32 s0, s3;
	s0 =	sld [smem:$0x3FAC]  }
0x30: {  	s3 =	sld [smem:$0x3FAF]  }
0x31: {  	[smem:$0x3FB8] =	sst s10  }
0x32: {  	s10 =	sld [smem:$0x3FB6];
	_ =	sdelay $0x3  }
0x33: {  	p0 =	seq.s32 s10, $0x1;
	s10 =	sld [smem:$0x3FB8];
	_ =	sdelay $0x3  }
0x34: {  	[smem:$0x3FB8] =	sst s10  }
0x35: {  	s10 =	sld [smem:$0x3FB7];
	_ =	sdelay $0x3  }
0x36: {  	p1 =	seq.s32 s10, $0x1;
	s10 =	sld [smem:$0x3FB8];
	_ =	sdelay $0x3  }
0x37: {  	[smem:$0x3FB8] =	sst s10  }
0x38: {  	s10 =	sld [smem:$0x3FB9]  }
0x39: {  	_ = 	snop;
	(pc) =	sbr.ind lr, $3  }
0x3a: {  	_ = 	snop  }
0x3b: {  	_ = 	snop  }
0x3c: {  	p2 =	seq.s32 s10, $0x1;
	s10 =	sld [smem:$0x3FB8]  }
0x3d: {  	_ =	shalt  }
0x3e: {  	_ =	shalt  }
0x3f: {  	_ =	shalt  }
0x40: {  	_ =	shalt  }
0x41: {  	_ =	shalt  }
0x42: {  	_ =	shalt  }
0x43: {  	_ =	shalt  }
0x44: {  	_ =	shalt  }
0x45: {  	_ =	shalt  }
0x46: {  	_ =	shalt  }
0x47: {  	_ =	shalt  }
0x48: {  	_ =	shalt  }
0x49: {  	_ =	shalt  }
0x4a: {  	_ =	shalt  }
0x4b: {  	_ =	shalt  }
0x4c: {  	_ =	shalt  }
0x4d: {  	_ =	shalt  }
0x4e: {  	_ =	shalt  }
0x4f: {  	_ =	shalt  }
0x50: {  	_ =	shalt  }
0x51: {  	_ =	shalt  }
0x52: {  	_ =	shalt  }
0x53: {  	_ =	shalt  }
0x54: {  	_ =	shalt  }
0x55: {  	_ =	shalt  }
0x56: {  	_ =	shalt  }
0x57: {  	_ =	shalt  }
0x58: {  	_ =	shalt  }
0x59: {  	_ =	shalt  }
0x5a: {  	_ =	shalt  }
0x5b: {  	_ =	shalt  }
0x5c: {  	_ =	shalt  }
0x5d: {  	_ =	shalt  }
0x5e: {  	_ =	shalt  }
0x5f: {  	_ =	shalt  }
0x60: {  	_ =	shalt  }
0x61: {  	_ =	shalt  }
0x62: {  	_ =	shalt  }
0x63: {  	_ =	shalt  }
0x64: {  	_ =	shalt  }
0x65: {  	_ =	shalt  }
0x66: {  	_ =	shalt  }
0x67: {  	_ =	shalt  }
0x68: {  	_ =	shalt  }
0x69: {  	_ =	shalt  }
0x6a: {  	_ =	shalt  }
0x6b: {  	_ =	shalt  }
0x6c: {  	_ =	shalt  }
0x6d: {  	_ =	shalt  }
0x6e: {  	_ =	shalt  }
0x6f: {  	_ =	shalt  }
0x70: {  	_ =	shalt  }
0x71: {  	_ =	shalt  }
0x72: {  	_ =	shalt  }
0x73: {  	_ =	shalt  }
0x74: {  	_ =	shalt  }
0x75: {  	_ =	shalt  }
0x76: {  	_ =	shalt  }
0x77: {  	_ =	shalt  }
0x78: {  	_ =	shalt  }
0x79: {  	_ =	shalt  }
0x7a: {  	_ =	shalt  }
0x7b: {  	_ =	shalt  }
0x7c: {  	_ =	shalt  }
0x7d: {  	_ =	shalt  }
0x7e: {  	_ =	shalt  }
0x7f: {  	_ =	shalt  }
0x80: {  	_ =	shalt  }
0x81: {  	_ =	shalt  }
0x82: {  	_ =	shalt  }
0x83: {  	_ =	shalt  }
0x84: {  	_ =	shalt  }
0x85: {  	_ =	shalt  }
0x86: {  	_ =	shalt  }
0x87: {  	_ =	shalt  }
.Lfunc_end0:
.L_simem_size_0:
called_computation.1_lowered:
.L_overlay_start_0:
0x88: {  	s2 =	sld [smem:$0x3FD9]  }
0x89: {  	s3 =	sld [smem:$0x3FFE];
	_ =	sdelay $0x1  }
0x8a: {  	s1 =	srdreg.scid  }
0x8b: {  	s0 =	sand.u32 $0x1, s1  }
0x8c: {  	s17 =	sshll.u32 s0, $0xA;
	s2 =	sadd.s32 s3, s2  }
0x8d: {  	s2 =	sadd.s32 s2, s17  }
0x8e: {  	[smem:$0x3FC4] =	sst s2  }
0x8f: {  	_ = 	snop  }
0x90: {  	s2 =	sld [smem:$0x3FD0];
	(tm) =	ssettm $0x1  }
0x91: {  	s18 =	sld [smem:$0x3FFB];
	_ =	sdelay $0x3  }
0x92: {  	_ =	strace s18  }
0x93: {  	s3 =	sld [smem:$0x3FFC];
	_ =	sdelay $0x3  }
0x94: {  	_ =	strace s3  }
0x95: {  	s3 =	sld [smem:$0x3FFD];
	_ =	sdelay $0x3  }
0x96: {  	_ =	strace s3  }
0x97: {  	_ =	strace $0x8FFFFFFF  }
0x98: {  	s19 =	sld [smem:$0x3FDB];
	_ =	sdelay $0x1  }
0x99: {  	s4 =	simm.s32 $_scs_section_size  }
0x9a: {  	s5 =	simm.s32 $_size__tile_overlayer_lowered;
	s6 =	simm.s32 $_tile_overlayer_lowered  }
0x9b: {  	s22 =	simm.s32 $0x1BFF;
	s21 =	sshll.u32 s6, $0x1;
	s3 =	sadd.s32 s4, s19  }
0x9c: {  	s7 =	simm.s32 $0x0;
	s20 =	sshll.u32 s5, $0x1;
	s5 =	sadd.s32 s21, s3  }
0x9d: {  	[timem:s7], [sflag:s22] =	dma.local [hbm:s5], s20  }
0x9e: {  	_ =	swait.ge [sflag:s22], s20  }
0x9f: {  	s4 =	ssub.s32 $0x0, s20;
	[sflag:s22] =	ssyncset.done $0x0  }
0xa0: {  	[sflag:s22] =	ssyncadd.s32 s4;
	_ =	sdelay $0x1  }
0xa1: {  	s23 =	simm.s32 $0x1B8B  }
0xa2: {  	_ =	swait.ge [sflag:s23], $0x1  }
0xa3: {  	[sflag:s23] =	ssyncset.done $0x0  }
0xa4: {  	s25 =	simm.s32 $0x1B8E;
	s24 =	sld [smem:$0x3FFE];
	[sflag:s23] =	ssyncadd.s32 $0xFFFFFFFF  }
0xa5: {  	s26 =	simm.s32 $execute0_lowered;
	[smem:$0x3FD2] =	sst s25  }
0xa6: {  	s5 =	sshll.u32 s26, $0x1;
	_ =	strace $0x80000049;
	[dreg:$0x1] =	wrdreg $0xFFFFFFFF  }
0xa7: {  	s28 =	simm.s32 $_size_execute0_lowered;
	s3 =	sadd.s32 s3, s5;
	[dreg:$0x0] =	wrdreg $0x0  }
0xa8: {  	s5 =	sshll.u32 s28, $0x1;
	[dreg:$0x2] =	wrdreg s3  }
0xa9: {  	[dreg:$0x3] =	wrdreg s5  }
0xaa: {  	[dreg:$0x4] =	wrdreg $0xC0  }
0xab: {  	_ =	task [dreg:s7], $0x5FFFF  }
0xac: {  	[dreg:$0x1] =	wrdreg $0xFFFFFFFF  }
0xad: {  	[dreg:$0x0] =	wrdreg $0x60  }
0xae: {  	[dreg:$0x2] =	wrdreg s24  }
0xaf: {  	[dreg:$0x3] =	wrdreg s2  }
0xb0: {  	[dreg:$0x4] =	wrdreg $0x9  }
0xb1: {  	_ =	task.clear_ibuf [dreg:s7], $0x5FFFF;
	_ =	strace $0x90000049  }
0xb2: {  	s29 =	simm.s32 $0x9;
	_ =	strace $0x8000004B  }
0xb3: {  	_ =	swait.ge [sflag:s29], $0x1  }
0xb4: {  	[sflag:s29] =	ssyncadd.s32 $0xFFFFFFFF  }
0xb5: {  	_ =	strace $0x9000004B  }
0xb6: {  	_ =	sfence  }
0xb7: {  	s30 =	sld [smem:$0x0];
	_ =	sdelay $0x2  }
0xb8: {  	s31 =	sshll.u32 s1, $0xD;
	s1 =	sshrl.u32 s1, $0x2  }
0xb9: {  	s3 =	sand.u32 $0x4000, s31;
	s1 =	sadd.s32 s1, s30  }
0xba: {  	s0 =	sor.u32 s3, s0;
	s1 =	sshll.u32 s1, $0x11  }
0xbb: {  	s0 =	sor.u32 s1, s0  }
0xbc: {  	s0 =	sadd.s32 $0x8F2B, s0  }
0xbd: {  	[sflag:s0] =	ssyncadd.remote.s32 $0x1  }
0xbe: {  	_ =	sfence.sel $0xFFFF  }
0xbf: {  	[dreg:$0x0] =	wrdreg $0xFFFFFFFF;
	(pc) =	sbr.abs _section_cstart, $3  }
0xc0: {  	[dreg:$0x1] =	wrdreg $0xFFFFFFFF  }
0xc1: {  	_ =	task.clear_ibuf [dreg:s7], $0x2FFFF;
	_ =	strace $0x9FFFFFFF  }
0xc2: {  	(tm) =	ssettm $0x7FFFFFFF  }
0xc3: {  	_ =	shalt  }
tec
execute0_lowered:
.L_overlay_start_1:
0x0: {  	(tag) =	ssettag $0x1  }
0x1: {  	s0 =	srdreg.scid  }
0x2: {  	s4 =	stileid.u32;
	s1 =	rddreg [dreg:$0x0]  }
0x3: {  	s5 =	rddreg [dreg:$0x1];
	s7 =	simm.s32 $0x0;
	s0 =	sand.u32 $0x1, s0  }
0x4: {  	s2 =	sshll.u32 s4, $0x8;
	s4 =	sshll.u32 s4, $0xA;
	[smem:$0x7FF] =	sst s7  }
0x5: {  	s21 =	sadd.s32 $0x97200, s1;
	s23 =	sadd.s32 $0x600, s1;
	s3 =	sshll.u32 s0, $0x7  }
0x6: {  	_ =	strace $0x8000004A;
	s0 =	ssub.s32 $0x2, s0;
	s2 =	sor.u32 s3, s2  }
0x7: {  	s29 =	sshrl.u32 s0, $0x1;
	s3 =	sor.u32 s4, s2;
	s2 =	sadd.s32 s5, s2  }
0x8: {  	s0 =	ssub.s32 s0, s29;
	s4 =	simm.s32 $0x200;
	s3 =	sand.u32 $0x3380, s3  }
0x9: {  	[dreg:$0x14] =	wrdreg s2;
	s31 =	sadd.s32 $0x10, s2;
	s3 =	sshrl.u32 s3, $0x3  }
0xa: {  	s0 =	smax.u32 s0, $0x1;
	[dreg:$0x16] =	wrdreg s31;
	s6 =	sadd.s32 s3, s1  }
0xb: {  	s2 =	simm.s32 $0x0;
	[dreg:$0x17] =	wrdreg s0;
	s30 =	sadd.s32 $0x96A00, s6  }
0xc: {  	v0 =	vlaneseq.u32;
	s1 =	simm.s32 $0x80;
	s3 =	simm.s32 $0x3;
	[dreg:$0x15] =	wrdreg s30  }
.LBB2_1:
0xd: {  	[dreg:$0x18] =	wrdreg s2  }
0xe: {  	s0 =	rddreg [dreg:$0x15];
	s18 =	simm.s32 $0x400  }
0xf: {  	[tilespmem:s7], [sflag:$0x3] =	stream.strided.gather [hbm4b:s0+s1], $0x200, s18, s1, $0x38;
	[tilespmem:$0x11600] =	vst v63  }
0x10: {  	_ =	swait.ge [sflag:s3], $0x200  }
0x11: {  	[sflag:s3] =	ssyncset.done $0x0  }
0x12: {  	[sflag:s3] =	ssyncadd.s32 $0xFFFFFE00  }
0x13: {  	v1 =	vld [tilespmem:s7+$0x0];
	_ =	sdelay $0x4  }
0x14: {  	(v2sf) =	vpush v1, $0x3  }
0x15: {  	(v2sf) =	vpush v1, $0x4  }
0x16: {  	(v2sf) =	vpush v1, $0x0  }
0x17: {  	(v2sf) =	vpush v1, $0x5  }
0x18: {  	(v2sf) =	vpush v1, $0x6;
	_ =	sdelay $0x1  }
0x19: {  	(v2sf) =	vpush v1, $0x7;
	_ =	sdelay $0x2  }
0x1a: {  	(v2sf) =	vpush v1, $0x9  }
0x1b: {  	(v2sf) =	vpush v1, $0xA;
	_ =	sdelay $0x1  }
0x1c: {  	vm0 =	vlt.s32 v1, $0x5E000;
	(v2sf) =	vpush v1, $0xD  }
0x1d: {  	v2 =	vmpcnt.ones.xlane vm0;
	(v2sf) =	vpush v1, $0xE;
	_ =	sdelay $0x1  }
0x1e: {  	s30 =	simm.s32 $0x200;
	(v2sf) =	vpush v2, $0x0;
	s15 =	spop (v2sf)  }
0x1f: {  	s19 =	simm.s32 $0x10;
	s24 =	simm.s32 $0xA00;
	(v2sf) =	vpush v1, $0xB;
	s12 =	spop (v2sf)  }
0x20: {  	s29 =	simm.s32 $0x0;
	s28 =	simm.s32 $0x200;
	(v2sf) =	vpush v1, $0xF;
	s11 =	spop (v2sf)  }
0x21: {  	[dreg:$0x4] =	wrdreg s19;
	(v2sf) =	vpush v1, $0xC;
	s2 =	spop (v2sf);
	p1 =	sgt.s32 s11, $0x5DFFF  }
0x22: {  	[dreg:$0x5] =	wrdreg s24;
	(v2sf) =	vpush v1, $0x8;
	s8 =	spop (v2sf);
	s5 =	sadd.s32 @p1 $0x1FFA2000, s11  }
0x23: {  	(v2sf) =	vpush v1, $0x1;
	p0 =	sgt.s32 s2, $0x5DFFF;
	s17 =	simm.s32 @p1 $0x10200;
	s11 =	sshll.u32 @!p1 s11, $0x4  }
0x24: {  	s19 =	simm.s32 @p1 $0x0;
	s1 =	spop (v2sf);
	s13 =	sand.u32 @p1 $0x1FFFFFFF, s5  }
0x25: {  	(v2sf) =	vpush v1, $0x2;
	s9 =	simm.s32 @p0 $0x0;
	s5 =	sshll.u32 @!p0 s2, $0x4;
	s6 =	simm.s32 @!p0 $0x0  }
0x26: {  	p3 =	sgt.s32 s8, $0x5DFFF;
	s11 =	sand.u32 @!p1 $0x1FFFFFF0, s11;
	s2 =	sadd.s32 @p0 $0x1FFA2000, s2  }
0x27: {  	s0 =	spop (v2sf);
	s5 =	sand.u32 @!p0 $0x1FFFFFF0, s5;
	s13 =	sadd.s32 @p1 s23, s13  }
0x28: {  	s11 =	sadd.s32 @!p1 s21, s11;
	s3 =	simm.s32 @p3 $0x10230;
	s22 =	spop (v2sf)  }
0x29: {  	[tilespmem:s17], [sflag:$0x2] =	stream.linear.gather @p1 [hbm4b:s13+s19], $0x8, $0x38;
	[tilespmem:$0x11600] =	vst v63  }
0x2a: {  	s2 =	sand.u32 @p0 $0x1FFFFFFF, s2;
	s10 =	sadd.s32 @!p0 s21, s5;
	s7 =	spop (v2sf)  }
0x2b: {  	s13 =	simm.s32 @!p0 $0x480;
	s19 =	simm.s32 @!p1 $0x0;
	s20 =	spop (v2sf)  }
0x2c: {  	[tilespmem:s4], [sflag:$0x1] =	stream.linear.gather @!p1 [hbm4b:s11+s19], $0x80, $0x38;
	[tilespmem:$0x11600] =	vst v63  }
0x2d: {  	s2 =	sadd.s32 @p0 s23, s2;
	[dreg:$0x9] =	wrdreg s22;
	s16 =	spop (v2sf)  }
0x2e: {  	p5 =	sgt.s32 s22, $0x5DFFF;
	p1 =	sgt.s32 s15, $0x5DFFF;
	s14 =	spop (v2sf)  }
0x2f: {  	[dreg:$0x7] =	wrdreg s20;
	s31 =	sadd.s32 $0x0, s16;
	s25 =	spop (v2sf)  }
0x30: {  	s16 =	sadd.s32 @p1 $0x1FFA2000, s15;
	s15 =	sshll.u32 @!p1 s15, $0x4;
	s26 =	spop (v2sf)  }
0x31: {  	s16 =	sand.u32 @p1 $0x1FFFFFFF, s16;
	s15 =	sand.u32 @!p1 $0x1FFFFFF0, s15;
	s5 =	spop (v2sf)  }
0x32: {  	p6 =	sgt.s32 s14, $0x5DFFF;
	[dreg:$0x6] =	wrdreg s25;
	s18 =	spop (v2sf)  }
0x33: {  	s16 =	sadd.s32 @p1 s23, s16;
	s15 =	sadd.s32 @!p1 s21, s15;
	p2 =	sgt.s32 s18, $0x5DFFF  }
0x34: {  	[dreg:$0x8] =	wrdreg s26;
	s20 =	spop (v2sf);
	s17 =	sadd.s32 @p2 $0x1FFA2000, s18  }
0x35: {  	s18 =	sshll.u32 @!p2 s18, $0x4;
	s11 =	simm.s32 @p2 $0x10208;
	s17 =	sand.u32 @p2 $0x1FFFFFFF, s17  }
0x36: {  	s19 =	simm.s32 @p2 $0x0;
	p4 =	sgt.s32 s20, $0x5DFFF;
	s17 =	sadd.s32 @p2 s23, s17  }
0x37: {  	[tilespmem:s11], [sflag:$0x2] =	stream.linear.gather @p2 [hbm4b:s17+s19], $0x8, $0x38;
	[tilespmem:$0x11600] =	vst v63  }
0x38: {  	s11 =	simm.s32 @!p2 $0x280;
	s17 =	sand.u32 @!p2 $0x1FFFFFF0, s18;
	s18 =	sadd.s32 @p4 $0x1FFA2000, s20  }
0x39: {  	s19 =	simm.s32 @!p2 $0x0;
	s17 =	sadd.s32 @!p2 s21, s17;
	s18 =	sand.u32 @p4 $0x1FFFFFFF, s18  }
0x3a: {  	[tilespmem:s11], [sflag:$0x1] =	stream.linear.gather @!p2 [hbm4b:s17+s19], $0x80, $0x38;
	[tilespmem:$0x11600] =	vst v63  }
0x3b: {  	s11 =	simm.s32 @p4 $0x10210;
	s17 =	sadd.s32 @p4 s23, s18;
	s18 =	simm.s32 @p4 $0x0  }
0x3c: {  	[tilespmem:s11], [sflag:$0x2] =	stream.linear.gather @p4 [hbm4b:s17+s18], $0x8, $0x38;
	[tilespmem:$0x11600] =	vst v63  }
0x3d: {  	s19 =	simm.s32 @!p4 $0x0;
	p2 =	sgt.s32 s12, $0x5DFFF;
	s18 =	sshll.u32 @!p4 s20, $0x4  }
0x3e: {  	s11 =	sshll.u32 @!p3 s8, $0x4;
	s20 =	simm.s32 @!p4 $0x300;
	s18 =	sand.u32 @!p4 $0x1FFFFFF0, s18  }
0x3f: {  	s8 =	sadd.s32 @p3 $0x1FFA2000, s8;
	s11 =	sand.u32 @!p3 $0x1FFFFFF0, s11;
	s18 =	sadd.s32 @!p4 s21, s18  }
0x40: {  	[tilespmem:s20], [sflag:$0x1] =	stream.linear.gather @!p4 [hbm4b:s18+s19], $0x80, $0x38;
	[tilespmem:$0x11600] =	vst v63  }
0x41: {  	s4 =	sand.u32 @p3 $0x1FFFFFFF, s8;
	s11 =	sadd.s32 @!p3 s21, s11;
	s18 =	simm.s32 @p1 $0x0  }
0x42: {  	s19 =	simm.s32 @p1 $0x10218;
	s20 =	simm.s32 @!p3 $0x0;
	p4 =	sgt.s32 s5, $0x5DFFF  }
0x43: {  	[tilespmem:s19], [sflag:$0x2] =	stream.linear.gather @p1 [hbm4b:s16+s18], $0x8, $0x38;
	[tilespmem:$0x11600] =	vst v63  }
0x44: {  	s26 =	simm.s32 @!p4 $0x600;
	s19 =	sadd.s32 @p2 $0x1FFA2000, s12;
	s12 =	sshll.u32 @!p2 s12, $0x4  }
0x45: {  	s16 =	simm.s32 @!p1 $0x0;
	s18 =	simm.s32 @!p1 $0x380;
	s12 =	sand.u32 @!p2 $0x1FFFFFF0, s12  }
0x46: {  	[tilespmem:s18], [sflag:$0x1] =	stream.linear.gather @!p1 [hbm4b:s15+s16], $0x80, $0x38;
	[tilespmem:$0x11600] =	vst v63  }
0x47: {  	s18 =	simm.s32 @!p3 $0x500;
	s15 =	sand.u32 @p2 $0x1FFFFFFF, s19;
	s16 =	simm.s32 @p2 $0x10220  }
0x48: {  	s19 =	simm.s32 @p2 $0x0;
	s12 =	sadd.s32 @!p2 s21, s12;
	s15 =	sadd.s32 @p2 s23, s15  }
0x49: {  	[tilespmem:s16], [sflag:$0x2] =	stream.linear.gather @p2 [hbm4b:s15+s19], $0x8, $0x38;
	[tilespmem:$0x11600] =	vst v63  }
0x4a: {  	p1 =	sgt.s32 s7, $0x5DFFF;
	s15 =	simm.s32 @!p2 $0x0;
	s16 =	simm.s32 @!p2 $0x400  }
0x4b: {  	[tilespmem:s16], [sflag:$0x1] =	stream.linear.gather @!p2 [hbm4b:s12+s15], $0x80, $0x38;
	[tilespmem:$0x11600] =	vst v63  }
0x4c: {  	s17 =	simm.s32 @p1 $0x0;
	s16 =	simm.s32 @p3 $0x0;
	p2 =	sgt.s32 s0, $0x5DFFF  }
0x4d: {  	s12 =	simm.s32 @p0 $0x10228;
	s15 =	sadd.s32 @p4 $0x1FFA2000, s5;
	s5 =	sshll.u32 @!p4 s5, $0x4  }
0x4e: {  	[tilespmem:s12], [sflag:$0x2] =	stream.linear.gather @p0 [hbm4b:s2+s9], $0x8, $0x38;
	[tilespmem:$0x11600] =	vst v63  }
0x4f: {  	s15 =	sand.u32 @p4 $0x1FFFFFFF, s15;
	s5 =	sand.u32 @!p4 $0x1FFFFFF0, s5;
	s12 =	simm.s32 @!p4 $0x0  }
0x50: {  	[tilespmem:s13], [sflag:$0x1] =	stream.linear.gather @!p0 [hbm4b:s10+s6], $0x80, $0x38;
	[tilespmem:$0x11600] =	vst v63  }
0x51: {  	s2 =	simm.s32 @p4 $0x10240;
	s19 =	sadd.s32 @p4 s23, s15;
	s6 =	sadd.s32 @p3 s23, s4  }
0x52: {  	[tilespmem:s3], [sflag:$0x2] =	stream.linear.gather @p3 [hbm4b:s6+s16], $0x8, $0x38;
	[tilespmem:$0x11600] =	vst v63  }
0x53: {  	s15 =	simm.s32 @p4 $0x0;
	s13 =	sadd.s32 @p1 $0x1FFA2000, s7;
	s16 =	sadd.s32 @!p4 s21, s5  }
0x54: {  	s3 =	simm.s32 @!p6 $0x0;
	s5 =	sshll.u32 @!p1 s7, $0x4;
	s6 =	sshll.u32 @!p6 s14, $0x4  }
0x55: {  	[tilespmem:s18], [sflag:$0x1] =	stream.linear.gather @!p3 [hbm4b:s11+s20], $0x80, $0x38;
	[tilespmem:$0x11600] =	vst v63  }
0x56: {  	s6 =	sand.u32 @!p6 $0x1FFFFFF0, s6;
	p3 =	por p2, p2;
	p2 =	sgt.s32 s1, $0x5DFFF  }
0x57: {  	s18 =	sadd.s32 @p6 $0x1FFA2000, s14;
	s14 =	sand.u32 @!p1 $0x1FFFFFF0, s5;
	s7 =	sadd.s32 @p2 $0x1FFA2000, s1  }
0x58: {  	s5 =	simm.s32 @!p2 $0x0;
	s1 =	sshll.u32 @!p2 s1, $0x4;
	s11 =	simm.s32 @p2 $0x10238  }
0x59: {  	s10 =	sadd.s32 @p3 $0x1FFA2000, s0;
	s0 =	sshll.u32 @!p3 s0, $0x4;
	s24 =	simm.s32 @!p2 $0x580  }
0x5a: {  	s25 =	simm.s32 @p2 $0x0;
	s7 =	sand.u32 @p2 $0x1FFFFFFF, s7;
	s1 =	sand.u32 @!p2 $0x1FFFFFF0, s1  }
0x5b: {  	s20 =	sadd.s32 @p2 s23, s7;
	s22 =	sadd.s32 @!p2 s21, s1;
	s7 =	simm.s32 @p3 $0x0  }
.LBB2_2:
0x5c: {  	[tilespmem:s11], [sflag:$0x2] =	stream.linear.gather @p2 [hbm4b:s20+s25], $0x8, $0x38;
	[tilespmem:$0x11600] =	vst v63  }
0x5d: {  	s1 =	sshra.s32 @p5 s29, $0x2;
	s4 =	rddreg [dreg:$0x9];
	s6 =	sadd.s32 @!p6 s21, s6  }
0x5e: {  	s0 =	sand.u32 @!p3 $0x1FFFFFF0, s0;
	s7 =	sadd.s32 @p3 $0x10248, s7;
	s9 =	simm.s32 @p3 $0x0  }
0x5f: {  	s11 =	sadd.s32 @p5 $0x1FFA2000, s4;
	s20 =	sshll.u32 @!p5 s4, $0x4;
	s1 =	sadd.s32 @p5 $0x10250, s1  }
0x60: {  	[tilespmem:s24], [sflag:$0x1] =	stream.linear.gather @!p2 [hbm4b:s22+s5], $0x80, $0x38;
	[tilespmem:$0x11600] =	vst v63  }
0x61: {  	s0 =	sadd.s32 @!p3 s21, s0;
	s4 =	rddreg [dreg:$0x8];
	s5 =	sand.u32 @p5 $0x1FFFFFFF, s11  }
0x62: {  	s11 =	sand.u32 @!p5 $0x1FFFFFF0, s20;
	s20 =	sshra.s32 @p6 s29, $0x2;
	p2 =	por p1, p1  }
0x63: {  	[tilespmem:s2], [sflag:$0x2] =	stream.linear.gather @p4 [hbm4b:s19+s15], $0x8, $0x38;
	[tilespmem:$0x11600] =	vst v63  }
0x64: {  	s5 =	sadd.s32 @p5 s23, s5;
	s2 =	sand.u32 @p3 $0x1FFFFFFF, s10;
	s10 =	sadd.s32 @!p5 s21, s11  }
0x65: {  	[tilespmem:s26], [sflag:$0x1] =	stream.linear.gather @!p4 [hbm4b:s16+s12], $0x80, $0x38;
	[tilespmem:$0x11600] =	vst v63  }
0x66: {  	s11 =	sadd.s32 @p6 $0x10258, s20;
	s2 =	sadd.s32 @p3 s23, s2;
	s12 =	sand.u32 @p6 $0x1FFFFFFF, s18  }
0x67: {  	[tilespmem:s7], [sflag:$0x2] =	stream.linear.gather @p3 [hbm4b:s2+s9], $0x8, $0x38;
	[tilespmem:$0x11600] =	vst v63  }
0x68: {  	s2 =	sadd.s32 @!p3 $0x480, s28;
	s7 =	simm.s32 @!p3 $0x0;
	s9 =	simm.s32 @p5 $0x0  }
0x69: {  	[tilespmem:s2], [sflag:$0x1] =	stream.linear.gather @!p3 [hbm4b:s0+s7], $0x80, $0x38;
	[tilespmem:$0x11600] =	vst v63  }
0x6a: {  	s0 =	sadd.s32 @p6 s23, s12;
	s2 =	sand.u32 @p1 $0x1FFFFFFF, s13;
	s7 =	sadd.s32 @!p1 s21, s14  }
0x6b: {  	s12 =	rddreg [dreg:$0x4];
	s2 =	sadd.s32 @p1 s23, s2;
	p1 =	sgt.s32 s4, $0x5DFFF  }
0x6c: {  	[tilespmem:s1], [sflag:$0x2] =	stream.linear.gather @p5 [hbm4b:s5+s9], $0x8, $0x38;
	[tilespmem:$0x11600] =	vst v63  }
0x6d: {  	s1 =	sadd.s32 @!p5 $0x500, s28;
	s5 =	simm.s32 @!p5 $0x0;
	s8 =	sshll.u32 @!p1 s4, $0x4  }
0x6e: {  	[tilespmem:s1], [sflag:$0x1] =	stream.linear.gather @!p5 [hbm4b:s10+s5], $0x80, $0x38;
	[tilespmem:$0x11600] =	vst v63  }
0x6f: {  	s9 =	sadd.s32 @!p6 $0x580, s28;
	s8 =	sand.u32 @!p1 $0x1FFFFFF0, s8;
	s1 =	simm.s32 @p6 $0x0  }
0x70: {  	[tilespmem:s11], [sflag:$0x2] =	stream.linear.gather @p6 [hbm4b:s0+s1], $0x8, $0x38;
	[tilespmem:$0x11600] =	vst v63  }
0x71: {  	s5 =	sadd.s32 @p2 $0x10268, s17;
	s10 =	simm.s32 @p1 $0x0;
	s1 =	sadd.s32 @p1 $0x1FFA2000, s4  }
0x72: {  	s8 =	sadd.s32 @!p1 s21, s8;
	s0 =	sshra.s32 @p1 s29, $0x2;
	s1 =	sand.u32 @p1 $0x1FFFFFFF, s1  }
0x73: {  	[tilespmem:s9], [sflag:$0x1] =	stream.linear.gather @!p6 [hbm4b:s6+s3], $0x80, $0x38;
	[tilespmem:$0x11600] =	vst v63  }
0x74: {  	s0 =	sadd.s32 @p1 $0x10260, s0;
	s1 =	sadd.s32 @p1 s23, s1;
	s3 =	rddreg [dreg:$0x7]  }
0x75: {  	s6 =	sadd.s32 @!p1 $0x600, s28;
	s9 =	simm.s32 @!p1 $0x0;
	p0 =	sgt.s32 s3, $0x5DFFF  }
0x76: {  	[tilespmem:s0], [sflag:$0x2] =	stream.linear.gather @p1 [hbm4b:s1+s10], $0x8, $0x38;
	[tilespmem:$0x11600] =	vst v63  }
0x77: {  	s0 =	sadd.s32 @!p2 $0x680, s28;
	s1 =	simm.s32 @!p2 $0x0;
	s10 =	simm.s32 @p2 $0x0  }
0x78: {  	[tilespmem:s6], [sflag:$0x1] =	stream.linear.gather @!p1 [hbm4b:s8+s9], $0x80, $0x38;
	[tilespmem:$0x11600] =	vst v63  }
0x79: {  	s6 =	sshra.s32 @p0 s29, $0x2;
	s8 =	sadd.s32 @p0 $0x1FFA2000, s3;
	s9 =	sshll.u32 @!p0 s3, $0x4  }
0x7a: {  	s3 =	rddreg [dreg:$0x6];
	s6 =	sadd.s32 @p0 $0x10270, s6;
	s9 =	sand.u32 @!p0 $0x1FFFFFF0, s9  }
0x7b: {  	[tilespmem:s5], [sflag:$0x2] =	stream.linear.gather @p2 [hbm4b:s2+s10], $0x8, $0x38;
	[tilespmem:$0x11600] =	vst v63  }
0x7c: {  	p1 =	sgt.s32 s3, $0x5DFFF;
	s2 =	sand.u32 @p0 $0x1FFFFFFF, s8;
	s5 =	sadd.s32 @!p0 s21, s9  }
0x7d: {  	[tilespmem:s0], [sflag:$0x1] =	stream.linear.gather @!p2 [hbm4b:s7+s1], $0x80, $0x38;
	[tilespmem:$0x11600] =	vst v63  }
0x7e: {  	s8 =	simm.s32 @p1 $0x0;
	s0 =	sadd.s32 @p0 s23, s2;
	s1 =	simm.s32 @p0 $0x0  }
0x7f: {  	[tilespmem:s6], [sflag:$0x2] =	stream.linear.gather @p0 [hbm4b:s0+s1], $0x8, $0x38;
	[tilespmem:$0x11600] =	vst v63  }
0x80: {  	s2 =	simm.s32 @!p0 $0x0;
	s7 =	sshll.u32 @!p1 s3, $0x4;
	s6 =	sadd.s32 @p1 $0x1FFA2000, s3  }
0x81: {  	s0 =	sadd.s32 @!p0 $0x700, s28;
	s1 =	sshra.s32 @p1 s29, $0x2;
	s6 =	sand.u32 @p1 $0x1FFFFFFF, s6  }
0x82: {  	[tilespmem:s0], [sflag:$0x1] =	stream.linear.gather @!p0 [hbm4b:s5+s2], $0x80, $0x38;
	[tilespmem:$0x11600] =	vst v63  }
0x83: {  	s7 =	sand.u32 @!p1 $0x1FFFFFF0, s7;
	s1 =	sadd.s32 @p1 $0x10278, s1;
	s6 =	sadd.s32 @p1 s23, s6  }
0x84: {  	[tilespmem:s1], [sflag:$0x2] =	stream.linear.gather @p1 [hbm4b:s6+s8], $0x8, $0x38;
	[tilespmem:$0x11600] =	vst v63  }
0x85: {  	s0 =	sadd.s32 @!p1 $0x780, s28;
	s2 =	sadd.s32 @!p1 s21, s7;
	s5 =	simm.s32 @!p1 $0x0  }
0x86: {  	[tilespmem:s0], [sflag:$0x1] =	stream.linear.gather @!p1 [hbm4b:s2+s5], $0x80, $0x38;
	[tilespmem:$0x11600] =	vst v63  }
0x87: {  	v1 =	vld [tilespmem:s12+$0x0];
	_ =	sdelay $0x4  }
0x88: {  	(v2sf) =	vpush v1, $0x3  }
0x89: {  	(v2sf) =	vpush v1, $0x4  }
0x8a: {  	(v2sf) =	vpush v1, $0x0  }
0x8b: {  	(v2sf) =	vpush v1, $0x5  }
0x8c: {  	(v2sf) =	vpush v1, $0x6  }
0x8d: {  	(v2sf) =	vpush v1, $0x7;
	_ =	sdelay $0x2  }
0x8e: {  	(v2sf) =	vpush v1, $0x9;
	_ =	sdelay $0x1  }
0x8f: {  	(v2sf) =	vpush v1, $0xA  }
0x90: {  	[dreg:$0x19] =	wrdreg s31  }
0x91: {  	s11 =	rddreg [dreg:$0x5];
	s29 =	smov.u32 s30;
	s30 =	sadd.s32 $0x200, s30;
	(v2sf) =	vpush v1, $0xD  }
0x92: {  	s28 =	smov.u32 s11;
	p0 =	seq.s32 s30, $0x4000;
	s1 =	sadd.s32 $0x800, s11;
	vm0 =	vlt.s32 v1, $0x5E000  }
0x93: {  	[dreg:$0x5] =	wrdreg s1;
	s2 =	simm.s32 @!p0 $0x0;
	s0 =	sadd.s32 $0x10, s12;
	v2 =	vmpcnt.ones.xlane vm0;
	(v2sf) =	vpush v1, $0xE  }
0x94: {  	s2 =	simm.s32 @p0 $0x1;
	[dreg:$0x4] =	wrdreg s0;
	s6 =	spop (v2sf)  }
0x95: {  	[smem:$0x7FD] =	sst s2;
	(v2sf) =	vpush v2, $0x0;
	s2 =	spop (v2sf);
	p3 =	sgt.s32 s6, $0x5DFFF  }
0x96: {  	s5 =	spop (v2sf);
	s22 =	sshra.s32 @p3 s29, $0x2;
	s24 =	sshll.u32 @!p3 s6, $0x4  }
0x97: {  	(v2sf) =	vpush v1, $0xB;
	p2 =	sgt.s32 s5, $0x5DFFF;
	s7 =	spop (v2sf);
	s24 =	sand.u32 @!p3 $0x1FFFFFF0, s24  }
0x98: {  	(v2sf) =	vpush v1, $0xF;
	s8 =	sshra.s32 @p2 s29, $0x2;
	s0 =	sadd.s32 @p2 $0x1FFA2000, s5;
	s9 =	spop (v2sf)  }
0x99: {  	p1 =	sgt.s32 s7, $0x5DFFF;
	s1 =	sand.u32 @p2 $0x1FFFFFFF, s0;
	s10 =	spop (v2sf)  }
0x9a: {  	(v2sf) =	vpush v1, $0xC;
	s0 =	simm.s32 @p1 $0x0;
	s11 =	sshll.u32 @!p1 s7, $0x4;
	p5 =	sgt.s32 s9, $0x5DFFF  }
0x9b: {  	s19 =	sadd.s32 @p2 $0x10200, s8;
	s7 =	sadd.s32 @p1 $0x1FFA2000, s7;
	[dreg:$0xb] =	wrdreg s0  }
0x9c: {  	s4 =	spop (v2sf);
	s11 =	sand.u32 @!p1 $0x1FFFFFF0, s11;
	s0 =	simm.s32 @!p1 $0x0  }
0x9d: {  	s12 =	sshll.u32 @!p5 s9, $0x4;
	s15 =	sadd.s32 @p2 s23, s1;
	[dreg:$0x11] =	wrdreg s4  }
0x9e: {  	(v2sf) =	vpush v1, $0x8;
	[dreg:$0xa] =	wrdreg s0;
	s13 =	spop (v2sf);
	s0 =	sadd.s32 @!p1 s21, s11  }
0x9f: {  	s11 =	sshra.s32 @p5 s29, $0x2;
	p4 =	sgt.s32 s4, $0x5DFFF;
	[dreg:$0xc] =	wrdreg s0  }
0xa0: {  	s14 =	spop (v2sf);
	s0 =	sadd.s32 @!p1 $0x280, s28;
	[dreg:$0x9] =	wrdreg s13  }
0xa1: {  	(v2sf) =	vpush v1, $0x1;
	p0 =	sgt.s32 s13, $0x5DFFF;
	[dreg:$0xf] =	wrdreg s0;
	s0 =	sadd.s32 @p5 $0x10230, s11  }
0xa2: {  	s11 =	sand.u32 @!p5 $0x1FFFFFF0, s12;
	s16 =	spop (v2sf);
	[dreg:$0xe] =	wrdreg s0  }
0xa3: {  	s12 =	sshra.s32 @p1 s29, $0x2;
	[dreg:$0x7] =	wrdreg s16;
	s0 =	sadd.s32 @!p5 s21, s11  }
0xa4: {  	s17 =	spop (v2sf);
	s11 =	sshll.u32 @!p2 s5, $0x4;
	[dreg:$0xd] =	wrdreg s0  }
0xa5: {  	[dreg:$0x1a] =	wrdreg s17;
	s31 =	sadd.s32 s31, s17;
	s0 =	simm.s32 @!p0 $0x0  }
0xa6: {  	s25 =	spop (v2sf);
	[dreg:$0x3] =	wrdreg s31;
	s0 =	simm.s32 @p0 $0x1  }
0xa7: {  	s5 =	sadd.s32 @p5 $0x1FFA2000, s9;
	s18 =	spop (v2sf);
	[smem:$0x7FC] =	sst s0  }
0xa8: {  	p0 =	sgt.s32 s2, $0x5DFFF;
	[dreg:$0x6] =	wrdreg s18;
	s0 =	sadd.s32 @!p5 $0x300, s28  }
0xa9: {  	s31 =	smov.u32 s30;
	s20 =	spop (v2sf);
	[dreg:$0x10] =	wrdreg s0  }
0xaa: {  	s18 =	sadd.s32 @p3 $0x10218, s22;
	s22 =	sshra.s32 @p0 s29, $0x2;
	[dreg:$0x8] =	wrdreg s20  }
0xab: {  	s0 =	sand.u32 @p5 $0x1FFFFFFF, s5;
	s5 =	sadd.s32 @p3 $0x1FFA2000, s6;
	s20 =	sand.u32 @p1 $0x1FFFFFFF, s7  }
0xac: {  	s7 =	sand.u32 @!p2 $0x1FFFFFF0, s11;
	s11 =	sadd.s32 @p0 $0x1FFA2000, s2;
	s2 =	sshll.u32 @!p0 s2, $0x4  }
0xad: {  	s16 =	spop (v2sf);
	[dreg:$0x12] =	wrdreg s0;
	s13 =	sand.u32 @p3 $0x1FFFFFFF, s5  }
0xae: {  	(v2sf) =	vpush v1, $0x2;
	s0 =	sadd.s32 @!p3 $0x180, s28;
	s2 =	sand.u32 @!p0 $0x1FFFFFF0, s2;
	s5 =	simm.s32 @p2 $0x0  }
0xaf: {  	[tilespmem:s19], [sflag:$0x2] =	stream.linear.gather @p2 [hbm4b:s15+s5], $0x8, $0x38;
	[tilespmem:$0x11600] =	vst v63  }
0xb0: {  	[dreg:$0x13] =	wrdreg s0;
	s0 =	simm.s32 @!p1 $0x0;
	s9 =	spop (v2sf)  }
0xb1: {  	s5 =	simm.s32 @!p2 $0x0;
	s0 =	simm.s32 @p1 $0x1;
	p6 =	sgt.s32 s9, $0x5DFFF  }
0xb2: {  	[smem:$0x7FB] =	sst s0;
	s26 =	sshra.s32 @p6 s29, $0x2;
	s0 =	sadd.s32 @p6 $0x1FFA2000, s9  }
0xb3: {  	s1 =	sadd.s32 @!p6 $0x80, s28;
	s9 =	sshll.u32 @!p6 s9, $0x4;
	s0 =	sand.u32 @p6 $0x1FFFFFFF, s0  }
0xb4: {  	s9 =	sand.u32 @!p6 $0x1FFFFFF0, s9;
	s30 =	sadd.s32 @p6 $0x10208, s26;
	s8 =	sadd.s32 @p6 s23, s0  }
0xb5: {  	s0 =	simm.s32 @!p4 $0x0;
	s17 =	sadd.s32 @!p6 s21, s9;
	s9 =	sand.u32 @p0 $0x1FFFFFFF, s11  }
0xb6: {  	s11 =	sadd.s32 @!p0 s21, s2;
	s2 =	simm.s32 @p6 $0x0;
	s0 =	simm.s32 @p4 $0x1  }
0xb7: {  	s6 =	sadd.s32 @p0 s23, s9;
	p4 =	sgt.s32 s16, $0x5DFFF;
	[smem:$0x7FA] =	sst s0  }
0xb8: {  	s0 =	sadd.s32 @!p2 s21, s7;
	s7 =	sadd.s32 @p1 $0x10228, s12;
	s19 =	sadd.s32 @p4 $0x1FFA2000, s16  }
0xb9: {  	[tilespmem:s28], [sflag:$0x1] =	stream.linear.gather @!p2 [hbm4b:s0+s5], $0x80, $0x38;
	[tilespmem:$0x11600] =	vst v63  }
0xba: {  	s26 =	sadd.s32 @!p4 $0x400, s28;
	s15 =	sshra.s32 @p4 s29, $0x2;
	s19 =	sand.u32 @p4 $0x1FFFFFFF, s19  }
0xbb: {  	s5 =	simm.s32 @!p6 $0x0;
	p2 =	sgt.s32 s10, $0x5DFFF;
	s19 =	sadd.s32 @p4 s23, s19  }
0xbc: {  	[tilespmem:s30], [sflag:$0x2] =	stream.linear.gather @p6 [hbm4b:s8+s2], $0x8, $0x38;
	[tilespmem:$0x11600] =	vst v63  }
0xbd: {  	s3 =	spop (v2sf);
	s30 =	smov.u32 s31;
	s2 =	sadd.s32 @p4 $0x10240, s15  }
0xbe: {  	s15 =	simm.s32 @p4 $0x0;
	s31 =	rddreg [dreg:$0x3];
	p1 =	sgt.s32 s3, $0x5DFFF  }
0xbf: {  	s12 =	sshra.s32 @p1 s29, $0x2;
	s9 =	sadd.s32 @p1 $0x1FFA2000, s3;
	s3 =	sshll.u32 @!p1 s3, $0x4  }
0xc0: {  	[tilespmem:s1], [sflag:$0x1] =	stream.linear.gather @!p6 [hbm4b:s17+s5], $0x80, $0x38;
	[tilespmem:$0x11600] =	vst v63  }
0xc1: {  	s0 =	simm.s32 @p1 $0x0;
	s8 =	sadd.s32 @!p1 $0x100, s28;
	s1 =	sadd.s32 @p3 s23, s13  }
0xc2: {  	s5 =	sshll.u32 @!p4 s16, $0x4;
	p6 =	sgt.s32 s25, $0x5DFFF;
	s4 =	sand.u32 @p1 $0x1FFFFFFF, s9  }
0xc3: {  	s9 =	sadd.s32 @p1 $0x10210, s12;
	s12 =	simm.s32 @!p4 $0x0;
	s3 =	sand.u32 @!p1 $0x1FFFFFF0, s3  }
0xc4: {  	s5 =	sand.u32 @!p4 $0x1FFFFFF0, s5;
	s4 =	sadd.s32 @p1 s23, s4;
	s3 =	sadd.s32 @!p1 s21, s3  }
0xc5: {  	[tilespmem:s9], [sflag:$0x2] =	stream.linear.gather @p1 [hbm4b:s4+s0], $0x8, $0x38;
	[tilespmem:$0x11600] =	vst v63  }
0xc6: {  	s16 =	sadd.s32 @!p4 s21, s5;
	s4 =	sadd.s32 @p0 $0x10220, s22;
	s22 =	sld [smem:$0x7FB]  }
0xc7: {  	s5 =	simm.s32 @!p3 $0x0;
	s0 =	sadd.s32 @!p3 s21, s24;
	s9 =	simm.s32 @!p1 $0x0  }
0xc8: {  	[tilespmem:s8], [sflag:$0x1] =	stream.linear.gather @!p1 [hbm4b:s3+s9], $0x80, $0x38;
	[tilespmem:$0x11600] =	vst v63  }
0xc9: {  	s24 =	sld [smem:$0x7FA];
	s9 =	simm.s32 @p0 $0x0;
	p1 =	seq.s32 s22, $0x1  }
0xca: {  	s3 =	simm.s32 @p3 $0x0;
	s8 =	rddreg [dreg:$0x13];
	s20 =	sadd.s32 @p1 s23, s20  }
0xcb: {  	[tilespmem:s18], [sflag:$0x2] =	stream.linear.gather @p3 [hbm4b:s1+s3], $0x8, $0x38;
	[tilespmem:$0x11600] =	vst v63  }
0xcc: {  	s1 =	sadd.s32 @!p0 $0x200, s28;
	s3 =	rddreg [dreg:$0x12];
	p1 =	sgt.s32 s14, $0x5DFFF  }
0xcd: {  	s18 =	sadd.s32 @p6 $0x1FFA2000, s25;
	s22 =	sadd.s32 @p5 s23, s3;
	s3 =	simm.s32 @!p6 $0x0  }
0xce: {  	[tilespmem:s8], [sflag:$0x1] =	stream.linear.gather @!p3 [hbm4b:s0+s5], $0x80, $0x38;
	[tilespmem:$0x11600] =	vst v63  }
0xcf: {  	s17 =	sshra.s32 @p1 s29, $0x2;
	s13 =	sadd.s32 @p1 $0x1FFA2000, s14;
	s0 =	sshll.u32 @!p1 s14, $0x4  }
0xd0: {  	p3 =	seq.s32 s24, $0x1;
	s8 =	rddreg [dreg:$0xc];
	s14 =	sand.u32 @!p1 $0x1FFFFFF0, s0  }
0xd1: {  	[tilespmem:s4], [sflag:$0x2] =	stream.linear.gather @p0 [hbm4b:s6+s9], $0x8, $0x38;
	[tilespmem:$0x11600] =	vst v63  }
0xd2: {  	s0 =	simm.s32 @!p0 $0x0;
	s4 =	sshll.u32 @!p6 s25, $0x4;
	s25 =	sld [smem:$0x7FB]  }
0xd3: {  	s9 =	rddreg [dreg:$0xf];
	s6 =	sand.u32 @!p6 $0x1FFFFFF0, s4;
	s4 =	sshll.u32 @!p2 s10, $0x4  }
0xd4: {  	[tilespmem:s1], [sflag:$0x1] =	stream.linear.gather @!p0 [hbm4b:s11+s0], $0x80, $0x38;
	[tilespmem:$0x11600] =	vst v63  }
0xd5: {  	s0 =	sadd.s32 @p2 $0x1FFA2000, s10;
	s1 =	rddreg [dreg:$0xb];
	p0 =	seq.s32 s25, $0x1  }
0xd6: {  	[tilespmem:s7], [sflag:$0x2] =	stream.linear.gather @p0 [hbm4b:s20+s1], $0x8, $0x38;
	[tilespmem:$0x11600] =	vst v63  }
0xd7: {  	s0 =	sand.u32 @p2 $0x1FFFFFFF, s0;
	s1 =	sshra.s32 @p2 s29, $0x2;
	s7 =	rddreg [dreg:$0xa]  }
0xd8: {  	[tilespmem:s9], [sflag:$0x1] =	stream.linear.gather @!p0 [hbm4b:s8+s7], $0x80, $0x38;
	[tilespmem:$0x11600] =	vst v63  }
0xd9: {  	s20 =	sadd.s32 @p2 s23, s0;
	s0 =	sand.u32 @!p2 $0x1FFFFFF0, s4;
	s9 =	sld [smem:$0x7FD]  }
0xda: {  	s4 =	simm.s32 @p5 $0x0;
	s11 =	sadd.s32 @p2 $0x10238, s1;
	s1 =	rddreg [dreg:$0xe]  }
0xdb: {  	[tilespmem:s1], [sflag:$0x2] =	stream.linear.gather @p5 [hbm4b:s22+s4], $0x8, $0x38;
	[tilespmem:$0x11600] =	vst v63  }
0xdc: {  	s5 =	simm.s32 @!p2 $0x0;
	s8 =	sld [smem:$0x7FC];
	p0 =	seq.s32 s9, $0x1  }
.Ltmp0:
0xdd: {  	s22 =	sadd.s32 @!p2 s21, s0;
	s0 =	rddreg [dreg:$0xd];
	(pc) =	sbr.rel @!p0 .LBB2_2-.Ltmp0, $4  }
0xde: {  	s24 =	sadd.s32 @!p2 $0x380, s28;
	s1 =	rddreg [dreg:$0x10];
	s4 =	simm.s32 @!p5 $0x0  }
0xdf: {  	[tilespmem:s1], [sflag:$0x1] =	stream.linear.gather @!p5 [hbm4b:s0+s4], $0x80, $0x38;
	[tilespmem:$0x11600] =	vst v63  }
0xe0: {  	s25 =	simm.s32 @p2 $0x0;
	s7 =	sshra.s32 @p3 s29, $0x2;
	s0 =	rddreg [dreg:$0x11]  }
0xe1: {  	p5 =	seq.s32 s8, $0x1;
	s10 =	sadd.s32 @p3 $0x1FFA2000, s0;
	s0 =	sshll.u32 @!p3 s0, $0x4  }
0xe2: {  	[tilespmem:s11], [sflag:$0x2] =	stream.linear.gather @p2 [hbm4b:s20+s25], $0x8, $0x38;
	[tilespmem:$0x11600] =	vst v63  }
0xe3: {  	_ = 	snop  }
0xe4: {  	[tilespmem:s24], [sflag:$0x1] =	stream.linear.gather @!p2 [hbm4b:s22+s5], $0x80, $0x38;
	[tilespmem:$0x11600] =	vst v63  }
0xe5: {  	_ = 	snop  }
0xe6: {  	[tilespmem:s2], [sflag:$0x2] =	stream.linear.gather @p4 [hbm4b:s19+s15], $0x8, $0x38;
	[tilespmem:$0x11600] =	vst v63  }
0xe7: {  	s1 =	sand.u32 @p3 $0x1FFFFFFF, s10;
	s4 =	simm.s32 @p3 $0x0;
	s0 =	sand.u32 @!p3 $0x1FFFFFF0, s0  }
0xe8: {  	[tilespmem:s26], [sflag:$0x1] =	stream.linear.gather @!p4 [hbm4b:s16+s12], $0x80, $0x38;
	[tilespmem:$0x11600] =	vst v63  }
0xe9: {  	s1 =	sadd.s32 @p3 s23, s1;
	s0 =	sadd.s32 @!p3 s21, s0;
	s2 =	sadd.s32 @p3 $0x10248, s7  }
0xea: {  	[tilespmem:s2], [sflag:$0x2] =	stream.linear.gather @p3 [hbm4b:s1+s4], $0x8, $0x38;
	[tilespmem:$0x11600] =	vst v63  }
0xeb: {  	s1 =	sadd.s32 @!p3 $0x480, s28;
	s2 =	simm.s32 @!p3 $0x0;
	s4 =	rddreg [dreg:$0x9]  }
0xec: {  	[tilespmem:s1], [sflag:$0x1] =	stream.linear.gather @!p3 [hbm4b:s0+s2], $0x80, $0x38;
	[tilespmem:$0x11600] =	vst v63  }
0xed: {  	s0 =	sadd.s32 @p5 $0x1FFA2000, s4  }
0xee: {  	s1 =	sshra.s32 @p5 s29, $0x2;
	s0 =	sand.u32 @p5 $0x1FFFFFFF, s0  }
0xef: {  	s2 =	simm.s32 @p5 $0x0;
	s1 =	sadd.s32 @p5 $0x10250, s1;
	s0 =	sadd.s32 @p5 s23, s0  }
0xf0: {  	[tilespmem:s1], [sflag:$0x2] =	stream.linear.gather @p5 [hbm4b:s0+s2], $0x8, $0x38;
	[tilespmem:$0x11600] =	vst v63  }
0xf1: {  	s0 =	sshll.u32 @!p5 s4, $0x4  }
0xf2: {  	s0 =	sand.u32 @!p5 $0x1FFFFFF0, s0  }
0xf3: {  	s1 =	sadd.s32 @!p5 $0x500, s28;
	s2 =	simm.s32 @!p5 $0x0;
	s0 =	sadd.s32 @!p5 s21, s0  }
0xf4: {  	[tilespmem:s1], [sflag:$0x1] =	stream.linear.gather @!p5 [hbm4b:s0+s2], $0x80, $0x38;
	[tilespmem:$0x11600] =	vst v63  }
0xf5: {  	s4 =	rddreg [dreg:$0x8];
	s0 =	sshra.s32 @p6 s29, $0x2;
	s1 =	sand.u32 @p6 $0x1FFFFFFF, s18  }
0xf6: {  	s2 =	simm.s32 @p6 $0x0;
	s0 =	sadd.s32 @p6 $0x10258, s0;
	s1 =	sadd.s32 @p6 s23, s1  }
0xf7: {  	[tilespmem:s0], [sflag:$0x2] =	stream.linear.gather @p6 [hbm4b:s1+s2], $0x8, $0x38;
	[tilespmem:$0x11600] =	vst v63  }
0xf8: {  	p0 =	sgt.s32 s4, $0x5DFFF;
	s0 =	sadd.s32 @!p6 s21, s6;
	s1 =	sadd.s32 @!p6 $0x580, s28  }
0xf9: {  	[tilespmem:s1], [sflag:$0x1] =	stream.linear.gather @!p6 [hbm4b:s0+s3], $0x80, $0x38;
	[tilespmem:$0x11600] =	vst v63  }
0xfa: {  	s0 =	sadd.s32 @p0 $0x1FFA2000, s4  }
0xfb: {  	s1 =	sshra.s32 @p0 s29, $0x2;
	s0 =	sand.u32 @p0 $0x1FFFFFFF, s0  }
0xfc: {  	s2 =	simm.s32 @p0 $0x0;
	s1 =	sadd.s32 @p0 $0x10260, s1;
	s0 =	sadd.s32 @p0 s23, s0  }
0xfd: {  	[tilespmem:s1], [sflag:$0x2] =	stream.linear.gather @p0 [hbm4b:s0+s2], $0x8, $0x38;
	[tilespmem:$0x11600] =	vst v63  }
0xfe: {  	s0 =	sshll.u32 @!p0 s4, $0x4  }
0xff: {  	s0 =	sand.u32 @!p0 $0x1FFFFFF0, s0  }
0x100: {  	s1 =	sadd.s32 @!p0 $0x600, s28;
	s2 =	simm.s32 @!p0 $0x0;
	s0 =	sadd.s32 @!p0 s21, s0  }
0x101: {  	[tilespmem:s1], [sflag:$0x1] =	stream.linear.gather @!p0 [hbm4b:s0+s2], $0x80, $0x38;
	[tilespmem:$0x11600] =	vst v63  }
0x102: {  	s3 =	rddreg [dreg:$0x7];
	s0 =	sand.u32 @p1 $0x1FFFFFFF, s13;
	s1 =	sadd.s32 @p1 $0x10268, s17  }
0x103: {  	s2 =	simm.s32 @p1 $0x0;
	p0 =	sgt.s32 s3, $0x5DFFF;
	s0 =	sadd.s32 @p1 s23, s0  }
0x104: {  	[tilespmem:s1], [sflag:$0x2] =	stream.linear.gather @p1 [hbm4b:s0+s2], $0x8, $0x38;
	[tilespmem:$0x11600] =	vst v63  }
0x105: {  	s0 =	sadd.s32 @!p1 s21, s14;
	s1 =	sadd.s32 @!p1 $0x680, s28;
	s2 =	simm.s32 @!p1 $0x0  }
0x106: {  	[tilespmem:s1], [sflag:$0x1] =	stream.linear.gather @!p1 [hbm4b:s0+s2], $0x80, $0x38;
	[tilespmem:$0x11600] =	vst v63  }
0x107: {  	s0 =	sadd.s32 @p0 $0x1FFA2000, s3  }
0x108: {  	s1 =	sshra.s32 @p0 s29, $0x2;
	s0 =	sand.u32 @p0 $0x1FFFFFFF, s0  }
0x109: {  	s2 =	simm.s32 @p0 $0x0;
	s1 =	sadd.s32 @p0 $0x10270, s1;
	s0 =	sadd.s32 @p0 s23, s0  }
0x10a: {  	[tilespmem:s1], [sflag:$0x2] =	stream.linear.gather @p0 [hbm4b:s0+s2], $0x8, $0x38;
	[tilespmem:$0x11600] =	vst v63  }
0x10b: {  	s0 =	sshll.u32 @!p0 s3, $0x4  }
0x10c: {  	s1 =	simm.s32 @!p0 $0x0;
	s0 =	sand.u32 @!p0 $0x1FFFFFF0, s0  }
0x10d: {  	s2 =	sadd.s32 @!p0 $0x700, s28;
	s3 =	rddreg [dreg:$0x6];
	s0 =	sadd.s32 @!p0 s21, s0  }
0x10e: {  	[tilespmem:s2], [sflag:$0x1] =	stream.linear.gather @!p0 [hbm4b:s0+s1], $0x80, $0x38;
	[tilespmem:$0x11600] =	vst v63  }
0x10f: {  	p0 =	sgt.s32 s3, $0x5DFFF  }
0x110: {  	s0 =	sadd.s32 @p0 $0x1FFA2000, s3  }
0x111: {  	s1 =	sshra.s32 @p0 s29, $0x2;
	s0 =	sand.u32 @p0 $0x1FFFFFFF, s0  }
0x112: {  	s2 =	simm.s32 @p0 $0x0;
	s1 =	sadd.s32 @p0 $0x10278, s1;
	s0 =	sadd.s32 @p0 s23, s0  }
0x113: {  	[tilespmem:s1], [sflag:$0x2] =	stream.linear.gather @p0 [hbm4b:s0+s2], $0x8, $0x38;
	[tilespmem:$0x11600] =	vst v63  }
0x114: {  	s0 =	sshll.u32 @!p0 s3, $0x4  }
0x115: {  	s0 =	sand.u32 @!p0 $0x1FFFFFF0, s0  }
0x116: {  	s1 =	sadd.s32 @!p0 $0x780, s28;
	s2 =	simm.s32 @!p0 $0x0;
	s0 =	sadd.s32 @!p0 s21, s0  }
0x117: {  	[tilespmem:s1], [sflag:$0x1] =	stream.linear.gather @!p0 [hbm4b:s0+s2], $0x80, $0x38;
	[tilespmem:$0x11600] =	vst v63  }
0x118: {  	p0 =	slt.s32 s31, $0x1  }
.Ltmp1:
0x119: {  	_ = 	snop;
	(pc) =	sbr.rel @p0 .LBB2_7-.Ltmp1, $4  }
0x11a: {  	_ = 	snop  }
0x11b: {  	s9 =	rddreg [dreg:$0x1a]  }
0x11c: {  	s8 =	rddreg [dreg:$0x19];
	s7 =	simm.s32 $0x0;
	s6 =	simm.s32 $0x10200  }
0x11d: {  	s4 =	simm.s32 $0x200;
	s3 =	simm.s32 $0x3;
	s1 =	simm.s32 $0x1  }
0x11e: {  	s0 =	sadd.s32 s8, s9  }
0x11f: {  	p0 =	sne.s32 s0, $0x1  }
.Ltmp2:
0x120: {  	_ = 	snop;
	(pc) =	sbr.rel @!p0 .LBB2_6-.Ltmp2, $3  }
0x121: {  	_ =	sdelay $0x1  }
0x122: {  	_ =	swait.ge [sflag:s1], $0x80  }
0x123: {  	s0 =	sadd.s32 $0xFFFFFFFF, s0;
	[sflag:s1] =	ssyncset.done $0x0  }
.LBB2_5:
0x124: {  	p0 =	sne.s32 s0, $0x1;
	s0 =	sadd.s32 $0xFFFFFFFF, s0;
	[sflag:s1] =	ssyncadd.s32 $0xFFFFFF80  }
.Ltmp3:
0x125: {  	(pc) =	sbr.rel @p0 .LBB2_5-.Ltmp3, $3  }
0x126: {  	_ =	sdelay $0x1  }
0x127: {  	_ =	swait.ge [sflag:s1], $0x80  }
0x128: {  	[sflag:s1] =	ssyncset.done $0x0  }
.LBB2_6:
0x129: {  	[sflag:s1] =	ssyncadd.s32 $0xFFFFFF80  }
.LBB2_7:
0x12a: {  	s0 =	ssub.s32 $0x200, s31  }
0x12b: {  	p0 =	slt.s32 s0, $0x1  }
.Ltmp4:
0x12c: {  	_ = 	snop;
	(pc) =	sbr.rel @p0 .LBB2_11-.Ltmp4, $1  }
0x12d: {  	_ =	sdelay $0x3  }
0x12e: {  	p0 =	sne.s32 s0, $0x1  }
.Ltmp5:
0x12f: {  	_ = 	snop;
	(pc) =	sbr.rel @!p0 .LBB2_10-.Ltmp5, $4  }
0x130: {  	_ = 	snop  }
0x131: {  	s1 =	simm.s32 $0x2  }
0x132: {  	_ =	swait.ge [sflag:s1], $0x8  }
0x133: {  	s0 =	sadd.s32 $0xFFFFFFFF, s0;
	[sflag:s1] =	ssyncset.done $0x0  }
.LBB2_9:
0x134: {  	p0 =	sne.s32 s0, $0x1;
	s0 =	sadd.s32 $0xFFFFFFFF, s0;
	[sflag:s1] =	ssyncadd.s32 $0xFFFFFFF8  }
.Ltmp6:
0x135: {  	(pc) =	sbr.rel @p0 .LBB2_9-.Ltmp6, $3  }
0x136: {  	_ =	sdelay $0x1  }
0x137: {  	_ =	swait.ge [sflag:s1], $0x8  }
0x138: {  	[sflag:s1] =	ssyncset.done $0x0  }
.LBB2_10:
0x139: {  	[sflag:s1] =	ssyncadd.s32 $0xFFFFFFF8  }
.LBB2_11:
0x13a: {  	s0 =	simm.s32 $0x0  }
0x13b: {  	v1 =	vor.u32 s0, v0  }
0x13c: {  	v2 =	vshll.u32 v1, $0x3;
	v1 =	vshll.u32 v1, $0x7;
	_ =	sdelay $0x1  }
0x13d: {  	v3 =	vor.u32 $0x1, v2  }
0x13e: {  	v4 =	vor.u32 $0x1, v1  }
0x13f: {  	v5 =	vld [tilespmem:s0+$0x0]  }
0x140: {  	v1 =	vld.idx.msk [tilespmem:v1+s4+$0x0], $0xffff  }
0x141: {  	v2 =	vld.idx.msk [tilespmem:v2+s6+$0x0], $0xffff  }
0x142: {  	v3 =	vld.idx.msk [tilespmem:v3+s6+$0x0], $0xffff  }
0x143: {  	s0 =	simm.s32 $0x10;
	v4 =	vld.idx.msk [tilespmem:v4+s4+$0x0], $0xffff  }
0x144: {  	v6 =	vor.u32 s0, v0  }
0x145: {  	v7 =	vshll.u32 v6, $0x7  }
0x146: {  	vm0 =	vlt.s32 v5, $0x5E000  }
0x147: {  	s2 =	simm.s32 $0x11200;
	v5 =	vshll.u32 v6, $0x3;
	v1 =	vsel vm0, v1, v2  }
0x148: {  	s1 =	simm.s32 $0x11400;
	v2 =	vsel vm0, v4, v3;
	[tilespmem:s2+$0x0] =	vst v1;
	v1 =	vor.u32 $0x1, v5  }
0x149: {  	v4 =	vor.u32 $0x1, v7;
	[tilespmem:s1+$0x0] =	vst v2  }
0x14a: {  	v6 =	vld.idx.msk [tilespmem:v7+s4+$0x0], $0xffff  }
0x14b: {  	v3 =	vld [tilespmem:s0+$0x0]  }
0x14c: {  	v7 =	vld.idx.msk [tilespmem:v5+s6+$0x0], $0xffff  }
0x14d: {  	s31 =	simm.s32 $0x20;
	v2 =	vld.idx.msk [tilespmem:v1+s6+$0x0], $0xffff  }
0x14e: {  	v8 =	vor.u32 s31, v0;
	v5 =	vld.idx.msk [tilespmem:v4+s4+$0x0], $0xffff  }
0x14f: {  	v1 =	vshll.u32 v8, $0x3  }
0x150: {  	v4 =	vor.u32 $0x1, v1  }
0x151: {  	vm0 =	vlt.s32 v3, $0x5E000  }
0x152: {  	s5 =	simm.s32 $0x30;
	s2 =	simm.s32 $0x11210;
	v3 =	vshll.u32 v8, $0x7;
	v6 =	vsel vm0, v6, v7  }
.LBB2_12:
0x153: {  	p0 =	sne.s32 s5, $0x1F0;
	v2 =	vsel vm0, v5, v2;
	[tilespmem:s2+$0x0] =	vst v6;
	s1 =	sadd.s32 $0x10, s1  }
0x154: {  	v5 =	vor.u32 $0x1, v3;
	[tilespmem:s1+$0x0] =	vst v2  }
0x155: {  	v2 =	vld.idx.msk [tilespmem:v4+s6+$0x0], $0xffff  }
0x156: {  	v6 =	vld.idx.msk [tilespmem:v3+s4+$0x0], $0xffff  }
0x157: {  	s0 =	sadd.s32 $0x10, s0;
	v7 =	vld.idx.msk [tilespmem:v1+s6+$0x0], $0xffff  }
0x158: {  	v8 =	vld [tilespmem:s0+$0x0]  }
0x159: {  	v5 =	vld.idx.msk [tilespmem:v5+s4+$0x0], $0xffff  }
.Ltmp7:
0x15a: {  	v3 =	vor.u32 s5, v0;
	(pc) =	sbr.rel @p0 .LBB2_12-.Ltmp7, $4  }
0x15b: {  	v1 =	vshll.u32 v3, $0x3  }
0x15c: {  	v4 =	vor.u32 $0x1, v1  }
0x15d: {  	v3 =	vshll.u32 v3, $0x7;
	vm0 =	vlt.s32 v8, $0x5E000  }
0x15e: {  	s2 =	sadd.s32 $0x10, s2;
	s5 =	sadd.s32 $0x10, s5;
	v6 =	vsel vm0, v6, v7  }
0x15f: {  	_ =	sdelay $0x1  }
0x160: {  	v2 =	vsel vm0, v5, v2;
	[tilespmem:s2+$0x0] =	vst v6;
	s1 =	sadd.s32 $0x10, s1  }
0x161: {  	v62 =	vor.u32 $0x1, v3;
	[tilespmem:s1+$0x0] =	vst v2  }
0x162: {  	v2 =	vld.idx.msk [tilespmem:v4+s6+$0x0], $0xffff  }
0x163: {  	s0 =	sadd.s32 $0x10, s0;
	v3 =	vld.idx.msk [tilespmem:v3+s4+$0x0], $0xffff  }
0x164: {  	v63 =	vld [tilespmem:s0+$0x0]  }
0x165: {  	v1 =	vld.idx.msk [tilespmem:v1+s6+$0x0], $0xffff  }
0x166: {  	v5 =	vld.idx.msk [tilespmem:v62+s4+$0x0], $0xffff;
	_ =	sdelay $0x2  }
0x167: {  	vm15 =	vlt.s32 v63, $0x5E000  }
0x168: {  	s22 =	sadd.s32 $0x10, s2;
	v1 =	vsel vm15, v3, v1  }
0x169: {  	s25 =	rddreg [dreg:$0x14];
	s24 =	sadd.s32 $0x10, s1;
	[tilespmem:s22+$0x0] =	vst v1;
	v2 =	vsel vm15, v5, v2  }
0x16a: {  	s26 =	simm.s32 $0x100;
	s5 =	simm.s32 $0x11200;
	s1 =	simm.s32 $0x80;
	[tilespmem:s24+$0x0] =	vst v2  }
0x16b: {  	[hbm4b:s25+s1] =	stream.strided.scatter [tilespmem:s5], [sflag:$0x3], $0x200, s26, s1, $0x38;
	[tilespmem:$0x11600] =	vst v63  }
0x16c: {  	_ =	swait.ge [sflag:s3], $0x200  }
0x16d: {  	[sflag:s3] =	ssyncset.done $0x0  }
0x16e: {  	s29 =	simm.s32 $0x11400;
	s28 =	rddreg [dreg:$0x16];
	[sflag:s3] =	ssyncadd.s32 $0xFFFFFE00  }
0x16f: {  	[hbm4b:s28+s1] =	stream.strided.scatter [tilespmem:s29], [sflag:$0x3], $0x200, s26, s1, $0x38;
	[tilespmem:$0x11600] =	vst v63  }
0x170: {  	_ =	swait.ge [sflag:s3], $0x200  }
0x171: {  	s30 =	rddreg [dreg:$0x18]  }
0x172: {  	s31 =	rddreg [dreg:$0x17];
	s2 =	sadd.s32 $0x1, s30  }
0x173: {  	p0 =	sne.s32 s2, s31  }
.Ltmp8:
0x174: {  	_ = 	snop;
	(pc) =	sbr.rel @p0 .LBB2_1-.Ltmp8, $3  }
0x175: {  	_ =	sdelay $0x1  }
0x176: {  	[sflag:s3] =	ssyncset.done $0x0  }
0x177: {  	[sflag:s3] =	ssyncadd.s32 $0xFFFFFE00  }
0x178: {  	_ =	sfence.sel $0x180000  }
0x179: {  	[bflag:$0x0] =	sbarrier.arrive $0xFFFF  }
0x17a: {  	_ =	strace $0x9000004A  }
0x17b: {  	s0 =	stileid.u32;
	[bflag:$0x2] =	sbarrier.arrive $0xFFFF  }
0x17c: {  	p0 =	sne.s32 s0, $0x0;
	s0 =	rddreg [dreg:$0x2]  }
0x17d: {  	s0 =	sadd.s32 @!p0 $0x100000, s0  }
0x17e: {  	[sflag:s0] =	ssyncadd.tile.s32 @!p0 $0x1;
	_ =	shalt  }
.Lfunc_end2:
_tile_overlayer_lowered:
.L_overlay_start_2:
0x17f: {  	(tag) =	ssettag $0x2  }
0x180: {  	s0 =	rddreg [dreg:$0x0];
	s2 =	stileid.u32  }
0x181: {  	s1 =	rddreg [dreg:$0x1];
	p0 =	sne.s32 s2, $0x0  }
0x182: {  	s3 =	rddreg [dreg:$0x2];
	[bflag:$0x3] =	sbarrier.arrive $0xFFFF;
	s2 =	simm.s32 @!p0 $0x1C03  }
0x183: {  	[timem:s3], [sflag:s2] =	dma.local @!p0 [hbm:s0], s1  }
0x184: {  	s0 =	simm.s32 @!p0 $0x3  }
0x185: {  	_ =	swait.ge @!p0 [sflag:s0], s1  }
0x186: {  	s1 =	ssub.s32 @!p0 $0x0, s1;
	[sflag:s0] =	ssyncset.done @!p0 $0x0  }
0x187: {  	[sflag:s0] =	ssyncadd.s32 @!p0 s1  }
0x188: {  	[bflag:$0x3] =	sbarrier.arrive $0xFFFF  }
0x189: {  	_ =	shalt  }

</sc_bundles>
